<compile_context>
chip_gen: v7x
topology: tpu7x:2x2x1
jax: 0.10.2.dev20260603
libtpu: 0.0.44.dev20260713+nightly
codegen_flags: <defaults>
</compile_context>

<pallas_src>
import functools

import jax
import jax.numpy as jnp
from jax import lax
from jax.experimental import pallas as pl
from jax.experimental.pallas import tpu as pltpu
from jax.experimental.pallas import tpu_sc as plsc

NC = 2
NS = 16
NW = NC * NS

BB = 128
NBUF = 4
TP = 133


def _make_gather(batch, hist, vocab, dim):
  n_units = (batch // BB) * hist
  assert n_units % (NW * NBUF) == 0
  per_w = n_units // NW
  na = dim // 8
  nt = batch // BB

  mesh = plsc.VectorSubcoreMesh(core_axis_name="c", subcore_axis_name="s")

  @functools.partial(
      pl.kernel,
      out_type=jax.ShapeDtypeStruct((hist, na, nt, 8, BB), jnp.float32),
      mesh=mesh,
      scratch_types=(
          [pltpu.VMEM((BB,), jnp.int32) for _ in range(NBUF)]
          + [pltpu.VMEM((BB, dim), jnp.float32) for _ in range(NBUF)]
          + [pltpu.VMEM((dim, TP), jnp.float32) for _ in range(NBUF)]
          + [pltpu.SemaphoreType.DMA for _ in range(3 * NBUF)]
      ),
      compiler_params=pltpu.CompilerParams(
          use_tc_tiling_on_sc=False, needs_layout_passes=False
      ),
  )
  def gather_kernel(tok_hbm, table_hbm, out_hbm, *bufs):
    idx = bufs[:NBUF]
    rows = bufs[NBUF:2 * NBUF]
    tout = bufs[2 * NBUF:3 * NBUF]
    isem = bufs[3 * NBUF:4 * NBUF]
    gsem = bufs[4 * NBUF:5 * NBUF]
    wsem = bufs[5 * NBUF:]
    wid = lax.axis_index("s") * NC + lax.axis_index("c")
    base = wid * per_w
    iota = lax.iota(jnp.int32, 16)
    zeros16 = iota * 0
    rvec = [d0 + iota for d0 in range(0, dim, 16)]

    def fire_idx(u, b):
      h = u // nt
      t = u % nt
      pltpu.async_copy(tok_hbm.at[h, pl.ds(t * BB, BB)], idx[b], isem[b])

    def wait_idx(b):
      pltpu.make_async_copy(tok_hbm.at[0, pl.ds(0, BB)], idx[b], isem[b]).wait()

    def fire_gather(b):
      pltpu.async_copy(table_hbm.at[idx[b]], rows[b], gsem[b])

    def wait_gather(b):
      pltpu.make_async_copy(table_hbm.at[idx[b]], rows[b], gsem[b]).wait()

    def transpose(b):
      rows_b = rows[b]
      tout_b = tout[b]

      @pl.loop(0, BB, step=8)
      def _j(jv):
        for jj in range(8):
          j = jv + jj
          cvec = zeros16 + j
          for k, d0 in enumerate(range(0, dim, 16)):
            v = rows_b[j, pl.ds(d0, 16)]
            plsc.store_scatter(tout_b, [rvec[k], cvec], v)

    def fire_write(u, b):
      h = u // nt
      t = u % nt
      for a in range(na):
        pltpu.async_copy(
            tout[b].at[pl.ds(a * 8, 8), pl.ds(0, BB)],
            out_hbm.at[h, a, t],
            wsem[b],
        )

    def wait_write(b):
      for a in range(na):
        pltpu.make_async_copy(
            tout[b].at[pl.ds(a * 8, 8), pl.ds(0, BB)],
            out_hbm.at[0, a, 0],
            wsem[b],
        ).wait()

    for b in range(NBUF):
      fire_idx(base + b, b)
    for b in range(2):
      wait_idx(b)
      fire_gather(b)

    @pl.loop(0, per_w, step=NBUF)
    def _units(k):
      for b in range(NBUF):
        u = base + k + b
        b2 = (b + 2) % NBUF
        wait_gather(b)

        @pl.when(k + b >= NBUF)
        def _():
          wait_write(b)

        transpose(b)
        fire_write(u, b)

        @pl.when(k + b + NBUF < per_w)
        def _():
          fire_idx(u + NBUF, b)

        @pl.when(k + b + 2 < per_w)
        def _():
          wait_idx(b2)
          fire_gather(b2)

    for b in range(NBUF):
      wait_write(b)

  return gather_kernel


def kernel(token_ids, weight):
  batch, hist = token_ids.shape
  vocab, dim = weight.shape
  tok_t = token_ids.T
  p = _make_gather(batch, hist, vocab, dim)(tok_t, weight)
  o = p.transpose(0, 1, 3, 2, 4).reshape(hist, dim, batch)
  return o.transpose(2, 0, 1)

# --- scband reference (transcript-rebuilt; emitter-appended) ---
"""Pipeline reference for scband-embedding-38113539784714 (READ-ONLY COPY).

The authoritative reference and input builder live on the scoring server;
editing this copy changes nothing except your own understanding.
"""

import jax, jax.numpy as jnp
import numpy as np

NUM_EMBEDDINGS = 1000000
EMBEDDING_DIM = 64
BATCH = 16384
HIST_LEN = 50

def setup_inputs(seed: int = 0) -> dict:
    key = jax.random.key(seed)
    k_idx, k_w = jax.random.split(key)
    token_ids = jax.random.randint(k_idx, (BATCH, HIST_LEN), 0, NUM_EMBEDDINGS, dtype=jnp.int64 if jax.config.jax_enable_x64 else jnp.int32)
    # trunc_normal init: mean=0, std=1, a=-3, b=3
    weight = jax.random.truncated_normal(k_w, -3.0, 3.0, (NUM_EMBEDDINGS, EMBEDDING_DIM), dtype=jnp.float32)
    return {"token_ids": token_ids, "weight": weight}

def reference(token_ids, weight):
    # Faithful translation of: return self.weight[token_ids, :]
    return jnp.take(weight, token_ids, axis=0)

if __name__ == "__main__":
    import jax
    _d = setup_inputs()
    print(jax.jit(kernel)(*tuple(_d.values())))

</pallas_src>

<mosaic_0001>
#map = affine_map<(d0, d1) -> (0, 0)>
#map1 = affine_map<(d0, d1) -> (0, 0, 0, 0, 0)>
module attributes {stable_mosaic.version = 14 : i64} {
  func.func @gather_kernel(%arg0: i32, %arg1: i32, %arg2: memref<50x16384xi32, #tpu.memory_space<hbm>>, %arg3: memref<1000000x64xf32, #tpu.memory_space<hbm>>, %arg4: memref<50x8x128x8x128xf32, #tpu.memory_space<hbm>>, %arg5: memref<128xi32, #tpu.memory_space<vmem>>, %arg6: memref<128xi32, #tpu.memory_space<vmem>>, %arg7: memref<128xi32, #tpu.memory_space<vmem>>, %arg8: memref<128xi32, #tpu.memory_space<vmem>>, %arg9: memref<128x64xf32, #tpu.memory_space<vmem>>, %arg10: memref<128x64xf32, #tpu.memory_space<vmem>>, %arg11: memref<128x64xf32, #tpu.memory_space<vmem>>, %arg12: memref<128x64xf32, #tpu.memory_space<vmem>>, %arg13: memref<64x133xf32, #tpu.memory_space<vmem>>, %arg14: memref<64x133xf32, #tpu.memory_space<vmem>>, %arg15: memref<64x133xf32, #tpu.memory_space<vmem>>, %arg16: memref<64x133xf32, #tpu.memory_space<vmem>>, %arg17: memref<!tpu.dma_semaphore, #tpu.memory_space<semaphore_mem>>, %arg18: memref<!tpu.dma_semaphore, #tpu.memory_space<semaphore_mem>>, %arg19: memref<!tpu.dma_semaphore, #tpu.memory_space<semaphore_mem>>, %arg20: memref<!tpu.dma_semaphore, #tpu.memory_space<semaphore_mem>>, %arg21: memref<!tpu.dma_semaphore, #tpu.memory_space<semaphore_mem>>, %arg22: memref<!tpu.dma_semaphore, #tpu.memory_space<semaphore_mem>>, %arg23: memref<!tpu.dma_semaphore, #tpu.memory_space<semaphore_mem>>, %arg24: memref<!tpu.dma_semaphore, #tpu.memory_space<semaphore_mem>>, %arg25: memref<!tpu.dma_semaphore, #tpu.memory_space<semaphore_mem>>, %arg26: memref<!tpu.dma_semaphore, #tpu.memory_space<semaphore_mem>>, %arg27: memref<!tpu.dma_semaphore, #tpu.memory_space<semaphore_mem>>, %arg28: memref<!tpu.dma_semaphore, #tpu.memory_space<semaphore_mem>>) attributes {dimension_semantics = [#tpu.dimension_semantics<core_parallel>, #tpu.dimension_semantics<subcore_parallel>], iteration_bounds = array<i64: 2, 16>, scalar_prefetch = 0 : i64, scratch_operands = 24 : i64, tpu.core_type = #tpu.core_type<sc_vector_subcore>, window_params = [{transform_indices = #map}, {transform_indices = #map}, {transform_indices = #map1}]} {
    %mul3A = arith.constant 2 : i32
    %mul3A_0 = arith.muli %arg1, %mul3A : i32
    %add3A = arith.addi %mul3A_0, %arg0 : i32
    %mul3A_1 = arith.constant 200 : i32
    %mul3A_2 = arith.muli %add3A, %mul3A_1 : i32
    %iota3A = tpu.iota {dimensions = array<i32: 0>} : vector<16xi32>
    %mul3A_3 = arith.constant 0 : i32
    %mul3A_4 = vector.broadcast %mul3A_3 : i32 to vector<16xi32>
    %mul3A_5 = arith.muli %iota3A, %mul3A_4 : vector<16xi32>
    %add3A_6 = arith.constant 0 : i32
    %add3A_7 = vector.broadcast %add3A_6 : i32 to vector<16xi32>
    %add3A_8 = arith.addi %add3A_7, %iota3A : vector<16xi32>
    %add3A_9 = arith.constant 16 : i32
    %add3A_10 = vector.broadcast %add3A_9 : i32 to vector<16xi32>
    %add3A_11 = arith.addi %add3A_10, %iota3A : vector<16xi32>
    %add3A_12 = arith.constant 32 : i32
    %add3A_13 = vector.broadcast %add3A_12 : i32 to vector<16xi32>
    %add3A_14 = arith.addi %add3A_13, %iota3A : vector<16xi32>
    %add3A_15 = arith.constant 48 : i32
    %add3A_16 = vector.broadcast %add3A_15 : i32 to vector<16xi32>
    %add3A_17 = arith.addi %add3A_16, %iota3A : vector<16xi32>
    %add3A_18 = arith.constant 0 : i32
    %add3A_19 = arith.addi %mul3A_2, %add3A_18 : i32
    %jit3A = arith.constant 128 : i32
    %div3A = arith.divsi %add3A_19, %jit3A : i32
    %sign3A = arith.constant 0 : i32
    %sign3A_20 = arith.cmpi sgt, %add3A_19, %sign3A : i32
    %sign3A_21 = arith.extui %sign3A_20 : i1 to i32
    %sign3A_22 = arith.constant 0 : i32
    %sign3A_23 = arith.cmpi slt, %add3A_19, %sign3A_22 : i32
    %sign3A_24 = arith.extui %sign3A_23 : i1 to i32
    %sign3A_25 = arith.subi %sign3A_21, %sign3A_24 : i32
    %sign3A_26 = arith.constant 0 : i32
    %sign3A_27 = arith.cmpi sgt, %jit3A, %sign3A_26 : i32
    %sign3A_28 = arith.extui %sign3A_27 : i1 to i32
    %sign3A_29 = arith.constant 0 : i32
    %sign3A_30 = arith.cmpi slt, %jit3A, %sign3A_29 : i32
    %sign3A_31 = arith.extui %sign3A_30 : i1 to i32
    %sign3A_32 = arith.subi %sign3A_28, %sign3A_31 : i32
    %ne3A = arith.cmpi ne, %sign3A_25, %sign3A_32 : i32
    %rem3A = arith.remsi %add3A_19, %jit3A : i32
    %ne3A_33 = arith.constant 0 : i32
    %ne3A_34 = arith.cmpi ne, %rem3A, %ne3A_33 : i32
    %and3A = arith.andi %ne3A, %ne3A_34 : i1
    %sub3A = arith.constant 1 : i32
    %sub3A_35 = arith.subi %div3A, %sub3A : i32
    %select_n3A = arith.select %and3A, %sub3A_35, %div3A : i32
    %jit3A_36 = arith.constant 128 : i32
    %eq3A = arith.constant 0 : i32
    %eq3A_37 = arith.cmpi eq, %jit3A_36, %eq3A : i32
    %jit3A_38 = arith.constant 1 : i32
    %select_n3A_39 = arith.select %eq3A_37, %jit3A_38, %jit3A_36 : i32
    %rem3A_40 = arith.remsi %add3A_19, %select_n3A_39 : i32
    %ne3A_41 = arith.constant 0 : i32
    %ne3A_42 = arith.cmpi ne, %rem3A_40, %ne3A_41 : i32
    %lt3A = arith.constant 0 : i32
    %lt3A_43 = arith.cmpi slt, %rem3A_40, %lt3A : i32
    %lt3A_44 = arith.constant 0 : i32
    %lt3A_45 = arith.cmpi slt, %select_n3A_39, %lt3A_44 : i32
    %ne3A_46 = arith.xori %lt3A_43, %lt3A_45 : i1
    %and3A_47 = arith.andi %ne3A_46, %ne3A_42 : i1
    %add3A_48 = arith.addi %rem3A_40, %select_n3A_39 : i32
    %select_n3A_49 = arith.select %and3A_47, %add3A_48, %rem3A_40 : i32
    %mul3A_50 = arith.constant 128 : i32
    %mul3A_51 = arith.muli %select_n3A_49, %mul3A_50 : i32
    %dma_start3A = tpu.memref_slice %arg2[%select_n3A, %mul3A_51] : memref<50x16384xi32, #tpu.memory_space<hbm>> -> memref<1x128xi32, #tpu.memory_space<hbm>>
    %dma_start3A_52 = tpu.memref_squeeze %dma_start3A : memref<1x128xi32, #tpu.memory_space<hbm>> -> memref<128xi32, #tpu.memory_space<hbm>>
    %dma_start3A_53 = tpu.memref_slice %arg2[%select_n3A, %mul3A_51] : memref<50x16384xi32, #tpu.memory_space<hbm>> -> memref<1x128xi32, #tpu.memory_space<hbm>>
    %dma_start3A_54 = tpu.memref_squeeze %dma_start3A_53 : memref<1x128xi32, #tpu.memory_space<hbm>> -> memref<128xi32, #tpu.memory_space<hbm>>
    tpu.enqueue_dma source(%dma_start3A_54 : memref<128xi32, #tpu.memory_space<hbm>>) target(%arg5 : memref<128xi32, #tpu.memory_space<vmem>>) target_semaphore(%arg17 : memref<!tpu.dma_semaphore, #tpu.memory_space<semaphore_mem>>)
    %add3A_55 = arith.constant 1 : i32
    %add3A_56 = arith.addi %mul3A_2, %add3A_55 : i32
    %jit3A_57 = arith.constant 128 : i32
    %div3A_58 = arith.divsi %add3A_56, %jit3A_57 : i32
    %sign3A_59 = arith.constant 0 : i32
    %sign3A_60 = arith.cmpi sgt, %add3A_56, %sign3A_59 : i32
    %sign3A_61 = arith.extui %sign3A_60 : i1 to i32
    %sign3A_62 = arith.constant 0 : i32
    %sign3A_63 = arith.cmpi slt, %add3A_56, %sign3A_62 : i32
    %sign3A_64 = arith.extui %sign3A_63 : i1 to i32
    %sign3A_65 = arith.subi %sign3A_61, %sign3A_64 : i32
    %sign3A_66 = arith.constant 0 : i32
    %sign3A_67 = arith.cmpi sgt, %jit3A_57, %sign3A_66 : i32
    %sign3A_68 = arith.extui %sign3A_67 : i1 to i32
    %sign3A_69 = arith.constant 0 : i32
    %sign3A_70 = arith.cmpi slt, %jit3A_57, %sign3A_69 : i32
    %sign3A_71 = arith.extui %sign3A_70 : i1 to i32
    %sign3A_72 = arith.subi %sign3A_68, %sign3A_71 : i32
    %ne3A_73 = arith.cmpi ne, %sign3A_65, %sign3A_72 : i32
    %rem3A_74 = arith.remsi %add3A_56, %jit3A_57 : i32
    %ne3A_75 = arith.constant 0 : i32
    %ne3A_76 = arith.cmpi ne, %rem3A_74, %ne3A_75 : i32
    %and3A_77 = arith.andi %ne3A_73, %ne3A_76 : i1
    %sub3A_78 = arith.constant 1 : i32
    %sub3A_79 = arith.subi %div3A_58, %sub3A_78 : i32
    %select_n3A_80 = arith.select %and3A_77, %sub3A_79, %div3A_58 : i32
    %jit3A_81 = arith.constant 128 : i32
    %eq3A_82 = arith.constant 0 : i32
    %eq3A_83 = arith.cmpi eq, %jit3A_81, %eq3A_82 : i32
    %jit3A_84 = arith.constant 1 : i32
    %select_n3A_85 = arith.select %eq3A_83, %jit3A_84, %jit3A_81 : i32
    %rem3A_86 = arith.remsi %add3A_56, %select_n3A_85 : i32
    %ne3A_87 = arith.constant 0 : i32
    %ne3A_88 = arith.cmpi ne, %rem3A_86, %ne3A_87 : i32
    %lt3A_89 = arith.constant 0 : i32
    %lt3A_90 = arith.cmpi slt, %rem3A_86, %lt3A_89 : i32
    %lt3A_91 = arith.constant 0 : i32
    %lt3A_92 = arith.cmpi slt, %select_n3A_85, %lt3A_91 : i32
    %ne3A_93 = arith.xori %lt3A_90, %lt3A_92 : i1
    %and3A_94 = arith.andi %ne3A_93, %ne3A_88 : i1
    %add3A_95 = arith.addi %rem3A_86, %select_n3A_85 : i32
    %select_n3A_96 = arith.select %and3A_94, %add3A_95, %rem3A_86 : i32
    %mul3A_97 = arith.constant 128 : i32
    %mul3A_98 = arith.muli %select_n3A_96, %mul3A_97 : i32
    %dma_start3A_99 = tpu.memref_slice %arg2[%select_n3A_80, %mul3A_98] : memref<50x16384xi32, #tpu.memory_space<hbm>> -> memref<1x128xi32, #tpu.memory_space<hbm>>
    %dma_start3A_100 = tpu.memref_squeeze %dma_start3A_99 : memref<1x128xi32, #tpu.memory_space<hbm>> -> memref<128xi32, #tpu.memory_space<hbm>>
    %dma_start3A_101 = tpu.memref_slice %arg2[%select_n3A_80, %mul3A_98] : memref<50x16384xi32, #tpu.memory_space<hbm>> -> memref<1x128xi32, #tpu.memory_space<hbm>>
    %dma_start3A_102 = tpu.memref_squeeze %dma_start3A_101 : memref<1x128xi32, #tpu.memory_space<hbm>> -> memref<128xi32, #tpu.memory_space<hbm>>
    tpu.enqueue_dma source(%dma_start3A_102 : memref<128xi32, #tpu.memory_space<hbm>>) target(%arg6 : memref<128xi32, #tpu.memory_space<vmem>>) target_semaphore(%arg18 : memref<!tpu.dma_semaphore, #tpu.memory_space<semaphore_mem>>)
    %add3A_103 = arith.constant 2 : i32
    %add3A_104 = arith.addi %mul3A_2, %add3A_103 : i32
    %jit3A_105 = arith.constant 128 : i32
    %div3A_106 = arith.divsi %add3A_104, %jit3A_105 : i32
    %sign3A_107 = arith.constant 0 : i32
    %sign3A_108 = arith.cmpi sgt, %add3A_104, %sign3A_107 : i32
    %sign3A_109 = arith.extui %sign3A_108 : i1 to i32
    %sign3A_110 = arith.constant 0 : i32
    %sign3A_111 = arith.cmpi slt, %add3A_104, %sign3A_110 : i32
    %sign3A_112 = arith.extui %sign3A_111 : i1 to i32
    %sign3A_113 = arith.subi %sign3A_109, %sign3A_112 : i32
    %sign3A_114 = arith.constant 0 : i32
    %sign3A_115 = arith.cmpi sgt, %jit3A_105, %sign3A_114 : i32
    %sign3A_116 = arith.extui %sign3A_115 : i1 to i32
    %sign3A_117 = arith.constant 0 : i32
    %sign3A_118 = arith.cmpi slt, %jit3A_105, %sign3A_117 : i32
    %sign3A_119 = arith.extui %sign3A_118 : i1 to i32
    %sign3A_120 = arith.subi %sign3A_116, %sign3A_119 : i32
    %ne3A_121 = arith.cmpi ne, %sign3A_113, %sign3A_120 : i32
    %rem3A_122 = arith.remsi %add3A_104, %jit3A_105 : i32
    %ne3A_123 = arith.constant 0 : i32
    %ne3A_124 = arith.cmpi ne, %rem3A_122, %ne3A_123 : i32
    %and3A_125 = arith.andi %ne3A_121, %ne3A_124 : i1
    %sub3A_126 = arith.constant 1 : i32
    %sub3A_127 = arith.subi %div3A_106, %sub3A_126 : i32
    %select_n3A_128 = arith.select %and3A_125, %sub3A_127, %div3A_106 : i32
    %jit3A_129 = arith.constant 128 : i32
    %eq3A_130 = arith.constant 0 : i32
    %eq3A_131 = arith.cmpi eq, %jit3A_129, %eq3A_130 : i32
    %jit3A_132 = arith.constant 1 : i32
    %select_n3A_133 = arith.select %eq3A_131, %jit3A_132, %jit3A_129 : i32
    %rem3A_134 = arith.remsi %add3A_104, %select_n3A_133 : i32
    %ne3A_135 = arith.constant 0 : i32
    %ne3A_136 = arith.cmpi ne, %rem3A_134, %ne3A_135 : i32
    %lt3A_137 = arith.constant 0 : i32
    %lt3A_138 = arith.cmpi slt, %rem3A_134, %lt3A_137 : i32
    %lt3A_139 = arith.constant 0 : i32
    %lt3A_140 = arith.cmpi slt, %select_n3A_133, %lt3A_139 : i32
    %ne3A_141 = arith.xori %lt3A_138, %lt3A_140 : i1
    %and3A_142 = arith.andi %ne3A_141, %ne3A_136 : i1
    %add3A_143 = arith.addi %rem3A_134, %select_n3A_133 : i32
    %select_n3A_144 = arith.select %and3A_142, %add3A_143, %rem3A_134 : i32
    %mul3A_145 = arith.constant 128 : i32
    %mul3A_146 = arith.muli %select_n3A_144, %mul3A_145 : i32
    %dma_start3A_147 = tpu.memref_slice %arg2[%select_n3A_128, %mul3A_146] : memref<50x16384xi32, #tpu.memory_space<hbm>> -> memref<1x128xi32, #tpu.memory_space<hbm>>
    %dma_start3A_148 = tpu.memref_squeeze %dma_start3A_147 : memref<1x128xi32, #tpu.memory_space<hbm>> -> memref<128xi32, #tpu.memory_space<hbm>>
    %dma_start3A_149 = tpu.memref_slice %arg2[%select_n3A_128, %mul3A_146] : memref<50x16384xi32, #tpu.memory_space<hbm>> -> memref<1x128xi32, #tpu.memory_space<hbm>>
    %dma_start3A_150 = tpu.memref_squeeze %dma_start3A_149 : memref<1x128xi32, #tpu.memory_space<hbm>> -> memref<128xi32, #tpu.memory_space<hbm>>
    tpu.enqueue_dma source(%dma_start3A_150 : memref<128xi32, #tpu.memory_space<hbm>>) target(%arg7 : memref<128xi32, #tpu.memory_space<vmem>>) target_semaphore(%arg19 : memref<!tpu.dma_semaphore, #tpu.memory_space<semaphore_mem>>)
    %add3A_151 = arith.constant 3 : i32
    %add3A_152 = arith.addi %mul3A_2, %add3A_151 : i32
    %jit3A_153 = arith.constant 128 : i32
    %div3A_154 = arith.divsi %add3A_152, %jit3A_153 : i32
    %sign3A_155 = arith.constant 0 : i32
    %sign3A_156 = arith.cmpi sgt, %add3A_152, %sign3A_155 : i32
    %sign3A_157 = arith.extui %sign3A_156 : i1 to i32
    %sign3A_158 = arith.constant 0 : i32
    %sign3A_159 = arith.cmpi slt, %add3A_152, %sign3A_158 : i32
    %sign3A_160 = arith.extui %sign3A_159 : i1 to i32
    %sign3A_161 = arith.subi %sign3A_157, %sign3A_160 : i32
    %sign3A_162 = arith.constant 0 : i32
    %sign3A_163 = arith.cmpi sgt, %jit3A_153, %sign3A_162 : i32
    %sign3A_164 = arith.extui %sign3A_163 : i1 to i32
    %sign3A_165 = arith.constant 0 : i32
    %sign3A_166 = arith.cmpi slt, %jit3A_153, %sign3A_165 : i32
    %sign3A_167 = arith.extui %sign3A_166 : i1 to i32
    %sign3A_168 = arith.subi %sign3A_164, %sign3A_167 : i32
    %ne3A_169 = arith.cmpi ne, %sign3A_161, %sign3A_168 : i32
    %rem3A_170 = arith.remsi %add3A_152, %jit3A_153 : i32
    %ne3A_171 = arith.constant 0 : i32
    %ne3A_172 = arith.cmpi ne, %rem3A_170, %ne3A_171 : i32
    %and3A_173 = arith.andi %ne3A_169, %ne3A_172 : i1
    %sub3A_174 = arith.constant 1 : i32
    %sub3A_175 = arith.subi %div3A_154, %sub3A_174 : i32
    %select_n3A_176 = arith.select %and3A_173, %sub3A_175, %div3A_154 : i32
    %jit3A_177 = arith.constant 128 : i32
    %eq3A_178 = arith.constant 0 : i32
    %eq3A_179 = arith.cmpi eq, %jit3A_177, %eq3A_178 : i32
    %jit3A_180 = arith.constant 1 : i32
    %select_n3A_181 = arith.select %eq3A_179, %jit3A_180, %jit3A_177 : i32
    %rem3A_182 = arith.remsi %add3A_152, %select_n3A_181 : i32
    %ne3A_183 = arith.constant 0 : i32
    %ne3A_184 = arith.cmpi ne, %rem3A_182, %ne3A_183 : i32
    %lt3A_185 = arith.constant 0 : i32
    %lt3A_186 = arith.cmpi slt, %rem3A_182, %lt3A_185 : i32
    %lt3A_187 = arith.constant 0 : i32
    %lt3A_188 = arith.cmpi slt, %select_n3A_181, %lt3A_187 : i32
    %ne3A_189 = arith.xori %lt3A_186, %lt3A_188 : i1
    %and3A_190 = arith.andi %ne3A_189, %ne3A_184 : i1
    %add3A_191 = arith.addi %rem3A_182, %select_n3A_181 : i32
    %select_n3A_192 = arith.select %and3A_190, %add3A_191, %rem3A_182 : i32
    %mul3A_193 = arith.constant 128 : i32
    %mul3A_194 = arith.muli %select_n3A_192, %mul3A_193 : i32
    %dma_start3A_195 = tpu.memref_slice %arg2[%select_n3A_176, %mul3A_194] : memref<50x16384xi32, #tpu.memory_space<hbm>> -> memref<1x128xi32, #tpu.memory_space<hbm>>
    %dma_start3A_196 = tpu.memref_squeeze %dma_start3A_195 : memref<1x128xi32, #tpu.memory_space<hbm>> -> memref<128xi32, #tpu.memory_space<hbm>>
    %dma_start3A_197 = tpu.memref_slice %arg2[%select_n3A_176, %mul3A_194] : memref<50x16384xi32, #tpu.memory_space<hbm>> -> memref<1x128xi32, #tpu.memory_space<hbm>>
    %dma_start3A_198 = tpu.memref_squeeze %dma_start3A_197 : memref<1x128xi32, #tpu.memory_space<hbm>> -> memref<128xi32, #tpu.memory_space<hbm>>
    tpu.enqueue_dma source(%dma_start3A_198 : memref<128xi32, #tpu.memory_space<hbm>>) target(%arg8 : memref<128xi32, #tpu.memory_space<vmem>>) target_semaphore(%arg20 : memref<!tpu.dma_semaphore, #tpu.memory_space<semaphore_mem>>)
    %dma_wait3A = arith.constant 0 : i32
    %dma_wait3A_199 = arith.constant 0 : i32
    %dma_wait3A_200 = tpu.memref_slice %arg2[%dma_wait3A, %dma_wait3A_199] : memref<50x16384xi32, #tpu.memory_space<hbm>> -> memref<1x128xi32, #tpu.memory_space<hbm>>
    %dma_wait3A_201 = tpu.memref_squeeze %dma_wait3A_200 : memref<1x128xi32, #tpu.memory_space<hbm>> -> memref<128xi32, #tpu.memory_space<hbm>>
    %dma_wait3A_202 = arith.constant 0 : i32
    %dma_wait3A_203 = tpu.memref_slice %arg2[%dma_wait3A, %dma_wait3A_202] : memref<50x16384xi32, #tpu.memory_space<hbm>> -> memref<1x128xi32, #tpu.memory_space<hbm>>
    %dma_wait3A_204 = tpu.memref_squeeze %dma_wait3A_203 : memref<1x128xi32, #tpu.memory_space<hbm>> -> memref<128xi32, #tpu.memory_space<hbm>>
    tpu.wait_dma2 semaphore(%arg17 : memref<!tpu.dma_semaphore, #tpu.memory_space<semaphore_mem>>) src(%dma_wait3A_204 : memref<128xi32, #tpu.memory_space<hbm>>) dst(%arg5 : memref<128xi32, #tpu.memory_space<vmem>>)
    %dma_start3A_205 = arith.constant 0 : i32
    %dma_start3A_206 = arith.constant 0 : i32
    %dma_start3A_207 = tpu.memref_slice %arg3[%dma_start3A_205, %dma_start3A_206] : memref<1000000x64xf32, #tpu.memory_space<hbm>> -> memref<1000000x64xf32, #tpu.memory_space<hbm>>
    tpu.enqueue_indirect_dma source(%dma_start3A_207 : memref<1000000x64xf32, #tpu.memory_space<hbm>>) target(%arg9 : memref<128x64xf32, #tpu.memory_space<vmem>>) offsets(%arg5 : memref<128xi32, #tpu.memory_space<vmem>>) semaphore(%arg21 : memref<!tpu.dma_semaphore, #tpu.memory_space<semaphore_mem>>)
    %dma_wait3A_208 = arith.constant 0 : i32
    %dma_wait3A_209 = arith.constant 0 : i32
    %dma_wait3A_210 = tpu.memref_slice %arg2[%dma_wait3A_208, %dma_wait3A_209] : memref<50x16384xi32, #tpu.memory_space<hbm>> -> memref<1x128xi32, #tpu.memory_space<hbm>>
    %dma_wait3A_211 = tpu.memref_squeeze %dma_wait3A_210 : memref<1x128xi32, #tpu.memory_space<hbm>> -> memref<128xi32, #tpu.memory_space<hbm>>
    %dma_wait3A_212 = arith.constant 0 : i32
    %dma_wait3A_213 = tpu.memref_slice %arg2[%dma_wait3A_208, %dma_wait3A_212] : memref<50x16384xi32, #tpu.memory_space<hbm>> -> memref<1x128xi32, #tpu.memory_space<hbm>>
    %dma_wait3A_214 = tpu.memref_squeeze %dma_wait3A_213 : memref<1x128xi32, #tpu.memory_space<hbm>> -> memref<128xi32, #tpu.memory_space<hbm>>
    tpu.wait_dma2 semaphore(%arg18 : memref<!tpu.dma_semaphore, #tpu.memory_space<semaphore_mem>>) src(%dma_wait3A_214 : memref<128xi32, #tpu.memory_space<hbm>>) dst(%arg6 : memref<128xi32, #tpu.memory_space<vmem>>)
    %dma_start3A_215 = arith.constant 0 : i32
    %dma_start3A_216 = arith.constant 0 : i32
    %dma_start3A_217 = tpu.memref_slice %arg3[%dma_start3A_215, %dma_start3A_216] : memref<1000000x64xf32, #tpu.memory_space<hbm>> -> memref<1000000x64xf32, #tpu.memory_space<hbm>>
    tpu.enqueue_indirect_dma source(%dma_start3A_217 : memref<1000000x64xf32, #tpu.memory_space<hbm>>) target(%arg10 : memref<128x64xf32, #tpu.memory_space<vmem>>) offsets(%arg6 : memref<128xi32, #tpu.memory_space<vmem>>) semaphore(%arg22 : memref<!tpu.dma_semaphore, #tpu.memory_space<semaphore_mem>>)
    %scan3A = arith.constant 0 : i32
    %scan3A_218 = arith.constant 50 : i32
    %scan3A_219 = arith.addi %scan3A, %scan3A_218 : i32
    %scan3A_220 = arith.constant 1 : i32
    scf.for %scan3A_766 = %scan3A to %scan3A_219 step %scan3A_220  : i32 {
      %mul3A_767 = arith.constant 4 : i32
      %mul3A_768 = arith.muli %scan3A_766, %mul3A_767 : i32
      %add3A_769 = arith.constant 0 : i32
      %add3A_770 = arith.addi %add3A_769, %mul3A_768 : i32
      %add3A_771 = arith.addi %mul3A_2, %add3A_770 : i32
      %add3A_772 = arith.constant 0 : i32
      %add3A_773 = arith.addi %add3A_771, %add3A_772 : i32
      %dma_wait3A_774 = arith.constant 0 : i32
      %dma_wait3A_775 = arith.constant 0 : i32
      %dma_wait3A_776 = tpu.memref_slice %arg3[%dma_wait3A_774, %dma_wait3A_775] : memref<1000000x64xf32, #tpu.memory_space<hbm>> -> memref<1000000x64xf32, #tpu.memory_space<hbm>>
      tpu.wait_indirect_dma semaphore(%arg21 : memref<!tpu.dma_semaphore, #tpu.memory_space<semaphore_mem>>) src(%dma_wait3A_776 : memref<1000000x64xf32, #tpu.memory_space<hbm>>) dst(%arg9 : memref<128x64xf32, #tpu.memory_space<vmem>>)
      %add3A_777 = arith.constant 0 : i32
      %add3A_778 = arith.addi %add3A_770, %add3A_777 : i32
      %ge3A = arith.constant 4 : i32
      %ge3A_779 = arith.cmpi sge, %add3A_778, %ge3A : i32
      %convert_element_type3A = arith.extui %ge3A_779 : i1 to i32
      %cond3A = arith.constant 0 : i32
      %cond3A_780 = arith.cmpi ne, %convert_element_type3A, %cond3A : i32
      scf.if %cond3A_780 {
        %dma_wait3A_1552 = arith.constant 0 : i32
        %dma_wait3A_1553 = arith.constant 0 : i32
        %dma_wait3A_1554 = arith.constant 0 : i32
        %dma_wait3A_1555 = arith.constant 0 : i32
        %dma_wait3A_1556 = arith.constant 0 : i32
        %dma_wait3A_1557 = tpu.memref_slice %arg13[%dma_wait3A_1555, %dma_wait3A_1556] : memref<64x133xf32, #tpu.memory_space<vmem>> -> memref<8x128xf32, #tpu.memory_space<vmem>>
        %dma_wait3A_1558 = arith.constant 0 : i32
        %dma_wait3A_1559 = arith.constant 0 : i32
        %dma_wait3A_1560 = tpu.memref_slice %arg4[%dma_wait3A_1552, %dma_wait3A_1553, %dma_wait3A_1554, %dma_wait3A_1558, %dma_wait3A_1559] : memref<50x8x128x8x128xf32, #tpu.memory_space<hbm>> -> memref<1x1x1x8x128xf32, #tpu.memory_space<hbm>>
        %dma_wait3A_1561 = tpu.memref_squeeze %dma_wait3A_1560 : memref<1x1x1x8x128xf32, #tpu.memory_space<hbm>> -> memref<8x128xf32, #tpu.memory_space<hbm>>
        %dma_wait3A_1562 = arith.constant 0 : i32
        %dma_wait3A_1563 = arith.constant 0 : i32
        %dma_wait3A_1564 = tpu.memref_slice %arg4[%dma_wait3A_1552, %dma_wait3A_1553, %dma_wait3A_1554, %dma_wait3A_1562, %dma_wait3A_1563] : memref<50x8x128x8x128xf32, #tpu.memory_space<hbm>> -> memref<1x1x1x8x128xf32, #tpu.memory_space<hbm>>
        %dma_wait3A_1565 = tpu.memref_squeeze %dma_wait3A_1564 : memref<1x1x1x8x128xf32, #tpu.memory_space<hbm>> -> memref<8x128xf32, #tpu.memory_space<hbm>>
        %dma_wait3A_1566 = arith.constant 0 : i32
        %dma_wait3A_1567 = arith.constant 0 : i32
        %dma_wait3A_1568 = tpu.memref_slice %arg13[%dma_wait3A_1566, %dma_wait3A_1567] : memref<64x133xf32, #tpu.memory_space<vmem>> -> memref<8x128xf32, #tpu.memory_space<vmem>>
        tpu.wait_dma2 semaphore(%arg25 : memref<!tpu.dma_semaphore, #tpu.memory_space<semaphore_mem>>) src(%dma_wait3A_1568 : memref<8x128xf32, #tpu.memory_space<vmem>>) dst(%dma_wait3A_1565 : memref<8x128xf32, #tpu.memory_space<hbm>>)
        %dma_wait3A_1569 = arith.constant 0 : i32
        %dma_wait3A_1570 = arith.constant 1 : i32
        %dma_wait3A_1571 = arith.constant 0 : i32
        %dma_wait3A_1572 = arith.constant 8 : i32
        %dma_wait3A_1573 = arith.constant 0 : i32
        %dma_wait3A_1574 = tpu.memref_slice %arg13[%dma_wait3A_1572, %dma_wait3A_1573] : memref<64x133xf32, #tpu.memory_space<vmem>> -> memref<8x128xf32, #tpu.memory_space<vmem>>
        %dma_wait3A_1575 = arith.constant 0 : i32
        %dma_wait3A_1576 = arith.constant 0 : i32
        %dma_wait3A_1577 = tpu.memref_slice %arg4[%dma_wait3A_1569, %dma_wait3A_1570, %dma_wait3A_1571, %dma_wait3A_1575, %dma_wait3A_1576] : memref<50x8x128x8x128xf32, #tpu.memory_space<hbm>> -> memref<1x1x1x8x128xf32, #tpu.memory_space<hbm>>
        %dma_wait3A_1578 = tpu.memref_squeeze %dma_wait3A_1577 : memref<1x1x1x8x128xf32, #tpu.memory_space<hbm>> -> memref<8x128xf32, #tpu.memory_space<hbm>>
        %dma_wait3A_1579 = arith.constant 0 : i32
        %dma_wait3A_1580 = arith.constant 0 : i32
        %dma_wait3A_1581 = tpu.memref_slice %arg4[%dma_wait3A_1569, %dma_wait3A_1570, %dma_wait3A_1571, %dma_wait3A_1579, %dma_wait3A_1580] : memref<50x8x128x8x128xf32, #tpu.memory_space<hbm>> -> memref<1x1x1x8x128xf32, #tpu.memory_space<hbm>>
        %dma_wait3A_1582 = tpu.memref_squeeze %dma_wait3A_1581 : memref<1x1x1x8x128xf32, #tpu.memory_space<hbm>> -> memref<8x128xf32, #tpu.memory_space<hbm>>
        %dma_wait3A_1583 = arith.constant 8 : i32
        %dma_wait3A_1584 = arith.constant 0 : i32
        %dma_wait3A_1585 = tpu.memref_slice %arg13[%dma_wait3A_1583, %dma_wait3A_1584] : memref<64x133xf32, #tpu.memory_space<vmem>> -> memref<8x128xf32, #tpu.memory_space<vmem>>
        tpu.wait_dma2 semaphore(%arg25 : memref<!tpu.dma_semaphore, #tpu.memory_space<semaphore_mem>>) src(%dma_wait3A_1585 : memref<8x128xf32, #tpu.memory_space<vmem>>) dst(%dma_wait3A_1582 : memref<8x128xf32, #tpu.memory_space<hbm>>)
        %dma_wait3A_1586 = arith.constant 0 : i32
        %dma_wait3A_1587 = arith.constant 2 : i32
        %dma_wait3A_1588 = arith.constant 0 : i32
        %dma_wait3A_1589 = arith.constant 16 : i32
        %dma_wait3A_1590 = arith.constant 0 : i32
        %dma_wait3A_1591 = tpu.memref_slice %arg13[%dma_wait3A_1589, %dma_wait3A_1590] : memref<64x133xf32, #tpu.memory_space<vmem>> -> memref<8x128xf32, #tpu.memory_space<vmem>>
        %dma_wait3A_1592 = arith.constant 0 : i32
        %dma_wait3A_1593 = arith.constant 0 : i32
        %dma_wait3A_1594 = tpu.memref_slice %arg4[%dma_wait3A_1586, %dma_wait3A_1587, %dma_wait3A_1588, %dma_wait3A_1592, %dma_wait3A_1593] : memref<50x8x128x8x128xf32, #tpu.memory_space<hbm>> -> memref<1x1x1x8x128xf32, #tpu.memory_space<hbm>>
        %dma_wait3A_1595 = tpu.memref_squeeze %dma_wait3A_1594 : memref<1x1x1x8x128xf32, #tpu.memory_space<hbm>> -> memref<8x128xf32, #tpu.memory_space<hbm>>
        %dma_wait3A_1596 = arith.constant 0 : i32
        %dma_wait3A_1597 = arith.constant 0 : i32
        %dma_wait3A_1598 = tpu.memref_slice %arg4[%dma_wait3A_1586, %dma_wait3A_1587, %dma_wait3A_1588, %dma_wait3A_1596, %dma_wait3A_1597] : memref<50x8x128x8x128xf32, #tpu.memory_space<hbm>> -> memref<1x1x1x8x128xf32, #tpu.memory_space<hbm>>
        %dma_wait3A_1599 = tpu.memref_squeeze %dma_wait3A_1598 : memref<1x1x1x8x128xf32, #tpu.memory_space<hbm>> -> memref<8x128xf32, #tpu.memory_space<hbm>>
        %dma_wait3A_1600 = arith.constant 16 : i32
        %dma_wait3A_1601 = arith.constant 0 : i32
        %dma_wait3A_1602 = tpu.memref_slice %arg13[%dma_wait3A_1600, %dma_wait3A_1601] : memref<64x133xf32, #tpu.memory_space<vmem>> -> memref<8x128xf32, #tpu.memory_space<vmem>>
        tpu.wait_dma2 semaphore(%arg25 : memref<!tpu.dma_semaphore, #tpu.memory_space<semaphore_mem>>) src(%dma_wait3A_1602 : memref<8x128xf32, #tpu.memory_space<vmem>>) dst(%dma_wait3A_1599 : memref<8x128xf32, #tpu.memory_space<hbm>>)
        %dma_wait3A_1603 = arith.constant 0 : i32
        %dma_wait3A_1604 = arith.constant 3 : i32
        %dma_wait3A_1605 = arith.constant 0 : i32
        %dma_wait3A_1606 = arith.constant 24 : i32
        %dma_wait3A_1607 = arith.constant 0 : i32
        %dma_wait3A_1608 = tpu.memref_slice %arg13[%dma_wait3A_1606, %dma_wait3A_1607] : memref<64x133xf32, #tpu.memory_space<vmem>> -> memref<8x128xf32, #tpu.memory_space<vmem>>
        %dma_wait3A_1609 = arith.constant 0 : i32
        %dma_wait3A_1610 = arith.constant 0 : i32
        %dma_wait3A_1611 = tpu.memref_slice %arg4[%dma_wait3A_1603, %dma_wait3A_1604, %dma_wait3A_1605, %dma_wait3A_1609, %dma_wait3A_1610] : memref<50x8x128x8x128xf32, #tpu.memory_space<hbm>> -> memref<1x1x1x8x128xf32, #tpu.memory_space<hbm>>
        %dma_wait3A_1612 = tpu.memref_squeeze %dma_wait3A_1611 : memref<1x1x1x8x128xf32, #tpu.memory_space<hbm>> -> memref<8x128xf32, #tpu.memory_space<hbm>>
        %dma_wait3A_1613 = arith.constant 0 : i32
        %dma_wait3A_1614 = arith.constant 0 : i32
        %dma_wait3A_1615 = tpu.memref_slice %arg4[%dma_wait3A_1603, %dma_wait3A_1604, %dma_wait3A_1605, %dma_wait3A_1613, %dma_wait3A_1614] : memref<50x8x128x8x128xf32, #tpu.memory_space<hbm>> -> memref<1x1x1x8x128xf32, #tpu.memory_space<hbm>>
        %dma_wait3A_1616 = tpu.memref_squeeze %dma_wait3A_1615 : memref<1x1x1x8x128xf32, #tpu.memory_space<hbm>> -> memref<8x128xf32, #tpu.memory_space<hbm>>
        %dma_wait3A_1617 = arith.constant 24 : i32
        %dma_wait3A_1618 = arith.constant 0 : i32
        %dma_wait3A_1619 = tpu.memref_slice %arg13[%dma_wait3A_1617, %dma_wait3A_1618] : memref<64x133xf32, #tpu.memory_space<vmem>> -> memref<8x128xf32, #tpu.memory_space<vmem>>
        tpu.wait_dma2 semaphore(%arg25 : memref<!tpu.dma_semaphore, #tpu.memory_space<semaphore_mem>>) src(%dma_wait3A_1619 : memref<8x128xf32, #tpu.memory_space<vmem>>) dst(%dma_wait3A_1616 : memref<8x128xf32, #tpu.memory_space<hbm>>)
        %dma_wait3A_1620 = arith.constant 0 : i32
        %dma_wait3A_1621 = arith.constant 4 : i32
        %dma_wait3A_1622 = arith.constant 0 : i32
        %dma_wait3A_1623 = arith.constant 32 : i32
        %dma_wait3A_1624 = arith.constant 0 : i32
        %dma_wait3A_1625 = tpu.memref_slice %arg13[%dma_wait3A_1623, %dma_wait3A_1624] : memref<64x133xf32, #tpu.memory_space<vmem>> -> memref<8x128xf32, #tpu.memory_space<vmem>>
        %dma_wait3A_1626 = arith.constant 0 : i32
        %dma_wait3A_1627 = arith.constant 0 : i32
        %dma_wait3A_1628 = tpu.memref_slice %arg4[%dma_wait3A_1620, %dma_wait3A_1621, %dma_wait3A_1622, %dma_wait3A_1626, %dma_wait3A_1627] : memref<50x8x128x8x128xf32, #tpu.memory_space<hbm>> -> memref<1x1x1x8x128xf32, #tpu.memory_space<hbm>>
        %dma_wait3A_1629 = tpu.memref_squeeze %dma_wait3A_1628 : memref<1x1x1x8x128xf32, #tpu.memory_space<hbm>> -> memref<8x128xf32, #tpu.memory_space<hbm>>
        %dma_wait3A_1630 = arith.constant 0 : i32
        %dma_wait3A_1631 = arith.constant 0 : i32
        %dma_wait3A_1632 = tpu.memref_slice %arg4[%dma_wait3A_1620, %dma_wait3A_1621, %dma_wait3A_1622, %dma_wait3A_1630, %dma_wait3A_1631] : memref<50x8x128x8x128xf32, #tpu.memory_space<hbm>> -> memref<1x1x1x8x128xf32, #tpu.memory_space<hbm>>
        %dma_wait3A_1633 = tpu.memref_squeeze %dma_wait3A_1632 : memref<1x1x1x8x128xf32, #tpu.memory_space<hbm>> -> memref<8x128xf32, #tpu.memory_space<hbm>>
        %dma_wait3A_1634 = arith.constant 32 : i32
        %dma_wait3A_1635 = arith.constant 0 : i32
        %dma_wait3A_1636 = tpu.memref_slice %arg13[%dma_wait3A_1634, %dma_wait3A_1635] : memref<64x133xf32, #tpu.memory_space<vmem>> -> memref<8x128xf32, #tpu.memory_space<vmem>>
        tpu.wait_dma2 semaphore(%arg25 : memref<!tpu.dma_semaphore, #tpu.memory_space<semaphore_mem>>) src(%dma_wait3A_1636 : memref<8x128xf32, #tpu.memory_space<vmem>>) dst(%dma_wait3A_1633 : memref<8x128xf32, #tpu.memory_space<hbm>>)
        %dma_wait3A_1637 = arith.constant 0 : i32
        %dma_wait3A_1638 = arith.constant 5 : i32
        %dma_wait3A_1639 = arith.constant 0 : i32
        %dma_wait3A_1640 = arith.constant 40 : i32
        %dma_wait3A_1641 = arith.constant 0 : i32
        %dma_wait3A_1642 = tpu.memref_slice %arg13[%dma_wait3A_1640, %dma_wait3A_1641] : memref<64x133xf32, #tpu.memory_space<vmem>> -> memref<8x128xf32, #tpu.memory_space<vmem>>
        %dma_wait3A_1643 = arith.constant 0 : i32
        %dma_wait3A_1644 = arith.constant 0 : i32
        %dma_wait3A_1645 = tpu.memref_slice %arg4[%dma_wait3A_1637, %dma_wait3A_1638, %dma_wait3A_1639, %dma_wait3A_1643, %dma_wait3A_1644] : memref<50x8x128x8x128xf32, #tpu.memory_space<hbm>> -> memref<1x1x1x8x128xf32, #tpu.memory_space<hbm>>
        %dma_wait3A_1646 = tpu.memref_squeeze %dma_wait3A_1645 : memref<1x1x1x8x128xf32, #tpu.memory_space<hbm>> -> memref<8x128xf32, #tpu.memory_space<hbm>>
        %dma_wait3A_1647 = arith.constant 0 : i32
        %dma_wait3A_1648 = arith.constant 0 : i32
        %dma_wait3A_1649 = tpu.memref_slice %arg4[%dma_wait3A_1637, %dma_wait3A_1638, %dma_wait3A_1639, %dma_wait3A_1647, %dma_wait3A_1648] : memref<50x8x128x8x128xf32, #tpu.memory_space<hbm>> -> memref<1x1x1x8x128xf32, #tpu.memory_space<hbm>>
        %dma_wait3A_1650 = tpu.memref_squeeze %dma_wait3A_1649 : memref<1x1x1x8x128xf32, #tpu.memory_space<hbm>> -> memref<8x128xf32, #tpu.memory_space<hbm>>
        %dma_wait3A_1651 = arith.constant 40 : i32
        %dma_wait3A_1652 = arith.constant 0 : i32
        %dma_wait3A_1653 = tpu.memref_slice %arg13[%dma_wait3A_1651, %dma_wait3A_1652] : memref<64x133xf32, #tpu.memory_space<vmem>> -> memref<8x128xf32, #tpu.memory_space<vmem>>
        tpu.wait_dma2 semaphore(%arg25 : memref<!tpu.dma_semaphore, #tpu.memory_space<semaphore_mem>>) src(%dma_wait3A_1653 : memref<8x128xf32, #tpu.memory_space<vmem>>) dst(%dma_wait3A_1650 : memref<8x128xf32, #tpu.memory_space<hbm>>)
        %dma_wait3A_1654 = arith.constant 0 : i32
        %dma_wait3A_1655 = arith.constant 6 : i32
        %dma_wait3A_1656 = arith.constant 0 : i32
        %dma_wait3A_1657 = arith.constant 48 : i32
        %dma_wait3A_1658 = arith.constant 0 : i32
        %dma_wait3A_1659 = tpu.memref_slice %arg13[%dma_wait3A_1657, %dma_wait3A_1658] : memref<64x133xf32, #tpu.memory_space<vmem>> -> memref<8x128xf32, #tpu.memory_space<vmem>>
        %dma_wait3A_1660 = arith.constant 0 : i32
        %dma_wait3A_1661 = arith.constant 0 : i32
        %dma_wait3A_1662 = tpu.memref_slice %arg4[%dma_wait3A_1654, %dma_wait3A_1655, %dma_wait3A_1656, %dma_wait3A_1660, %dma_wait3A_1661] : memref<50x8x128x8x128xf32, #tpu.memory_space<hbm>> -> memref<1x1x1x8x128xf32, #tpu.memory_space<hbm>>
        %dma_wait3A_1663 = tpu.memref_squeeze %dma_wait3A_1662 : memref<1x1x1x8x128xf32, #tpu.memory_space<hbm>> -> memref<8x128xf32, #tpu.memory_space<hbm>>
        %dma_wait3A_1664 = arith.constant 0 : i32
        %dma_wait3A_1665 = arith.constant 0 : i32
        %dma_wait3A_1666 = tpu.memref_slice %arg4[%dma_wait3A_1654, %dma_wait3A_1655, %dma_wait3A_1656, %dma_wait3A_1664, %dma_wait3A_1665] : memref<50x8x128x8x128xf32, #tpu.memory_space<hbm>> -> memref<1x1x1x8x128xf32, #tpu.memory_space<hbm>>
        %dma_wait3A_1667 = tpu.memref_squeeze %dma_wait3A_1666 : memref<1x1x1x8x128xf32, #tpu.memory_space<hbm>> -> memref<8x128xf32, #tpu.memory_space<hbm>>
        %dma_wait3A_1668 = arith.constant 48 : i32
        %dma_wait3A_1669 = arith.constant 0 : i32
        %dma_wait3A_1670 = tpu.memref_slice %arg13[%dma_wait3A_1668, %dma_wait3A_1669] : memref<64x133xf32, #tpu.memory_space<vmem>> -> memref<8x128xf32, #tpu.memory_space<vmem>>
        tpu.wait_dma2 semaphore(%arg25 : memref<!tpu.dma_semaphore, #tpu.memory_space<semaphore_mem>>) src(%dma_wait3A_1670 : memref<8x128xf32, #tpu.memory_space<vmem>>) dst(%dma_wait3A_1667 : memref<8x128xf32, #tpu.memory_space<hbm>>)
        %dma_wait3A_1671 = arith.constant 0 : i32
        %dma_wait3A_1672 = arith.constant 7 : i32
        %dma_wait3A_1673 = arith.constant 0 : i32
        %dma_wait3A_1674 = arith.constant 56 : i32
        %dma_wait3A_1675 = arith.constant 0 : i32
        %dma_wait3A_1676 = tpu.memref_slice %arg13[%dma_wait3A_1674, %dma_wait3A_1675] : memref<64x133xf32, #tpu.memory_space<vmem>> -> memref<8x128xf32, #tpu.memory_space<vmem>>
        %dma_wait3A_1677 = arith.constant 0 : i32
        %dma_wait3A_1678 = arith.constant 0 : i32
        %dma_wait3A_1679 = tpu.memref_slice %arg4[%dma_wait3A_1671, %dma_wait3A_1672, %dma_wait3A_1673, %dma_wait3A_1677, %dma_wait3A_1678] : memref<50x8x128x8x128xf32, #tpu.memory_space<hbm>> -> memref<1x1x1x8x128xf32, #tpu.memory_space<hbm>>
        %dma_wait3A_1680 = tpu.memref_squeeze %dma_wait3A_1679 : memref<1x1x1x8x128xf32, #tpu.memory_space<hbm>> -> memref<8x128xf32, #tpu.memory_space<hbm>>
        %dma_wait3A_1681 = arith.constant 0 : i32
        %dma_wait3A_1682 = arith.constant 0 : i32
        %dma_wait3A_1683 = tpu.memref_slice %arg4[%dma_wait3A_1671, %dma_wait3A_1672, %dma_wait3A_1673, %dma_wait3A_1681, %dma_wait3A_1682] : memref<50x8x128x8x128xf32, #tpu.memory_space<hbm>> -> memref<1x1x1x8x128xf32, #tpu.memory_space<hbm>>
        %dma_wait3A_1684 = tpu.memref_squeeze %dma_wait3A_1683 : memref<1x1x1x8x128xf32, #tpu.memory_space<hbm>> -> memref<8x128xf32, #tpu.memory_space<hbm>>
        %dma_wait3A_1685 = arith.constant 56 : i32
        %dma_wait3A_1686 = arith.constant 0 : i32
        %dma_wait3A_1687 = tpu.memref_slice %arg13[%dma_wait3A_1685, %dma_wait3A_1686] : memref<64x133xf32, #tpu.memory_space<vmem>> -> memref<8x128xf32, #tpu.memory_space<vmem>>
        tpu.wait_dma2 semaphore(%arg25 : memref<!tpu.dma_semaphore, #tpu.memory_space<semaphore_mem>>) src(%dma_wait3A_1687 : memref<8x128xf32, #tpu.memory_space<vmem>>) dst(%dma_wait3A_1684 : memref<8x128xf32, #tpu.memory_space<hbm>>)
      } else {
      }
      %scan3A_781 = arith.constant 0 : i32
      %scan3A_782 = arith.constant 16 : i32
      %scan3A_783 = arith.addi %scan3A_781, %scan3A_782 : i32
      %scan3A_784 = arith.constant 1 : i32
      scf.for %scan3A_1552 = %scan3A_781 to %scan3A_783 step %scan3A_784  : i32 {
        %mul3A_1553 = arith.constant 8 : i32
        %mul3A_1554 = arith.muli %scan3A_1552, %mul3A_1553 : i32
        %add3A_1555 = arith.constant 0 : i32
        %add3A_1556 = arith.addi %add3A_1555, %mul3A_1554 : i32
        %add3A_1557 = arith.constant 0 : i32
        %add3A_1558 = arith.addi %add3A_1556, %add3A_1557 : i32
        %add3A_1559 = vector.broadcast %add3A_1558 : i32 to vector<16xi32>
        %add3A_1560 = arith.addi %mul3A_5, %add3A_1559 : vector<16xi32>
        %get3A = arith.index_cast %add3A_1558 : i32 to index
        %get3A_1561 = arith.constant 0 : index
        %get3A_1562 = tpu.vector_load %arg9[%get3A, %get3A_1561] {strides = array<i32>} : memref<128x64xf32, #tpu.memory_space<vmem>>, vector<16xf32>,
        tpu.vector_store_idx %arg13[%add3A_8, %add3A_1560], %get3A_1562 : memref<64x133xf32, #tpu.memory_space<vmem>>[vector<16xi32>, vector<16xi32>], vector<16xf32>,
        %get3A_1563 = arith.index_cast %add3A_1558 : i32 to index
        %get3A_1564 = arith.constant 16 : index
        %get3A_1565 = tpu.vector_load %arg9[%get3A_1563, %get3A_1564] {strides = array<i32>} : memref<128x64xf32, #tpu.memory_space<vmem>>, vector<16xf32>,
        tpu.vector_store_idx %arg13[%add3A_11, %add3A_1560], %get3A_1565 : memref<64x133xf32, #tpu.memory_space<vmem>>[vector<16xi32>, vector<16xi32>], vector<16xf32>,
        %get3A_1566 = arith.index_cast %add3A_1558 : i32 to index
        %get3A_1567 = arith.constant 32 : index
        %get3A_1568 = tpu.vector_load %arg9[%get3A_1566, %get3A_1567] {strides = array<i32>} : memref<128x64xf32, #tpu.memory_space<vmem>>, vector<16xf32>,
        tpu.vector_store_idx %arg13[%add3A_14, %add3A_1560], %get3A_1568 : memref<64x133xf32, #tpu.memory_space<vmem>>[vector<16xi32>, vector<16xi32>], vector<16xf32>,
        %get3A_1569 = arith.index_cast %add3A_1558 : i32 to index
        %get3A_1570 = arith.constant 48 : index
        %get3A_1571 = tpu.vector_load %arg9[%get3A_1569, %get3A_1570] {strides = array<i32>} : memref<128x64xf32, #tpu.memory_space<vmem>>, vector<16xf32>,
        tpu.vector_store_idx %arg13[%add3A_17, %add3A_1560], %get3A_1571 : memref<64x133xf32, #tpu.memory_space<vmem>>[vector<16xi32>, vector<16xi32>], vector<16xf32>,
        %add3A_1572 = arith.constant 1 : i32
        %add3A_1573 = arith.addi %add3A_1556, %add3A_1572 : i32
        %add3A_1574 = vector.broadcast %add3A_1573 : i32 to vector<16xi32>
        %add3A_1575 = arith.addi %mul3A_5, %add3A_1574 : vector<16xi32>
        %get3A_1576 = arith.index_cast %add3A_1573 : i32 to index
        %get3A_1577 = arith.constant 0 : index
        %get3A_1578 = tpu.vector_load %arg9[%get3A_1576, %get3A_1577] {strides = array<i32>} : memref<128x64xf32, #tpu.memory_space<vmem>>, vector<16xf32>,
        tpu.vector_store_idx %arg13[%add3A_8, %add3A_1575], %get3A_1578 : memref<64x133xf32, #tpu.memory_space<vmem>>[vector<16xi32>, vector<16xi32>], vector<16xf32>,
        %get3A_1579 = arith.index_cast %add3A_1573 : i32 to index
        %get3A_1580 = arith.constant 16 : index
        %get3A_1581 = tpu.vector_load %arg9[%get3A_1579, %get3A_1580] {strides = array<i32>} : memref<128x64xf32, #tpu.memory_space<vmem>>, vector<16xf32>,
        tpu.vector_store_idx %arg13[%add3A_11, %add3A_1575], %get3A_1581 : memref<64x133xf32, #tpu.memory_space<vmem>>[vector<16xi32>, vector<16xi32>], vector<16xf32>,
        %get3A_1582 = arith.index_cast %add3A_1573 : i32 to index
        %get3A_1583 = arith.constant 32 : index
        %get3A_1584 = tpu.vector_load %arg9[%get3A_1582, %get3A_1583] {strides = array<i32>} : memref<128x64xf32, #tpu.memory_space<vmem>>, vector<16xf32>,
        tpu.vector_store_idx %arg13[%add3A_14, %add3A_1575], %get3A_1584 : memref<64x133xf32, #tpu.memory_space<vmem>>[vector<16xi32>, vector<16xi32>], vector<16xf32>,
        %get3A_1585 = arith.index_cast %add3A_1573 : i32 to index
        %get3A_1586 = arith.constant 48 : index
        %get3A_1587 = tpu.vector_load %arg9[%get3A_1585, %get3A_1586] {strides = array<i32>} : memref<128x64xf32, #tpu.memory_space<vmem>>, vector<16xf32>,
        tpu.vector_store_idx %arg13[%add3A_17, %add3A_1575], %get3A_1587 : memref<64x133xf32, #tpu.memory_space<vmem>>[vector<16xi32>, vector<16xi32>], vector<16xf32>,
        %add3A_1588 = arith.constant 2 : i32
        %add3A_1589 = arith.addi %add3A_1556, %add3A_1588 : i32
        %add3A_1590 = vector.broadcast %add3A_1589 : i32 to vector<16xi32>
        %add3A_1591 = arith.addi %mul3A_5, %add3A_1590 : vector<16xi32>
        %get3A_1592 = arith.index_cast %add3A_1589 : i32 to index
        %get3A_1593 = arith.constant 0 : index
        %get3A_1594 = tpu.vector_load %arg9[%get3A_1592, %get3A_1593] {strides = array<i32>} : memref<128x64xf32, #tpu.memory_space<vmem>>, vector<16xf32>,
        tpu.vector_store_idx %arg13[%add3A_8, %add3A_1591], %get3A_1594 : memref<64x133xf32, #tpu.memory_space<vmem>>[vector<16xi32>, vector<16xi32>], vector<16xf32>,
        %get3A_1595 = arith.index_cast %add3A_1589 : i32 to index
        %get3A_1596 = arith.constant 16 : index
        %get3A_1597 = tpu.vector_load %arg9[%get3A_1595, %get3A_1596] {strides = array<i32>} : memref<128x64xf32, #tpu.memory_space<vmem>>, vector<16xf32>,
        tpu.vector_store_idx %arg13[%add3A_11, %add3A_1591], %get3A_1597 : memref<64x133xf32, #tpu.memory_space<vmem>>[vector<16xi32>, vector<16xi32>], vector<16xf32>,
        %get3A_1598 = arith.index_cast %add3A_1589 : i32 to index
        %get3A_1599 = arith.constant 32 : index
        %get3A_1600 = tpu.vector_load %arg9[%get3A_1598, %get3A_1599] {strides = array<i32>} : memref<128x64xf32, #tpu.memory_space<vmem>>, vector<16xf32>,
        tpu.vector_store_idx %arg13[%add3A_14, %add3A_1591], %get3A_1600 : memref<64x133xf32, #tpu.memory_space<vmem>>[vector<16xi32>, vector<16xi32>], vector<16xf32>,
        %get3A_1601 = arith.index_cast %add3A_1589 : i32 to index
        %get3A_1602 = arith.constant 48 : index
        %get3A_1603 = tpu.vector_load %arg9[%get3A_1601, %get3A_1602] {strides = array<i32>} : memref<128x64xf32, #tpu.memory_space<vmem>>, vector<16xf32>,
        tpu.vector_store_idx %arg13[%add3A_17, %add3A_1591], %get3A_1603 : memref<64x133xf32, #tpu.memory_space<vmem>>[vector<16xi32>, vector<16xi32>], vector<16xf32>,
        %add3A_1604 = arith.constant 3 : i32
        %add3A_1605 = arith.addi %add3A_1556, %add3A_1604 : i32
        %add3A_1606 = vector.broadcast %add3A_1605 : i32 to vector<16xi32>
        %add3A_1607 = arith.addi %mul3A_5, %add3A_1606 : vector<16xi32>
        %get3A_1608 = arith.index_cast %add3A_1605 : i32 to index
        %get3A_1609 = arith.constant 0 : index
        %get3A_1610 = tpu.vector_load %arg9[%get3A_1608, %get3A_1609] {strides = array<i32>} : memref<128x64xf32, #tpu.memory_space<vmem>>, vector<16xf32>,
        tpu.vector_store_idx %arg13[%add3A_8, %add3A_1607], %get3A_1610 : memref<64x133xf32, #tpu.memory_space<vmem>>[vector<16xi32>, vector<16xi32>], vector<16xf32>,
        %get3A_1611 = arith.index_cast %add3A_1605 : i32 to index
        %get3A_1612 = arith.constant 16 : index
        %get3A_1613 = tpu.vector_load %arg9[%get3A_1611, %get3A_1612] {strides = array<i32>} : memref<128x64xf32, #tpu.memory_space<vmem>>, vector<16xf32>,
        tpu.vector_store_idx %arg13[%add3A_11, %add3A_1607], %get3A_1613 : memref<64x133xf32, #tpu.memory_space<vmem>>[vector<16xi32>, vector<16xi32>], vector<16xf32>,
        %get3A_1614 = arith.index_cast %add3A_1605 : i32 to index
        %get3A_1615 = arith.constant 32 : index
        %get3A_1616 = tpu.vector_load %arg9[%get3A_1614, %get3A_1615] {strides = array<i32>} : memref<128x64xf32, #tpu.memory_space<vmem>>, vector<16xf32>,
        tpu.vector_store_idx %arg13[%add3A_14, %add3A_1607], %get3A_1616 : memref<64x133xf32, #tpu.memory_space<vmem>>[vector<16xi32>, vector<16xi32>], vector<16xf32>,
        %get3A_1617 = arith.index_cast %add3A_1605 : i32 to index
        %get3A_1618 = arith.constant 48 : index
        %get3A_1619 = tpu.vector_load %arg9[%get3A_1617, %get3A_1618] {strides = array<i32>} : memref<128x64xf32, #tpu.memory_space<vmem>>, vector<16xf32>,
        tpu.vector_store_idx %arg13[%add3A_17, %add3A_1607], %get3A_1619 : memref<64x133xf32, #tpu.memory_space<vmem>>[vector<16xi32>, vector<16xi32>], vector<16xf32>,
        %add3A_1620 = arith.constant 4 : i32
        %add3A_1621 = arith.addi %add3A_1556, %add3A_1620 : i32
        %add3A_1622 = vector.broadcast %add3A_1621 : i32 to vector<16xi32>
        %add3A_1623 = arith.addi %mul3A_5, %add3A_1622 : vector<16xi32>
        %get3A_1624 = arith.index_cast %add3A_1621 : i32 to index
        %get3A_1625 = arith.constant 0 : index
        %get3A_1626 = tpu.vector_load %arg9[%get3A_1624, %get3A_1625] {strides = array<i32>} : memref<128x64xf32, #tpu.memory_space<vmem>>, vector<16xf32>,
        tpu.vector_store_idx %arg13[%add3A_8, %add3A_1623], %get3A_1626 : memref<64x133xf32, #tpu.memory_space<vmem>>[vector<16xi32>, vector<16xi32>], vector<16xf32>,
        %get3A_1627 = arith.index_cast %add3A_1621 : i32 to index
        %get3A_1628 = arith.constant 16 : index
        %get3A_1629 = tpu.vector_load %arg9[%get3A_1627, %get3A_1628] {strides = array<i32>} : memref<128x64xf32, #tpu.memory_space<vmem>>, vector<16xf32>,
        tpu.vector_store_idx %arg13[%add3A_11, %add3A_1623], %get3A_1629 : memref<64x133xf32, #tpu.memory_space<vmem>>[vector<16xi32>, vector<16xi32>], vector<16xf32>,
        %get3A_1630 = arith.index_cast %add3A_1621 : i32 to index
        %get3A_1631 = arith.constant 32 : index
        %get3A_1632 = tpu.vector_load %arg9[%get3A_1630, %get3A_1631] {strides = array<i32>} : memref<128x64xf32, #tpu.memory_space<vmem>>, vector<16xf32>,
        tpu.vector_store_idx %arg13[%add3A_14, %add3A_1623], %get3A_1632 : memref<64x133xf32, #tpu.memory_space<vmem>>[vector<16xi32>, vector<16xi32>], vector<16xf32>,
        %get3A_1633 = arith.index_cast %add3A_1621 : i32 to index
        %get3A_1634 = arith.constant 48 : index
        %get3A_1635 = tpu.vector_load %arg9[%get3A_1633, %get3A_1634] {strides = array<i32>} : memref<128x64xf32, #tpu.memory_space<vmem>>, vector<16xf32>,
        tpu.vector_store_idx %arg13[%add3A_17, %add3A_1623], %get3A_1635 : memref<64x133xf32, #tpu.memory_space<vmem>>[vector<16xi32>, vector<16xi32>], vector<16xf32>,
        %add3A_1636 = arith.constant 5 : i32
        %add3A_1637 = arith.addi %add3A_1556, %add3A_1636 : i32
        %add3A_1638 = vector.broadcast %add3A_1637 : i32 to vector<16xi32>
        %add3A_1639 = arith.addi %mul3A_5, %add3A_1638 : vector<16xi32>
        %get3A_1640 = arith.index_cast %add3A_1637 : i32 to index
        %get3A_1641 = arith.constant 0 : index
        %get3A_1642 = tpu.vector_load %arg9[%get3A_1640, %get3A_1641] {strides = array<i32>} : memref<128x64xf32, #tpu.memory_space<vmem>>, vector<16xf32>,
        tpu.vector_store_idx %arg13[%add3A_8, %add3A_1639], %get3A_1642 : memref<64x133xf32, #tpu.memory_space<vmem>>[vector<16xi32>, vector<16xi32>], vector<16xf32>,
        %get3A_1643 = arith.index_cast %add3A_1637 : i32 to index
        %get3A_1644 = arith.constant 16 : index
        %get3A_1645 = tpu.vector_load %arg9[%get3A_1643, %get3A_1644] {strides = array<i32>} : memref<128x64xf32, #tpu.memory_space<vmem>>, vector<16xf32>,
        tpu.vector_store_idx %arg13[%add3A_11, %add3A_1639], %get3A_1645 : memref<64x133xf32, #tpu.memory_space<vmem>>[vector<16xi32>, vector<16xi32>], vector<16xf32>,
        %get3A_1646 = arith.index_cast %add3A_1637 : i32 to index
        %get3A_1647 = arith.constant 32 : index
        %get3A_1648 = tpu.vector_load %arg9[%get3A_1646, %get3A_1647] {strides = array<i32>} : memref<128x64xf32, #tpu.memory_space<vmem>>, vector<16xf32>,
        tpu.vector_store_idx %arg13[%add3A_14, %add3A_1639], %get3A_1648 : memref<64x133xf32, #tpu.memory_space<vmem>>[vector<16xi32>, vector<16xi32>], vector<16xf32>,
        %get3A_1649 = arith.index_cast %add3A_1637 : i32 to index
        %get3A_1650 = arith.constant 48 : index
        %get3A_1651 = tpu.vector_load %arg9[%get3A_1649, %get3A_1650] {strides = array<i32>} : memref<128x64xf32, #tpu.memory_space<vmem>>, vector<16xf32>,
        tpu.vector_store_idx %arg13[%add3A_17, %add3A_1639], %get3A_1651 : memref<64x133xf32, #tpu.memory_space<vmem>>[vector<16xi32>, vector<16xi32>], vector<16xf32>,
        %add3A_1652 = arith.constant 6 : i32
        %add3A_1653 = arith.addi %add3A_1556, %add3A_1652 : i32
        %add3A_1654 = vector.broadcast %add3A_1653 : i32 to vector<16xi32>
        %add3A_1655 = arith.addi %mul3A_5, %add3A_1654 : vector<16xi32>
        %get3A_1656 = arith.index_cast %add3A_1653 : i32 to index
        %get3A_1657 = arith.constant 0 : index
        %get3A_1658 = tpu.vector_load %arg9[%get3A_1656, %get3A_1657] {strides = array<i32>} : memref<128x64xf32, #tpu.memory_space<vmem>>, vector<16xf32>,
        tpu.vector_store_idx %arg13[%add3A_8, %add3A_1655], %get3A_1658 : memref<64x133xf32, #tpu.memory_space<vmem>>[vector<16xi32>, vector<16xi32>], vector<16xf32>,
        %get3A_1659 = arith.index_cast %add3A_1653 : i32 to index
        %get3A_1660 = arith.constant 16 : index
        %get3A_1661 = tpu.vector_load %arg9[%get3A_1659, %get3A_1660] {strides = array<i32>} : memref<128x64xf32, #tpu.memory_space<vmem>>, vector<16xf32>,
        tpu.vector_store_idx %arg13[%add3A_11, %add3A_1655], %get3A_1661 : memref<64x133xf32, #tpu.memory_space<vmem>>[vector<16xi32>, vector<16xi32>], vector<16xf32>,
        %get3A_1662 = arith.index_cast %add3A_1653 : i32 to index
        %get3A_1663 = arith.constant 32 : index
        %get3A_1664 = tpu.vector_load %arg9[%get3A_1662, %get3A_1663] {strides = array<i32>} : memref<128x64xf32, #tpu.memory_space<vmem>>, vector<16xf32>,
        tpu.vector_store_idx %arg13[%add3A_14, %add3A_1655], %get3A_1664 : memref<64x133xf32, #tpu.memory_space<vmem>>[vector<16xi32>, vector<16xi32>], vector<16xf32>,
        %get3A_1665 = arith.index_cast %add3A_1653 : i32 to index
        %get3A_1666 = arith.constant 48 : index
        %get3A_1667 = tpu.vector_load %arg9[%get3A_1665, %get3A_1666] {strides = array<i32>} : memref<128x64xf32, #tpu.memory_space<vmem>>, vector<16xf32>,
        tpu.vector_store_idx %arg13[%add3A_17, %add3A_1655], %get3A_1667 : memref<64x133xf32, #tpu.memory_space<vmem>>[vector<16xi32>, vector<16xi32>], vector<16xf32>,
        %add3A_1668 = arith.constant 7 : i32
        %add3A_1669 = arith.addi %add3A_1556, %add3A_1668 : i32
        %add3A_1670 = vector.broadcast %add3A_1669 : i32 to vector<16xi32>
        %add3A_1671 = arith.addi %mul3A_5, %add3A_1670 : vector<16xi32>
        %get3A_1672 = arith.index_cast %add3A_1669 : i32 to index
        %get3A_1673 = arith.constant 0 : index
        %get3A_1674 = tpu.vector_load %arg9[%get3A_1672, %get3A_1673] {strides = array<i32>} : memref<128x64xf32, #tpu.memory_space<vmem>>, vector<16xf32>,
        tpu.vector_store_idx %arg13[%add3A_8, %add3A_1671], %get3A_1674 : memref<64x133xf32, #tpu.memory_space<vmem>>[vector<16xi32>, vector<16xi32>], vector<16xf32>,
        %get3A_1675 = arith.index_cast %add3A_1669 : i32 to index
        %get3A_1676 = arith.constant 16 : index
        %get3A_1677 = tpu.vector_load %arg9[%get3A_1675, %get3A_1676] {strides = array<i32>} : memref<128x64xf32, #tpu.memory_space<vmem>>, vector<16xf32>,
        tpu.vector_store_idx %arg13[%add3A_11, %add3A_1671], %get3A_1677 : memref<64x133xf32, #tpu.memory_space<vmem>>[vector<16xi32>, vector<16xi32>], vector<16xf32>,
        %get3A_1678 = arith.index_cast %add3A_1669 : i32 to index
        %get3A_1679 = arith.constant 32 : index
        %get3A_1680 = tpu.vector_load %arg9[%get3A_1678, %get3A_1679] {strides = array<i32>} : memref<128x64xf32, #tpu.memory_space<vmem>>, vector<16xf32>,
        tpu.vector_store_idx %arg13[%add3A_14, %add3A_1671], %get3A_1680 : memref<64x133xf32, #tpu.memory_space<vmem>>[vector<16xi32>, vector<16xi32>], vector<16xf32>,
        %get3A_1681 = arith.index_cast %add3A_1669 : i32 to index
        %get3A_1682 = arith.constant 48 : index
        %get3A_1683 = tpu.vector_load %arg9[%get3A_1681, %get3A_1682] {strides = array<i32>} : memref<128x64xf32, #tpu.memory_space<vmem>>, vector<16xf32>,
        tpu.vector_store_idx %arg13[%add3A_17, %add3A_1671], %get3A_1683 : memref<64x133xf32, #tpu.memory_space<vmem>>[vector<16xi32>, vector<16xi32>], vector<16xf32>,
      }
      %scan3A_785 = arith.constant 16 : i32
      %jit3A_786 = arith.constant 128 : i32
      %div3A_787 = arith.divsi %add3A_773, %jit3A_786 : i32
      %sign3A_788 = arith.constant 0 : i32
      %sign3A_789 = arith.cmpi sgt, %add3A_773, %sign3A_788 : i32
      %sign3A_790 = arith.extui %sign3A_789 : i1 to i32
      %sign3A_791 = arith.constant 0 : i32
      %sign3A_792 = arith.cmpi slt, %add3A_773, %sign3A_791 : i32
      %sign3A_793 = arith.extui %sign3A_792 : i1 to i32
      %sign3A_794 = arith.subi %sign3A_790, %sign3A_793 : i32
      %sign3A_795 = arith.constant 0 : i32
      %sign3A_796 = arith.cmpi sgt, %jit3A_786, %sign3A_795 : i32
      %sign3A_797 = arith.extui %sign3A_796 : i1 to i32
      %sign3A_798 = arith.constant 0 : i32
      %sign3A_799 = arith.cmpi slt, %jit3A_786, %sign3A_798 : i32
      %sign3A_800 = arith.extui %sign3A_799 : i1 to i32
      %sign3A_801 = arith.subi %sign3A_797, %sign3A_800 : i32
      %ne3A_802 = arith.cmpi ne, %sign3A_794, %sign3A_801 : i32
      %rem3A_803 = arith.remsi %add3A_773, %jit3A_786 : i32
      %ne3A_804 = arith.constant 0 : i32
      %ne3A_805 = arith.cmpi ne, %rem3A_803, %ne3A_804 : i32
      %and3A_806 = arith.andi %ne3A_802, %ne3A_805 : i1
      %sub3A_807 = arith.constant 1 : i32
      %sub3A_808 = arith.subi %div3A_787, %sub3A_807 : i32
      %select_n3A_809 = arith.select %and3A_806, %sub3A_808, %div3A_787 : i32
      %jit3A_810 = arith.constant 128 : i32
      %eq3A_811 = arith.constant 0 : i32
      %eq3A_812 = arith.cmpi eq, %jit3A_810, %eq3A_811 : i32
      %jit3A_813 = arith.constant 1 : i32
      %select_n3A_814 = arith.select %eq3A_812, %jit3A_813, %jit3A_810 : i32
      %rem3A_815 = arith.remsi %add3A_773, %select_n3A_814 : i32
      %ne3A_816 = arith.constant 0 : i32
      %ne3A_817 = arith.cmpi ne, %rem3A_815, %ne3A_816 : i32
      %lt3A_818 = arith.constant 0 : i32
      %lt3A_819 = arith.cmpi slt, %rem3A_815, %lt3A_818 : i32
      %lt3A_820 = arith.constant 0 : i32
      %lt3A_821 = arith.cmpi slt, %select_n3A_814, %lt3A_820 : i32
      %ne3A_822 = arith.xori %lt3A_819, %lt3A_821 : i1
      %and3A_823 = arith.andi %ne3A_822, %ne3A_817 : i1
      %add3A_824 = arith.addi %rem3A_815, %select_n3A_814 : i32
      %select_n3A_825 = arith.select %and3A_823, %add3A_824, %rem3A_815 : i32
      %dma_start3A_826 = arith.constant 0 : i32
      %dma_start3A_827 = arith.constant 0 : i32
      %dma_start3A_828 = arith.constant 0 : i32
      %dma_start3A_829 = tpu.memref_slice %arg13[%dma_start3A_827, %dma_start3A_828] : memref<64x133xf32, #tpu.memory_space<vmem>> -> memref<8x128xf32, #tpu.memory_space<vmem>>
      %dma_start3A_830 = arith.constant 0 : i32
      %dma_start3A_831 = arith.constant 0 : i32
      %dma_start3A_832 = tpu.memref_slice %arg4[%select_n3A_809, %dma_start3A_826, %select_n3A_825, %dma_start3A_830, %dma_start3A_831] : memref<50x8x128x8x128xf32, #tpu.memory_space<hbm>> -> memref<1x1x1x8x128xf32, #tpu.memory_space<hbm>>
      %dma_start3A_833 = tpu.memref_squeeze %dma_start3A_832 : memref<1x1x1x8x128xf32, #tpu.memory_space<hbm>> -> memref<8x128xf32, #tpu.memory_space<hbm>>
      %dma_start3A_834 = arith.constant 0 : i32
      %dma_start3A_835 = arith.constant 0 : i32
      %dma_start3A_836 = tpu.memref_slice %arg4[%select_n3A_809, %dma_start3A_826, %select_n3A_825, %dma_start3A_834, %dma_start3A_835] : memref<50x8x128x8x128xf32, #tpu.memory_space<hbm>> -> memref<1x1x1x8x128xf32, #tpu.memory_space<hbm>>
      %dma_start3A_837 = tpu.memref_squeeze %dma_start3A_836 : memref<1x1x1x8x128xf32, #tpu.memory_space<hbm>> -> memref<8x128xf32, #tpu.memory_space<hbm>>
      %dma_start3A_838 = arith.constant 0 : i32
      %dma_start3A_839 = arith.constant 0 : i32
      %dma_start3A_840 = tpu.memref_slice %arg13[%dma_start3A_838, %dma_start3A_839] : memref<64x133xf32, #tpu.memory_space<vmem>> -> memref<8x128xf32, #tpu.memory_space<vmem>>
      tpu.enqueue_dma source(%dma_start3A_840 : memref<8x128xf32, #tpu.memory_space<vmem>>) target(%dma_start3A_837 : memref<8x128xf32, #tpu.memory_space<hbm>>) target_semaphore(%arg25 : memref<!tpu.dma_semaphore, #tpu.memory_space<semaphore_mem>>)
      %dma_start3A_841 = arith.constant 1 : i32
      %dma_start3A_842 = arith.constant 8 : i32
      %dma_start3A_843 = arith.constant 0 : i32
      %dma_start3A_844 = tpu.memref_slice %arg13[%dma_start3A_842, %dma_start3A_843] : memref<64x133xf32, #tpu.memory_space<vmem>> -> memref<8x128xf32, #tpu.memory_space<vmem>>
      %dma_start3A_845 = arith.constant 0 : i32
      %dma_start3A_846 = arith.constant 0 : i32
      %dma_start3A_847 = tpu.memref_slice %arg4[%select_n3A_809, %dma_start3A_841, %select_n3A_825, %dma_start3A_845, %dma_start3A_846] : memref<50x8x128x8x128xf32, #tpu.memory_space<hbm>> -> memref<1x1x1x8x128xf32, #tpu.memory_space<hbm>>
      %dma_start3A_848 = tpu.memref_squeeze %dma_start3A_847 : memref<1x1x1x8x128xf32, #tpu.memory_space<hbm>> -> memref<8x128xf32, #tpu.memory_space<hbm>>
      %dma_start3A_849 = arith.constant 0 : i32
      %dma_start3A_850 = arith.constant 0 : i32
      %dma_start3A_851 = tpu.memref_slice %arg4[%select_n3A_809, %dma_start3A_841, %select_n3A_825, %dma_start3A_849, %dma_start3A_850] : memref<50x8x128x8x128xf32, #tpu.memory_space<hbm>> -> memref<1x1x1x8x128xf32, #tpu.memory_space<hbm>>
      %dma_start3A_852 = tpu.memref_squeeze %dma_start3A_851 : memref<1x1x1x8x128xf32, #tpu.memory_space<hbm>> -> memref<8x128xf32, #tpu.memory_space<hbm>>
      %dma_start3A_853 = arith.constant 8 : i32
      %dma_start3A_854 = arith.constant 0 : i32
      %dma_start3A_855 = tpu.memref_slice %arg13[%dma_start3A_853, %dma_start3A_854] : memref<64x133xf32, #tpu.memory_space<vmem>> -> memref<8x128xf32, #tpu.memory_space<vmem>>
      tpu.enqueue_dma source(%dma_start3A_855 : memref<8x128xf32, #tpu.memory_space<vmem>>) target(%dma_start3A_852 : memref<8x128xf32, #tpu.memory_space<hbm>>) target_semaphore(%arg25 : memref<!tpu.dma_semaphore, #tpu.memory_space<semaphore_mem>>)
      %dma_start3A_856 = arith.constant 2 : i32
      %dma_start3A_857 = arith.constant 16 : i32
      %dma_start3A_858 = arith.constant 0 : i32
      %dma_start3A_859 = tpu.memref_slice %arg13[%dma_start3A_857, %dma_start3A_858] : memref<64x133xf32, #tpu.memory_space<vmem>> -> memref<8x128xf32, #tpu.memory_space<vmem>>
      %dma_start3A_860 = arith.constant 0 : i32
      %dma_start3A_861 = arith.constant 0 : i32
      %dma_start3A_862 = tpu.memref_slice %arg4[%select_n3A_809, %dma_start3A_856, %select_n3A_825, %dma_start3A_860, %dma_start3A_861] : memref<50x8x128x8x128xf32, #tpu.memory_space<hbm>> -> memref<1x1x1x8x128xf32, #tpu.memory_space<hbm>>
      %dma_start3A_863 = tpu.memref_squeeze %dma_start3A_862 : memref<1x1x1x8x128xf32, #tpu.memory_space<hbm>> -> memref<8x128xf32, #tpu.memory_space<hbm>>
      %dma_start3A_864 = arith.constant 0 : i32
      %dma_start3A_865 = arith.constant 0 : i32
      %dma_start3A_866 = tpu.memref_slice %arg4[%select_n3A_809, %dma_start3A_856, %select_n3A_825, %dma_start3A_864, %dma_start3A_865] : memref<50x8x128x8x128xf32, #tpu.memory_space<hbm>> -> memref<1x1x1x8x128xf32, #tpu.memory_space<hbm>>
      %dma_start3A_867 = tpu.memref_squeeze %dma_start3A_866 : memref<1x1x1x8x128xf32, #tpu.memory_space<hbm>> -> memref<8x128xf32, #tpu.memory_space<hbm>>
      %dma_start3A_868 = arith.constant 16 : i32
      %dma_start3A_869 = arith.constant 0 : i32
      %dma_start3A_870 = tpu.memref_slice %arg13[%dma_start3A_868, %dma_start3A_869] : memref<64x133xf32, #tpu.memory_space<vmem>> -> memref<8x128xf32, #tpu.memory_space<vmem>>
      tpu.enqueue_dma source(%dma_start3A_870 : memref<8x128xf32, #tpu.memory_space<vmem>>) target(%dma_start3A_867 : memref<8x128xf32, #tpu.memory_space<hbm>>) target_semaphore(%arg25 : memref<!tpu.dma_semaphore, #tpu.memory_space<semaphore_mem>>)
      %dma_start3A_871 = arith.constant 3 : i32
      %dma_start3A_872 = arith.constant 24 : i32
      %dma_start3A_873 = arith.constant 0 : i32
      %dma_start3A_874 = tpu.memref_slice %arg13[%dma_start3A_872, %dma_start3A_873] : memref<64x133xf32, #tpu.memory_space<vmem>> -> memref<8x128xf32, #tpu.memory_space<vmem>>
      %dma_start3A_875 = arith.constant 0 : i32
      %dma_start3A_876 = arith.constant 0 : i32
      %dma_start3A_877 = tpu.memref_slice %arg4[%select_n3A_809, %dma_start3A_871, %select_n3A_825, %dma_start3A_875, %dma_start3A_876] : memref<50x8x128x8x128xf32, #tpu.memory_space<hbm>> -> memref<1x1x1x8x128xf32, #tpu.memory_space<hbm>>
      %dma_start3A_878 = tpu.memref_squeeze %dma_start3A_877 : memref<1x1x1x8x128xf32, #tpu.memory_space<hbm>> -> memref<8x128xf32, #tpu.memory_space<hbm>>
      %dma_start3A_879 = arith.constant 0 : i32
      %dma_start3A_880 = arith.constant 0 : i32
      %dma_start3A_881 = tpu.memref_slice %arg4[%select_n3A_809, %dma_start3A_871, %select_n3A_825, %dma_start3A_879, %dma_start3A_880] : memref<50x8x128x8x128xf32, #tpu.memory_space<hbm>> -> memref<1x1x1x8x128xf32, #tpu.memory_space<hbm>>
      %dma_start3A_882 = tpu.memref_squeeze %dma_start3A_881 : memref<1x1x1x8x128xf32, #tpu.memory_space<hbm>> -> memref<8x128xf32, #tpu.memory_space<hbm>>
      %dma_start3A_883 = arith.constant 24 : i32
      %dma_start3A_884 = arith.constant 0 : i32
      %dma_start3A_885 = tpu.memref_slice %arg13[%dma_start3A_883, %dma_start3A_884] : memref<64x133xf32, #tpu.memory_space<vmem>> -> memref<8x128xf32, #tpu.memory_space<vmem>>
      tpu.enqueue_dma source(%dma_start3A_885 : memref<8x128xf32, #tpu.memory_space<vmem>>) target(%dma_start3A_882 : memref<8x128xf32, #tpu.memory_space<hbm>>) target_semaphore(%arg25 : memref<!tpu.dma_semaphore, #tpu.memory_space<semaphore_mem>>)
      %dma_start3A_886 = arith.constant 4 : i32
      %dma_start3A_887 = arith.constant 32 : i32
      %dma_start3A_888 = arith.constant 0 : i32
      %dma_start3A_889 = tpu.memref_slice %arg13[%dma_start3A_887, %dma_start3A_888] : memref<64x133xf32, #tpu.memory_space<vmem>> -> memref<8x128xf32, #tpu.memory_space<vmem>>
      %dma_start3A_890 = arith.constant 0 : i32
      %dma_start3A_891 = arith.constant 0 : i32
      %dma_start3A_892 = tpu.memref_slice %arg4[%select_n3A_809, %dma_start3A_886, %select_n3A_825, %dma_start3A_890, %dma_start3A_891] : memref<50x8x128x8x128xf32, #tpu.memory_space<hbm>> -> memref<1x1x1x8x128xf32, #tpu.memory_space<hbm>>
      %dma_start3A_893 = tpu.memref_squeeze %dma_start3A_892 : memref<1x1x1x8x128xf32, #tpu.memory_space<hbm>> -> memref<8x128xf32, #tpu.memory_space<hbm>>
      %dma_start3A_894 = arith.constant 0 : i32
      %dma_start3A_895 = arith.constant 0 : i32
      %dma_start3A_896 = tpu.memref_slice %arg4[%select_n3A_809, %dma_start3A_886, %select_n3A_825, %dma_start3A_894, %dma_start3A_895] : memref<50x8x128x8x128xf32, #tpu.memory_space<hbm>> -> memref<1x1x1x8x128xf32, #tpu.memory_space<hbm>>
      %dma_start3A_897 = tpu.memref_squeeze %dma_start3A_896 : memref<1x1x1x8x128xf32, #tpu.memory_space<hbm>> -> memref<8x128xf32, #tpu.memory_space<hbm>>
      %dma_start3A_898 = arith.constant 32 : i32
      %dma_start3A_899 = arith.constant 0 : i32
      %dma_start3A_900 = tpu.memref_slice %arg13[%dma_start3A_898, %dma_start3A_899] : memref<64x133xf32, #tpu.memory_space<vmem>> -> memref<8x128xf32, #tpu.memory_space<vmem>>
      tpu.enqueue_dma source(%dma_start3A_900 : memref<8x128xf32, #tpu.memory_space<vmem>>) target(%dma_start3A_897 : memref<8x128xf32, #tpu.memory_space<hbm>>) target_semaphore(%arg25 : memref<!tpu.dma_semaphore, #tpu.memory_space<semaphore_mem>>)
      %dma_start3A_901 = arith.constant 5 : i32
      %dma_start3A_902 = arith.constant 40 : i32
      %dma_start3A_903 = arith.constant 0 : i32
      %dma_start3A_904 = tpu.memref_slice %arg13[%dma_start3A_902, %dma_start3A_903] : memref<64x133xf32, #tpu.memory_space<vmem>> -> memref<8x128xf32, #tpu.memory_space<vmem>>
      %dma_start3A_905 = arith.constant 0 : i32
      %dma_start3A_906 = arith.constant 0 : i32
      %dma_start3A_907 = tpu.memref_slice %arg4[%select_n3A_809, %dma_start3A_901, %select_n3A_825, %dma_start3A_905, %dma_start3A_906] : memref<50x8x128x8x128xf32, #tpu.memory_space<hbm>> -> memref<1x1x1x8x128xf32, #tpu.memory_space<hbm>>
      %dma_start3A_908 = tpu.memref_squeeze %dma_start3A_907 : memref<1x1x1x8x128xf32, #tpu.memory_space<hbm>> -> memref<8x128xf32, #tpu.memory_space<hbm>>
      %dma_start3A_909 = arith.constant 0 : i32
      %dma_start3A_910 = arith.constant 0 : i32
      %dma_start3A_911 = tpu.memref_slice %arg4[%select_n3A_809, %dma_start3A_901, %select_n3A_825, %dma_start3A_909, %dma_start3A_910] : memref<50x8x128x8x128xf32, #tpu.memory_space<hbm>> -> memref<1x1x1x8x128xf32, #tpu.memory_space<hbm>>
      %dma_start3A_912 = tpu.memref_squeeze %dma_start3A_911 : memref<1x1x1x8x128xf32, #tpu.memory_space<hbm>> -> memref<8x128xf32, #tpu.memory_space<hbm>>
      %dma_start3A_913 = arith.constant 40 : i32
      %dma_start3A_914 = arith.constant 0 : i32
      %dma_start3A_915 = tpu.memref_slice %arg13[%dma_start3A_913, %dma_start3A_914] : memref<64x133xf32, #tpu.memory_space<vmem>> -> memref<8x128xf32, #tpu.memory_space<vmem>>
      tpu.enqueue_dma source(%dma_start3A_915 : memref<8x128xf32, #tpu.memory_space<vmem>>) target(%dma_start3A_912 : memref<8x128xf32, #tpu.memory_space<hbm>>) target_semaphore(%arg25 : memref<!tpu.dma_semaphore, #tpu.memory_space<semaphore_mem>>)
      %dma_start3A_916 = arith.constant 6 : i32
      %dma_start3A_917 = arith.constant 48 : i32
      %dma_start3A_918 = arith.constant 0 : i32
      %dma_start3A_919 = tpu.memref_slice %arg13[%dma_start3A_917, %dma_start3A_918] : memref<64x133xf32, #tpu.memory_space<vmem>> -> memref<8x128xf32, #tpu.memory_space<vmem>>
      %dma_start3A_920 = arith.constant 0 : i32
      %dma_start3A_921 = arith.constant 0 : i32
      %dma_start3A_922 = tpu.memref_slice %arg4[%select_n3A_809, %dma_start3A_916, %select_n3A_825, %dma_start3A_920, %dma_start3A_921] : memref<50x8x128x8x128xf32, #tpu.memory_space<hbm>> -> memref<1x1x1x8x128xf32, #tpu.memory_space<hbm>>
      %dma_start3A_923 = tpu.memref_squeeze %dma_start3A_922 : memref<1x1x1x8x128xf32, #tpu.memory_space<hbm>> -> memref<8x128xf32, #tpu.memory_space<hbm>>
      %dma_start3A_924 = arith.constant 0 : i32
      %dma_start3A_925 = arith.constant 0 : i32
      %dma_start3A_926 = tpu.memref_slice %arg4[%select_n3A_809, %dma_start3A_916, %select_n3A_825, %dma_start3A_924, %dma_start3A_925] : memref<50x8x128x8x128xf32, #tpu.memory_space<hbm>> -> memref<1x1x1x8x128xf32, #tpu.memory_space<hbm>>
      %dma_start3A_927 = tpu.memref_squeeze %dma_start3A_926 : memref<1x1x1x8x128xf32, #tpu.memory_space<hbm>> -> memref<8x128xf32, #tpu.memory_space<hbm>>
      %dma_start3A_928 = arith.constant 48 : i32
      %dma_start3A_929 = arith.constant 0 : i32
      %dma_start3A_930 = tpu.memref_slice %arg13[%dma_start3A_928, %dma_start3A_929] : memref<64x133xf32, #tpu.memory_space<vmem>> -> memref<8x128xf32, #tpu.memory_space<vmem>>
      tpu.enqueue_dma source(%dma_start3A_930 : memref<8x128xf32, #tpu.memory_space<vmem>>) target(%dma_start3A_927 : memref<8x128xf32, #tpu.memory_space<hbm>>) target_semaphore(%arg25 : memref<!tpu.dma_semaphore, #tpu.memory_space<semaphore_mem>>)
      %dma_start3A_931 = arith.constant 7 : i32
      %dma_start3A_932 = arith.constant 56 : i32
      %dma_start3A_933 = arith.constant 0 : i32
      %dma_start3A_934 = tpu.memref_slice %arg13[%dma_start3A_932, %dma_start3A_933] : memref<64x133xf32, #tpu.memory_space<vmem>> -> memref<8x128xf32, #tpu.memory_space<vmem>>
      %dma_start3A_935 = arith.constant 0 : i32
      %dma_start3A_936 = arith.constant 0 : i32
      %dma_start3A_937 = tpu.memref_slice %arg4[%select_n3A_809, %dma_start3A_931, %select_n3A_825, %dma_start3A_935, %dma_start3A_936] : memref<50x8x128x8x128xf32, #tpu.memory_space<hbm>> -> memref<1x1x1x8x128xf32, #tpu.memory_space<hbm>>
      %dma_start3A_938 = tpu.memref_squeeze %dma_start3A_937 : memref<1x1x1x8x128xf32, #tpu.memory_space<hbm>> -> memref<8x128xf32, #tpu.memory_space<hbm>>
      %dma_start3A_939 = arith.constant 0 : i32
      %dma_start3A_940 = arith.constant 0 : i32
      %dma_start3A_941 = tpu.memref_slice %arg4[%select_n3A_809, %dma_start3A_931, %select_n3A_825, %dma_start3A_939, %dma_start3A_940] : memref<50x8x128x8x128xf32, #tpu.memory_space<hbm>> -> memref<1x1x1x8x128xf32, #tpu.memory_space<hbm>>
      %dma_start3A_942 = tpu.memref_squeeze %dma_start3A_941 : memref<1x1x1x8x128xf32, #tpu.memory_space<hbm>> -> memref<8x128xf32, #tpu.memory_space<hbm>>
      %dma_start3A_943 = arith.constant 56 : i32
      %dma_start3A_944 = arith.constant 0 : i32
      %dma_start3A_945 = tpu.memref_slice %arg13[%dma_start3A_943, %dma_start3A_944] : memref<64x133xf32, #tpu.memory_space<vmem>> -> memref<8x128xf32, #tpu.memory_space<vmem>>
      tpu.enqueue_dma source(%dma_start3A_945 : memref<8x128xf32, #tpu.memory_space<vmem>>) target(%dma_start3A_942 : memref<8x128xf32, #tpu.memory_space<hbm>>) target_semaphore(%arg25 : memref<!tpu.dma_semaphore, #tpu.memory_space<semaphore_mem>>)
      %add3A_946 = arith.constant 0 : i32
      %add3A_947 = arith.addi %add3A_770, %add3A_946 : i32
      %add3A_948 = arith.constant 4 : i32
      %add3A_949 = arith.addi %add3A_947, %add3A_948 : i32
      %lt3A_950 = arith.constant 200 : i32
      %lt3A_951 = arith.cmpi slt, %add3A_949, %lt3A_950 : i32
      %convert_element_type3A_952 = arith.extui %lt3A_951 : i1 to i32
      %cond3A_953 = arith.constant 0 : i32
      %cond3A_954 = arith.cmpi ne, %convert_element_type3A_952, %cond3A_953 : i32
      scf.if %cond3A_954 {
        %add3A_1552 = arith.constant 4 : i32
        %add3A_1553 = arith.addi %add3A_773, %add3A_1552 : i32
        %jit3A_1554 = arith.constant 128 : i32
        %div3A_1555 = arith.divsi %add3A_1553, %jit3A_1554 : i32
        %sign3A_1556 = arith.constant 0 : i32
        %sign3A_1557 = arith.cmpi sgt, %add3A_1553, %sign3A_1556 : i32
        %sign3A_1558 = arith.extui %sign3A_1557 : i1 to i32
        %sign3A_1559 = arith.constant 0 : i32
        %sign3A_1560 = arith.cmpi slt, %add3A_1553, %sign3A_1559 : i32
        %sign3A_1561 = arith.extui %sign3A_1560 : i1 to i32
        %sign3A_1562 = arith.subi %sign3A_1558, %sign3A_1561 : i32
        %sign3A_1563 = arith.constant 0 : i32
        %sign3A_1564 = arith.cmpi sgt, %jit3A_1554, %sign3A_1563 : i32
        %sign3A_1565 = arith.extui %sign3A_1564 : i1 to i32
        %sign3A_1566 = arith.constant 0 : i32
        %sign3A_1567 = arith.cmpi slt, %jit3A_1554, %sign3A_1566 : i32
        %sign3A_1568 = arith.extui %sign3A_1567 : i1 to i32
        %sign3A_1569 = arith.subi %sign3A_1565, %sign3A_1568 : i32
        %ne3A_1570 = arith.cmpi ne, %sign3A_1562, %sign3A_1569 : i32
        %rem3A_1571 = arith.remsi %add3A_1553, %jit3A_1554 : i32
        %ne3A_1572 = arith.constant 0 : i32
        %ne3A_1573 = arith.cmpi ne, %rem3A_1571, %ne3A_1572 : i32
        %and3A_1574 = arith.andi %ne3A_1570, %ne3A_1573 : i1
        %sub3A_1575 = arith.constant 1 : i32
        %sub3A_1576 = arith.subi %div3A_1555, %sub3A_1575 : i32
        %select_n3A_1577 = arith.select %and3A_1574, %sub3A_1576, %div3A_1555 : i32
        %jit3A_1578 = arith.constant 128 : i32
        %eq3A_1579 = arith.constant 0 : i32
        %eq3A_1580 = arith.cmpi eq, %jit3A_1578, %eq3A_1579 : i32
        %jit3A_1581 = arith.constant 1 : i32
        %select_n3A_1582 = arith.select %eq3A_1580, %jit3A_1581, %jit3A_1578 : i32
        %rem3A_1583 = arith.remsi %add3A_1553, %select_n3A_1582 : i32
        %ne3A_1584 = arith.constant 0 : i32
        %ne3A_1585 = arith.cmpi ne, %rem3A_1583, %ne3A_1584 : i32
        %lt3A_1586 = arith.constant 0 : i32
        %lt3A_1587 = arith.cmpi slt, %rem3A_1583, %lt3A_1586 : i32
        %lt3A_1588 = arith.constant 0 : i32
        %lt3A_1589 = arith.cmpi slt, %select_n3A_1582, %lt3A_1588 : i32
        %ne3A_1590 = arith.xori %lt3A_1587, %lt3A_1589 : i1
        %and3A_1591 = arith.andi %ne3A_1590, %ne3A_1585 : i1
        %add3A_1592 = arith.addi %rem3A_1583, %select_n3A_1582 : i32
        %select_n3A_1593 = arith.select %and3A_1591, %add3A_1592, %rem3A_1583 : i32
        %mul3A_1594 = arith.constant 128 : i32
        %mul3A_1595 = arith.muli %select_n3A_1593, %mul3A_1594 : i32
        %dma_start3A_1596 = tpu.memref_slice %arg2[%select_n3A_1577, %mul3A_1595] : memref<50x16384xi32, #tpu.memory_space<hbm>> -> memref<1x128xi32, #tpu.memory_space<hbm>>
        %dma_start3A_1597 = tpu.memref_squeeze %dma_start3A_1596 : memref<1x128xi32, #tpu.memory_space<hbm>> -> memref<128xi32, #tpu.memory_space<hbm>>
        %dma_start3A_1598 = tpu.memref_slice %arg2[%select_n3A_1577, %mul3A_1595] : memref<50x16384xi32, #tpu.memory_space<hbm>> -> memref<1x128xi32, #tpu.memory_space<hbm>>
        %dma_start3A_1599 = tpu.memref_squeeze %dma_start3A_1598 : memref<1x128xi32, #tpu.memory_space<hbm>> -> memref<128xi32, #tpu.memory_space<hbm>>
        tpu.enqueue_dma source(%dma_start3A_1599 : memref<128xi32, #tpu.memory_space<hbm>>) target(%arg5 : memref<128xi32, #tpu.memory_space<vmem>>) target_semaphore(%arg17 : memref<!tpu.dma_semaphore, #tpu.memory_space<semaphore_mem>>)
      } else {
      }
      %add3A_955 = arith.constant 0 : i32
      %add3A_956 = arith.addi %add3A_770, %add3A_955 : i32
      %add3A_957 = arith.constant 2 : i32
      %add3A_958 = arith.addi %add3A_956, %add3A_957 : i32
      %lt3A_959 = arith.constant 200 : i32
      %lt3A_960 = arith.cmpi slt, %add3A_958, %lt3A_959 : i32
      %convert_element_type3A_961 = arith.extui %lt3A_960 : i1 to i32
      %cond3A_962 = arith.constant 0 : i32
      %cond3A_963 = arith.cmpi ne, %convert_element_type3A_961, %cond3A_962 : i32
      scf.if %cond3A_963 {
        %dma_wait3A_1552 = arith.constant 0 : i32
        %dma_wait3A_1553 = arith.constant 0 : i32
        %dma_wait3A_1554 = tpu.memref_slice %arg2[%dma_wait3A_1552, %dma_wait3A_1553] : memref<50x16384xi32, #tpu.memory_space<hbm>> -> memref<1x128xi32, #tpu.memory_space<hbm>>
        %dma_wait3A_1555 = tpu.memref_squeeze %dma_wait3A_1554 : memref<1x128xi32, #tpu.memory_space<hbm>> -> memref<128xi32, #tpu.memory_space<hbm>>
        %dma_wait3A_1556 = arith.constant 0 : i32
        %dma_wait3A_1557 = tpu.memref_slice %arg2[%dma_wait3A_1552, %dma_wait3A_1556] : memref<50x16384xi32, #tpu.memory_space<hbm>> -> memref<1x128xi32, #tpu.memory_space<hbm>>
        %dma_wait3A_1558 = tpu.memref_squeeze %dma_wait3A_1557 : memref<1x128xi32, #tpu.memory_space<hbm>> -> memref<128xi32, #tpu.memory_space<hbm>>
        tpu.wait_dma2 semaphore(%arg19 : memref<!tpu.dma_semaphore, #tpu.memory_space<semaphore_mem>>) src(%dma_wait3A_1558 : memref<128xi32, #tpu.memory_space<hbm>>) dst(%arg7 : memref<128xi32, #tpu.memory_space<vmem>>)
        %dma_start3A_1559 = arith.constant 0 : i32
        %dma_start3A_1560 = arith.constant 0 : i32
        %dma_start3A_1561 = tpu.memref_slice %arg3[%dma_start3A_1559, %dma_start3A_1560] : memref<1000000x64xf32, #tpu.memory_space<hbm>> -> memref<1000000x64xf32, #tpu.memory_space<hbm>>
        tpu.enqueue_indirect_dma source(%dma_start3A_1561 : memref<1000000x64xf32, #tpu.memory_space<hbm>>) target(%arg11 : memref<128x64xf32, #tpu.memory_space<vmem>>) offsets(%arg7 : memref<128xi32, #tpu.memory_space<vmem>>) semaphore(%arg23 : memref<!tpu.dma_semaphore, #tpu.memory_space<semaphore_mem>>)
      } else {
      }
      %add3A_964 = arith.addi %mul3A_2, %add3A_770 : i32
      %add3A_965 = arith.constant 1 : i32
      %add3A_966 = arith.addi %add3A_964, %add3A_965 : i32
      %dma_wait3A_967 = arith.constant 0 : i32
      %dma_wait3A_968 = arith.constant 0 : i32
      %dma_wait3A_969 = tpu.memref_slice %arg3[%dma_wait3A_967, %dma_wait3A_968] : memref<1000000x64xf32, #tpu.memory_space<hbm>> -> memref<1000000x64xf32, #tpu.memory_space<hbm>>
      tpu.wait_indirect_dma semaphore(%arg22 : memref<!tpu.dma_semaphore, #tpu.memory_space<semaphore_mem>>) src(%dma_wait3A_969 : memref<1000000x64xf32, #tpu.memory_space<hbm>>) dst(%arg10 : memref<128x64xf32, #tpu.memory_space<vmem>>)
      %add3A_970 = arith.constant 1 : i32
      %add3A_971 = arith.addi %add3A_770, %add3A_970 : i32
      %ge3A_972 = arith.constant 4 : i32
      %ge3A_973 = arith.cmpi sge, %add3A_971, %ge3A_972 : i32
      %convert_element_type3A_974 = arith.extui %ge3A_973 : i1 to i32
      %cond3A_975 = arith.constant 0 : i32
      %cond3A_976 = arith.cmpi ne, %convert_element_type3A_974, %cond3A_975 : i32
      scf.if %cond3A_976 {
        %dma_wait3A_1552 = arith.constant 0 : i32
        %dma_wait3A_1553 = arith.constant 0 : i32
        %dma_wait3A_1554 = arith.constant 0 : i32
        %dma_wait3A_1555 = arith.constant 0 : i32
        %dma_wait3A_1556 = arith.constant 0 : i32
        %dma_wait3A_1557 = tpu.memref_slice %arg14[%dma_wait3A_1555, %dma_wait3A_1556] : memref<64x133xf32, #tpu.memory_space<vmem>> -> memref<8x128xf32, #tpu.memory_space<vmem>>
        %dma_wait3A_1558 = arith.constant 0 : i32
        %dma_wait3A_1559 = arith.constant 0 : i32
        %dma_wait3A_1560 = tpu.memref_slice %arg4[%dma_wait3A_1552, %dma_wait3A_1553, %dma_wait3A_1554, %dma_wait3A_1558, %dma_wait3A_1559] : memref<50x8x128x8x128xf32, #tpu.memory_space<hbm>> -> memref<1x1x1x8x128xf32, #tpu.memory_space<hbm>>
        %dma_wait3A_1561 = tpu.memref_squeeze %dma_wait3A_1560 : memref<1x1x1x8x128xf32, #tpu.memory_space<hbm>> -> memref<8x128xf32, #tpu.memory_space<hbm>>
        %dma_wait3A_1562 = arith.constant 0 : i32
        %dma_wait3A_1563 = arith.constant 0 : i32
        %dma_wait3A_1564 = tpu.memref_slice %arg4[%dma_wait3A_1552, %dma_wait3A_1553, %dma_wait3A_1554, %dma_wait3A_1562, %dma_wait3A_1563] : memref<50x8x128x8x128xf32, #tpu.memory_space<hbm>> -> memref<1x1x1x8x128xf32, #tpu.memory_space<hbm>>
        %dma_wait3A_1565 = tpu.memref_squeeze %dma_wait3A_1564 : memref<1x1x1x8x128xf32, #tpu.memory_space<hbm>> -> memref<8x128xf32, #tpu.memory_space<hbm>>
        %dma_wait3A_1566 = arith.constant 0 : i32
        %dma_wait3A_1567 = arith.constant 0 : i32
        %dma_wait3A_1568 = tpu.memref_slice %arg14[%dma_wait3A_1566, %dma_wait3A_1567] : memref<64x133xf32, #tpu.memory_space<vmem>> -> memref<8x128xf32, #tpu.memory_space<vmem>>
        tpu.wait_dma2 semaphore(%arg26 : memref<!tpu.dma_semaphore, #tpu.memory_space<semaphore_mem>>) src(%dma_wait3A_1568 : memref<8x128xf32, #tpu.memory_space<vmem>>) dst(%dma_wait3A_1565 : memref<8x128xf32, #tpu.memory_space<hbm>>)
        %dma_wait3A_1569 = arith.constant 0 : i32
        %dma_wait3A_1570 = arith.constant 1 : i32
        %dma_wait3A_1571 = arith.constant 0 : i32
        %dma_wait3A_1572 = arith.constant 8 : i32
        %dma_wait3A_1573 = arith.constant 0 : i32
        %dma_wait3A_1574 = tpu.memref_slice %arg14[%dma_wait3A_1572, %dma_wait3A_1573] : memref<64x133xf32, #tpu.memory_space<vmem>> -> memref<8x128xf32, #tpu.memory_space<vmem>>
        %dma_wait3A_1575 = arith.constant 0 : i32
        %dma_wait3A_1576 = arith.constant 0 : i32
        %dma_wait3A_1577 = tpu.memref_slice %arg4[%dma_wait3A_1569, %dma_wait3A_1570, %dma_wait3A_1571, %dma_wait3A_1575, %dma_wait3A_1576] : memref<50x8x128x8x128xf32, #tpu.memory_space<hbm>> -> memref<1x1x1x8x128xf32, #tpu.memory_space<hbm>>
        %dma_wait3A_1578 = tpu.memref_squeeze %dma_wait3A_1577 : memref<1x1x1x8x128xf32, #tpu.memory_space<hbm>> -> memref<8x128xf32, #tpu.memory_space<hbm>>
        %dma_wait3A_1579 = arith.constant 0 : i32
        %dma_wait3A_1580 = arith.constant 0 : i32
        %dma_wait3A_1581 = tpu.memref_slice %arg4[%dma_wait3A_1569, %dma_wait3A_1570, %dma_wait3A_1571, %dma_wait3A_1579, %dma_wait3A_1580] : memref<50x8x128x8x128xf32, #tpu.memory_space<hbm>> -> memref<1x1x1x8x128xf32, #tpu.memory_space<hbm>>
        %dma_wait3A_1582 = tpu.memref_squeeze %dma_wait3A_1581 : memref<1x1x1x8x128xf32, #tpu.memory_space<hbm>> -> memref<8x128xf32, #tpu.memory_space<hbm>>
        %dma_wait3A_1583 = arith.constant 8 : i32
        %dma_wait3A_1584 = arith.constant 0 : i32
        %dma_wait3A_1585 = tpu.memref_slice %arg14[%dma_wait3A_1583, %dma_wait3A_1584] : memref<64x133xf32, #tpu.memory_space<vmem>> -> memref<8x128xf32, #tpu.memory_space<vmem>>
        tpu.wait_dma2 semaphore(%arg26 : memref<!tpu.dma_semaphore, #tpu.memory_space<semaphore_mem>>) src(%dma_wait3A_1585 : memref<8x128xf32, #tpu.memory_space<vmem>>) dst(%dma_wait3A_1582 : memref<8x128xf32, #tpu.memory_space<hbm>>)
        %dma_wait3A_1586 = arith.constant 0 : i32
        %dma_wait3A_1587 = arith.constant 2 : i32
        %dma_wait3A_1588 = arith.constant 0 : i32
        %dma_wait3A_1589 = arith.constant 16 : i32
        %dma_wait3A_1590 = arith.constant 0 : i32
        %dma_wait3A_1591 = tpu.memref_slice %arg14[%dma_wait3A_1589, %dma_wait3A_1590] : memref<64x133xf32, #tpu.memory_space<vmem>> -> memref<8x128xf32, #tpu.memory_space<vmem>>
        %dma_wait3A_1592 = arith.constant 0 : i32
        %dma_wait3A_1593 = arith.constant 0 : i32
        %dma_wait3A_1594 = tpu.memref_slice %arg4[%dma_wait3A_1586, %dma_wait3A_1587, %dma_wait3A_1588, %dma_wait3A_1592, %dma_wait3A_1593] : memref<50x8x128x8x128xf32, #tpu.memory_space<hbm>> -> memref<1x1x1x8x128xf32, #tpu.memory_space<hbm>>
        %dma_wait3A_1595 = tpu.memref_squeeze %dma_wait3A_1594 : memref<1x1x1x8x128xf32, #tpu.memory_space<hbm>> -> memref<8x128xf32, #tpu.memory_space<hbm>>
        %dma_wait3A_1596 = arith.constant 0 : i32
        %dma_wait3A_1597 = arith.constant 0 : i32
        %dma_wait3A_1598 = tpu.memref_slice %arg4[%dma_wait3A_1586, %dma_wait3A_1587, %dma_wait3A_1588, %dma_wait3A_1596, %dma_wait3A_1597] : memref<50x8x128x8x128xf32, #tpu.memory_space<hbm>> -> memref<1x1x1x8x128xf32, #tpu.memory_space<hbm>>
        %dma_wait3A_1599 = tpu.memref_squeeze %dma_wait3A_1598 : memref<1x1x1x8x128xf32, #tpu.memory_space<hbm>> -> memref<8x128xf32, #tpu.memory_space<hbm>>
        %dma_wait3A_1600 = arith.constant 16 : i32
        %dma_wait3A_1601 = arith.constant 0 : i32
        %dma_wait3A_1602 = tpu.memref_slice %arg14[%dma_wait3A_1600, %dma_wait3A_1601] : memref<64x133xf32, #tpu.memory_space<vmem>> -> memref<8x128xf32, #tpu.memory_space<vmem>>
        tpu.wait_dma2 semaphore(%arg26 : memref<!tpu.dma_semaphore, #tpu.memory_space<semaphore_mem>>) src(%dma_wait3A_1602 : memref<8x128xf32, #tpu.memory_space<vmem>>) dst(%dma_wait3A_1599 : memref<8x128xf32, #tpu.memory_space<hbm>>)
        %dma_wait3A_1603 = arith.constant 0 : i32
        %dma_wait3A_1604 = arith.constant 3 : i32
        %dma_wait3A_1605 = arith.constant 0 : i32
        %dma_wait3A_1606 = arith.constant 24 : i32
        %dma_wait3A_1607 = arith.constant 0 : i32
        %dma_wait3A_1608 = tpu.memref_slice %arg14[%dma_wait3A_1606, %dma_wait3A_1607] : memref<64x133xf32, #tpu.memory_space<vmem>> -> memref<8x128xf32, #tpu.memory_space<vmem>>
        %dma_wait3A_1609 = arith.constant 0 : i32
        %dma_wait3A_1610 = arith.constant 0 : i32
        %dma_wait3A_1611 = tpu.memref_slice %arg4[%dma_wait3A_1603, %dma_wait3A_1604, %dma_wait3A_1605, %dma_wait3A_1609, %dma_wait3A_1610] : memref<50x8x128x8x128xf32, #tpu.memory_space<hbm>> -> memref<1x1x1x8x128xf32, #tpu.memory_space<hbm>>
        %dma_wait3A_1612 = tpu.memref_squeeze %dma_wait3A_1611 : memref<1x1x1x8x128xf32, #tpu.memory_space<hbm>> -> memref<8x128xf32, #tpu.memory_space<hbm>>
        %dma_wait3A_1613 = arith.constant 0 : i32
        %dma_wait3A_1614 = arith.constant 0 : i32
        %dma_wait3A_1615 = tpu.memref_slice %arg4[%dma_wait3A_1603, %dma_wait3A_1604, %dma_wait3A_1605, %dma_wait3A_1613, %dma_wait3A_1614] : memref<50x8x128x8x128xf32, #tpu.memory_space<hbm>> -> memref<1x1x1x8x128xf32, #tpu.memory_space<hbm>>
        %dma_wait3A_1616 = tpu.memref_squeeze %dma_wait3A_1615 : memref<1x1x1x8x128xf32, #tpu.memory_space<hbm>> -> memref<8x128xf32, #tpu.memory_space<hbm>>
        %dma_wait3A_1617 = arith.constant 24 : i32
        %dma_wait3A_1618 = arith.constant 0 : i32
        %dma_wait3A_1619 = tpu.memref_slice %arg14[%dma_wait3A_1617, %dma_wait3A_1618] : memref<64x133xf32, #tpu.memory_space<vmem>> -> memref<8x128xf32, #tpu.memory_space<vmem>>
        tpu.wait_dma2 semaphore(%arg26 : memref<!tpu.dma_semaphore, #tpu.memory_space<semaphore_mem>>) src(%dma_wait3A_1619 : memref<8x128xf32, #tpu.memory_space<vmem>>) dst(%dma_wait3A_1616 : memref<8x128xf32, #tpu.memory_space<hbm>>)
        %dma_wait3A_1620 = arith.constant 0 : i32
        %dma_wait3A_1621 = arith.constant 4 : i32
        %dma_wait3A_1622 = arith.constant 0 : i32
        %dma_wait3A_1623 = arith.constant 32 : i32
        %dma_wait3A_1624 = arith.constant 0 : i32
        %dma_wait3A_1625 = tpu.memref_slice %arg14[%dma_wait3A_1623, %dma_wait3A_1624] : memref<64x133xf32, #tpu.memory_space<vmem>> -> memref<8x128xf32, #tpu.memory_space<vmem>>
        %dma_wait3A_1626 = arith.constant 0 : i32
        %dma_wait3A_1627 = arith.constant 0 : i32
        %dma_wait3A_1628 = tpu.memref_slice %arg4[%dma_wait3A_1620, %dma_wait3A_1621, %dma_wait3A_1622, %dma_wait3A_1626, %dma_wait3A_1627] : memref<50x8x128x8x128xf32, #tpu.memory_space<hbm>> -> memref<1x1x1x8x128xf32, #tpu.memory_space<hbm>>
        %dma_wait3A_1629 = tpu.memref_squeeze %dma_wait3A_1628 : memref<1x1x1x8x128xf32, #tpu.memory_space<hbm>> -> memref<8x128xf32, #tpu.memory_space<hbm>>
        %dma_wait3A_1630 = arith.constant 0 : i32
        %dma_wait3A_1631 = arith.constant 0 : i32
        %dma_wait3A_1632 = tpu.memref_slice %arg4[%dma_wait3A_1620, %dma_wait3A_1621, %dma_wait3A_1622, %dma_wait3A_1630, %dma_wait3A_1631] : memref<50x8x128x8x128xf32, #tpu.memory_space<hbm>> -> memref<1x1x1x8x128xf32, #tpu.memory_space<hbm>>
        %dma_wait3A_1633 = tpu.memref_squeeze %dma_wait3A_1632 : memref<1x1x1x8x128xf32, #tpu.memory_space<hbm>> -> memref<8x128xf32, #tpu.memory_space<hbm>>
        %dma_wait3A_1634 = arith.constant 32 : i32
        %dma_wait3A_1635 = arith.constant 0 : i32
        %dma_wait3A_1636 = tpu.memref_slice %arg14[%dma_wait3A_1634, %dma_wait3A_1635] : memref<64x133xf32, #tpu.memory_space<vmem>> -> memref<8x128xf32, #tpu.memory_space<vmem>>
        tpu.wait_dma2 semaphore(%arg26 : memref<!tpu.dma_semaphore, #tpu.memory_space<semaphore_mem>>) src(%dma_wait3A_1636 : memref<8x128xf32, #tpu.memory_space<vmem>>) dst(%dma_wait3A_1633 : memref<8x128xf32, #tpu.memory_space<hbm>>)
        %dma_wait3A_1637 = arith.constant 0 : i32
        %dma_wait3A_1638 = arith.constant 5 : i32
        %dma_wait3A_1639 = arith.constant 0 : i32
        %dma_wait3A_1640 = arith.constant 40 : i32
        %dma_wait3A_1641 = arith.constant 0 : i32
        %dma_wait3A_1642 = tpu.memref_slice %arg14[%dma_wait3A_1640, %dma_wait3A_1641] : memref<64x133xf32, #tpu.memory_space<vmem>> -> memref<8x128xf32, #tpu.memory_space<vmem>>
        %dma_wait3A_1643 = arith.constant 0 : i32
        %dma_wait3A_1644 = arith.constant 0 : i32
        %dma_wait3A_1645 = tpu.memref_slice %arg4[%dma_wait3A_1637, %dma_wait3A_1638, %dma_wait3A_1639, %dma_wait3A_1643, %dma_wait3A_1644] : memref<50x8x128x8x128xf32, #tpu.memory_space<hbm>> -> memref<1x1x1x8x128xf32, #tpu.memory_space<hbm>>
        %dma_wait3A_1646 = tpu.memref_squeeze %dma_wait3A_1645 : memref<1x1x1x8x128xf32, #tpu.memory_space<hbm>> -> memref<8x128xf32, #tpu.memory_space<hbm>>
        %dma_wait3A_1647 = arith.constant 0 : i32
        %dma_wait3A_1648 = arith.constant 0 : i32
        %dma_wait3A_1649 = tpu.memref_slice %arg4[%dma_wait3A_1637, %dma_wait3A_1638, %dma_wait3A_1639, %dma_wait3A_1647, %dma_wait3A_1648] : memref<50x8x128x8x128xf32, #tpu.memory_space<hbm>> -> memref<1x1x1x8x128xf32, #tpu.memory_space<hbm>>
        %dma_wait3A_1650 = tpu.memref_squeeze %dma_wait3A_1649 : memref<1x1x1x8x128xf32, #tpu.memory_space<hbm>> -> memref<8x128xf32, #tpu.memory_space<hbm>>
        %dma_wait3A_1651 = arith.constant 40 : i32
        %dma_wait3A_1652 = arith.constant 0 : i32
        %dma_wait3A_1653 = tpu.memref_slice %arg14[%dma_wait3A_1651, %dma_wait3A_1652] : memref<64x133xf32, #tpu.memory_space<vmem>> -> memref<8x128xf32, #tpu.memory_space<vmem>>
        tpu.wait_dma2 semaphore(%arg26 : memref<!tpu.dma_semaphore, #tpu.memory_space<semaphore_mem>>) src(%dma_wait3A_1653 : memref<8x128xf32, #tpu.memory_space<vmem>>) dst(%dma_wait3A_1650 : memref<8x128xf32, #tpu.memory_space<hbm>>)
        %dma_wait3A_1654 = arith.constant 0 : i32
        %dma_wait3A_1655 = arith.constant 6 : i32
        %dma_wait3A_1656 = arith.constant 0 : i32
        %dma_wait3A_1657 = arith.constant 48 : i32
        %dma_wait3A_1658 = arith.constant 0 : i32
        %dma_wait3A_1659 = tpu.memref_slice %arg14[%dma_wait3A_1657, %dma_wait3A_1658] : memref<64x133xf32, #tpu.memory_space<vmem>> -> memref<8x128xf32, #tpu.memory_space<vmem>>
        %dma_wait3A_1660 = arith.constant 0 : i32
        %dma_wait3A_1661 = arith.constant 0 : i32
        %dma_wait3A_1662 = tpu.memref_slice %arg4[%dma_wait3A_1654, %dma_wait3A_1655, %dma_wait3A_1656, %dma_wait3A_1660, %dma_wait3A_1661] : memref<50x8x128x8x128xf32, #tpu.memory_space<hbm>> -> memref<1x1x1x8x128xf32, #tpu.memory_space<hbm>>
        %dma_wait3A_1663 = tpu.memref_squeeze %dma_wait3A_1662 : memref<1x1x1x8x128xf32, #tpu.memory_space<hbm>> -> memref<8x128xf32, #tpu.memory_space<hbm>>
        %dma_wait3A_1664 = arith.constant 0 : i32
        %dma_wait3A_1665 = arith.constant 0 : i32
        %dma_wait3A_1666 = tpu.memref_slice %arg4[%dma_wait3A_1654, %dma_wait3A_1655, %dma_wait3A_1656, %dma_wait3A_1664, %dma_wait3A_1665] : memref<50x8x128x8x128xf32, #tpu.memory_space<hbm>> -> memref<1x1x1x8x128xf32, #tpu.memory_space<hbm>>
        %dma_wait3A_1667 = tpu.memref_squeeze %dma_wait3A_1666 : memref<1x1x1x8x128xf32, #tpu.memory_space<hbm>> -> memref<8x128xf32, #tpu.memory_space<hbm>>
        %dma_wait3A_1668 = arith.constant 48 : i32
        %dma_wait3A_1669 = arith.constant 0 : i32
        %dma_wait3A_1670 = tpu.memref_slice %arg14[%dma_wait3A_1668, %dma_wait3A_1669] : memref<64x133xf32, #tpu.memory_space<vmem>> -> memref<8x128xf32, #tpu.memory_space<vmem>>
        tpu.wait_dma2 semaphore(%arg26 : memref<!tpu.dma_semaphore, #tpu.memory_space<semaphore_mem>>) src(%dma_wait3A_1670 : memref<8x128xf32, #tpu.memory_space<vmem>>) dst(%dma_wait3A_1667 : memref<8x128xf32, #tpu.memory_space<hbm>>)
        %dma_wait3A_1671 = arith.constant 0 : i32
        %dma_wait3A_1672 = arith.constant 7 : i32
        %dma_wait3A_1673 = arith.constant 0 : i32
        %dma_wait3A_1674 = arith.constant 56 : i32
        %dma_wait3A_1675 = arith.constant 0 : i32
        %dma_wait3A_1676 = tpu.memref_slice %arg14[%dma_wait3A_1674, %dma_wait3A_1675] : memref<64x133xf32, #tpu.memory_space<vmem>> -> memref<8x128xf32, #tpu.memory_space<vmem>>
        %dma_wait3A_1677 = arith.constant 0 : i32
        %dma_wait3A_1678 = arith.constant 0 : i32
        %dma_wait3A_1679 = tpu.memref_slice %arg4[%dma_wait3A_1671, %dma_wait3A_1672, %dma_wait3A_1673, %dma_wait3A_1677, %dma_wait3A_1678] : memref<50x8x128x8x128xf32, #tpu.memory_space<hbm>> -> memref<1x1x1x8x128xf32, #tpu.memory_space<hbm>>
        %dma_wait3A_1680 = tpu.memref_squeeze %dma_wait3A_1679 : memref<1x1x1x8x128xf32, #tpu.memory_space<hbm>> -> memref<8x128xf32, #tpu.memory_space<hbm>>
        %dma_wait3A_1681 = arith.constant 0 : i32
        %dma_wait3A_1682 = arith.constant 0 : i32
        %dma_wait3A_1683 = tpu.memref_slice %arg4[%dma_wait3A_1671, %dma_wait3A_1672, %dma_wait3A_1673, %dma_wait3A_1681, %dma_wait3A_1682] : memref<50x8x128x8x128xf32, #tpu.memory_space<hbm>> -> memref<1x1x1x8x128xf32, #tpu.memory_space<hbm>>
        %dma_wait3A_1684 = tpu.memref_squeeze %dma_wait3A_1683 : memref<1x1x1x8x128xf32, #tpu.memory_space<hbm>> -> memref<8x128xf32, #tpu.memory_space<hbm>>
        %dma_wait3A_1685 = arith.constant 56 : i32
        %dma_wait3A_1686 = arith.constant 0 : i32
        %dma_wait3A_1687 = tpu.memref_slice %arg14[%dma_wait3A_1685, %dma_wait3A_1686] : memref<64x133xf32, #tpu.memory_space<vmem>> -> memref<8x128xf32, #tpu.memory_space<vmem>>
        tpu.wait_dma2 semaphore(%arg26 : memref<!tpu.dma_semaphore, #tpu.memory_space<semaphore_mem>>) src(%dma_wait3A_1687 : memref<8x128xf32, #tpu.memory_space<vmem>>) dst(%dma_wait3A_1684 : memref<8x128xf32, #tpu.memory_space<hbm>>)
      } else {
      }
      %scan3A_977 = arith.constant 0 : i32
      %scan3A_978 = arith.constant 16 : i32
      %scan3A_979 = arith.addi %scan3A_977, %scan3A_978 : i32
      %scan3A_980 = arith.constant 1 : i32
      scf.for %scan3A_1552 = %scan3A_977 to %scan3A_979 step %scan3A_980  : i32 {
        %mul3A_1553 = arith.constant 8 : i32
        %mul3A_1554 = arith.muli %scan3A_1552, %mul3A_1553 : i32
        %add3A_1555 = arith.constant 0 : i32
        %add3A_1556 = arith.addi %add3A_1555, %mul3A_1554 : i32
        %add3A_1557 = arith.constant 0 : i32
        %add3A_1558 = arith.addi %add3A_1556, %add3A_1557 : i32
        %add3A_1559 = vector.broadcast %add3A_1558 : i32 to vector<16xi32>
        %add3A_1560 = arith.addi %mul3A_5, %add3A_1559 : vector<16xi32>
        %get3A = arith.index_cast %add3A_1558 : i32 to index
        %get3A_1561 = arith.constant 0 : index
        %get3A_1562 = tpu.vector_load %arg10[%get3A, %get3A_1561] {strides = array<i32>} : memref<128x64xf32, #tpu.memory_space<vmem>>, vector<16xf32>,
        tpu.vector_store_idx %arg14[%add3A_8, %add3A_1560], %get3A_1562 : memref<64x133xf32, #tpu.memory_space<vmem>>[vector<16xi32>, vector<16xi32>], vector<16xf32>,
        %get3A_1563 = arith.index_cast %add3A_1558 : i32 to index
        %get3A_1564 = arith.constant 16 : index
        %get3A_1565 = tpu.vector_load %arg10[%get3A_1563, %get3A_1564] {strides = array<i32>} : memref<128x64xf32, #tpu.memory_space<vmem>>, vector<16xf32>,
        tpu.vector_store_idx %arg14[%add3A_11, %add3A_1560], %get3A_1565 : memref<64x133xf32, #tpu.memory_space<vmem>>[vector<16xi32>, vector<16xi32>], vector<16xf32>,
        %get3A_1566 = arith.index_cast %add3A_1558 : i32 to index
        %get3A_1567 = arith.constant 32 : index
        %get3A_1568 = tpu.vector_load %arg10[%get3A_1566, %get3A_1567] {strides = array<i32>} : memref<128x64xf32, #tpu.memory_space<vmem>>, vector<16xf32>,
        tpu.vector_store_idx %arg14[%add3A_14, %add3A_1560], %get3A_1568 : memref<64x133xf32, #tpu.memory_space<vmem>>[vector<16xi32>, vector<16xi32>], vector<16xf32>,
        %get3A_1569 = arith.index_cast %add3A_1558 : i32 to index
        %get3A_1570 = arith.constant 48 : index
        %get3A_1571 = tpu.vector_load %arg10[%get3A_1569, %get3A_1570] {strides = array<i32>} : memref<128x64xf32, #tpu.memory_space<vmem>>, vector<16xf32>,
        tpu.vector_store_idx %arg14[%add3A_17, %add3A_1560], %get3A_1571 : memref<64x133xf32, #tpu.memory_space<vmem>>[vector<16xi32>, vector<16xi32>], vector<16xf32>,
        %add3A_1572 = arith.constant 1 : i32
        %add3A_1573 = arith.addi %add3A_1556, %add3A_1572 : i32
        %add3A_1574 = vector.broadcast %add3A_1573 : i32 to vector<16xi32>
        %add3A_1575 = arith.addi %mul3A_5, %add3A_1574 : vector<16xi32>
        %get3A_1576 = arith.index_cast %add3A_1573 : i32 to index
        %get3A_1577 = arith.constant 0 : index
        %get3A_1578 = tpu.vector_load %arg10[%get3A_1576, %get3A_1577] {strides = array<i32>} : memref<128x64xf32, #tpu.memory_space<vmem>>, vector<16xf32>,
        tpu.vector_store_idx %arg14[%add3A_8, %add3A_1575], %get3A_1578 : memref<64x133xf32, #tpu.memory_space<vmem>>[vector<16xi32>, vector<16xi32>], vector<16xf32>,
        %get3A_1579 = arith.index_cast %add3A_1573 : i32 to index
        %get3A_1580 = arith.constant 16 : index
        %get3A_1581 = tpu.vector_load %arg10[%get3A_1579, %get3A_1580] {strides = array<i32>} : memref<128x64xf32, #tpu.memory_space<vmem>>, vector<16xf32>,
        tpu.vector_store_idx %arg14[%add3A_11, %add3A_1575], %get3A_1581 : memref<64x133xf32, #tpu.memory_space<vmem>>[vector<16xi32>, vector<16xi32>], vector<16xf32>,
        %get3A_1582 = arith.index_cast %add3A_1573 : i32 to index
        %get3A_1583 = arith.constant 32 : index
        %get3A_1584 = tpu.vector_load %arg10[%get3A_1582, %get3A_1583] {strides = array<i32>} : memref<128x64xf32, #tpu.memory_space<vmem>>, vector<16xf32>,
        tpu.vector_store_idx %arg14[%add3A_14, %add3A_1575], %get3A_1584 : memref<64x133xf32, #tpu.memory_space<vmem>>[vector<16xi32>, vector<16xi32>], vector<16xf32>,
        %get3A_1585 = arith.index_cast %add3A_1573 : i32 to index
        %get3A_1586 = arith.constant 48 : index
        %get3A_1587 = tpu.vector_load %arg10[%get3A_1585, %get3A_1586] {strides = array<i32>} : memref<128x64xf32, #tpu.memory_space<vmem>>, vector<16xf32>,
        tpu.vector_store_idx %arg14[%add3A_17, %add3A_1575], %get3A_1587 : memref<64x133xf32, #tpu.memory_space<vmem>>[vector<16xi32>, vector<16xi32>], vector<16xf32>,
        %add3A_1588 = arith.constant 2 : i32
        %add3A_1589 = arith.addi %add3A_1556, %add3A_1588 : i32
        %add3A_1590 = vector.broadcast %add3A_1589 : i32 to vector<16xi32>
        %add3A_1591 = arith.addi %mul3A_5, %add3A_1590 : vector<16xi32>
        %get3A_1592 = arith.index_cast %add3A_1589 : i32 to index
        %get3A_1593 = arith.constant 0 : index
        %get3A_1594 = tpu.vector_load %arg10[%get3A_1592, %get3A_1593] {strides = array<i32>} : memref<128x64xf32, #tpu.memory_space<vmem>>, vector<16xf32>,
        tpu.vector_store_idx %arg14[%add3A_8, %add3A_1591], %get3A_1594 : memref<64x133xf32, #tpu.memory_space<vmem>>[vector<16xi32>, vector<16xi32>], vector<16xf32>,
        %get3A_1595 = arith.index_cast %add3A_1589 : i32 to index
        %get3A_1596 = arith.constant 16 : index
        %get3A_1597 = tpu.vector_load %arg10[%get3A_1595, %get3A_1596] {strides = array<i32>} : memref<128x64xf32, #tpu.memory_space<vmem>>, vector<16xf32>,
        tpu.vector_store_idx %arg14[%add3A_11, %add3A_1591], %get3A_1597 : memref<64x133xf32, #tpu.memory_space<vmem>>[vector<16xi32>, vector<16xi32>], vector<16xf32>,
        %get3A_1598 = arith.index_cast %add3A_1589 : i32 to index
        %get3A_1599 = arith.constant 32 : index
        %get3A_1600 = tpu.vector_load %arg10[%get3A_1598, %get3A_1599] {strides = array<i32>} : memref<128x64xf32, #tpu.memory_space<vmem>>, vector<16xf32>,
        tpu.vector_store_idx %arg14[%add3A_14, %add3A_1591], %get3A_1600 : memref<64x133xf32, #tpu.memory_space<vmem>>[vector<16xi32>, vector<16xi32>], vector<16xf32>,
        %get3A_1601 = arith.index_cast %add3A_1589 : i32 to index
        %get3A_1602 = arith.constant 48 : index
        %get3A_1603 = tpu.vector_load %arg10[%get3A_1601, %get3A_1602] {strides = array<i32>} : memref<128x64xf32, #tpu.memory_space<vmem>>, vector<16xf32>,
        tpu.vector_store_idx %arg14[%add3A_17, %add3A_1591], %get3A_1603 : memref<64x133xf32, #tpu.memory_space<vmem>>[vector<16xi32>, vector<16xi32>], vector<16xf32>,
        %add3A_1604 = arith.constant 3 : i32
        %add3A_1605 = arith.addi %add3A_1556, %add3A_1604 : i32
        %add3A_1606 = vector.broadcast %add3A_1605 : i32 to vector<16xi32>
        %add3A_1607 = arith.addi %mul3A_5, %add3A_1606 : vector<16xi32>
        %get3A_1608 = arith.index_cast %add3A_1605 : i32 to index
        %get3A_1609 = arith.constant 0 : index
        %get3A_1610 = tpu.vector_load %arg10[%get3A_1608, %get3A_1609] {strides = array<i32>} : memref<128x64xf32, #tpu.memory_space<vmem>>, vector<16xf32>,
        tpu.vector_store_idx %arg14[%add3A_8, %add3A_1607], %get3A_1610 : memref<64x133xf32, #tpu.memory_space<vmem>>[vector<16xi32>, vector<16xi32>], vector<16xf32>,
        %get3A_1611 = arith.index_cast %add3A_1605 : i32 to index
        %get3A_1612 = arith.constant 16 : index
        %get3A_1613 = tpu.vector_load %arg10[%get3A_1611, %get3A_1612] {strides = array<i32>} : memref<128x64xf32, #tpu.memory_space<vmem>>, vector<16xf32>,
        tpu.vector_store_idx %arg14[%add3A_11, %add3A_1607], %get3A_1613 : memref<64x133xf32, #tpu.memory_space<vmem>>[vector<16xi32>, vector<16xi32>], vector<16xf32>,
        %get3A_1614 = arith.index_cast %add3A_1605 : i32 to index
        %get3A_1615 = arith.constant 32 : index
        %get3A_1616 = tpu.vector_load %arg10[%get3A_1614, %get3A_1615] {strides = array<i32>} : memref<128x64xf32, #tpu.memory_space<vmem>>, vector<16xf32>,
        tpu.vector_store_idx %arg14[%add3A_14, %add3A_1607], %get3A_1616 : memref<64x133xf32, #tpu.memory_space<vmem>>[vector<16xi32>, vector<16xi32>], vector<16xf32>,
        %get3A_1617 = arith.index_cast %add3A_1605 : i32 to index
        %get3A_1618 = arith.constant 48 : index
        %get3A_1619 = tpu.vector_load %arg10[%get3A_1617, %get3A_1618] {strides = array<i32>} : memref<128x64xf32, #tpu.memory_space<vmem>>, vector<16xf32>,
        tpu.vector_store_idx %arg14[%add3A_17, %add3A_1607], %get3A_1619 : memref<64x133xf32, #tpu.memory_space<vmem>>[vector<16xi32>, vector<16xi32>], vector<16xf32>,
        %add3A_1620 = arith.constant 4 : i32
        %add3A_1621 = arith.addi %add3A_1556, %add3A_1620 : i32
        %add3A_1622 = vector.broadcast %add3A_1621 : i32 to vector<16xi32>
        %add3A_1623 = arith.addi %mul3A_5, %add3A_1622 : vector<16xi32>
        %get3A_1624 = arith.index_cast %add3A_1621 : i32 to index
        %get3A_1625 = arith.constant 0 : index
        %get3A_1626 = tpu.vector_load %arg10[%get3A_1624, %get3A_1625] {strides = array<i32>} : memref<128x64xf32, #tpu.memory_space<vmem>>, vector<16xf32>,
        tpu.vector_store_idx %arg14[%add3A_8, %add3A_1623], %get3A_1626 : memref<64x133xf32, #tpu.memory_space<vmem>>[vector<16xi32>, vector<16xi32>], vector<16xf32>,
        %get3A_1627 = arith.index_cast %add3A_1621 : i32 to index
        %get3A_1628 = arith.constant 16 : index
        %get3A_1629 = tpu.vector_load %arg10[%get3A_1627, %get3A_1628] {strides = array<i32>} : memref<128x64xf32, #tpu.memory_space<vmem>>, vector<16xf32>,
        tpu.vector_store_idx %arg14[%add3A_11, %add3A_1623], %get3A_1629 : memref<64x133xf32, #tpu.memory_space<vmem>>[vector<16xi32>, vector<16xi32>], vector<16xf32>,
        %get3A_1630 = arith.index_cast %add3A_1621 : i32 to index
        %get3A_1631 = arith.constant 32 : index
        %get3A_1632 = tpu.vector_load %arg10[%get3A_1630, %get3A_1631] {strides = array<i32>} : memref<128x64xf32, #tpu.memory_space<vmem>>, vector<16xf32>,
        tpu.vector_store_idx %arg14[%add3A_14, %add3A_1623], %get3A_1632 : memref<64x133xf32, #tpu.memory_space<vmem>>[vector<16xi32>, vector<16xi32>], vector<16xf32>,
        %get3A_1633 = arith.index_cast %add3A_1621 : i32 to index
        %get3A_1634 = arith.constant 48 : index
        %get3A_1635 = tpu.vector_load %arg10[%get3A_1633, %get3A_1634] {strides = array<i32>} : memref<128x64xf32, #tpu.memory_space<vmem>>, vector<16xf32>,
        tpu.vector_store_idx %arg14[%add3A_17, %add3A_1623], %get3A_1635 : memref<64x133xf32, #tpu.memory_space<vmem>>[vector<16xi32>, vector<16xi32>], vector<16xf32>,
        %add3A_1636 = arith.constant 5 : i32
        %add3A_1637 = arith.addi %add3A_1556, %add3A_1636 : i32
        %add3A_1638 = vector.broadcast %add3A_1637 : i32 to vector<16xi32>
        %add3A_1639 = arith.addi %mul3A_5, %add3A_1638 : vector<16xi32>
        %get3A_1640 = arith.index_cast %add3A_1637 : i32 to index
        %get3A_1641 = arith.constant 0 : index
        %get3A_1642 = tpu.vector_load %arg10[%get3A_1640, %get3A_1641] {strides = array<i32>} : memref<128x64xf32, #tpu.memory_space<vmem>>, vector<16xf32>,
        tpu.vector_store_idx %arg14[%add3A_8, %add3A_1639], %get3A_1642 : memref<64x133xf32, #tpu.memory_space<vmem>>[vector<16xi32>, vector<16xi32>], vector<16xf32>,
        %get3A_1643 = arith.index_cast %add3A_1637 : i32 to index
        %get3A_1644 = arith.constant 16 : index
        %get3A_1645 = tpu.vector_load %arg10[%get3A_1643, %get3A_1644] {strides = array<i32>} : memref<128x64xf32, #tpu.memory_space<vmem>>, vector<16xf32>,
        tpu.vector_store_idx %arg14[%add3A_11, %add3A_1639], %get3A_1645 : memref<64x133xf32, #tpu.memory_space<vmem>>[vector<16xi32>, vector<16xi32>], vector<16xf32>,
        %get3A_1646 = arith.index_cast %add3A_1637 : i32 to index
        %get3A_1647 = arith.constant 32 : index
        %get3A_1648 = tpu.vector_load %arg10[%get3A_1646, %get3A_1647] {strides = array<i32>} : memref<128x64xf32, #tpu.memory_space<vmem>>, vector<16xf32>,
        tpu.vector_store_idx %arg14[%add3A_14, %add3A_1639], %get3A_1648 : memref<64x133xf32, #tpu.memory_space<vmem>>[vector<16xi32>, vector<16xi32>], vector<16xf32>,
        %get3A_1649 = arith.index_cast %add3A_1637 : i32 to index
        %get3A_1650 = arith.constant 48 : index
        %get3A_1651 = tpu.vector_load %arg10[%get3A_1649, %get3A_1650] {strides = array<i32>} : memref<128x64xf32, #tpu.memory_space<vmem>>, vector<16xf32>,
        tpu.vector_store_idx %arg14[%add3A_17, %add3A_1639], %get3A_1651 : memref<64x133xf32, #tpu.memory_space<vmem>>[vector<16xi32>, vector<16xi32>], vector<16xf32>,
        %add3A_1652 = arith.constant 6 : i32
        %add3A_1653 = arith.addi %add3A_1556, %add3A_1652 : i32
        %add3A_1654 = vector.broadcast %add3A_1653 : i32 to vector<16xi32>
        %add3A_1655 = arith.addi %mul3A_5, %add3A_1654 : vector<16xi32>
        %get3A_1656 = arith.index_cast %add3A_1653 : i32 to index
        %get3A_1657 = arith.constant 0 : index
        %get3A_1658 = tpu.vector_load %arg10[%get3A_1656, %get3A_1657] {strides = array<i32>} : memref<128x64xf32, #tpu.memory_space<vmem>>, vector<16xf32>,
        tpu.vector_store_idx %arg14[%add3A_8, %add3A_1655], %get3A_1658 : memref<64x133xf32, #tpu.memory_space<vmem>>[vector<16xi32>, vector<16xi32>], vector<16xf32>,
        %get3A_1659 = arith.index_cast %add3A_1653 : i32 to index
        %get3A_1660 = arith.constant 16 : index
        %get3A_1661 = tpu.vector_load %arg10[%get3A_1659, %get3A_1660] {strides = array<i32>} : memref<128x64xf32, #tpu.memory_space<vmem>>, vector<16xf32>,
        tpu.vector_store_idx %arg14[%add3A_11, %add3A_1655], %get3A_1661 : memref<64x133xf32, #tpu.memory_space<vmem>>[vector<16xi32>, vector<16xi32>], vector<16xf32>,
        %get3A_1662 = arith.index_cast %add3A_1653 : i32 to index
        %get3A_1663 = arith.constant 32 : index
        %get3A_1664 = tpu.vector_load %arg10[%get3A_1662, %get3A_1663] {strides = array<i32>} : memref<128x64xf32, #tpu.memory_space<vmem>>, vector<16xf32>,
        tpu.vector_store_idx %arg14[%add3A_14, %add3A_1655], %get3A_1664 : memref<64x133xf32, #tpu.memory_space<vmem>>[vector<16xi32>, vector<16xi32>], vector<16xf32>,
        %get3A_1665 = arith.index_cast %add3A_1653 : i32 to index
        %get3A_1666 = arith.constant 48 : index
        %get3A_1667 = tpu.vector_load %arg10[%get3A_1665, %get3A_1666] {strides = array<i32>} : memref<128x64xf32, #tpu.memory_space<vmem>>, vector<16xf32>,
        tpu.vector_store_idx %arg14[%add3A_17, %add3A_1655], %get3A_1667 : memref<64x133xf32, #tpu.memory_space<vmem>>[vector<16xi32>, vector<16xi32>], vector<16xf32>,
        %add3A_1668 = arith.constant 7 : i32
        %add3A_1669 = arith.addi %add3A_1556, %add3A_1668 : i32
        %add3A_1670 = vector.broadcast %add3A_1669 : i32 to vector<16xi32>
        %add3A_1671 = arith.addi %mul3A_5, %add3A_1670 : vector<16xi32>
        %get3A_1672 = arith.index_cast %add3A_1669 : i32 to index
        %get3A_1673 = arith.constant 0 : index
        %get3A_1674 = tpu.vector_load %arg10[%get3A_1672, %get3A_1673] {strides = array<i32>} : memref<128x64xf32, #tpu.memory_space<vmem>>, vector<16xf32>,
        tpu.vector_store_idx %arg14[%add3A_8, %add3A_1671], %get3A_1674 : memref<64x133xf32, #tpu.memory_space<vmem>>[vector<16xi32>, vector<16xi32>], vector<16xf32>,
        %get3A_1675 = arith.index_cast %add3A_1669 : i32 to index
        %get3A_1676 = arith.constant 16 : index
        %get3A_1677 = tpu.vector_load %arg10[%get3A_1675, %get3A_1676] {strides = array<i32>} : memref<128x64xf32, #tpu.memory_space<vmem>>, vector<16xf32>,
        tpu.vector_store_idx %arg14[%add3A_11, %add3A_1671], %get3A_1677 : memref<64x133xf32, #tpu.memory_space<vmem>>[vector<16xi32>, vector<16xi32>], vector<16xf32>,
        %get3A_1678 = arith.index_cast %add3A_1669 : i32 to index
        %get3A_1679 = arith.constant 32 : index
        %get3A_1680 = tpu.vector_load %arg10[%get3A_1678, %get3A_1679] {strides = array<i32>} : memref<128x64xf32, #tpu.memory_space<vmem>>, vector<16xf32>,
        tpu.vector_store_idx %arg14[%add3A_14, %add3A_1671], %get3A_1680 : memref<64x133xf32, #tpu.memory_space<vmem>>[vector<16xi32>, vector<16xi32>], vector<16xf32>,
        %get3A_1681 = arith.index_cast %add3A_1669 : i32 to index
        %get3A_1682 = arith.constant 48 : index
        %get3A_1683 = tpu.vector_load %arg10[%get3A_1681, %get3A_1682] {strides = array<i32>} : memref<128x64xf32, #tpu.memory_space<vmem>>, vector<16xf32>,
        tpu.vector_store_idx %arg14[%add3A_17, %add3A_1671], %get3A_1683 : memref<64x133xf32, #tpu.memory_space<vmem>>[vector<16xi32>, vector<16xi32>], vector<16xf32>,
      }
      %scan3A_981 = arith.constant 16 : i32
      %jit3A_982 = arith.constant 128 : i32
      %div3A_983 = arith.divsi %add3A_966, %jit3A_982 : i32
      %sign3A_984 = arith.constant 0 : i32
      %sign3A_985 = arith.cmpi sgt, %add3A_966, %sign3A_984 : i32
      %sign3A_986 = arith.extui %sign3A_985 : i1 to i32
      %sign3A_987 = arith.constant 0 : i32
      %sign3A_988 = arith.cmpi slt, %add3A_966, %sign3A_987 : i32
      %sign3A_989 = arith.extui %sign3A_988 : i1 to i32
      %sign3A_990 = arith.subi %sign3A_986, %sign3A_989 : i32
      %sign3A_991 = arith.constant 0 : i32
      %sign3A_992 = arith.cmpi sgt, %jit3A_982, %sign3A_991 : i32
      %sign3A_993 = arith.extui %sign3A_992 : i1 to i32
      %sign3A_994 = arith.constant 0 : i32
      %sign3A_995 = arith.cmpi slt, %jit3A_982, %sign3A_994 : i32
      %sign3A_996 = arith.extui %sign3A_995 : i1 to i32
      %sign3A_997 = arith.subi %sign3A_993, %sign3A_996 : i32
      %ne3A_998 = arith.cmpi ne, %sign3A_990, %sign3A_997 : i32
      %rem3A_999 = arith.remsi %add3A_966, %jit3A_982 : i32
      %ne3A_1000 = arith.constant 0 : i32
      %ne3A_1001 = arith.cmpi ne, %rem3A_999, %ne3A_1000 : i32
      %and3A_1002 = arith.andi %ne3A_998, %ne3A_1001 : i1
      %sub3A_1003 = arith.constant 1 : i32
      %sub3A_1004 = arith.subi %div3A_983, %sub3A_1003 : i32
      %select_n3A_1005 = arith.select %and3A_1002, %sub3A_1004, %div3A_983 : i32
      %jit3A_1006 = arith.constant 128 : i32
      %eq3A_1007 = arith.constant 0 : i32
      %eq3A_1008 = arith.cmpi eq, %jit3A_1006, %eq3A_1007 : i32
      %jit3A_1009 = arith.constant 1 : i32
      %select_n3A_1010 = arith.select %eq3A_1008, %jit3A_1009, %jit3A_1006 : i32
      %rem3A_1011 = arith.remsi %add3A_966, %select_n3A_1010 : i32
      %ne3A_1012 = arith.constant 0 : i32
      %ne3A_1013 = arith.cmpi ne, %rem3A_1011, %ne3A_1012 : i32
      %lt3A_1014 = arith.constant 0 : i32
      %lt3A_1015 = arith.cmpi slt, %rem3A_1011, %lt3A_1014 : i32
      %lt3A_1016 = arith.constant 0 : i32
      %lt3A_1017 = arith.cmpi slt, %select_n3A_1010, %lt3A_1016 : i32
      %ne3A_1018 = arith.xori %lt3A_1015, %lt3A_1017 : i1
      %and3A_1019 = arith.andi %ne3A_1018, %ne3A_1013 : i1
      %add3A_1020 = arith.addi %rem3A_1011, %select_n3A_1010 : i32
      %select_n3A_1021 = arith.select %and3A_1019, %add3A_1020, %rem3A_1011 : i32
      %dma_start3A_1022 = arith.constant 0 : i32
      %dma_start3A_1023 = arith.constant 0 : i32
      %dma_start3A_1024 = arith.constant 0 : i32
      %dma_start3A_1025 = tpu.memref_slice %arg14[%dma_start3A_1023, %dma_start3A_1024] : memref<64x133xf32, #tpu.memory_space<vmem>> -> memref<8x128xf32, #tpu.memory_space<vmem>>
      %dma_start3A_1026 = arith.constant 0 : i32
      %dma_start3A_1027 = arith.constant 0 : i32
      %dma_start3A_1028 = tpu.memref_slice %arg4[%select_n3A_1005, %dma_start3A_1022, %select_n3A_1021, %dma_start3A_1026, %dma_start3A_1027] : memref<50x8x128x8x128xf32, #tpu.memory_space<hbm>> -> memref<1x1x1x8x128xf32, #tpu.memory_space<hbm>>
      %dma_start3A_1029 = tpu.memref_squeeze %dma_start3A_1028 : memref<1x1x1x8x128xf32, #tpu.memory_space<hbm>> -> memref<8x128xf32, #tpu.memory_space<hbm>>
      %dma_start3A_1030 = arith.constant 0 : i32
      %dma_start3A_1031 = arith.constant 0 : i32
      %dma_start3A_1032 = tpu.memref_slice %arg4[%select_n3A_1005, %dma_start3A_1022, %select_n3A_1021, %dma_start3A_1030, %dma_start3A_1031] : memref<50x8x128x8x128xf32, #tpu.memory_space<hbm>> -> memref<1x1x1x8x128xf32, #tpu.memory_space<hbm>>
      %dma_start3A_1033 = tpu.memref_squeeze %dma_start3A_1032 : memref<1x1x1x8x128xf32, #tpu.memory_space<hbm>> -> memref<8x128xf32, #tpu.memory_space<hbm>>
      %dma_start3A_1034 = arith.constant 0 : i32
      %dma_start3A_1035 = arith.constant 0 : i32
      %dma_start3A_1036 = tpu.memref_slice %arg14[%dma_start3A_1034, %dma_start3A_1035] : memref<64x133xf32, #tpu.memory_space<vmem>> -> memref<8x128xf32, #tpu.memory_space<vmem>>
      tpu.enqueue_dma source(%dma_start3A_1036 : memref<8x128xf32, #tpu.memory_space<vmem>>) target(%dma_start3A_1033 : memref<8x128xf32, #tpu.memory_space<hbm>>) target_semaphore(%arg26 : memref<!tpu.dma_semaphore, #tpu.memory_space<semaphore_mem>>)
      %dma_start3A_1037 = arith.constant 1 : i32
      %dma_start3A_1038 = arith.constant 8 : i32
      %dma_start3A_1039 = arith.constant 0 : i32
      %dma_start3A_1040 = tpu.memref_slice %arg14[%dma_start3A_1038, %dma_start3A_1039] : memref<64x133xf32, #tpu.memory_space<vmem>> -> memref<8x128xf32, #tpu.memory_space<vmem>>
      %dma_start3A_1041 = arith.constant 0 : i32
      %dma_start3A_1042 = arith.constant 0 : i32
      %dma_start3A_1043 = tpu.memref_slice %arg4[%select_n3A_1005, %dma_start3A_1037, %select_n3A_1021, %dma_start3A_1041, %dma_start3A_1042] : memref<50x8x128x8x128xf32, #tpu.memory_space<hbm>> -> memref<1x1x1x8x128xf32, #tpu.memory_space<hbm>>
      %dma_start3A_1044 = tpu.memref_squeeze %dma_start3A_1043 : memref<1x1x1x8x128xf32, #tpu.memory_space<hbm>> -> memref<8x128xf32, #tpu.memory_space<hbm>>
      %dma_start3A_1045 = arith.constant 0 : i32
      %dma_start3A_1046 = arith.constant 0 : i32
      %dma_start3A_1047 = tpu.memref_slice %arg4[%select_n3A_1005, %dma_start3A_1037, %select_n3A_1021, %dma_start3A_1045, %dma_start3A_1046] : memref<50x8x128x8x128xf32, #tpu.memory_space<hbm>> -> memref<1x1x1x8x128xf32, #tpu.memory_space<hbm>>
      %dma_start3A_1048 = tpu.memref_squeeze %dma_start3A_1047 : memref<1x1x1x8x128xf32, #tpu.memory_space<hbm>> -> memref<8x128xf32, #tpu.memory_space<hbm>>
      %dma_start3A_1049 = arith.constant 8 : i32
      %dma_start3A_1050 = arith.constant 0 : i32
      %dma_start3A_1051 = tpu.memref_slice %arg14[%dma_start3A_1049, %dma_start3A_1050] : memref<64x133xf32, #tpu.memory_space<vmem>> -> memref<8x128xf32, #tpu.memory_space<vmem>>
      tpu.enqueue_dma source(%dma_start3A_1051 : memref<8x128xf32, #tpu.memory_space<vmem>>) target(%dma_start3A_1048 : memref<8x128xf32, #tpu.memory_space<hbm>>) target_semaphore(%arg26 : memref<!tpu.dma_semaphore, #tpu.memory_space<semaphore_mem>>)
      %dma_start3A_1052 = arith.constant 2 : i32
      %dma_start3A_1053 = arith.constant 16 : i32
      %dma_start3A_1054 = arith.constant 0 : i32
      %dma_start3A_1055 = tpu.memref_slice %arg14[%dma_start3A_1053, %dma_start3A_1054] : memref<64x133xf32, #tpu.memory_space<vmem>> -> memref<8x128xf32, #tpu.memory_space<vmem>>
      %dma_start3A_1056 = arith.constant 0 : i32
      %dma_start3A_1057 = arith.constant 0 : i32
      %dma_start3A_1058 = tpu.memref_slice %arg4[%select_n3A_1005, %dma_start3A_1052, %select_n3A_1021, %dma_start3A_1056, %dma_start3A_1057] : memref<50x8x128x8x128xf32, #tpu.memory_space<hbm>> -> memref<1x1x1x8x128xf32, #tpu.memory_space<hbm>>
      %dma_start3A_1059 = tpu.memref_squeeze %dma_start3A_1058 : memref<1x1x1x8x128xf32, #tpu.memory_space<hbm>> -> memref<8x128xf32, #tpu.memory_space<hbm>>
      %dma_start3A_1060 = arith.constant 0 : i32
      %dma_start3A_1061 = arith.constant 0 : i32
      %dma_start3A_1062 = tpu.memref_slice %arg4[%select_n3A_1005, %dma_start3A_1052, %select_n3A_1021, %dma_start3A_1060, %dma_start3A_1061] : memref<50x8x128x8x128xf32, #tpu.memory_space<hbm>> -> memref<1x1x1x8x128xf32, #tpu.memory_space<hbm>>
      %dma_start3A_1063 = tpu.memref_squeeze %dma_start3A_1062 : memref<1x1x1x8x128xf32, #tpu.memory_space<hbm>> -> memref<8x128xf32, #tpu.memory_space<hbm>>
      %dma_start3A_1064 = arith.constant 16 : i32
      %dma_start3A_1065 = arith.constant 0 : i32
      %dma_start3A_1066 = tpu.memref_slice %arg14[%dma_start3A_1064, %dma_start3A_1065] : memref<64x133xf32, #tpu.memory_space<vmem>> -> memref<8x128xf32, #tpu.memory_space<vmem>>
      tpu.enqueue_dma source(%dma_start3A_1066 : memref<8x128xf32, #tpu.memory_space<vmem>>) target(%dma_start3A_1063 : memref<8x128xf32, #tpu.memory_space<hbm>>) target_semaphore(%arg26 : memref<!tpu.dma_semaphore, #tpu.memory_space<semaphore_mem>>)
      %dma_start3A_1067 = arith.constant 3 : i32
      %dma_start3A_1068 = arith.constant 24 : i32
      %dma_start3A_1069 = arith.constant 0 : i32
      %dma_start3A_1070 = tpu.memref_slice %arg14[%dma_start3A_1068, %dma_start3A_1069] : memref<64x133xf32, #tpu.memory_space<vmem>> -> memref<8x128xf32, #tpu.memory_space<vmem>>
      %dma_start3A_1071 = arith.constant 0 : i32
      %dma_start3A_1072 = arith.constant 0 : i32
      %dma_start3A_1073 = tpu.memref_slice %arg4[%select_n3A_1005, %dma_start3A_1067, %select_n3A_1021, %dma_start3A_1071, %dma_start3A_1072] : memref<50x8x128x8x128xf32, #tpu.memory_space<hbm>> -> memref<1x1x1x8x128xf32, #tpu.memory_space<hbm>>
      %dma_start3A_1074 = tpu.memref_squeeze %dma_start3A_1073 : memref<1x1x1x8x128xf32, #tpu.memory_space<hbm>> -> memref<8x128xf32, #tpu.memory_space<hbm>>
      %dma_start3A_1075 = arith.constant 0 : i32
      %dma_start3A_1076 = arith.constant 0 : i32
      %dma_start3A_1077 = tpu.memref_slice %arg4[%select_n3A_1005, %dma_start3A_1067, %select_n3A_1021, %dma_start3A_1075, %dma_start3A_1076] : memref<50x8x128x8x128xf32, #tpu.memory_space<hbm>> -> memref<1x1x1x8x128xf32, #tpu.memory_space<hbm>>
      %dma_start3A_1078 = tpu.memref_squeeze %dma_start3A_1077 : memref<1x1x1x8x128xf32, #tpu.memory_space<hbm>> -> memref<8x128xf32, #tpu.memory_space<hbm>>
      %dma_start3A_1079 = arith.constant 24 : i32
      %dma_start3A_1080 = arith.constant 0 : i32
      %dma_start3A_1081 = tpu.memref_slice %arg14[%dma_start3A_1079, %dma_start3A_1080] : memref<64x133xf32, #tpu.memory_space<vmem>> -> memref<8x128xf32, #tpu.memory_space<vmem>>
      tpu.enqueue_dma source(%dma_start3A_1081 : memref<8x128xf32, #tpu.memory_space<vmem>>) target(%dma_start3A_1078 : memref<8x128xf32, #tpu.memory_space<hbm>>) target_semaphore(%arg26 : memref<!tpu.dma_semaphore, #tpu.memory_space<semaphore_mem>>)
      %dma_start3A_1082 = arith.constant 4 : i32
      %dma_start3A_1083 = arith.constant 32 : i32
      %dma_start3A_1084 = arith.constant 0 : i32
      %dma_start3A_1085 = tpu.memref_slice %arg14[%dma_start3A_1083, %dma_start3A_1084] : memref<64x133xf32, #tpu.memory_space<vmem>> -> memref<8x128xf32, #tpu.memory_space<vmem>>
      %dma_start3A_1086 = arith.constant 0 : i32
      %dma_start3A_1087 = arith.constant 0 : i32
      %dma_start3A_1088 = tpu.memref_slice %arg4[%select_n3A_1005, %dma_start3A_1082, %select_n3A_1021, %dma_start3A_1086, %dma_start3A_1087] : memref<50x8x128x8x128xf32, #tpu.memory_space<hbm>> -> memref<1x1x1x8x128xf32, #tpu.memory_space<hbm>>
      %dma_start3A_1089 = tpu.memref_squeeze %dma_start3A_1088 : memref<1x1x1x8x128xf32, #tpu.memory_space<hbm>> -> memref<8x128xf32, #tpu.memory_space<hbm>>
      %dma_start3A_1090 = arith.constant 0 : i32
      %dma_start3A_1091 = arith.constant 0 : i32
      %dma_start3A_1092 = tpu.memref_slice %arg4[%select_n3A_1005, %dma_start3A_1082, %select_n3A_1021, %dma_start3A_1090, %dma_start3A_1091] : memref<50x8x128x8x128xf32, #tpu.memory_space<hbm>> -> memref<1x1x1x8x128xf32, #tpu.memory_space<hbm>>
      %dma_start3A_1093 = tpu.memref_squeeze %dma_start3A_1092 : memref<1x1x1x8x128xf32, #tpu.memory_space<hbm>> -> memref<8x128xf32, #tpu.memory_space<hbm>>
      %dma_start3A_1094 = arith.constant 32 : i32
      %dma_start3A_1095 = arith.constant 0 : i32
      %dma_start3A_1096 = tpu.memref_slice %arg14[%dma_start3A_1094, %dma_start3A_1095] : memref<64x133xf32, #tpu.memory_space<vmem>> -> memref<8x128xf32, #tpu.memory_space<vmem>>
      tpu.enqueue_dma source(%dma_start3A_1096 : memref<8x128xf32, #tpu.memory_space<vmem>>) target(%dma_start3A_1093 : memref<8x128xf32, #tpu.memory_space<hbm>>) target_semaphore(%arg26 : memref<!tpu.dma_semaphore, #tpu.memory_space<semaphore_mem>>)
      %dma_start3A_1097 = arith.constant 5 : i32
      %dma_start3A_1098 = arith.constant 40 : i32
      %dma_start3A_1099 = arith.constant 0 : i32
      %dma_start3A_1100 = tpu.memref_slice %arg14[%dma_start3A_1098, %dma_start3A_1099] : memref<64x133xf32, #tpu.memory_space<vmem>> -> memref<8x128xf32, #tpu.memory_space<vmem>>
      %dma_start3A_1101 = arith.constant 0 : i32
      %dma_start3A_1102 = arith.constant 0 : i32
      %dma_start3A_1103 = tpu.memref_slice %arg4[%select_n3A_1005, %dma_start3A_1097, %select_n3A_1021, %dma_start3A_1101, %dma_start3A_1102] : memref<50x8x128x8x128xf32, #tpu.memory_space<hbm>> -> memref<1x1x1x8x128xf32, #tpu.memory_space<hbm>>
      %dma_start3A_1104 = tpu.memref_squeeze %dma_start3A_1103 : memref<1x1x1x8x128xf32, #tpu.memory_space<hbm>> -> memref<8x128xf32, #tpu.memory_space<hbm>>
      %dma_start3A_1105 = arith.constant 0 : i32
      %dma_start3A_1106 = arith.constant 0 : i32
      %dma_start3A_1107 = tpu.memref_slice %arg4[%select_n3A_1005, %dma_start3A_1097, %select_n3A_1021, %dma_start3A_1105, %dma_start3A_1106] : memref<50x8x128x8x128xf32, #tpu.memory_space<hbm>> -> memref<1x1x1x8x128xf32, #tpu.memory_space<hbm>>
      %dma_start3A_1108 = tpu.memref_squeeze %dma_start3A_1107 : memref<1x1x1x8x128xf32, #tpu.memory_space<hbm>> -> memref<8x128xf32, #tpu.memory_space<hbm>>
      %dma_start3A_1109 = arith.constant 40 : i32
      %dma_start3A_1110 = arith.constant 0 : i32
      %dma_start3A_1111 = tpu.memref_slice %arg14[%dma_start3A_1109, %dma_start3A_1110] : memref<64x133xf32, #tpu.memory_space<vmem>> -> memref<8x128xf32, #tpu.memory_space<vmem>>
      tpu.enqueue_dma source(%dma_start3A_1111 : memref<8x128xf32, #tpu.memory_space<vmem>>) target(%dma_start3A_1108 : memref<8x128xf32, #tpu.memory_space<hbm>>) target_semaphore(%arg26 : memref<!tpu.dma_semaphore, #tpu.memory_space<semaphore_mem>>)
      %dma_start3A_1112 = arith.constant 6 : i32
      %dma_start3A_1113 = arith.constant 48 : i32
      %dma_start3A_1114 = arith.constant 0 : i32
      %dma_start3A_1115 = tpu.memref_slice %arg14[%dma_start3A_1113, %dma_start3A_1114] : memref<64x133xf32, #tpu.memory_space<vmem>> -> memref<8x128xf32, #tpu.memory_space<vmem>>
      %dma_start3A_1116 = arith.constant 0 : i32
      %dma_start3A_1117 = arith.constant 0 : i32
      %dma_start3A_1118 = tpu.memref_slice %arg4[%select_n3A_1005, %dma_start3A_1112, %select_n3A_1021, %dma_start3A_1116, %dma_start3A_1117] : memref<50x8x128x8x128xf32, #tpu.memory_space<hbm>> -> memref<1x1x1x8x128xf32, #tpu.memory_space<hbm>>
      %dma_start3A_1119 = tpu.memref_squeeze %dma_start3A_1118 : memref<1x1x1x8x128xf32, #tpu.memory_space<hbm>> -> memref<8x128xf32, #tpu.memory_space<hbm>>
      %dma_start3A_1120 = arith.constant 0 : i32
      %dma_start3A_1121 = arith.constant 0 : i32
      %dma_start3A_1122 = tpu.memref_slice %arg4[%select_n3A_1005, %dma_start3A_1112, %select_n3A_1021, %dma_start3A_1120, %dma_start3A_1121] : memref<50x8x128x8x128xf32, #tpu.memory_space<hbm>> -> memref<1x1x1x8x128xf32, #tpu.memory_space<hbm>>
      %dma_start3A_1123 = tpu.memref_squeeze %dma_start3A_1122 : memref<1x1x1x8x128xf32, #tpu.memory_space<hbm>> -> memref<8x128xf32, #tpu.memory_space<hbm>>
      %dma_start3A_1124 = arith.constant 48 : i32
      %dma_start3A_1125 = arith.constant 0 : i32
      %dma_start3A_1126 = tpu.memref_slice %arg14[%dma_start3A_1124, %dma_start3A_1125] : memref<64x133xf32, #tpu.memory_space<vmem>> -> memref<8x128xf32, #tpu.memory_space<vmem>>
      tpu.enqueue_dma source(%dma_start3A_1126 : memref<8x128xf32, #tpu.memory_space<vmem>>) target(%dma_start3A_1123 : memref<8x128xf32, #tpu.memory_space<hbm>>) target_semaphore(%arg26 : memref<!tpu.dma_semaphore, #tpu.memory_space<semaphore_mem>>)
      %dma_start3A_1127 = arith.constant 7 : i32
      %dma_start3A_1128 = arith.constant 56 : i32
      %dma_start3A_1129 = arith.constant 0 : i32
      %dma_start3A_1130 = tpu.memref_slice %arg14[%dma_start3A_1128, %dma_start3A_1129] : memref<64x133xf32, #tpu.memory_space<vmem>> -> memref<8x128xf32, #tpu.memory_space<vmem>>
      %dma_start3A_1131 = arith.constant 0 : i32
      %dma_start3A_1132 = arith.constant 0 : i32
      %dma_start3A_1133 = tpu.memref_slice %arg4[%select_n3A_1005, %dma_start3A_1127, %select_n3A_1021, %dma_start3A_1131, %dma_start3A_1132] : memref<50x8x128x8x128xf32, #tpu.memory_space<hbm>> -> memref<1x1x1x8x128xf32, #tpu.memory_space<hbm>>
      %dma_start3A_1134 = tpu.memref_squeeze %dma_start3A_1133 : memref<1x1x1x8x128xf32, #tpu.memory_space<hbm>> -> memref<8x128xf32, #tpu.memory_space<hbm>>
      %dma_start3A_1135 = arith.constant 0 : i32
      %dma_start3A_1136 = arith.constant 0 : i32
      %dma_start3A_1137 = tpu.memref_slice %arg4[%select_n3A_1005, %dma_start3A_1127, %select_n3A_1021, %dma_start3A_1135, %dma_start3A_1136] : memref<50x8x128x8x128xf32, #tpu.memory_space<hbm>> -> memref<1x1x1x8x128xf32, #tpu.memory_space<hbm>>
      %dma_start3A_1138 = tpu.memref_squeeze %dma_start3A_1137 : memref<1x1x1x8x128xf32, #tpu.memory_space<hbm>> -> memref<8x128xf32, #tpu.memory_space<hbm>>
      %dma_start3A_1139 = arith.constant 56 : i32
      %dma_start3A_1140 = arith.constant 0 : i32
      %dma_start3A_1141 = tpu.memref_slice %arg14[%dma_start3A_1139, %dma_start3A_1140] : memref<64x133xf32, #tpu.memory_space<vmem>> -> memref<8x128xf32, #tpu.memory_space<vmem>>
      tpu.enqueue_dma source(%dma_start3A_1141 : memref<8x128xf32, #tpu.memory_space<vmem>>) target(%dma_start3A_1138 : memref<8x128xf32, #tpu.memory_space<hbm>>) target_semaphore(%arg26 : memref<!tpu.dma_semaphore, #tpu.memory_space<semaphore_mem>>)
      %add3A_1142 = arith.constant 1 : i32
      %add3A_1143 = arith.addi %add3A_770, %add3A_1142 : i32
      %add3A_1144 = arith.constant 4 : i32
      %add3A_1145 = arith.addi %add3A_1143, %add3A_1144 : i32
      %lt3A_1146 = arith.constant 200 : i32
      %lt3A_1147 = arith.cmpi slt, %add3A_1145, %lt3A_1146 : i32
      %convert_element_type3A_1148 = arith.extui %lt3A_1147 : i1 to i32
      %cond3A_1149 = arith.constant 0 : i32
      %cond3A_1150 = arith.cmpi ne, %convert_element_type3A_1148, %cond3A_1149 : i32
      scf.if %cond3A_1150 {
        %add3A_1552 = arith.constant 4 : i32
        %add3A_1553 = arith.addi %add3A_966, %add3A_1552 : i32
        %jit3A_1554 = arith.constant 128 : i32
        %div3A_1555 = arith.divsi %add3A_1553, %jit3A_1554 : i32
        %sign3A_1556 = arith.constant 0 : i32
        %sign3A_1557 = arith.cmpi sgt, %add3A_1553, %sign3A_1556 : i32
        %sign3A_1558 = arith.extui %sign3A_1557 : i1 to i32
        %sign3A_1559 = arith.constant 0 : i32
        %sign3A_1560 = arith.cmpi slt, %add3A_1553, %sign3A_1559 : i32
        %sign3A_1561 = arith.extui %sign3A_1560 : i1 to i32
        %sign3A_1562 = arith.subi %sign3A_1558, %sign3A_1561 : i32
        %sign3A_1563 = arith.constant 0 : i32
        %sign3A_1564 = arith.cmpi sgt, %jit3A_1554, %sign3A_1563 : i32
        %sign3A_1565 = arith.extui %sign3A_1564 : i1 to i32
        %sign3A_1566 = arith.constant 0 : i32
        %sign3A_1567 = arith.cmpi slt, %jit3A_1554, %sign3A_1566 : i32
        %sign3A_1568 = arith.extui %sign3A_1567 : i1 to i32
        %sign3A_1569 = arith.subi %sign3A_1565, %sign3A_1568 : i32
        %ne3A_1570 = arith.cmpi ne, %sign3A_1562, %sign3A_1569 : i32
        %rem3A_1571 = arith.remsi %add3A_1553, %jit3A_1554 : i32
        %ne3A_1572 = arith.constant 0 : i32
        %ne3A_1573 = arith.cmpi ne, %rem3A_1571, %ne3A_1572 : i32
        %and3A_1574 = arith.andi %ne3A_1570, %ne3A_1573 : i1
        %sub3A_1575 = arith.constant 1 : i32
        %sub3A_1576 = arith.subi %div3A_1555, %sub3A_1575 : i32
        %select_n3A_1577 = arith.select %and3A_1574, %sub3A_1576, %div3A_1555 : i32
        %jit3A_1578 = arith.constant 128 : i32
        %eq3A_1579 = arith.constant 0 : i32
        %eq3A_1580 = arith.cmpi eq, %jit3A_1578, %eq3A_1579 : i32
        %jit3A_1581 = arith.constant 1 : i32
        %select_n3A_1582 = arith.select %eq3A_1580, %jit3A_1581, %jit3A_1578 : i32
        %rem3A_1583 = arith.remsi %add3A_1553, %select_n3A_1582 : i32
        %ne3A_1584 = arith.constant 0 : i32
        %ne3A_1585 = arith.cmpi ne, %rem3A_1583, %ne3A_1584 : i32
        %lt3A_1586 = arith.constant 0 : i32
        %lt3A_1587 = arith.cmpi slt, %rem3A_1583, %lt3A_1586 : i32
        %lt3A_1588 = arith.constant 0 : i32
        %lt3A_1589 = arith.cmpi slt, %select_n3A_1582, %lt3A_1588 : i32
        %ne3A_1590 = arith.xori %lt3A_1587, %lt3A_1589 : i1
        %and3A_1591 = arith.andi %ne3A_1590, %ne3A_1585 : i1
        %add3A_1592 = arith.addi %rem3A_1583, %select_n3A_1582 : i32
        %select_n3A_1593 = arith.select %and3A_1591, %add3A_1592, %rem3A_1583 : i32
        %mul3A_1594 = arith.constant 128 : i32
        %mul3A_1595 = arith.muli %select_n3A_1593, %mul3A_1594 : i32
        %dma_start3A_1596 = tpu.memref_slice %arg2[%select_n3A_1577, %mul3A_1595] : memref<50x16384xi32, #tpu.memory_space<hbm>> -> memref<1x128xi32, #tpu.memory_space<hbm>>
        %dma_start3A_1597 = tpu.memref_squeeze %dma_start3A_1596 : memref<1x128xi32, #tpu.memory_space<hbm>> -> memref<128xi32, #tpu.memory_space<hbm>>
        %dma_start3A_1598 = tpu.memref_slice %arg2[%select_n3A_1577, %mul3A_1595] : memref<50x16384xi32, #tpu.memory_space<hbm>> -> memref<1x128xi32, #tpu.memory_space<hbm>>
        %dma_start3A_1599 = tpu.memref_squeeze %dma_start3A_1598 : memref<1x128xi32, #tpu.memory_space<hbm>> -> memref<128xi32, #tpu.memory_space<hbm>>
        tpu.enqueue_dma source(%dma_start3A_1599 : memref<128xi32, #tpu.memory_space<hbm>>) target(%arg6 : memref<128xi32, #tpu.memory_space<vmem>>) target_semaphore(%arg18 : memref<!tpu.dma_semaphore, #tpu.memory_space<semaphore_mem>>)
      } else {
      }
      %add3A_1151 = arith.constant 1 : i32
      %add3A_1152 = arith.addi %add3A_770, %add3A_1151 : i32
      %add3A_1153 = arith.constant 2 : i32
      %add3A_1154 = arith.addi %add3A_1152, %add3A_1153 : i32
      %lt3A_1155 = arith.constant 200 : i32
      %lt3A_1156 = arith.cmpi slt, %add3A_1154, %lt3A_1155 : i32
      %convert_element_type3A_1157 = arith.extui %lt3A_1156 : i1 to i32
      %cond3A_1158 = arith.constant 0 : i32
      %cond3A_1159 = arith.cmpi ne, %convert_element_type3A_1157, %cond3A_1158 : i32
      scf.if %cond3A_1159 {
        %dma_wait3A_1552 = arith.constant 0 : i32
        %dma_wait3A_1553 = arith.constant 0 : i32
        %dma_wait3A_1554 = tpu.memref_slice %arg2[%dma_wait3A_1552, %dma_wait3A_1553] : memref<50x16384xi32, #tpu.memory_space<hbm>> -> memref<1x128xi32, #tpu.memory_space<hbm>>
        %dma_wait3A_1555 = tpu.memref_squeeze %dma_wait3A_1554 : memref<1x128xi32, #tpu.memory_space<hbm>> -> memref<128xi32, #tpu.memory_space<hbm>>
        %dma_wait3A_1556 = arith.constant 0 : i32
        %dma_wait3A_1557 = tpu.memref_slice %arg2[%dma_wait3A_1552, %dma_wait3A_1556] : memref<50x16384xi32, #tpu.memory_space<hbm>> -> memref<1x128xi32, #tpu.memory_space<hbm>>
        %dma_wait3A_1558 = tpu.memref_squeeze %dma_wait3A_1557 : memref<1x128xi32, #tpu.memory_space<hbm>> -> memref<128xi32, #tpu.memory_space<hbm>>
        tpu.wait_dma2 semaphore(%arg20 : memref<!tpu.dma_semaphore, #tpu.memory_space<semaphore_mem>>) src(%dma_wait3A_1558 : memref<128xi32, #tpu.memory_space<hbm>>) dst(%arg8 : memref<128xi32, #tpu.memory_space<vmem>>)
        %dma_start3A_1559 = arith.constant 0 : i32
        %dma_start3A_1560 = arith.constant 0 : i32
        %dma_start3A_1561 = tpu.memref_slice %arg3[%dma_start3A_1559, %dma_start3A_1560] : memref<1000000x64xf32, #tpu.memory_space<hbm>> -> memref<1000000x64xf32, #tpu.memory_space<hbm>>
        tpu.enqueue_indirect_dma source(%dma_start3A_1561 : memref<1000000x64xf32, #tpu.memory_space<hbm>>) target(%arg12 : memref<128x64xf32, #tpu.memory_space<vmem>>) offsets(%arg8 : memref<128xi32, #tpu.memory_space<vmem>>) semaphore(%arg24 : memref<!tpu.dma_semaphore, #tpu.memory_space<semaphore_mem>>)
      } else {
      }
      %add3A_1160 = arith.addi %mul3A_2, %add3A_770 : i32
      %add3A_1161 = arith.constant 2 : i32
      %add3A_1162 = arith.addi %add3A_1160, %add3A_1161 : i32
      %dma_wait3A_1163 = arith.constant 0 : i32
      %dma_wait3A_1164 = arith.constant 0 : i32
      %dma_wait3A_1165 = tpu.memref_slice %arg3[%dma_wait3A_1163, %dma_wait3A_1164] : memref<1000000x64xf32, #tpu.memory_space<hbm>> -> memref<1000000x64xf32, #tpu.memory_space<hbm>>
      tpu.wait_indirect_dma semaphore(%arg23 : memref<!tpu.dma_semaphore, #tpu.memory_space<semaphore_mem>>) src(%dma_wait3A_1165 : memref<1000000x64xf32, #tpu.memory_space<hbm>>) dst(%arg11 : memref<128x64xf32, #tpu.memory_space<vmem>>)
      %add3A_1166 = arith.constant 2 : i32
      %add3A_1167 = arith.addi %add3A_770, %add3A_1166 : i32
      %ge3A_1168 = arith.constant 4 : i32
      %ge3A_1169 = arith.cmpi sge, %add3A_1167, %ge3A_1168 : i32
      %convert_element_type3A_1170 = arith.extui %ge3A_1169 : i1 to i32
      %cond3A_1171 = arith.constant 0 : i32
      %cond3A_1172 = arith.cmpi ne, %convert_element_type3A_1170, %cond3A_1171 : i32
      scf.if %cond3A_1172 {
        %dma_wait3A_1552 = arith.constant 0 : i32
        %dma_wait3A_1553 = arith.constant 0 : i32
        %dma_wait3A_1554 = arith.constant 0 : i32
        %dma_wait3A_1555 = arith.constant 0 : i32
        %dma_wait3A_1556 = arith.constant 0 : i32
        %dma_wait3A_1557 = tpu.memref_slice %arg15[%dma_wait3A_1555, %dma_wait3A_1556] : memref<64x133xf32, #tpu.memory_space<vmem>> -> memref<8x128xf32, #tpu.memory_space<vmem>>
        %dma_wait3A_1558 = arith.constant 0 : i32
        %dma_wait3A_1559 = arith.constant 0 : i32
        %dma_wait3A_1560 = tpu.memref_slice %arg4[%dma_wait3A_1552, %dma_wait3A_1553, %dma_wait3A_1554, %dma_wait3A_1558, %dma_wait3A_1559] : memref<50x8x128x8x128xf32, #tpu.memory_space<hbm>> -> memref<1x1x1x8x128xf32, #tpu.memory_space<hbm>>
        %dma_wait3A_1561 = tpu.memref_squeeze %dma_wait3A_1560 : memref<1x1x1x8x128xf32, #tpu.memory_space<hbm>> -> memref<8x128xf32, #tpu.memory_space<hbm>>
        %dma_wait3A_1562 = arith.constant 0 : i32
        %dma_wait3A_1563 = arith.constant 0 : i32
        %dma_wait3A_1564 = tpu.memref_slice %arg4[%dma_wait3A_1552, %dma_wait3A_1553, %dma_wait3A_1554, %dma_wait3A_1562, %dma_wait3A_1563] : memref<50x8x128x8x128xf32, #tpu.memory_space<hbm>> -> memref<1x1x1x8x128xf32, #tpu.memory_space<hbm>>
        %dma_wait3A_1565 = tpu.memref_squeeze %dma_wait3A_1564 : memref<1x1x1x8x128xf32, #tpu.memory_space<hbm>> -> memref<8x128xf32, #tpu.memory_space<hbm>>
        %dma_wait3A_1566 = arith.constant 0 : i32
        %dma_wait3A_1567 = arith.constant 0 : i32
        %dma_wait3A_1568 = tpu.memref_slice %arg15[%dma_wait3A_1566, %dma_wait3A_1567] : memref<64x133xf32, #tpu.memory_space<vmem>> -> memref<8x128xf32, #tpu.memory_space<vmem>>
        tpu.wait_dma2 semaphore(%arg27 : memref<!tpu.dma_semaphore, #tpu.memory_space<semaphore_mem>>) src(%dma_wait3A_1568 : memref<8x128xf32, #tpu.memory_space<vmem>>) dst(%dma_wait3A_1565 : memref<8x128xf32, #tpu.memory_space<hbm>>)
        %dma_wait3A_1569 = arith.constant 0 : i32
        %dma_wait3A_1570 = arith.constant 1 : i32
        %dma_wait3A_1571 = arith.constant 0 : i32
        %dma_wait3A_1572 = arith.constant 8 : i32
        %dma_wait3A_1573 = arith.constant 0 : i32
        %dma_wait3A_1574 = tpu.memref_slice %arg15[%dma_wait3A_1572, %dma_wait3A_1573] : memref<64x133xf32, #tpu.memory_space<vmem>> -> memref<8x128xf32, #tpu.memory_space<vmem>>
        %dma_wait3A_1575 = arith.constant 0 : i32
        %dma_wait3A_1576 = arith.constant 0 : i32
        %dma_wait3A_1577 = tpu.memref_slice %arg4[%dma_wait3A_1569, %dma_wait3A_1570, %dma_wait3A_1571, %dma_wait3A_1575, %dma_wait3A_1576] : memref<50x8x128x8x128xf32, #tpu.memory_space<hbm>> -> memref<1x1x1x8x128xf32, #tpu.memory_space<hbm>>
        %dma_wait3A_1578 = tpu.memref_squeeze %dma_wait3A_1577 : memref<1x1x1x8x128xf32, #tpu.memory_space<hbm>> -> memref<8x128xf32, #tpu.memory_space<hbm>>
        %dma_wait3A_1579 = arith.constant 0 : i32
        %dma_wait3A_1580 = arith.constant 0 : i32
        %dma_wait3A_1581 = tpu.memref_slice %arg4[%dma_wait3A_1569, %dma_wait3A_1570, %dma_wait3A_1571, %dma_wait3A_1579, %dma_wait3A_1580] : memref<50x8x128x8x128xf32, #tpu.memory_space<hbm>> -> memref<1x1x1x8x128xf32, #tpu.memory_space<hbm>>
        %dma_wait3A_1582 = tpu.memref_squeeze %dma_wait3A_1581 : memref<1x1x1x8x128xf32, #tpu.memory_space<hbm>> -> memref<8x128xf32, #tpu.memory_space<hbm>>
        %dma_wait3A_1583 = arith.constant 8 : i32
        %dma_wait3A_1584 = arith.constant 0 : i32
        %dma_wait3A_1585 = tpu.memref_slice %arg15[%dma_wait3A_1583, %dma_wait3A_1584] : memref<64x133xf32, #tpu.memory_space<vmem>> -> memref<8x128xf32, #tpu.memory_space<vmem>>
        tpu.wait_dma2 semaphore(%arg27 : memref<!tpu.dma_semaphore, #tpu.memory_space<semaphore_mem>>) src(%dma_wait3A_1585 : memref<8x128xf32, #tpu.memory_space<vmem>>) dst(%dma_wait3A_1582 : memref<8x128xf32, #tpu.memory_space<hbm>>)
        %dma_wait3A_1586 = arith.constant 0 : i32
        %dma_wait3A_1587 = arith.constant 2 : i32
        %dma_wait3A_1588 = arith.constant 0 : i32
        %dma_wait3A_1589 = arith.constant 16 : i32
        %dma_wait3A_1590 = arith.constant 0 : i32
        %dma_wait3A_1591 = tpu.memref_slice %arg15[%dma_wait3A_1589, %dma_wait3A_1590] : memref<64x133xf32, #tpu.memory_space<vmem>> -> memref<8x128xf32, #tpu.memory_space<vmem>>
        %dma_wait3A_1592 = arith.constant 0 : i32
        %dma_wait3A_1593 = arith.constant 0 : i32
        %dma_wait3A_1594 = tpu.memref_slice %arg4[%dma_wait3A_1586, %dma_wait3A_1587, %dma_wait3A_1588, %dma_wait3A_1592, %dma_wait3A_1593] : memref<50x8x128x8x128xf32, #tpu.memory_space<hbm>> -> memref<1x1x1x8x128xf32, #tpu.memory_space<hbm>>
        %dma_wait3A_1595 = tpu.memref_squeeze %dma_wait3A_1594 : memref<1x1x1x8x128xf32, #tpu.memory_space<hbm>> -> memref<8x128xf32, #tpu.memory_space<hbm>>
        %dma_wait3A_1596 = arith.constant 0 : i32
        %dma_wait3A_1597 = arith.constant 0 : i32
        %dma_wait3A_1598 = tpu.memref_slice %arg4[%dma_wait3A_1586, %dma_wait3A_1587, %dma_wait3A_1588, %dma_wait3A_1596, %dma_wait3A_1597] : memref<50x8x128x8x128xf32, #tpu.memory_space<hbm>> -> memref<1x1x1x8x128xf32, #tpu.memory_space<hbm>>
        %dma_wait3A_1599 = tpu.memref_squeeze %dma_wait3A_1598 : memref<1x1x1x8x128xf32, #tpu.memory_space<hbm>> -> memref<8x128xf32, #tpu.memory_space<hbm>>
        %dma_wait3A_1600 = arith.constant 16 : i32
        %dma_wait3A_1601 = arith.constant 0 : i32
        %dma_wait3A_1602 = tpu.memref_slice %arg15[%dma_wait3A_1600, %dma_wait3A_1601] : memref<64x133xf32, #tpu.memory_space<vmem>> -> memref<8x128xf32, #tpu.memory_space<vmem>>
        tpu.wait_dma2 semaphore(%arg27 : memref<!tpu.dma_semaphore, #tpu.memory_space<semaphore_mem>>) src(%dma_wait3A_1602 : memref<8x128xf32, #tpu.memory_space<vmem>>) dst(%dma_wait3A_1599 : memref<8x128xf32, #tpu.memory_space<hbm>>)
        %dma_wait3A_1603 = arith.constant 0 : i32
        %dma_wait3A_1604 = arith.constant 3 : i32
        %dma_wait3A_1605 = arith.constant 0 : i32
        %dma_wait3A_1606 = arith.constant 24 : i32
        %dma_wait3A_1607 = arith.constant 0 : i32
        %dma_wait3A_1608 = tpu.memref_slice %arg15[%dma_wait3A_1606, %dma_wait3A_1607] : memref<64x133xf32, #tpu.memory_space<vmem>> -> memref<8x128xf32, #tpu.memory_space<vmem>>
        %dma_wait3A_1609 = arith.constant 0 : i32
        %dma_wait3A_1610 = arith.constant 0 : i32
        %dma_wait3A_1611 = tpu.memref_slice %arg4[%dma_wait3A_1603, %dma_wait3A_1604, %dma_wait3A_1605, %dma_wait3A_1609, %dma_wait3A_1610] : memref<50x8x128x8x128xf32, #tpu.memory_space<hbm>> -> memref<1x1x1x8x128xf32, #tpu.memory_space<hbm>>
        %dma_wait3A_1612 = tpu.memref_squeeze %dma_wait3A_1611 : memref<1x1x1x8x128xf32, #tpu.memory_space<hbm>> -> memref<8x128xf32, #tpu.memory_space<hbm>>
        %dma_wait3A_1613 = arith.constant 0 : i32
        %dma_wait3A_1614 = arith.constant 0 : i32
        %dma_wait3A_1615 = tpu.memref_slice %arg4[%dma_wait3A_1603, %dma_wait3A_1604, %dma_wait3A_1605, %dma_wait3A_1613, %dma_wait3A_1614] : memref<50x8x128x8x128xf32, #tpu.memory_space<hbm>> -> memref<1x1x1x8x128xf32, #tpu.memory_space<hbm>>
        %dma_wait3A_1616 = tpu.memref_squeeze %dma_wait3A_1615 : memref<1x1x1x8x128xf32, #tpu.memory_space<hbm>> -> memref<8x128xf32, #tpu.memory_space<hbm>>
        %dma_wait3A_1617 = arith.constant 24 : i32
        %dma_wait3A_1618 = arith.constant 0 : i32
        %dma_wait3A_1619 = tpu.memref_slice %arg15[%dma_wait3A_1617, %dma_wait3A_1618] : memref<64x133xf32, #tpu.memory_space<vmem>> -> memref<8x128xf32, #tpu.memory_space<vmem>>
        tpu.wait_dma2 semaphore(%arg27 : memref<!tpu.dma_semaphore, #tpu.memory_space<semaphore_mem>>) src(%dma_wait3A_1619 : memref<8x128xf32, #tpu.memory_space<vmem>>) dst(%dma_wait3A_1616 : memref<8x128xf32, #tpu.memory_space<hbm>>)
        %dma_wait3A_1620 = arith.constant 0 : i32
        %dma_wait3A_1621 = arith.constant 4 : i32
        %dma_wait3A_1622 = arith.constant 0 : i32
        %dma_wait3A_1623 = arith.constant 32 : i32
        %dma_wait3A_1624 = arith.constant 0 : i32
        %dma_wait3A_1625 = tpu.memref_slice %arg15[%dma_wait3A_1623, %dma_wait3A_1624] : memref<64x133xf32, #tpu.memory_space<vmem>> -> memref<8x128xf32, #tpu.memory_space<vmem>>
        %dma_wait3A_1626 = arith.constant 0 : i32
        %dma_wait3A_1627 = arith.constant 0 : i32
        %dma_wait3A_1628 = tpu.memref_slice %arg4[%dma_wait3A_1620, %dma_wait3A_1621, %dma_wait3A_1622, %dma_wait3A_1626, %dma_wait3A_1627] : memref<50x8x128x8x128xf32, #tpu.memory_space<hbm>> -> memref<1x1x1x8x128xf32, #tpu.memory_space<hbm>>
        %dma_wait3A_1629 = tpu.memref_squeeze %dma_wait3A_1628 : memref<1x1x1x8x128xf32, #tpu.memory_space<hbm>> -> memref<8x128xf32, #tpu.memory_space<hbm>>
        %dma_wait3A_1630 = arith.constant 0 : i32
        %dma_wait3A_1631 = arith.constant 0 : i32
        %dma_wait3A_1632 = tpu.memref_slice %arg4[%dma_wait3A_1620, %dma_wait3A_1621, %dma_wait3A_1622, %dma_wait3A_1630, %dma_wait3A_1631] : memref<50x8x128x8x128xf32, #tpu.memory_space<hbm>> -> memref<1x1x1x8x128xf32, #tpu.memory_space<hbm>>
        %dma_wait3A_1633 = tpu.memref_squeeze %dma_wait3A_1632 : memref<1x1x1x8x128xf32, #tpu.memory_space<hbm>> -> memref<8x128xf32, #tpu.memory_space<hbm>>
        %dma_wait3A_1634 = arith.constant 32 : i32
        %dma_wait3A_1635 = arith.constant 0 : i32
        %dma_wait3A_1636 = tpu.memref_slice %arg15[%dma_wait3A_1634, %dma_wait3A_1635] : memref<64x133xf32, #tpu.memory_space<vmem>> -> memref<8x128xf32, #tpu.memory_space<vmem>>
        tpu.wait_dma2 semaphore(%arg27 : memref<!tpu.dma_semaphore, #tpu.memory_space<semaphore_mem>>) src(%dma_wait3A_1636 : memref<8x128xf32, #tpu.memory_space<vmem>>) dst(%dma_wait3A_1633 : memref<8x128xf32, #tpu.memory_space<hbm>>)
        %dma_wait3A_1637 = arith.constant 0 : i32
        %dma_wait3A_1638 = arith.constant 5 : i32
        %dma_wait3A_1639 = arith.constant 0 : i32
        %dma_wait3A_1640 = arith.constant 40 : i32
        %dma_wait3A_1641 = arith.constant 0 : i32
        %dma_wait3A_1642 = tpu.memref_slice %arg15[%dma_wait3A_1640, %dma_wait3A_1641] : memref<64x133xf32, #tpu.memory_space<vmem>> -> memref<8x128xf32, #tpu.memory_space<vmem>>
        %dma_wait3A_1643 = arith.constant 0 : i32
        %dma_wait3A_1644 = arith.constant 0 : i32
        %dma_wait3A_1645 = tpu.memref_slice %arg4[%dma_wait3A_1637, %dma_wait3A_1638, %dma_wait3A_1639, %dma_wait3A_1643, %dma_wait3A_1644] : memref<50x8x128x8x128xf32, #tpu.memory_space<hbm>> -> memref<1x1x1x8x128xf32, #tpu.memory_space<hbm>>
        %dma_wait3A_1646 = tpu.memref_squeeze %dma_wait3A_1645 : memref<1x1x1x8x128xf32, #tpu.memory_space<hbm>> -> memref<8x128xf32, #tpu.memory_space<hbm>>
        %dma_wait3A_1647 = arith.constant 0 : i32
        %dma_wait3A_1648 = arith.constant 0 : i32
        %dma_wait3A_1649 = tpu.memref_slice %arg4[%dma_wait3A_1637, %dma_wait3A_1638, %dma_wait3A_1639, %dma_wait3A_1647, %dma_wait3A_1648] : memref<50x8x128x8x128xf32, #tpu.memory_space<hbm>> -> memref<1x1x1x8x128xf32, #tpu.memory_space<hbm>>
        %dma_wait3A_1650 = tpu.memref_squeeze %dma_wait3A_1649 : memref<1x1x1x8x128xf32, #tpu.memory_space<hbm>> -> memref<8x128xf32, #tpu.memory_space<hbm>>
        %dma_wait3A_1651 = arith.constant 40 : i32
        %dma_wait3A_1652 = arith.constant 0 : i32
        %dma_wait3A_1653 = tpu.memref_slice %arg15[%dma_wait3A_1651, %dma_wait3A_1652] : memref<64x133xf32, #tpu.memory_space<vmem>> -> memref<8x128xf32, #tpu.memory_space<vmem>>
        tpu.wait_dma2 semaphore(%arg27 : memref<!tpu.dma_semaphore, #tpu.memory_space<semaphore_mem>>) src(%dma_wait3A_1653 : memref<8x128xf32, #tpu.memory_space<vmem>>) dst(%dma_wait3A_1650 : memref<8x128xf32, #tpu.memory_space<hbm>>)
        %dma_wait3A_1654 = arith.constant 0 : i32
        %dma_wait3A_1655 = arith.constant 6 : i32
        %dma_wait3A_1656 = arith.constant 0 : i32
        %dma_wait3A_1657 = arith.constant 48 : i32
        %dma_wait3A_1658 = arith.constant 0 : i32
        %dma_wait3A_1659 = tpu.memref_slice %arg15[%dma_wait3A_1657, %dma_wait3A_1658] : memref<64x133xf32, #tpu.memory_space<vmem>> -> memref<8x128xf32, #tpu.memory_space<vmem>>
        %dma_wait3A_1660 = arith.constant 0 : i32
        %dma_wait3A_1661 = arith.constant 0 : i32
        %dma_wait3A_1662 = tpu.memref_slice %arg4[%dma_wait3A_1654, %dma_wait3A_1655, %dma_wait3A_1656, %dma_wait3A_1660, %dma_wait3A_1661] : memref<50x8x128x8x128xf32, #tpu.memory_space<hbm>> -> memref<1x1x1x8x128xf32, #tpu.memory_space<hbm>>
        %dma_wait3A_1663 = tpu.memref_squeeze %dma_wait3A_1662 : memref<1x1x1x8x128xf32, #tpu.memory_space<hbm>> -> memref<8x128xf32, #tpu.memory_space<hbm>>
        %dma_wait3A_1664 = arith.constant 0 : i32
        %dma_wait3A_1665 = arith.constant 0 : i32
        %dma_wait3A_1666 = tpu.memref_slice %arg4[%dma_wait3A_1654, %dma_wait3A_1655, %dma_wait3A_1656, %dma_wait3A_1664, %dma_wait3A_1665] : memref<50x8x128x8x128xf32, #tpu.memory_space<hbm>> -> memref<1x1x1x8x128xf32, #tpu.memory_space<hbm>>
        %dma_wait3A_1667 = tpu.memref_squeeze %dma_wait3A_1666 : memref<1x1x1x8x128xf32, #tpu.memory_space<hbm>> -> memref<8x128xf32, #tpu.memory_space<hbm>>
        %dma_wait3A_1668 = arith.constant 48 : i32
        %dma_wait3A_1669 = arith.constant 0 : i32
        %dma_wait3A_1670 = tpu.memref_slice %arg15[%dma_wait3A_1668, %dma_wait3A_1669] : memref<64x133xf32, #tpu.memory_space<vmem>> -> memref<8x128xf32, #tpu.memory_space<vmem>>
        tpu.wait_dma2 semaphore(%arg27 : memref<!tpu.dma_semaphore, #tpu.memory_space<semaphore_mem>>) src(%dma_wait3A_1670 : memref<8x128xf32, #tpu.memory_space<vmem>>) dst(%dma_wait3A_1667 : memref<8x128xf32, #tpu.memory_space<hbm>>)
        %dma_wait3A_1671 = arith.constant 0 : i32
        %dma_wait3A_1672 = arith.constant 7 : i32
        %dma_wait3A_1673 = arith.constant 0 : i32
        %dma_wait3A_1674 = arith.constant 56 : i32
        %dma_wait3A_1675 = arith.constant 0 : i32
        %dma_wait3A_1676 = tpu.memref_slice %arg15[%dma_wait3A_1674, %dma_wait3A_1675] : memref<64x133xf32, #tpu.memory_space<vmem>> -> memref<8x128xf32, #tpu.memory_space<vmem>>
        %dma_wait3A_1677 = arith.constant 0 : i32
        %dma_wait3A_1678 = arith.constant 0 : i32
        %dma_wait3A_1679 = tpu.memref_slice %arg4[%dma_wait3A_1671, %dma_wait3A_1672, %dma_wait3A_1673, %dma_wait3A_1677, %dma_wait3A_1678] : memref<50x8x128x8x128xf32, #tpu.memory_space<hbm>> -> memref<1x1x1x8x128xf32, #tpu.memory_space<hbm>>
        %dma_wait3A_1680 = tpu.memref_squeeze %dma_wait3A_1679 : memref<1x1x1x8x128xf32, #tpu.memory_space<hbm>> -> memref<8x128xf32, #tpu.memory_space<hbm>>
        %dma_wait3A_1681 = arith.constant 0 : i32
        %dma_wait3A_1682 = arith.constant 0 : i32
        %dma_wait3A_1683 = tpu.memref_slice %arg4[%dma_wait3A_1671, %dma_wait3A_1672, %dma_wait3A_1673, %dma_wait3A_1681, %dma_wait3A_1682] : memref<50x8x128x8x128xf32, #tpu.memory_space<hbm>> -> memref<1x1x1x8x128xf32, #tpu.memory_space<hbm>>
        %dma_wait3A_1684 = tpu.memref_squeeze %dma_wait3A_1683 : memref<1x1x1x8x128xf32, #tpu.memory_space<hbm>> -> memref<8x128xf32, #tpu.memory_space<hbm>>
        %dma_wait3A_1685 = arith.constant 56 : i32
        %dma_wait3A_1686 = arith.constant 0 : i32
        %dma_wait3A_1687 = tpu.memref_slice %arg15[%dma_wait3A_1685, %dma_wait3A_1686] : memref<64x133xf32, #tpu.memory_space<vmem>> -> memref<8x128xf32, #tpu.memory_space<vmem>>
        tpu.wait_dma2 semaphore(%arg27 : memref<!tpu.dma_semaphore, #tpu.memory_space<semaphore_mem>>) src(%dma_wait3A_1687 : memref<8x128xf32, #tpu.memory_space<vmem>>) dst(%dma_wait3A_1684 : memref<8x128xf32, #tpu.memory_space<hbm>>)
      } else {
      }
      %scan3A_1173 = arith.constant 0 : i32
      %scan3A_1174 = arith.constant 16 : i32
      %scan3A_1175 = arith.addi %scan3A_1173, %scan3A_1174 : i32
      %scan3A_1176 = arith.constant 1 : i32
      scf.for %scan3A_1552 = %scan3A_1173 to %scan3A_1175 step %scan3A_1176  : i32 {
        %mul3A_1553 = arith.constant 8 : i32
        %mul3A_1554 = arith.muli %scan3A_1552, %mul3A_1553 : i32
        %add3A_1555 = arith.constant 0 : i32
        %add3A_1556 = arith.addi %add3A_1555, %mul3A_1554 : i32
        %add3A_1557 = arith.constant 0 : i32
        %add3A_1558 = arith.addi %add3A_1556, %add3A_1557 : i32
        %add3A_1559 = vector.broadcast %add3A_1558 : i32 to vector<16xi32>
        %add3A_1560 = arith.addi %mul3A_5, %add3A_1559 : vector<16xi32>
        %get3A = arith.index_cast %add3A_1558 : i32 to index
        %get3A_1561 = arith.constant 0 : index
        %get3A_1562 = tpu.vector_load %arg11[%get3A, %get3A_1561] {strides = array<i32>} : memref<128x64xf32, #tpu.memory_space<vmem>>, vector<16xf32>,
        tpu.vector_store_idx %arg15[%add3A_8, %add3A_1560], %get3A_1562 : memref<64x133xf32, #tpu.memory_space<vmem>>[vector<16xi32>, vector<16xi32>], vector<16xf32>,
        %get3A_1563 = arith.index_cast %add3A_1558 : i32 to index
        %get3A_1564 = arith.constant 16 : index
        %get3A_1565 = tpu.vector_load %arg11[%get3A_1563, %get3A_1564] {strides = array<i32>} : memref<128x64xf32, #tpu.memory_space<vmem>>, vector<16xf32>,
        tpu.vector_store_idx %arg15[%add3A_11, %add3A_1560], %get3A_1565 : memref<64x133xf32, #tpu.memory_space<vmem>>[vector<16xi32>, vector<16xi32>], vector<16xf32>,
        %get3A_1566 = arith.index_cast %add3A_1558 : i32 to index
        %get3A_1567 = arith.constant 32 : index
        %get3A_1568 = tpu.vector_load %arg11[%get3A_1566, %get3A_1567] {strides = array<i32>} : memref<128x64xf32, #tpu.memory_space<vmem>>, vector<16xf32>,
        tpu.vector_store_idx %arg15[%add3A_14, %add3A_1560], %get3A_1568 : memref<64x133xf32, #tpu.memory_space<vmem>>[vector<16xi32>, vector<16xi32>], vector<16xf32>,
        %get3A_1569 = arith.index_cast %add3A_1558 : i32 to index
        %get3A_1570 = arith.constant 48 : index
        %get3A_1571 = tpu.vector_load %arg11[%get3A_1569, %get3A_1570] {strides = array<i32>} : memref<128x64xf32, #tpu.memory_space<vmem>>, vector<16xf32>,
        tpu.vector_store_idx %arg15[%add3A_17, %add3A_1560], %get3A_1571 : memref<64x133xf32, #tpu.memory_space<vmem>>[vector<16xi32>, vector<16xi32>], vector<16xf32>,
        %add3A_1572 = arith.constant 1 : i32
        %add3A_1573 = arith.addi %add3A_1556, %add3A_1572 : i32
        %add3A_1574 = vector.broadcast %add3A_1573 : i32 to vector<16xi32>
        %add3A_1575 = arith.addi %mul3A_5, %add3A_1574 : vector<16xi32>
        %get3A_1576 = arith.index_cast %add3A_1573 : i32 to index
        %get3A_1577 = arith.constant 0 : index
        %get3A_1578 = tpu.vector_load %arg11[%get3A_1576, %get3A_1577] {strides = array<i32>} : memref<128x64xf32, #tpu.memory_space<vmem>>, vector<16xf32>,
        tpu.vector_store_idx %arg15[%add3A_8, %add3A_1575], %get3A_1578 : memref<64x133xf32, #tpu.memory_space<vmem>>[vector<16xi32>, vector<16xi32>], vector<16xf32>,
        %get3A_1579 = arith.index_cast %add3A_1573 : i32 to index
        %get3A_1580 = arith.constant 16 : index
        %get3A_1581 = tpu.vector_load %arg11[%get3A_1579, %get3A_1580] {strides = array<i32>} : memref<128x64xf32, #tpu.memory_space<vmem>>, vector<16xf32>,
        tpu.vector_store_idx %arg15[%add3A_11, %add3A_1575], %get3A_1581 : memref<64x133xf32, #tpu.memory_space<vmem>>[vector<16xi32>, vector<16xi32>], vector<16xf32>,
        %get3A_1582 = arith.index_cast %add3A_1573 : i32 to index
        %get3A_1583 = arith.constant 32 : index
        %get3A_1584 = tpu.vector_load %arg11[%get3A_1582, %get3A_1583] {strides = array<i32>} : memref<128x64xf32, #tpu.memory_space<vmem>>, vector<16xf32>,
        tpu.vector_store_idx %arg15[%add3A_14, %add3A_1575], %get3A_1584 : memref<64x133xf32, #tpu.memory_space<vmem>>[vector<16xi32>, vector<16xi32>], vector<16xf32>,
        %get3A_1585 = arith.index_cast %add3A_1573 : i32 to index
        %get3A_1586 = arith.constant 48 : index
        %get3A_1587 = tpu.vector_load %arg11[%get3A_1585, %get3A_1586] {strides = array<i32>} : memref<128x64xf32, #tpu.memory_space<vmem>>, vector<16xf32>,
        tpu.vector_store_idx %arg15[%add3A_17, %add3A_1575], %get3A_1587 : memref<64x133xf32, #tpu.memory_space<vmem>>[vector<16xi32>, vector<16xi32>], vector<16xf32>,
        %add3A_1588 = arith.constant 2 : i32
        %add3A_1589 = arith.addi %add3A_1556, %add3A_1588 : i32
        %add3A_1590 = vector.broadcast %add3A_1589 : i32 to vector<16xi32>
        %add3A_1591 = arith.addi %mul3A_5, %add3A_1590 : vector<16xi32>
        %get3A_1592 = arith.index_cast %add3A_1589 : i32 to index
        %get3A_1593 = arith.constant 0 : index
        %get3A_1594 = tpu.vector_load %arg11[%get3A_1592, %get3A_1593] {strides = array<i32>} : memref<128x64xf32, #tpu.memory_space<vmem>>, vector<16xf32>,
        tpu.vector_store_idx %arg15[%add3A_8, %add3A_1591], %get3A_1594 : memref<64x133xf32, #tpu.memory_space<vmem>>[vector<16xi32>, vector<16xi32>], vector<16xf32>,
        %get3A_1595 = arith.index_cast %add3A_1589 : i32 to index
        %get3A_1596 = arith.constant 16 : index
        %get3A_1597 = tpu.vector_load %arg11[%get3A_1595, %get3A_1596] {strides = array<i32>} : memref<128x64xf32, #tpu.memory_space<vmem>>, vector<16xf32>,
        tpu.vector_store_idx %arg15[%add3A_11, %add3A_1591], %get3A_1597 : memref<64x133xf32, #tpu.memory_space<vmem>>[vector<16xi32>, vector<16xi32>], vector<16xf32>,
        %get3A_1598 = arith.index_cast %add3A_1589 : i32 to index
        %get3A_1599 = arith.constant 32 : index
        %get3A_1600 = tpu.vector_load %arg11[%get3A_1598, %get3A_1599] {strides = array<i32>} : memref<128x64xf32, #tpu.memory_space<vmem>>, vector<16xf32>,
        tpu.vector_store_idx %arg15[%add3A_14, %add3A_1591], %get3A_1600 : memref<64x133xf32, #tpu.memory_space<vmem>>[vector<16xi32>, vector<16xi32>], vector<16xf32>,
        %get3A_1601 = arith.index_cast %add3A_1589 : i32 to index
        %get3A_1602 = arith.constant 48 : index
        %get3A_1603 = tpu.vector_load %arg11[%get3A_1601, %get3A_1602] {strides = array<i32>} : memref<128x64xf32, #tpu.memory_space<vmem>>, vector<16xf32>,
        tpu.vector_store_idx %arg15[%add3A_17, %add3A_1591], %get3A_1603 : memref<64x133xf32, #tpu.memory_space<vmem>>[vector<16xi32>, vector<16xi32>], vector<16xf32>,
        %add3A_1604 = arith.constant 3 : i32
        %add3A_1605 = arith.addi %add3A_1556, %add3A_1604 : i32
        %add3A_1606 = vector.broadcast %add3A_1605 : i32 to vector<16xi32>
        %add3A_1607 = arith.addi %mul3A_5, %add3A_1606 : vector<16xi32>
        %get3A_1608 = arith.index_cast %add3A_1605 : i32 to index
        %get3A_1609 = arith.constant 0 : index
        %get3A_1610 = tpu.vector_load %arg11[%get3A_1608, %get3A_1609] {strides = array<i32>} : memref<128x64xf32, #tpu.memory_space<vmem>>, vector<16xf32>,
        tpu.vector_store_idx %arg15[%add3A_8, %add3A_1607], %get3A_1610 : memref<64x133xf32, #tpu.memory_space<vmem>>[vector<16xi32>, vector<16xi32>], vector<16xf32>,
        %get3A_1611 = arith.index_cast %add3A_1605 : i32 to index
        %get3A_1612 = arith.constant 16 : index
        %get3A_1613 = tpu.vector_load %arg11[%get3A_1611, %get3A_1612] {strides = array<i32>} : memref<128x64xf32, #tpu.memory_space<vmem>>, vector<16xf32>,
        tpu.vector_store_idx %arg15[%add3A_11, %add3A_1607], %get3A_1613 : memref<64x133xf32, #tpu.memory_space<vmem>>[vector<16xi32>, vector<16xi32>], vector<16xf32>,
        %get3A_1614 = arith.index_cast %add3A_1605 : i32 to index
        %get3A_1615 = arith.constant 32 : index
        %get3A_1616 = tpu.vector_load %arg11[%get3A_1614, %get3A_1615] {strides = array<i32>} : memref<128x64xf32, #tpu.memory_space<vmem>>, vector<16xf32>,
        tpu.vector_store_idx %arg15[%add3A_14, %add3A_1607], %get3A_1616 : memref<64x133xf32, #tpu.memory_space<vmem>>[vector<16xi32>, vector<16xi32>], vector<16xf32>,
        %get3A_1617 = arith.index_cast %add3A_1605 : i32 to index
        %get3A_1618 = arith.constant 48 : index
        %get3A_1619 = tpu.vector_load %arg11[%get3A_1617, %get3A_1618] {strides = array<i32>} : memref<128x64xf32, #tpu.memory_space<vmem>>, vector<16xf32>,
        tpu.vector_store_idx %arg15[%add3A_17, %add3A_1607], %get3A_1619 : memref<64x133xf32, #tpu.memory_space<vmem>>[vector<16xi32>, vector<16xi32>], vector<16xf32>,
        %add3A_1620 = arith.constant 4 : i32
        %add3A_1621 = arith.addi %add3A_1556, %add3A_1620 : i32
        %add3A_1622 = vector.broadcast %add3A_1621 : i32 to vector<16xi32>
        %add3A_1623 = arith.addi %mul3A_5, %add3A_1622 : vector<16xi32>
        %get3A_1624 = arith.index_cast %add3A_1621 : i32 to index
        %get3A_1625 = arith.constant 0 : index
        %get3A_1626 = tpu.vector_load %arg11[%get3A_1624, %get3A_1625] {strides = array<i32>} : memref<128x64xf32, #tpu.memory_space<vmem>>, vector<16xf32>,
        tpu.vector_store_idx %arg15[%add3A_8, %add3A_1623], %get3A_1626 : memref<64x133xf32, #tpu.memory_space<vmem>>[vector<16xi32>, vector<16xi32>], vector<16xf32>,
        %get3A_1627 = arith.index_cast %add3A_1621 : i32 to index
        %get3A_1628 = arith.constant 16 : index
        %get3A_1629 = tpu.vector_load %arg11[%get3A_1627, %get3A_1628] {strides = array<i32>} : memref<128x64xf32, #tpu.memory_space<vmem>>, vector<16xf32>,
        tpu.vector_store_idx %arg15[%add3A_11, %add3A_1623], %get3A_1629 : memref<64x133xf32, #tpu.memory_space<vmem>>[vector<16xi32>, vector<16xi32>], vector<16xf32>,
        %get3A_1630 = arith.index_cast %add3A_1621 : i32 to index
        %get3A_1631 = arith.constant 32 : index
        %get3A_1632 = tpu.vector_load %arg11[%get3A_1630, %get3A_1631] {strides = array<i32>} : memref<128x64xf32, #tpu.memory_space<vmem>>, vector<16xf32>,
        tpu.vector_store_idx %arg15[%add3A_14, %add3A_1623], %get3A_1632 : memref<64x133xf32, #tpu.memory_space<vmem>>[vector<16xi32>, vector<16xi32>], vector<16xf32>,
        %get3A_1633 = arith.index_cast %add3A_1621 : i32 to index
        %get3A_1634 = arith.constant 48 : index
        %get3A_1635 = tpu.vector_load %arg11[%get3A_1633, %get3A_1634] {strides = array<i32>} : memref<128x64xf32, #tpu.memory_space<vmem>>, vector<16xf32>,
        tpu.vector_store_idx %arg15[%add3A_17, %add3A_1623], %get3A_1635 : memref<64x133xf32, #tpu.memory_space<vmem>>[vector<16xi32>, vector<16xi32>], vector<16xf32>,
        %add3A_1636 = arith.constant 5 : i32
        %add3A_1637 = arith.addi %add3A_1556, %add3A_1636 : i32
        %add3A_1638 = vector.broadcast %add3A_1637 : i32 to vector<16xi32>
        %add3A_1639 = arith.addi %mul3A_5, %add3A_1638 : vector<16xi32>
        %get3A_1640 = arith.index_cast %add3A_1637 : i32 to index
        %get3A_1641 = arith.constant 0 : index
        %get3A_1642 = tpu.vector_load %arg11[%get3A_1640, %get3A_1641] {strides = array<i32>} : memref<128x64xf32, #tpu.memory_space<vmem>>, vector<16xf32>,
        tpu.vector_store_idx %arg15[%add3A_8, %add3A_1639], %get3A_1642 : memref<64x133xf32, #tpu.memory_space<vmem>>[vector<16xi32>, vector<16xi32>], vector<16xf32>,
        %get3A_1643 = arith.index_cast %add3A_1637 : i32 to index
        %get3A_1644 = arith.constant 16 : index
        %get3A_1645 = tpu.vector_load %arg11[%get3A_1643, %get3A_1644] {strides = array<i32>} : memref<128x64xf32, #tpu.memory_space<vmem>>, vector<16xf32>,
        tpu.vector_store_idx %arg15[%add3A_11, %add3A_1639], %get3A_1645 : memref<64x133xf32, #tpu.memory_space<vmem>>[vector<16xi32>, vector<16xi32>], vector<16xf32>,
        %get3A_1646 = arith.index_cast %add3A_1637 : i32 to index
        %get3A_1647 = arith.constant 32 : index
        %get3A_1648 = tpu.vector_load %arg11[%get3A_1646, %get3A_1647] {strides = array<i32>} : memref<128x64xf32, #tpu.memory_space<vmem>>, vector<16xf32>,
        tpu.vector_store_idx %arg15[%add3A_14, %add3A_1639], %get3A_1648 : memref<64x133xf32, #tpu.memory_space<vmem>>[vector<16xi32>, vector<16xi32>], vector<16xf32>,
        %get3A_1649 = arith.index_cast %add3A_1637 : i32 to index
        %get3A_1650 = arith.constant 48 : index
        %get3A_1651 = tpu.vector_load %arg11[%get3A_1649, %get3A_1650] {strides = array<i32>} : memref<128x64xf32, #tpu.memory_space<vmem>>, vector<16xf32>,
        tpu.vector_store_idx %arg15[%add3A_17, %add3A_1639], %get3A_1651 : memref<64x133xf32, #tpu.memory_space<vmem>>[vector<16xi32>, vector<16xi32>], vector<16xf32>,
        %add3A_1652 = arith.constant 6 : i32
        %add3A_1653 = arith.addi %add3A_1556, %add3A_1652 : i32
        %add3A_1654 = vector.broadcast %add3A_1653 : i32 to vector<16xi32>
        %add3A_1655 = arith.addi %mul3A_5, %add3A_1654 : vector<16xi32>
        %get3A_1656 = arith.index_cast %add3A_1653 : i32 to index
        %get3A_1657 = arith.constant 0 : index
        %get3A_1658 = tpu.vector_load %arg11[%get3A_1656, %get3A_1657] {strides = array<i32>} : memref<128x64xf32, #tpu.memory_space<vmem>>, vector<16xf32>,
        tpu.vector_store_idx %arg15[%add3A_8, %add3A_1655], %get3A_1658 : memref<64x133xf32, #tpu.memory_space<vmem>>[vector<16xi32>, vector<16xi32>], vector<16xf32>,
        %get3A_1659 = arith.index_cast %add3A_1653 : i32 to index
        %get3A_1660 = arith.constant 16 : index
        %get3A_1661 = tpu.vector_load %arg11[%get3A_1659, %get3A_1660] {strides = array<i32>} : memref<128x64xf32, #tpu.memory_space<vmem>>, vector<16xf32>,
        tpu.vector_store_idx %arg15[%add3A_11, %add3A_1655], %get3A_1661 : memref<64x133xf32, #tpu.memory_space<vmem>>[vector<16xi32>, vector<16xi32>], vector<16xf32>,
        %get3A_1662 = arith.index_cast %add3A_1653 : i32 to index
        %get3A_1663 = arith.constant 32 : index
        %get3A_1664 = tpu.vector_load %arg11[%get3A_1662, %get3A_1663] {strides = array<i32>} : memref<128x64xf32, #tpu.memory_space<vmem>>, vector<16xf32>,
        tpu.vector_store_idx %arg15[%add3A_14, %add3A_1655], %get3A_1664 : memref<64x133xf32, #tpu.memory_space<vmem>>[vector<16xi32>, vector<16xi32>], vector<16xf32>,
        %get3A_1665 = arith.index_cast %add3A_1653 : i32 to index
        %get3A_1666 = arith.constant 48 : index
        %get3A_1667 = tpu.vector_load %arg11[%get3A_1665, %get3A_1666] {strides = array<i32>} : memref<128x64xf32, #tpu.memory_space<vmem>>, vector<16xf32>,
        tpu.vector_store_idx %arg15[%add3A_17, %add3A_1655], %get3A_1667 : memref<64x133xf32, #tpu.memory_space<vmem>>[vector<16xi32>, vector<16xi32>], vector<16xf32>,
        %add3A_1668 = arith.constant 7 : i32
        %add3A_1669 = arith.addi %add3A_1556, %add3A_1668 : i32
        %add3A_1670 = vector.broadcast %add3A_1669 : i32 to vector<16xi32>
        %add3A_1671 = arith.addi %mul3A_5, %add3A_1670 : vector<16xi32>
        %get3A_1672 = arith.index_cast %add3A_1669 : i32 to index
        %get3A_1673 = arith.constant 0 : index
        %get3A_1674 = tpu.vector_load %arg11[%get3A_1672, %get3A_1673] {strides = array<i32>} : memref<128x64xf32, #tpu.memory_space<vmem>>, vector<16xf32>,
        tpu.vector_store_idx %arg15[%add3A_8, %add3A_1671], %get3A_1674 : memref<64x133xf32, #tpu.memory_space<vmem>>[vector<16xi32>, vector<16xi32>], vector<16xf32>,
        %get3A_1675 = arith.index_cast %add3A_1669 : i32 to index
        %get3A_1676 = arith.constant 16 : index
        %get3A_1677 = tpu.vector_load %arg11[%get3A_1675, %get3A_1676] {strides = array<i32>} : memref<128x64xf32, #tpu.memory_space<vmem>>, vector<16xf32>,
        tpu.vector_store_idx %arg15[%add3A_11, %add3A_1671], %get3A_1677 : memref<64x133xf32, #tpu.memory_space<vmem>>[vector<16xi32>, vector<16xi32>], vector<16xf32>,
        %get3A_1678 = arith.index_cast %add3A_1669 : i32 to index
        %get3A_1679 = arith.constant 32 : index
        %get3A_1680 = tpu.vector_load %arg11[%get3A_1678, %get3A_1679] {strides = array<i32>} : memref<128x64xf32, #tpu.memory_space<vmem>>, vector<16xf32>,
        tpu.vector_store_idx %arg15[%add3A_14, %add3A_1671], %get3A_1680 : memref<64x133xf32, #tpu.memory_space<vmem>>[vector<16xi32>, vector<16xi32>], vector<16xf32>,
        %get3A_1681 = arith.index_cast %add3A_1669 : i32 to index
        %get3A_1682 = arith.constant 48 : index
        %get3A_1683 = tpu.vector_load %arg11[%get3A_1681, %get3A_1682] {strides = array<i32>} : memref<128x64xf32, #tpu.memory_space<vmem>>, vector<16xf32>,
        tpu.vector_store_idx %arg15[%add3A_17, %add3A_1671], %get3A_1683 : memref<64x133xf32, #tpu.memory_space<vmem>>[vector<16xi32>, vector<16xi32>], vector<16xf32>,
      }
      %scan3A_1177 = arith.constant 16 : i32
      %jit3A_1178 = arith.constant 128 : i32
      %div3A_1179 = arith.divsi %add3A_1162, %jit3A_1178 : i32
      %sign3A_1180 = arith.constant 0 : i32
      %sign3A_1181 = arith.cmpi sgt, %add3A_1162, %sign3A_1180 : i32
      %sign3A_1182 = arith.extui %sign3A_1181 : i1 to i32
      %sign3A_1183 = arith.constant 0 : i32
      %sign3A_1184 = arith.cmpi slt, %add3A_1162, %sign3A_1183 : i32
      %sign3A_1185 = arith.extui %sign3A_1184 : i1 to i32
      %sign3A_1186 = arith.subi %sign3A_1182, %sign3A_1185 : i32
      %sign3A_1187 = arith.constant 0 : i32
      %sign3A_1188 = arith.cmpi sgt, %jit3A_1178, %sign3A_1187 : i32
      %sign3A_1189 = arith.extui %sign3A_1188 : i1 to i32
      %sign3A_1190 = arith.constant 0 : i32
      %sign3A_1191 = arith.cmpi slt, %jit3A_1178, %sign3A_1190 : i32
      %sign3A_1192 = arith.extui %sign3A_1191 : i1 to i32
      %sign3A_1193 = arith.subi %sign3A_1189, %sign3A_1192 : i32
      %ne3A_1194 = arith.cmpi ne, %sign3A_1186, %sign3A_1193 : i32
      %rem3A_1195 = arith.remsi %add3A_1162, %jit3A_1178 : i32
      %ne3A_1196 = arith.constant 0 : i32
      %ne3A_1197 = arith.cmpi ne, %rem3A_1195, %ne3A_1196 : i32
      %and3A_1198 = arith.andi %ne3A_1194, %ne3A_1197 : i1
      %sub3A_1199 = arith.constant 1 : i32
      %sub3A_1200 = arith.subi %div3A_1179, %sub3A_1199 : i32
      %select_n3A_1201 = arith.select %and3A_1198, %sub3A_1200, %div3A_1179 : i32
      %jit3A_1202 = arith.constant 128 : i32
      %eq3A_1203 = arith.constant 0 : i32
      %eq3A_1204 = arith.cmpi eq, %jit3A_1202, %eq3A_1203 : i32
      %jit3A_1205 = arith.constant 1 : i32
      %select_n3A_1206 = arith.select %eq3A_1204, %jit3A_1205, %jit3A_1202 : i32
      %rem3A_1207 = arith.remsi %add3A_1162, %select_n3A_1206 : i32
      %ne3A_1208 = arith.constant 0 : i32
      %ne3A_1209 = arith.cmpi ne, %rem3A_1207, %ne3A_1208 : i32
      %lt3A_1210 = arith.constant 0 : i32
      %lt3A_1211 = arith.cmpi slt, %rem3A_1207, %lt3A_1210 : i32
      %lt3A_1212 = arith.constant 0 : i32
      %lt3A_1213 = arith.cmpi slt, %select_n3A_1206, %lt3A_1212 : i32
      %ne3A_1214 = arith.xori %lt3A_1211, %lt3A_1213 : i1
      %and3A_1215 = arith.andi %ne3A_1214, %ne3A_1209 : i1
      %add3A_1216 = arith.addi %rem3A_1207, %select_n3A_1206 : i32
      %select_n3A_1217 = arith.select %and3A_1215, %add3A_1216, %rem3A_1207 : i32
      %dma_start3A_1218 = arith.constant 0 : i32
      %dma_start3A_1219 = arith.constant 0 : i32
      %dma_start3A_1220 = arith.constant 0 : i32
      %dma_start3A_1221 = tpu.memref_slice %arg15[%dma_start3A_1219, %dma_start3A_1220] : memref<64x133xf32, #tpu.memory_space<vmem>> -> memref<8x128xf32, #tpu.memory_space<vmem>>
      %dma_start3A_1222 = arith.constant 0 : i32
      %dma_start3A_1223 = arith.constant 0 : i32
      %dma_start3A_1224 = tpu.memref_slice %arg4[%select_n3A_1201, %dma_start3A_1218, %select_n3A_1217, %dma_start3A_1222, %dma_start3A_1223] : memref<50x8x128x8x128xf32, #tpu.memory_space<hbm>> -> memref<1x1x1x8x128xf32, #tpu.memory_space<hbm>>
      %dma_start3A_1225 = tpu.memref_squeeze %dma_start3A_1224 : memref<1x1x1x8x128xf32, #tpu.memory_space<hbm>> -> memref<8x128xf32, #tpu.memory_space<hbm>>
      %dma_start3A_1226 = arith.constant 0 : i32
      %dma_start3A_1227 = arith.constant 0 : i32
      %dma_start3A_1228 = tpu.memref_slice %arg4[%select_n3A_1201, %dma_start3A_1218, %select_n3A_1217, %dma_start3A_1226, %dma_start3A_1227] : memref<50x8x128x8x128xf32, #tpu.memory_space<hbm>> -> memref<1x1x1x8x128xf32, #tpu.memory_space<hbm>>
      %dma_start3A_1229 = tpu.memref_squeeze %dma_start3A_1228 : memref<1x1x1x8x128xf32, #tpu.memory_space<hbm>> -> memref<8x128xf32, #tpu.memory_space<hbm>>
      %dma_start3A_1230 = arith.constant 0 : i32
      %dma_start3A_1231 = arith.constant 0 : i32
      %dma_start3A_1232 = tpu.memref_slice %arg15[%dma_start3A_1230, %dma_start3A_1231] : memref<64x133xf32, #tpu.memory_space<vmem>> -> memref<8x128xf32, #tpu.memory_space<vmem>>
      tpu.enqueue_dma source(%dma_start3A_1232 : memref<8x128xf32, #tpu.memory_space<vmem>>) target(%dma_start3A_1229 : memref<8x128xf32, #tpu.memory_space<hbm>>) target_semaphore(%arg27 : memref<!tpu.dma_semaphore, #tpu.memory_space<semaphore_mem>>)
      %dma_start3A_1233 = arith.constant 1 : i32
      %dma_start3A_1234 = arith.constant 8 : i32
      %dma_start3A_1235 = arith.constant 0 : i32
      %dma_start3A_1236 = tpu.memref_slice %arg15[%dma_start3A_1234, %dma_start3A_1235] : memref<64x133xf32, #tpu.memory_space<vmem>> -> memref<8x128xf32, #tpu.memory_space<vmem>>
      %dma_start3A_1237 = arith.constant 0 : i32
      %dma_start3A_1238 = arith.constant 0 : i32
      %dma_start3A_1239 = tpu.memref_slice %arg4[%select_n3A_1201, %dma_start3A_1233, %select_n3A_1217, %dma_start3A_1237, %dma_start3A_1238] : memref<50x8x128x8x128xf32, #tpu.memory_space<hbm>> -> memref<1x1x1x8x128xf32, #tpu.memory_space<hbm>>
      %dma_start3A_1240 = tpu.memref_squeeze %dma_start3A_1239 : memref<1x1x1x8x128xf32, #tpu.memory_space<hbm>> -> memref<8x128xf32, #tpu.memory_space<hbm>>
      %dma_start3A_1241 = arith.constant 0 : i32
      %dma_start3A_1242 = arith.constant 0 : i32
      %dma_start3A_1243 = tpu.memref_slice %arg4[%select_n3A_1201, %dma_start3A_1233, %select_n3A_1217, %dma_start3A_1241, %dma_start3A_1242] : memref<50x8x128x8x128xf32, #tpu.memory_space<hbm>> -> memref<1x1x1x8x128xf32, #tpu.memory_space<hbm>>
      %dma_start3A_1244 = tpu.memref_squeeze %dma_start3A_1243 : memref<1x1x1x8x128xf32, #tpu.memory_space<hbm>> -> memref<8x128xf32, #tpu.memory_space<hbm>>
      %dma_start3A_1245 = arith.constant 8 : i32
      %dma_start3A_1246 = arith.constant 0 : i32
      %dma_start3A_1247 = tpu.memref_slice %arg15[%dma_start3A_1245, %dma_start3A_1246] : memref<64x133xf32, #tpu.memory_space<vmem>> -> memref<8x128xf32, #tpu.memory_space<vmem>>
      tpu.enqueue_dma source(%dma_start3A_1247 : memref<8x128xf32, #tpu.memory_space<vmem>>) target(%dma_start3A_1244 : memref<8x128xf32, #tpu.memory_space<hbm>>) target_semaphore(%arg27 : memref<!tpu.dma_semaphore, #tpu.memory_space<semaphore_mem>>)
      %dma_start3A_1248 = arith.constant 2 : i32
      %dma_start3A_1249 = arith.constant 16 : i32
      %dma_start3A_1250 = arith.constant 0 : i32
      %dma_start3A_1251 = tpu.memref_slice %arg15[%dma_start3A_1249, %dma_start3A_1250] : memref<64x133xf32, #tpu.memory_space<vmem>> -> memref<8x128xf32, #tpu.memory_space<vmem>>
      %dma_start3A_1252 = arith.constant 0 : i32
      %dma_start3A_1253 = arith.constant 0 : i32
      %dma_start3A_1254 = tpu.memref_slice %arg4[%select_n3A_1201, %dma_start3A_1248, %select_n3A_1217, %dma_start3A_1252, %dma_start3A_1253] : memref<50x8x128x8x128xf32, #tpu.memory_space<hbm>> -> memref<1x1x1x8x128xf32, #tpu.memory_space<hbm>>
      %dma_start3A_1255 = tpu.memref_squeeze %dma_start3A_1254 : memref<1x1x1x8x128xf32, #tpu.memory_space<hbm>> -> memref<8x128xf32, #tpu.memory_space<hbm>>
      %dma_start3A_1256 = arith.constant 0 : i32
      %dma_start3A_1257 = arith.constant 0 : i32
      %dma_start3A_1258 = tpu.memref_slice %arg4[%select_n3A_1201, %dma_start3A_1248, %select_n3A_1217, %dma_start3A_1256, %dma_start3A_1257] : memref<50x8x128x8x128xf32, #tpu.memory_space<hbm>> -> memref<1x1x1x8x128xf32, #tpu.memory_space<hbm>>
      %dma_start3A_1259 = tpu.memref_squeeze %dma_start3A_1258 : memref<1x1x1x8x128xf32, #tpu.memory_space<hbm>> -> memref<8x128xf32, #tpu.memory_space<hbm>>
      %dma_start3A_1260 = arith.constant 16 : i32
      %dma_start3A_1261 = arith.constant 0 : i32
      %dma_start3A_1262 = tpu.memref_slice %arg15[%dma_start3A_1260, %dma_start3A_1261] : memref<64x133xf32, #tpu.memory_space<vmem>> -> memref<8x128xf32, #tpu.memory_space<vmem>>
      tpu.enqueue_dma source(%dma_start3A_1262 : memref<8x128xf32, #tpu.memory_space<vmem>>) target(%dma_start3A_1259 : memref<8x128xf32, #tpu.memory_space<hbm>>) target_semaphore(%arg27 : memref<!tpu.dma_semaphore, #tpu.memory_space<semaphore_mem>>)
      %dma_start3A_1263 = arith.constant 3 : i32
      %dma_start3A_1264 = arith.constant 24 : i32
      %dma_start3A_1265 = arith.constant 0 : i32
      %dma_start3A_1266 = tpu.memref_slice %arg15[%dma_start3A_1264, %dma_start3A_1265] : memref<64x133xf32, #tpu.memory_space<vmem>> -> memref<8x128xf32, #tpu.memory_space<vmem>>
      %dma_start3A_1267 = arith.constant 0 : i32
      %dma_start3A_1268 = arith.constant 0 : i32
      %dma_start3A_1269 = tpu.memref_slice %arg4[%select_n3A_1201, %dma_start3A_1263, %select_n3A_1217, %dma_start3A_1267, %dma_start3A_1268] : memref<50x8x128x8x128xf32, #tpu.memory_space<hbm>> -> memref<1x1x1x8x128xf32, #tpu.memory_space<hbm>>
      %dma_start3A_1270 = tpu.memref_squeeze %dma_start3A_1269 : memref<1x1x1x8x128xf32, #tpu.memory_space<hbm>> -> memref<8x128xf32, #tpu.memory_space<hbm>>
      %dma_start3A_1271 = arith.constant 0 : i32
      %dma_start3A_1272 = arith.constant 0 : i32
      %dma_start3A_1273 = tpu.memref_slice %arg4[%select_n3A_1201, %dma_start3A_1263, %select_n3A_1217, %dma_start3A_1271, %dma_start3A_1272] : memref<50x8x128x8x128xf32, #tpu.memory_space<hbm>> -> memref<1x1x1x8x128xf32, #tpu.memory_space<hbm>>
      %dma_start3A_1274 = tpu.memref_squeeze %dma_start3A_1273 : memref<1x1x1x8x128xf32, #tpu.memory_space<hbm>> -> memref<8x128xf32, #tpu.memory_space<hbm>>
      %dma_start3A_1275 = arith.constant 24 : i32
      %dma_start3A_1276 = arith.constant 0 : i32
      %dma_start3A_1277 = tpu.memref_slice %arg15[%dma_start3A_1275, %dma_start3A_1276] : memref<64x133xf32, #tpu.memory_space<vmem>> -> memref<8x128xf32, #tpu.memory_space<vmem>>
      tpu.enqueue_dma source(%dma_start3A_1277 : memref<8x128xf32, #tpu.memory_space<vmem>>) target(%dma_start3A_1274 : memref<8x128xf32, #tpu.memory_space<hbm>>) target_semaphore(%arg27 : memref<!tpu.dma_semaphore, #tpu.memory_space<semaphore_mem>>)
      %dma_start3A_1278 = arith.constant 4 : i32
      %dma_start3A_1279 = arith.constant 32 : i32
      %dma_start3A_1280 = arith.constant 0 : i32
      %dma_start3A_1281 = tpu.memref_slice %arg15[%dma_start3A_1279, %dma_start3A_1280] : memref<64x133xf32, #tpu.memory_space<vmem>> -> memref<8x128xf32, #tpu.memory_space<vmem>>
      %dma_start3A_1282 = arith.constant 0 : i32
      %dma_start3A_1283 = arith.constant 0 : i32
      %dma_start3A_1284 = tpu.memref_slice %arg4[%select_n3A_1201, %dma_start3A_1278, %select_n3A_1217, %dma_start3A_1282, %dma_start3A_1283] : memref<50x8x128x8x128xf32, #tpu.memory_space<hbm>> -> memref<1x1x1x8x128xf32, #tpu.memory_space<hbm>>
      %dma_start3A_1285 = tpu.memref_squeeze %dma_start3A_1284 : memref<1x1x1x8x128xf32, #tpu.memory_space<hbm>> -> memref<8x128xf32, #tpu.memory_space<hbm>>
      %dma_start3A_1286 = arith.constant 0 : i32
      %dma_start3A_1287 = arith.constant 0 : i32
      %dma_start3A_1288 = tpu.memref_slice %arg4[%select_n3A_1201, %dma_start3A_1278, %select_n3A_1217, %dma_start3A_1286, %dma_start3A_1287] : memref<50x8x128x8x128xf32, #tpu.memory_space<hbm>> -> memref<1x1x1x8x128xf32, #tpu.memory_space<hbm>>
      %dma_start3A_1289 = tpu.memref_squeeze %dma_start3A_1288 : memref<1x1x1x8x128xf32, #tpu.memory_space<hbm>> -> memref<8x128xf32, #tpu.memory_space<hbm>>
      %dma_start3A_1290 = arith.constant 32 : i32
      %dma_start3A_1291 = arith.constant 0 : i32
      %dma_start3A_1292 = tpu.memref_slice %arg15[%dma_start3A_1290, %dma_start3A_1291] : memref<64x133xf32, #tpu.memory_space<vmem>> -> memref<8x128xf32, #tpu.memory_space<vmem>>
      tpu.enqueue_dma source(%dma_start3A_1292 : memref<8x128xf32, #tpu.memory_space<vmem>>) target(%dma_start3A_1289 : memref<8x128xf32, #tpu.memory_space<hbm>>) target_semaphore(%arg27 : memref<!tpu.dma_semaphore, #tpu.memory_space<semaphore_mem>>)
      %dma_start3A_1293 = arith.constant 5 : i32
      %dma_start3A_1294 = arith.constant 40 : i32
      %dma_start3A_1295 = arith.constant 0 : i32
      %dma_start3A_1296 = tpu.memref_slice %arg15[%dma_start3A_1294, %dma_start3A_1295] : memref<64x133xf32, #tpu.memory_space<vmem>> -> memref<8x128xf32, #tpu.memory_space<vmem>>
      %dma_start3A_1297 = arith.constant 0 : i32
      %dma_start3A_1298 = arith.constant 0 : i32
      %dma_start3A_1299 = tpu.memref_slice %arg4[%select_n3A_1201, %dma_start3A_1293, %select_n3A_1217, %dma_start3A_1297, %dma_start3A_1298] : memref<50x8x128x8x128xf32, #tpu.memory_space<hbm>> -> memref<1x1x1x8x128xf32, #tpu.memory_space<hbm>>
      %dma_start3A_1300 = tpu.memref_squeeze %dma_start3A_1299 : memref<1x1x1x8x128xf32, #tpu.memory_space<hbm>> -> memref<8x128xf32, #tpu.memory_space<hbm>>
      %dma_start3A_1301 = arith.constant 0 : i32
      %dma_start3A_1302 = arith.constant 0 : i32
      %dma_start3A_1303 = tpu.memref_slice %arg4[%select_n3A_1201, %dma_start3A_1293, %select_n3A_1217, %dma_start3A_1301, %dma_start3A_1302] : memref<50x8x128x8x128xf32, #tpu.memory_space<hbm>> -> memref<1x1x1x8x128xf32, #tpu.memory_space<hbm>>
      %dma_start3A_1304 = tpu.memref_squeeze %dma_start3A_1303 : memref<1x1x1x8x128xf32, #tpu.memory_space<hbm>> -> memref<8x128xf32, #tpu.memory_space<hbm>>
      %dma_start3A_1305 = arith.constant 40 : i32
      %dma_start3A_1306 = arith.constant 0 : i32
      %dma_start3A_1307 = tpu.memref_slice %arg15[%dma_start3A_1305, %dma_start3A_1306] : memref<64x133xf32, #tpu.memory_space<vmem>> -> memref<8x128xf32, #tpu.memory_space<vmem>>
      tpu.enqueue_dma source(%dma_start3A_1307 : memref<8x128xf32, #tpu.memory_space<vmem>>) target(%dma_start3A_1304 : memref<8x128xf32, #tpu.memory_space<hbm>>) target_semaphore(%arg27 : memref<!tpu.dma_semaphore, #tpu.memory_space<semaphore_mem>>)
      %dma_start3A_1308 = arith.constant 6 : i32
      %dma_start3A_1309 = arith.constant 48 : i32
      %dma_start3A_1310 = arith.constant 0 : i32
      %dma_start3A_1311 = tpu.memref_slice %arg15[%dma_start3A_1309, %dma_start3A_1310] : memref<64x133xf32, #tpu.memory_space<vmem>> -> memref<8x128xf32, #tpu.memory_space<vmem>>
      %dma_start3A_1312 = arith.constant 0 : i32
      %dma_start3A_1313 = arith.constant 0 : i32
      %dma_start3A_1314 = tpu.memref_slice %arg4[%select_n3A_1201, %dma_start3A_1308, %select_n3A_1217, %dma_start3A_1312, %dma_start3A_1313] : memref<50x8x128x8x128xf32, #tpu.memory_space<hbm>> -> memref<1x1x1x8x128xf32, #tpu.memory_space<hbm>>
      %dma_start3A_1315 = tpu.memref_squeeze %dma_start3A_1314 : memref<1x1x1x8x128xf32, #tpu.memory_space<hbm>> -> memref<8x128xf32, #tpu.memory_space<hbm>>
      %dma_start3A_1316 = arith.constant 0 : i32
      %dma_start3A_1317 = arith.constant 0 : i32
      %dma_start3A_1318 = tpu.memref_slice %arg4[%select_n3A_1201, %dma_start3A_1308, %select_n3A_1217, %dma_start3A_1316, %dma_start3A_1317] : memref<50x8x128x8x128xf32, #tpu.memory_space<hbm>> -> memref<1x1x1x8x128xf32, #tpu.memory_space<hbm>>
      %dma_start3A_1319 = tpu.memref_squeeze %dma_start3A_1318 : memref<1x1x1x8x128xf32, #tpu.memory_space<hbm>> -> memref<8x128xf32, #tpu.memory_space<hbm>>
      %dma_start3A_1320 = arith.constant 48 : i32
      %dma_start3A_1321 = arith.constant 0 : i32
      %dma_start3A_1322 = tpu.memref_slice %arg15[%dma_start3A_1320, %dma_start3A_1321] : memref<64x133xf32, #tpu.memory_space<vmem>> -> memref<8x128xf32, #tpu.memory_space<vmem>>
      tpu.enqueue_dma source(%dma_start3A_1322 : memref<8x128xf32, #tpu.memory_space<vmem>>) target(%dma_start3A_1319 : memref<8x128xf32, #tpu.memory_space<hbm>>) target_semaphore(%arg27 : memref<!tpu.dma_semaphore, #tpu.memory_space<semaphore_mem>>)
      %dma_start3A_1323 = arith.constant 7 : i32
      %dma_start3A_1324 = arith.constant 56 : i32
      %dma_start3A_1325 = arith.constant 0 : i32
      %dma_start3A_1326 = tpu.memref_slice %arg15[%dma_start3A_1324, %dma_start3A_1325] : memref<64x133xf32, #tpu.memory_space<vmem>> -> memref<8x128xf32, #tpu.memory_space<vmem>>
      %dma_start3A_1327 = arith.constant 0 : i32
      %dma_start3A_1328 = arith.constant 0 : i32
      %dma_start3A_1329 = tpu.memref_slice %arg4[%select_n3A_1201, %dma_start3A_1323, %select_n3A_1217, %dma_start3A_1327, %dma_start3A_1328] : memref<50x8x128x8x128xf32, #tpu.memory_space<hbm>> -> memref<1x1x1x8x128xf32, #tpu.memory_space<hbm>>
      %dma_start3A_1330 = tpu.memref_squeeze %dma_start3A_1329 : memref<1x1x1x8x128xf32, #tpu.memory_space<hbm>> -> memref<8x128xf32, #tpu.memory_space<hbm>>
      %dma_start3A_1331 = arith.constant 0 : i32
      %dma_start3A_1332 = arith.constant 0 : i32
      %dma_start3A_1333 = tpu.memref_slice %arg4[%select_n3A_1201, %dma_start3A_1323, %select_n3A_1217, %dma_start3A_1331, %dma_start3A_1332] : memref<50x8x128x8x128xf32, #tpu.memory_space<hbm>> -> memref<1x1x1x8x128xf32, #tpu.memory_space<hbm>>
      %dma_start3A_1334 = tpu.memref_squeeze %dma_start3A_1333 : memref<1x1x1x8x128xf32, #tpu.memory_space<hbm>> -> memref<8x128xf32, #tpu.memory_space<hbm>>
      %dma_start3A_1335 = arith.constant 56 : i32
      %dma_start3A_1336 = arith.constant 0 : i32
      %dma_start3A_1337 = tpu.memref_slice %arg15[%dma_start3A_1335, %dma_start3A_1336] : memref<64x133xf32, #tpu.memory_space<vmem>> -> memref<8x128xf32, #tpu.memory_space<vmem>>
      tpu.enqueue_dma source(%dma_start3A_1337 : memref<8x128xf32, #tpu.memory_space<vmem>>) target(%dma_start3A_1334 : memref<8x128xf32, #tpu.memory_space<hbm>>) target_semaphore(%arg27 : memref<!tpu.dma_semaphore, #tpu.memory_space<semaphore_mem>>)
      %add3A_1338 = arith.constant 2 : i32
      %add3A_1339 = arith.addi %add3A_770, %add3A_1338 : i32
      %add3A_1340 = arith.constant 4 : i32
      %add3A_1341 = arith.addi %add3A_1339, %add3A_1340 : i32
      %lt3A_1342 = arith.constant 200 : i32
      %lt3A_1343 = arith.cmpi slt, %add3A_1341, %lt3A_1342 : i32
      %convert_element_type3A_1344 = arith.extui %lt3A_1343 : i1 to i32
      %cond3A_1345 = arith.constant 0 : i32
      %cond3A_1346 = arith.cmpi ne, %convert_element_type3A_1344, %cond3A_1345 : i32
      scf.if %cond3A_1346 {
        %add3A_1552 = arith.constant 4 : i32
        %add3A_1553 = arith.addi %add3A_1162, %add3A_1552 : i32
        %jit3A_1554 = arith.constant 128 : i32
        %div3A_1555 = arith.divsi %add3A_1553, %jit3A_1554 : i32
        %sign3A_1556 = arith.constant 0 : i32
        %sign3A_1557 = arith.cmpi sgt, %add3A_1553, %sign3A_1556 : i32
        %sign3A_1558 = arith.extui %sign3A_1557 : i1 to i32
        %sign3A_1559 = arith.constant 0 : i32
        %sign3A_1560 = arith.cmpi slt, %add3A_1553, %sign3A_1559 : i32
        %sign3A_1561 = arith.extui %sign3A_1560 : i1 to i32
        %sign3A_1562 = arith.subi %sign3A_1558, %sign3A_1561 : i32
        %sign3A_1563 = arith.constant 0 : i32
        %sign3A_1564 = arith.cmpi sgt, %jit3A_1554, %sign3A_1563 : i32
        %sign3A_1565 = arith.extui %sign3A_1564 : i1 to i32
        %sign3A_1566 = arith.constant 0 : i32
        %sign3A_1567 = arith.cmpi slt, %jit3A_1554, %sign3A_1566 : i32
        %sign3A_1568 = arith.extui %sign3A_1567 : i1 to i32
        %sign3A_1569 = arith.subi %sign3A_1565, %sign3A_1568 : i32
        %ne3A_1570 = arith.cmpi ne, %sign3A_1562, %sign3A_1569 : i32
        %rem3A_1571 = arith.remsi %add3A_1553, %jit3A_1554 : i32
        %ne3A_1572 = arith.constant 0 : i32
        %ne3A_1573 = arith.cmpi ne, %rem3A_1571, %ne3A_1572 : i32
        %and3A_1574 = arith.andi %ne3A_1570, %ne3A_1573 : i1
        %sub3A_1575 = arith.constant 1 : i32
        %sub3A_1576 = arith.subi %div3A_1555, %sub3A_1575 : i32
        %select_n3A_1577 = arith.select %and3A_1574, %sub3A_1576, %div3A_1555 : i32
        %jit3A_1578 = arith.constant 128 : i32
        %eq3A_1579 = arith.constant 0 : i32
        %eq3A_1580 = arith.cmpi eq, %jit3A_1578, %eq3A_1579 : i32
        %jit3A_1581 = arith.constant 1 : i32
        %select_n3A_1582 = arith.select %eq3A_1580, %jit3A_1581, %jit3A_1578 : i32
        %rem3A_1583 = arith.remsi %add3A_1553, %select_n3A_1582 : i32
        %ne3A_1584 = arith.constant 0 : i32
        %ne3A_1585 = arith.cmpi ne, %rem3A_1583, %ne3A_1584 : i32
        %lt3A_1586 = arith.constant 0 : i32
        %lt3A_1587 = arith.cmpi slt, %rem3A_1583, %lt3A_1586 : i32
        %lt3A_1588 = arith.constant 0 : i32
        %lt3A_1589 = arith.cmpi slt, %select_n3A_1582, %lt3A_1588 : i32
        %ne3A_1590 = arith.xori %lt3A_1587, %lt3A_1589 : i1
        %and3A_1591 = arith.andi %ne3A_1590, %ne3A_1585 : i1
        %add3A_1592 = arith.addi %rem3A_1583, %select_n3A_1582 : i32
        %select_n3A_1593 = arith.select %and3A_1591, %add3A_1592, %rem3A_1583 : i32
        %mul3A_1594 = arith.constant 128 : i32
        %mul3A_1595 = arith.muli %select_n3A_1593, %mul3A_1594 : i32
        %dma_start3A_1596 = tpu.memref_slice %arg2[%select_n3A_1577, %mul3A_1595] : memref<50x16384xi32, #tpu.memory_space<hbm>> -> memref<1x128xi32, #tpu.memory_space<hbm>>
        %dma_start3A_1597 = tpu.memref_squeeze %dma_start3A_1596 : memref<1x128xi32, #tpu.memory_space<hbm>> -> memref<128xi32, #tpu.memory_space<hbm>>
        %dma_start3A_1598 = tpu.memref_slice %arg2[%select_n3A_1577, %mul3A_1595] : memref<50x16384xi32, #tpu.memory_space<hbm>> -> memref<1x128xi32, #tpu.memory_space<hbm>>
        %dma_start3A_1599 = tpu.memref_squeeze %dma_start3A_1598 : memref<1x128xi32, #tpu.memory_space<hbm>> -> memref<128xi32, #tpu.memory_space<hbm>>
        tpu.enqueue_dma source(%dma_start3A_1599 : memref<128xi32, #tpu.memory_space<hbm>>) target(%arg7 : memref<128xi32, #tpu.memory_space<vmem>>) target_semaphore(%arg19 : memref<!tpu.dma_semaphore, #tpu.memory_space<semaphore_mem>>)
      } else {
      }
      %add3A_1347 = arith.constant 2 : i32
      %add3A_1348 = arith.addi %add3A_770, %add3A_1347 : i32
      %add3A_1349 = arith.constant 2 : i32
      %add3A_1350 = arith.addi %add3A_1348, %add3A_1349 : i32
      %lt3A_1351 = arith.constant 200 : i32
      %lt3A_1352 = arith.cmpi slt, %add3A_1350, %lt3A_1351 : i32
      %convert_element_type3A_1353 = arith.extui %lt3A_1352 : i1 to i32
      %cond3A_1354 = arith.constant 0 : i32
      %cond3A_1355 = arith.cmpi ne, %convert_element_type3A_1353, %cond3A_1354 : i32
      scf.if %cond3A_1355 {
        %dma_wait3A_1552 = arith.constant 0 : i32
        %dma_wait3A_1553 = arith.constant 0 : i32
        %dma_wait3A_1554 = tpu.memref_slice %arg2[%dma_wait3A_1552, %dma_wait3A_1553] : memref<50x16384xi32, #tpu.memory_space<hbm>> -> memref<1x128xi32, #tpu.memory_space<hbm>>
        %dma_wait3A_1555 = tpu.memref_squeeze %dma_wait3A_1554 : memref<1x128xi32, #tpu.memory_space<hbm>> -> memref<128xi32, #tpu.memory_space<hbm>>
        %dma_wait3A_1556 = arith.constant 0 : i32
        %dma_wait3A_1557 = tpu.memref_slice %arg2[%dma_wait3A_1552, %dma_wait3A_1556] : memref<50x16384xi32, #tpu.memory_space<hbm>> -> memref<1x128xi32, #tpu.memory_space<hbm>>
        %dma_wait3A_1558 = tpu.memref_squeeze %dma_wait3A_1557 : memref<1x128xi32, #tpu.memory_space<hbm>> -> memref<128xi32, #tpu.memory_space<hbm>>
        tpu.wait_dma2 semaphore(%arg17 : memref<!tpu.dma_semaphore, #tpu.memory_space<semaphore_mem>>) src(%dma_wait3A_1558 : memref<128xi32, #tpu.memory_space<hbm>>) dst(%arg5 : memref<128xi32, #tpu.memory_space<vmem>>)
        %dma_start3A_1559 = arith.constant 0 : i32
        %dma_start3A_1560 = arith.constant 0 : i32
        %dma_start3A_1561 = tpu.memref_slice %arg3[%dma_start3A_1559, %dma_start3A_1560] : memref<1000000x64xf32, #tpu.memory_space<hbm>> -> memref<1000000x64xf32, #tpu.memory_space<hbm>>
        tpu.enqueue_indirect_dma source(%dma_start3A_1561 : memref<1000000x64xf32, #tpu.memory_space<hbm>>) target(%arg9 : memref<128x64xf32, #tpu.memory_space<vmem>>) offsets(%arg5 : memref<128xi32, #tpu.memory_space<vmem>>) semaphore(%arg21 : memref<!tpu.dma_semaphore, #tpu.memory_space<semaphore_mem>>)
      } else {
      }
      %add3A_1356 = arith.addi %mul3A_2, %add3A_770 : i32
      %add3A_1357 = arith.constant 3 : i32
      %add3A_1358 = arith.addi %add3A_1356, %add3A_1357 : i32
      %dma_wait3A_1359 = arith.constant 0 : i32
      %dma_wait3A_1360 = arith.constant 0 : i32
      %dma_wait3A_1361 = tpu.memref_slice %arg3[%dma_wait3A_1359, %dma_wait3A_1360] : memref<1000000x64xf32, #tpu.memory_space<hbm>> -> memref<1000000x64xf32, #tpu.memory_space<hbm>>
      tpu.wait_indirect_dma semaphore(%arg24 : memref<!tpu.dma_semaphore, #tpu.memory_space<semaphore_mem>>) src(%dma_wait3A_1361 : memref<1000000x64xf32, #tpu.memory_space<hbm>>) dst(%arg12 : memref<128x64xf32, #tpu.memory_space<vmem>>)
      %add3A_1362 = arith.constant 3 : i32
      %add3A_1363 = arith.addi %add3A_770, %add3A_1362 : i32
      %ge3A_1364 = arith.constant 4 : i32
      %ge3A_1365 = arith.cmpi sge, %add3A_1363, %ge3A_1364 : i32
      %convert_element_type3A_1366 = arith.extui %ge3A_1365 : i1 to i32
      %cond3A_1367 = arith.constant 0 : i32
      %cond3A_1368 = arith.cmpi ne, %convert_element_type3A_1366, %cond3A_1367 : i32
      scf.if %cond3A_1368 {
        %dma_wait3A_1552 = arith.constant 0 : i32
        %dma_wait3A_1553 = arith.constant 0 : i32
        %dma_wait3A_1554 = arith.constant 0 : i32
        %dma_wait3A_1555 = arith.constant 0 : i32
        %dma_wait3A_1556 = arith.constant 0 : i32
        %dma_wait3A_1557 = tpu.memref_slice %arg16[%dma_wait3A_1555, %dma_wait3A_1556] : memref<64x133xf32, #tpu.memory_space<vmem>> -> memref<8x128xf32, #tpu.memory_space<vmem>>
        %dma_wait3A_1558 = arith.constant 0 : i32
        %dma_wait3A_1559 = arith.constant 0 : i32
        %dma_wait3A_1560 = tpu.memref_slice %arg4[%dma_wait3A_1552, %dma_wait3A_1553, %dma_wait3A_1554, %dma_wait3A_1558, %dma_wait3A_1559] : memref<50x8x128x8x128xf32, #tpu.memory_space<hbm>> -> memref<1x1x1x8x128xf32, #tpu.memory_space<hbm>>
        %dma_wait3A_1561 = tpu.memref_squeeze %dma_wait3A_1560 : memref<1x1x1x8x128xf32, #tpu.memory_space<hbm>> -> memref<8x128xf32, #tpu.memory_space<hbm>>
        %dma_wait3A_1562 = arith.constant 0 : i32
        %dma_wait3A_1563 = arith.constant 0 : i32
        %dma_wait3A_1564 = tpu.memref_slice %arg4[%dma_wait3A_1552, %dma_wait3A_1553, %dma_wait3A_1554, %dma_wait3A_1562, %dma_wait3A_1563] : memref<50x8x128x8x128xf32, #tpu.memory_space<hbm>> -> memref<1x1x1x8x128xf32, #tpu.memory_space<hbm>>
        %dma_wait3A_1565 = tpu.memref_squeeze %dma_wait3A_1564 : memref<1x1x1x8x128xf32, #tpu.memory_space<hbm>> -> memref<8x128xf32, #tpu.memory_space<hbm>>
        %dma_wait3A_1566 = arith.constant 0 : i32
        %dma_wait3A_1567 = arith.constant 0 : i32
        %dma_wait3A_1568 = tpu.memref_slice %arg16[%dma_wait3A_1566, %dma_wait3A_1567] : memref<64x133xf32, #tpu.memory_space<vmem>> -> memref<8x128xf32, #tpu.memory_space<vmem>>
        tpu.wait_dma2 semaphore(%arg28 : memref<!tpu.dma_semaphore, #tpu.memory_space<semaphore_mem>>) src(%dma_wait3A_1568 : memref<8x128xf32, #tpu.memory_space<vmem>>) dst(%dma_wait3A_1565 : memref<8x128xf32, #tpu.memory_space<hbm>>)
        %dma_wait3A_1569 = arith.constant 0 : i32
        %dma_wait3A_1570 = arith.constant 1 : i32
        %dma_wait3A_1571 = arith.constant 0 : i32
        %dma_wait3A_1572 = arith.constant 8 : i32
        %dma_wait3A_1573 = arith.constant 0 : i32
        %dma_wait3A_1574 = tpu.memref_slice %arg16[%dma_wait3A_1572, %dma_wait3A_1573] : memref<64x133xf32, #tpu.memory_space<vmem>> -> memref<8x128xf32, #tpu.memory_space<vmem>>
        %dma_wait3A_1575 = arith.constant 0 : i32
        %dma_wait3A_1576 = arith.constant 0 : i32
        %dma_wait3A_1577 = tpu.memref_slice %arg4[%dma_wait3A_1569, %dma_wait3A_1570, %dma_wait3A_1571, %dma_wait3A_1575, %dma_wait3A_1576] : memref<50x8x128x8x128xf32, #tpu.memory_space<hbm>> -> memref<1x1x1x8x128xf32, #tpu.memory_space<hbm>>
        %dma_wait3A_1578 = tpu.memref_squeeze %dma_wait3A_1577 : memref<1x1x1x8x128xf32, #tpu.memory_space<hbm>> -> memref<8x128xf32, #tpu.memory_space<hbm>>
        %dma_wait3A_1579 = arith.constant 0 : i32
        %dma_wait3A_1580 = arith.constant 0 : i32
        %dma_wait3A_1581 = tpu.memref_slice %arg4[%dma_wait3A_1569, %dma_wait3A_1570, %dma_wait3A_1571, %dma_wait3A_1579, %dma_wait3A_1580] : memref<50x8x128x8x128xf32, #tpu.memory_space<hbm>> -> memref<1x1x1x8x128xf32, #tpu.memory_space<hbm>>
        %dma_wait3A_1582 = tpu.memref_squeeze %dma_wait3A_1581 : memref<1x1x1x8x128xf32, #tpu.memory_space<hbm>> -> memref<8x128xf32, #tpu.memory_space<hbm>>
        %dma_wait3A_1583 = arith.constant 8 : i32
        %dma_wait3A_1584 = arith.constant 0 : i32
        %dma_wait3A_1585 = tpu.memref_slice %arg16[%dma_wait3A_1583, %dma_wait3A_1584] : memref<64x133xf32, #tpu.memory_space<vmem>> -> memref<8x128xf32, #tpu.memory_space<vmem>>
        tpu.wait_dma2 semaphore(%arg28 : memref<!tpu.dma_semaphore, #tpu.memory_space<semaphore_mem>>) src(%dma_wait3A_1585 : memref<8x128xf32, #tpu.memory_space<vmem>>) dst(%dma_wait3A_1582 : memref<8x128xf32, #tpu.memory_space<hbm>>)
        %dma_wait3A_1586 = arith.constant 0 : i32
        %dma_wait3A_1587 = arith.constant 2 : i32
        %dma_wait3A_1588 = arith.constant 0 : i32
        %dma_wait3A_1589 = arith.constant 16 : i32
        %dma_wait3A_1590 = arith.constant 0 : i32
        %dma_wait3A_1591 = tpu.memref_slice %arg16[%dma_wait3A_1589, %dma_wait3A_1590] : memref<64x133xf32, #tpu.memory_space<vmem>> -> memref<8x128xf32, #tpu.memory_space<vmem>>
        %dma_wait3A_1592 = arith.constant 0 : i32
        %dma_wait3A_1593 = arith.constant 0 : i32
        %dma_wait3A_1594 = tpu.memref_slice %arg4[%dma_wait3A_1586, %dma_wait3A_1587, %dma_wait3A_1588, %dma_wait3A_1592, %dma_wait3A_1593] : memref<50x8x128x8x128xf32, #tpu.memory_space<hbm>> -> memref<1x1x1x8x128xf32, #tpu.memory_space<hbm>>
        %dma_wait3A_1595 = tpu.memref_squeeze %dma_wait3A_1594 : memref<1x1x1x8x128xf32, #tpu.memory_space<hbm>> -> memref<8x128xf32, #tpu.memory_space<hbm>>
        %dma_wait3A_1596 = arith.constant 0 : i32
        %dma_wait3A_1597 = arith.constant 0 : i32
        %dma_wait3A_1598 = tpu.memref_slice %arg4[%dma_wait3A_1586, %dma_wait3A_1587, %dma_wait3A_1588, %dma_wait3A_1596, %dma_wait3A_1597] : memref<50x8x128x8x128xf32, #tpu.memory_space<hbm>> -> memref<1x1x1x8x128xf32, #tpu.memory_space<hbm>>
        %dma_wait3A_1599 = tpu.memref_squeeze %dma_wait3A_1598 : memref<1x1x1x8x128xf32, #tpu.memory_space<hbm>> -> memref<8x128xf32, #tpu.memory_space<hbm>>
        %dma_wait3A_1600 = arith.constant 16 : i32
        %dma_wait3A_1601 = arith.constant 0 : i32
        %dma_wait3A_1602 = tpu.memref_slice %arg16[%dma_wait3A_1600, %dma_wait3A_1601] : memref<64x133xf32, #tpu.memory_space<vmem>> -> memref<8x128xf32, #tpu.memory_space<vmem>>
        tpu.wait_dma2 semaphore(%arg28 : memref<!tpu.dma_semaphore, #tpu.memory_space<semaphore_mem>>) src(%dma_wait3A_1602 : memref<8x128xf32, #tpu.memory_space<vmem>>) dst(%dma_wait3A_1599 : memref<8x128xf32, #tpu.memory_space<hbm>>)
        %dma_wait3A_1603 = arith.constant 0 : i32
        %dma_wait3A_1604 = arith.constant 3 : i32
        %dma_wait3A_1605 = arith.constant 0 : i32
        %dma_wait3A_1606 = arith.constant 24 : i32
        %dma_wait3A_1607 = arith.constant 0 : i32
        %dma_wait3A_1608 = tpu.memref_slice %arg16[%dma_wait3A_1606, %dma_wait3A_1607] : memref<64x133xf32, #tpu.memory_space<vmem>> -> memref<8x128xf32, #tpu.memory_space<vmem>>
        %dma_wait3A_1609 = arith.constant 0 : i32
        %dma_wait3A_1610 = arith.constant 0 : i32
        %dma_wait3A_1611 = tpu.memref_slice %arg4[%dma_wait3A_1603, %dma_wait3A_1604, %dma_wait3A_1605, %dma_wait3A_1609, %dma_wait3A_1610] : memref<50x8x128x8x128xf32, #tpu.memory_space<hbm>> -> memref<1x1x1x8x128xf32, #tpu.memory_space<hbm>>
        %dma_wait3A_1612 = tpu.memref_squeeze %dma_wait3A_1611 : memref<1x1x1x8x128xf32, #tpu.memory_space<hbm>> -> memref<8x128xf32, #tpu.memory_space<hbm>>
        %dma_wait3A_1613 = arith.constant 0 : i32
        %dma_wait3A_1614 = arith.constant 0 : i32
        %dma_wait3A_1615 = tpu.memref_slice %arg4[%dma_wait3A_1603, %dma_wait3A_1604, %dma_wait3A_1605, %dma_wait3A_1613, %dma_wait3A_1614] : memref<50x8x128x8x128xf32, #tpu.memory_space<hbm>> -> memref<1x1x1x8x128xf32, #tpu.memory_space<hbm>>
        %dma_wait3A_1616 = tpu.memref_squeeze %dma_wait3A_1615 : memref<1x1x1x8x128xf32, #tpu.memory_space<hbm>> -> memref<8x128xf32, #tpu.memory_space<hbm>>
        %dma_wait3A_1617 = arith.constant 24 : i32
        %dma_wait3A_1618 = arith.constant 0 : i32
        %dma_wait3A_1619 = tpu.memref_slice %arg16[%dma_wait3A_1617, %dma_wait3A_1618] : memref<64x133xf32, #tpu.memory_space<vmem>> -> memref<8x128xf32, #tpu.memory_space<vmem>>
        tpu.wait_dma2 semaphore(%arg28 : memref<!tpu.dma_semaphore, #tpu.memory_space<semaphore_mem>>) src(%dma_wait3A_1619 : memref<8x128xf32, #tpu.memory_space<vmem>>) dst(%dma_wait3A_1616 : memref<8x128xf32, #tpu.memory_space<hbm>>)
        %dma_wait3A_1620 = arith.constant 0 : i32
        %dma_wait3A_1621 = arith.constant 4 : i32
        %dma_wait3A_1622 = arith.constant 0 : i32
        %dma_wait3A_1623 = arith.constant 32 : i32
        %dma_wait3A_1624 = arith.constant 0 : i32
        %dma_wait3A_1625 = tpu.memref_slice %arg16[%dma_wait3A_1623, %dma_wait3A_1624] : memref<64x133xf32, #tpu.memory_space<vmem>> -> memref<8x128xf32, #tpu.memory_space<vmem>>
        %dma_wait3A_1626 = arith.constant 0 : i32
        %dma_wait3A_1627 = arith.constant 0 : i32
        %dma_wait3A_1628 = tpu.memref_slice %arg4[%dma_wait3A_1620, %dma_wait3A_1621, %dma_wait3A_1622, %dma_wait3A_1626, %dma_wait3A_1627] : memref<50x8x128x8x128xf32, #tpu.memory_space<hbm>> -> memref<1x1x1x8x128xf32, #tpu.memory_space<hbm>>
        %dma_wait3A_1629 = tpu.memref_squeeze %dma_wait3A_1628 : memref<1x1x1x8x128xf32, #tpu.memory_space<hbm>> -> memref<8x128xf32, #tpu.memory_space<hbm>>
        %dma_wait3A_1630 = arith.constant 0 : i32
        %dma_wait3A_1631 = arith.constant 0 : i32
        %dma_wait3A_1632 = tpu.memref_slice %arg4[%dma_wait3A_1620, %dma_wait3A_1621, %dma_wait3A_1622, %dma_wait3A_1630, %dma_wait3A_1631] : memref<50x8x128x8x128xf32, #tpu.memory_space<hbm>> -> memref<1x1x1x8x128xf32, #tpu.memory_space<hbm>>
        %dma_wait3A_1633 = tpu.memref_squeeze %dma_wait3A_1632 : memref<1x1x1x8x128xf32, #tpu.memory_space<hbm>> -> memref<8x128xf32, #tpu.memory_space<hbm>>
        %dma_wait3A_1634 = arith.constant 32 : i32
        %dma_wait3A_1635 = arith.constant 0 : i32
        %dma_wait3A_1636 = tpu.memref_slice %arg16[%dma_wait3A_1634, %dma_wait3A_1635] : memref<64x133xf32, #tpu.memory_space<vmem>> -> memref<8x128xf32, #tpu.memory_space<vmem>>
        tpu.wait_dma2 semaphore(%arg28 : memref<!tpu.dma_semaphore, #tpu.memory_space<semaphore_mem>>) src(%dma_wait3A_1636 : memref<8x128xf32, #tpu.memory_space<vmem>>) dst(%dma_wait3A_1633 : memref<8x128xf32, #tpu.memory_space<hbm>>)
        %dma_wait3A_1637 = arith.constant 0 : i32
        %dma_wait3A_1638 = arith.constant 5 : i32
        %dma_wait3A_1639 = arith.constant 0 : i32
        %dma_wait3A_1640 = arith.constant 40 : i32
        %dma_wait3A_1641 = arith.constant 0 : i32
        %dma_wait3A_1642 = tpu.memref_slice %arg16[%dma_wait3A_1640, %dma_wait3A_1641] : memref<64x133xf32, #tpu.memory_space<vmem>> -> memref<8x128xf32, #tpu.memory_space<vmem>>
        %dma_wait3A_1643 = arith.constant 0 : i32
        %dma_wait3A_1644 = arith.constant 0 : i32
        %dma_wait3A_1645 = tpu.memref_slice %arg4[%dma_wait3A_1637, %dma_wait3A_1638, %dma_wait3A_1639, %dma_wait3A_1643, %dma_wait3A_1644] : memref<50x8x128x8x128xf32, #tpu.memory_space<hbm>> -> memref<1x1x1x8x128xf32, #tpu.memory_space<hbm>>
        %dma_wait3A_1646 = tpu.memref_squeeze %dma_wait3A_1645 : memref<1x1x1x8x128xf32, #tpu.memory_space<hbm>> -> memref<8x128xf32, #tpu.memory_space<hbm>>
        %dma_wait3A_1647 = arith.constant 0 : i32
        %dma_wait3A_1648 = arith.constant 0 : i32
        %dma_wait3A_1649 = tpu.memref_slice %arg4[%dma_wait3A_1637, %dma_wait3A_1638, %dma_wait3A_1639, %dma_wait3A_1647, %dma_wait3A_1648] : memref<50x8x128x8x128xf32, #tpu.memory_space<hbm>> -> memref<1x1x1x8x128xf32, #tpu.memory_space<hbm>>
        %dma_wait3A_1650 = tpu.memref_squeeze %dma_wait3A_1649 : memref<1x1x1x8x128xf32, #tpu.memory_space<hbm>> -> memref<8x128xf32, #tpu.memory_space<hbm>>
        %dma_wait3A_1651 = arith.constant 40 : i32
        %dma_wait3A_1652 = arith.constant 0 : i32
        %dma_wait3A_1653 = tpu.memref_slice %arg16[%dma_wait3A_1651, %dma_wait3A_1652] : memref<64x133xf32, #tpu.memory_space<vmem>> -> memref<8x128xf32, #tpu.memory_space<vmem>>
        tpu.wait_dma2 semaphore(%arg28 : memref<!tpu.dma_semaphore, #tpu.memory_space<semaphore_mem>>) src(%dma_wait3A_1653 : memref<8x128xf32, #tpu.memory_space<vmem>>) dst(%dma_wait3A_1650 : memref<8x128xf32, #tpu.memory_space<hbm>>)
        %dma_wait3A_1654 = arith.constant 0 : i32
        %dma_wait3A_1655 = arith.constant 6 : i32
        %dma_wait3A_1656 = arith.constant 0 : i32
        %dma_wait3A_1657 = arith.constant 48 : i32
        %dma_wait3A_1658 = arith.constant 0 : i32
        %dma_wait3A_1659 = tpu.memref_slice %arg16[%dma_wait3A_1657, %dma_wait3A_1658] : memref<64x133xf32, #tpu.memory_space<vmem>> -> memref<8x128xf32, #tpu.memory_space<vmem>>
        %dma_wait3A_1660 = arith.constant 0 : i32
        %dma_wait3A_1661 = arith.constant 0 : i32
        %dma_wait3A_1662 = tpu.memref_slice %arg4[%dma_wait3A_1654, %dma_wait3A_1655, %dma_wait3A_1656, %dma_wait3A_1660, %dma_wait3A_1661] : memref<50x8x128x8x128xf32, #tpu.memory_space<hbm>> -> memref<1x1x1x8x128xf32, #tpu.memory_space<hbm>>
        %dma_wait3A_1663 = tpu.memref_squeeze %dma_wait3A_1662 : memref<1x1x1x8x128xf32, #tpu.memory_space<hbm>> -> memref<8x128xf32, #tpu.memory_space<hbm>>
        %dma_wait3A_1664 = arith.constant 0 : i32
        %dma_wait3A_1665 = arith.constant 0 : i32
        %dma_wait3A_1666 = tpu.memref_slice %arg4[%dma_wait3A_1654, %dma_wait3A_1655, %dma_wait3A_1656, %dma_wait3A_1664, %dma_wait3A_1665] : memref<50x8x128x8x128xf32, #tpu.memory_space<hbm>> -> memref<1x1x1x8x128xf32, #tpu.memory_space<hbm>>
        %dma_wait3A_1667 = tpu.memref_squeeze %dma_wait3A_1666 : memref<1x1x1x8x128xf32, #tpu.memory_space<hbm>> -> memref<8x128xf32, #tpu.memory_space<hbm>>
        %dma_wait3A_1668 = arith.constant 48 : i32
        %dma_wait3A_1669 = arith.constant 0 : i32
        %dma_wait3A_1670 = tpu.memref_slice %arg16[%dma_wait3A_1668, %dma_wait3A_1669] : memref<64x133xf32, #tpu.memory_space<vmem>> -> memref<8x128xf32, #tpu.memory_space<vmem>>
        tpu.wait_dma2 semaphore(%arg28 : memref<!tpu.dma_semaphore, #tpu.memory_space<semaphore_mem>>) src(%dma_wait3A_1670 : memref<8x128xf32, #tpu.memory_space<vmem>>) dst(%dma_wait3A_1667 : memref<8x128xf32, #tpu.memory_space<hbm>>)
        %dma_wait3A_1671 = arith.constant 0 : i32
        %dma_wait3A_1672 = arith.constant 7 : i32
        %dma_wait3A_1673 = arith.constant 0 : i32
        %dma_wait3A_1674 = arith.constant 56 : i32
        %dma_wait3A_1675 = arith.constant 0 : i32
        %dma_wait3A_1676 = tpu.memref_slice %arg16[%dma_wait3A_1674, %dma_wait3A_1675] : memref<64x133xf32, #tpu.memory_space<vmem>> -> memref<8x128xf32, #tpu.memory_space<vmem>>
        %dma_wait3A_1677 = arith.constant 0 : i32
        %dma_wait3A_1678 = arith.constant 0 : i32
        %dma_wait3A_1679 = tpu.memref_slice %arg4[%dma_wait3A_1671, %dma_wait3A_1672, %dma_wait3A_1673, %dma_wait3A_1677, %dma_wait3A_1678] : memref<50x8x128x8x128xf32, #tpu.memory_space<hbm>> -> memref<1x1x1x8x128xf32, #tpu.memory_space<hbm>>
        %dma_wait3A_1680 = tpu.memref_squeeze %dma_wait3A_1679 : memref<1x1x1x8x128xf32, #tpu.memory_space<hbm>> -> memref<8x128xf32, #tpu.memory_space<hbm>>
        %dma_wait3A_1681 = arith.constant 0 : i32
        %dma_wait3A_1682 = arith.constant 0 : i32
        %dma_wait3A_1683 = tpu.memref_slice %arg4[%dma_wait3A_1671, %dma_wait3A_1672, %dma_wait3A_1673, %dma_wait3A_1681, %dma_wait3A_1682] : memref<50x8x128x8x128xf32, #tpu.memory_space<hbm>> -> memref<1x1x1x8x128xf32, #tpu.memory_space<hbm>>
        %dma_wait3A_1684 = tpu.memref_squeeze %dma_wait3A_1683 : memref<1x1x1x8x128xf32, #tpu.memory_space<hbm>> -> memref<8x128xf32, #tpu.memory_space<hbm>>
        %dma_wait3A_1685 = arith.constant 56 : i32
        %dma_wait3A_1686 = arith.constant 0 : i32
        %dma_wait3A_1687 = tpu.memref_slice %arg16[%dma_wait3A_1685, %dma_wait3A_1686] : memref<64x133xf32, #tpu.memory_space<vmem>> -> memref<8x128xf32, #tpu.memory_space<vmem>>
        tpu.wait_dma2 semaphore(%arg28 : memref<!tpu.dma_semaphore, #tpu.memory_space<semaphore_mem>>) src(%dma_wait3A_1687 : memref<8x128xf32, #tpu.memory_space<vmem>>) dst(%dma_wait3A_1684 : memref<8x128xf32, #tpu.memory_space<hbm>>)
      } else {
      }
      %scan3A_1369 = arith.constant 0 : i32
      %scan3A_1370 = arith.constant 16 : i32
      %scan3A_1371 = arith.addi %scan3A_1369, %scan3A_1370 : i32
      %scan3A_1372 = arith.constant 1 : i32
      scf.for %scan3A_1552 = %scan3A_1369 to %scan3A_1371 step %scan3A_1372  : i32 {
        %mul3A_1553 = arith.constant 8 : i32
        %mul3A_1554 = arith.muli %scan3A_1552, %mul3A_1553 : i32
        %add3A_1555 = arith.constant 0 : i32
        %add3A_1556 = arith.addi %add3A_1555, %mul3A_1554 : i32
        %add3A_1557 = arith.constant 0 : i32
        %add3A_1558 = arith.addi %add3A_1556, %add3A_1557 : i32
        %add3A_1559 = vector.broadcast %add3A_1558 : i32 to vector<16xi32>
        %add3A_1560 = arith.addi %mul3A_5, %add3A_1559 : vector<16xi32>
        %get3A = arith.index_cast %add3A_1558 : i32 to index
        %get3A_1561 = arith.constant 0 : index
        %get3A_1562 = tpu.vector_load %arg12[%get3A, %get3A_1561] {strides = array<i32>} : memref<128x64xf32, #tpu.memory_space<vmem>>, vector<16xf32>,
        tpu.vector_store_idx %arg16[%add3A_8, %add3A_1560], %get3A_1562 : memref<64x133xf32, #tpu.memory_space<vmem>>[vector<16xi32>, vector<16xi32>], vector<16xf32>,
        %get3A_1563 = arith.index_cast %add3A_1558 : i32 to index
        %get3A_1564 = arith.constant 16 : index
        %get3A_1565 = tpu.vector_load %arg12[%get3A_1563, %get3A_1564] {strides = array<i32>} : memref<128x64xf32, #tpu.memory_space<vmem>>, vector<16xf32>,
        tpu.vector_store_idx %arg16[%add3A_11, %add3A_1560], %get3A_1565 : memref<64x133xf32, #tpu.memory_space<vmem>>[vector<16xi32>, vector<16xi32>], vector<16xf32>,
        %get3A_1566 = arith.index_cast %add3A_1558 : i32 to index
        %get3A_1567 = arith.constant 32 : index
        %get3A_1568 = tpu.vector_load %arg12[%get3A_1566, %get3A_1567] {strides = array<i32>} : memref<128x64xf32, #tpu.memory_space<vmem>>, vector<16xf32>,
        tpu.vector_store_idx %arg16[%add3A_14, %add3A_1560], %get3A_1568 : memref<64x133xf32, #tpu.memory_space<vmem>>[vector<16xi32>, vector<16xi32>], vector<16xf32>,
        %get3A_1569 = arith.index_cast %add3A_1558 : i32 to index
        %get3A_1570 = arith.constant 48 : index
        %get3A_1571 = tpu.vector_load %arg12[%get3A_1569, %get3A_1570] {strides = array<i32>} : memref<128x64xf32, #tpu.memory_space<vmem>>, vector<16xf32>,
        tpu.vector_store_idx %arg16[%add3A_17, %add3A_1560], %get3A_1571 : memref<64x133xf32, #tpu.memory_space<vmem>>[vector<16xi32>, vector<16xi32>], vector<16xf32>,
        %add3A_1572 = arith.constant 1 : i32
        %add3A_1573 = arith.addi %add3A_1556, %add3A_1572 : i32
        %add3A_1574 = vector.broadcast %add3A_1573 : i32 to vector<16xi32>
        %add3A_1575 = arith.addi %mul3A_5, %add3A_1574 : vector<16xi32>
        %get3A_1576 = arith.index_cast %add3A_1573 : i32 to index
        %get3A_1577 = arith.constant 0 : index
        %get3A_1578 = tpu.vector_load %arg12[%get3A_1576, %get3A_1577] {strides = array<i32>} : memref<128x64xf32, #tpu.memory_space<vmem>>, vector<16xf32>,
        tpu.vector_store_idx %arg16[%add3A_8, %add3A_1575], %get3A_1578 : memref<64x133xf32, #tpu.memory_space<vmem>>[vector<16xi32>, vector<16xi32>], vector<16xf32>,
        %get3A_1579 = arith.index_cast %add3A_1573 : i32 to index
        %get3A_1580 = arith.constant 16 : index
        %get3A_1581 = tpu.vector_load %arg12[%get3A_1579, %get3A_1580] {strides = array<i32>} : memref<128x64xf32, #tpu.memory_space<vmem>>, vector<16xf32>,
        tpu.vector_store_idx %arg16[%add3A_11, %add3A_1575], %get3A_1581 : memref<64x133xf32, #tpu.memory_space<vmem>>[vector<16xi32>, vector<16xi32>], vector<16xf32>,
        %get3A_1582 = arith.index_cast %add3A_1573 : i32 to index
        %get3A_1583 = arith.constant 32 : index
        %get3A_1584 = tpu.vector_load %arg12[%get3A_1582, %get3A_1583] {strides = array<i32>} : memref<128x64xf32, #tpu.memory_space<vmem>>, vector<16xf32>,
        tpu.vector_store_idx %arg16[%add3A_14, %add3A_1575], %get3A_1584 : memref<64x133xf32, #tpu.memory_space<vmem>>[vector<16xi32>, vector<16xi32>], vector<16xf32>,
        %get3A_1585 = arith.index_cast %add3A_1573 : i32 to index
        %get3A_1586 = arith.constant 48 : index
        %get3A_1587 = tpu.vector_load %arg12[%get3A_1585, %get3A_1586] {strides = array<i32>} : memref<128x64xf32, #tpu.memory_space<vmem>>, vector<16xf32>,
        tpu.vector_store_idx %arg16[%add3A_17, %add3A_1575], %get3A_1587 : memref<64x133xf32, #tpu.memory_space<vmem>>[vector<16xi32>, vector<16xi32>], vector<16xf32>,
        %add3A_1588 = arith.constant 2 : i32
        %add3A_1589 = arith.addi %add3A_1556, %add3A_1588 : i32
        %add3A_1590 = vector.broadcast %add3A_1589 : i32 to vector<16xi32>
        %add3A_1591 = arith.addi %mul3A_5, %add3A_1590 : vector<16xi32>
        %get3A_1592 = arith.index_cast %add3A_1589 : i32 to index
        %get3A_1593 = arith.constant 0 : index
        %get3A_1594 = tpu.vector_load %arg12[%get3A_1592, %get3A_1593] {strides = array<i32>} : memref<128x64xf32, #tpu.memory_space<vmem>>, vector<16xf32>,
        tpu.vector_store_idx %arg16[%add3A_8, %add3A_1591], %get3A_1594 : memref<64x133xf32, #tpu.memory_space<vmem>>[vector<16xi32>, vector<16xi32>], vector<16xf32>,
        %get3A_1595 = arith.index_cast %add3A_1589 : i32 to index
        %get3A_1596 = arith.constant 16 : index
        %get3A_1597 = tpu.vector_load %arg12[%get3A_1595, %get3A_1596] {strides = array<i32>} : memref<128x64xf32, #tpu.memory_space<vmem>>, vector<16xf32>,
        tpu.vector_store_idx %arg16[%add3A_11, %add3A_1591], %get3A_1597 : memref<64x133xf32, #tpu.memory_space<vmem>>[vector<16xi32>, vector<16xi32>], vector<16xf32>,
        %get3A_1598 = arith.index_cast %add3A_1589 : i32 to index
        %get3A_1599 = arith.constant 32 : index
        %get3A_1600 = tpu.vector_load %arg12[%get3A_1598, %get3A_1599] {strides = array<i32>} : memref<128x64xf32, #tpu.memory_space<vmem>>, vector<16xf32>,
        tpu.vector_store_idx %arg16[%add3A_14, %add3A_1591], %get3A_1600 : memref<64x133xf32, #tpu.memory_space<vmem>>[vector<16xi32>, vector<16xi32>], vector<16xf32>,
        %get3A_1601 = arith.index_cast %add3A_1589 : i32 to index
        %get3A_1602 = arith.constant 48 : index
        %get3A_1603 = tpu.vector_load %arg12[%get3A_1601, %get3A_1602] {strides = array<i32>} : memref<128x64xf32, #tpu.memory_space<vmem>>, vector<16xf32>,
        tpu.vector_store_idx %arg16[%add3A_17, %add3A_1591], %get3A_1603 : memref<64x133xf32, #tpu.memory_space<vmem>>[vector<16xi32>, vector<16xi32>], vector<16xf32>,
        %add3A_1604 = arith.constant 3 : i32
        %add3A_1605 = arith.addi %add3A_1556, %add3A_1604 : i32
        %add3A_1606 = vector.broadcast %add3A_1605 : i32 to vector<16xi32>
        %add3A_1607 = arith.addi %mul3A_5, %add3A_1606 : vector<16xi32>
        %get3A_1608 = arith.index_cast %add3A_1605 : i32 to index
        %get3A_1609 = arith.constant 0 : index
        %get3A_1610 = tpu.vector_load %arg12[%get3A_1608, %get3A_1609] {strides = array<i32>} : memref<128x64xf32, #tpu.memory_space<vmem>>, vector<16xf32>,
        tpu.vector_store_idx %arg16[%add3A_8, %add3A_1607], %get3A_1610 : memref<64x133xf32, #tpu.memory_space<vmem>>[vector<16xi32>, vector<16xi32>], vector<16xf32>,
        %get3A_1611 = arith.index_cast %add3A_1605 : i32 to index
        %get3A_1612 = arith.constant 16 : index
        %get3A_1613 = tpu.vector_load %arg12[%get3A_1611, %get3A_1612] {strides = array<i32>} : memref<128x64xf32, #tpu.memory_space<vmem>>, vector<16xf32>,
        tpu.vector_store_idx %arg16[%add3A_11, %add3A_1607], %get3A_1613 : memref<64x133xf32, #tpu.memory_space<vmem>>[vector<16xi32>, vector<16xi32>], vector<16xf32>,
        %get3A_1614 = arith.index_cast %add3A_1605 : i32 to index
        %get3A_1615 = arith.constant 32 : index
        %get3A_1616 = tpu.vector_load %arg12[%get3A_1614, %get3A_1615] {strides = array<i32>} : memref<128x64xf32, #tpu.memory_space<vmem>>, vector<16xf32>,
        tpu.vector_store_idx %arg16[%add3A_14, %add3A_1607], %get3A_1616 : memref<64x133xf32, #tpu.memory_space<vmem>>[vector<16xi32>, vector<16xi32>], vector<16xf32>,
        %get3A_1617 = arith.index_cast %add3A_1605 : i32 to index
        %get3A_1618 = arith.constant 48 : index
        %get3A_1619 = tpu.vector_load %arg12[%get3A_1617, %get3A_1618] {strides = array<i32>} : memref<128x64xf32, #tpu.memory_space<vmem>>, vector<16xf32>,
        tpu.vector_store_idx %arg16[%add3A_17, %add3A_1607], %get3A_1619 : memref<64x133xf32, #tpu.memory_space<vmem>>[vector<16xi32>, vector<16xi32>], vector<16xf32>,
        %add3A_1620 = arith.constant 4 : i32
        %add3A_1621 = arith.addi %add3A_1556, %add3A_1620 : i32
        %add3A_1622 = vector.broadcast %add3A_1621 : i32 to vector<16xi32>
        %add3A_1623 = arith.addi %mul3A_5, %add3A_1622 : vector<16xi32>
        %get3A_1624 = arith.index_cast %add3A_1621 : i32 to index
        %get3A_1625 = arith.constant 0 : index
        %get3A_1626 = tpu.vector_load %arg12[%get3A_1624, %get3A_1625] {strides = array<i32>} : memref<128x64xf32, #tpu.memory_space<vmem>>, vector<16xf32>,
        tpu.vector_store_idx %arg16[%add3A_8, %add3A_1623], %get3A_1626 : memref<64x133xf32, #tpu.memory_space<vmem>>[vector<16xi32>, vector<16xi32>], vector<16xf32>,
        %get3A_1627 = arith.index_cast %add3A_1621 : i32 to index
        %get3A_1628 = arith.constant 16 : index
        %get3A_1629 = tpu.vector_load %arg12[%get3A_1627, %get3A_1628] {strides = array<i32>} : memref<128x64xf32, #tpu.memory_space<vmem>>, vector<16xf32>,
        tpu.vector_store_idx %arg16[%add3A_11, %add3A_1623], %get3A_1629 : memref<64x133xf32, #tpu.memory_space<vmem>>[vector<16xi32>, vector<16xi32>], vector<16xf32>,
        %get3A_1630 = arith.index_cast %add3A_1621 : i32 to index
        %get3A_1631 = arith.constant 32 : index
        %get3A_1632 = tpu.vector_load %arg12[%get3A_1630, %get3A_1631] {strides = array<i32>} : memref<128x64xf32, #tpu.memory_space<vmem>>, vector<16xf32>,
        tpu.vector_store_idx %arg16[%add3A_14, %add3A_1623], %get3A_1632 : memref<64x133xf32, #tpu.memory_space<vmem>>[vector<16xi32>, vector<16xi32>], vector<16xf32>,
        %get3A_1633 = arith.index_cast %add3A_1621 : i32 to index
        %get3A_1634 = arith.constant 48 : index
        %get3A_1635 = tpu.vector_load %arg12[%get3A_1633, %get3A_1634] {strides = array<i32>} : memref<128x64xf32, #tpu.memory_space<vmem>>, vector<16xf32>,
        tpu.vector_store_idx %arg16[%add3A_17, %add3A_1623], %get3A_1635 : memref<64x133xf32, #tpu.memory_space<vmem>>[vector<16xi32>, vector<16xi32>], vector<16xf32>,
        %add3A_1636 = arith.constant 5 : i32
        %add3A_1637 = arith.addi %add3A_1556, %add3A_1636 : i32
        %add3A_1638 = vector.broadcast %add3A_1637 : i32 to vector<16xi32>
        %add3A_1639 = arith.addi %mul3A_5, %add3A_1638 : vector<16xi32>
        %get3A_1640 = arith.index_cast %add3A_1637 : i32 to index
        %get3A_1641 = arith.constant 0 : index
        %get3A_1642 = tpu.vector_load %arg12[%get3A_1640, %get3A_1641] {strides = array<i32>} : memref<128x64xf32, #tpu.memory_space<vmem>>, vector<16xf32>,
        tpu.vector_store_idx %arg16[%add3A_8, %add3A_1639], %get3A_1642 : memref<64x133xf32, #tpu.memory_space<vmem>>[vector<16xi32>, vector<16xi32>], vector<16xf32>,
        %get3A_1643 = arith.index_cast %add3A_1637 : i32 to index
        %get3A_1644 = arith.constant 16 : index
        %get3A_1645 = tpu.vector_load %arg12[%get3A_1643, %get3A_1644] {strides = array<i32>} : memref<128x64xf32, #tpu.memory_space<vmem>>, vector<16xf32>,
        tpu.vector_store_idx %arg16[%add3A_11, %add3A_1639], %get3A_1645 : memref<64x133xf32, #tpu.memory_space<vmem>>[vector<16xi32>, vector<16xi32>], vector<16xf32>,
        %get3A_1646 = arith.index_cast %add3A_1637 : i32 to index
        %get3A_1647 = arith.constant 32 : index
        %get3A_1648 = tpu.vector_load %arg12[%get3A_1646, %get3A_1647] {strides = array<i32>} : memref<128x64xf32, #tpu.memory_space<vmem>>, vector<16xf32>,
        tpu.vector_store_idx %arg16[%add3A_14, %add3A_1639], %get3A_1648 : memref<64x133xf32, #tpu.memory_space<vmem>>[vector<16xi32>, vector<16xi32>], vector<16xf32>,
        %get3A_1649 = arith.index_cast %add3A_1637 : i32 to index
        %get3A_1650 = arith.constant 48 : index
        %get3A_1651 = tpu.vector_load %arg12[%get3A_1649, %get3A_1650] {strides = array<i32>} : memref<128x64xf32, #tpu.memory_space<vmem>>, vector<16xf32>,
        tpu.vector_store_idx %arg16[%add3A_17, %add3A_1639], %get3A_1651 : memref<64x133xf32, #tpu.memory_space<vmem>>[vector<16xi32>, vector<16xi32>], vector<16xf32>,
        %add3A_1652 = arith.constant 6 : i32
        %add3A_1653 = arith.addi %add3A_1556, %add3A_1652 : i32
        %add3A_1654 = vector.broadcast %add3A_1653 : i32 to vector<16xi32>
        %add3A_1655 = arith.addi %mul3A_5, %add3A_1654 : vector<16xi32>
        %get3A_1656 = arith.index_cast %add3A_1653 : i32 to index
        %get3A_1657 = arith.constant 0 : index
        %get3A_1658 = tpu.vector_load %arg12[%get3A_1656, %get3A_1657] {strides = array<i32>} : memref<128x64xf32, #tpu.memory_space<vmem>>, vector<16xf32>,
        tpu.vector_store_idx %arg16[%add3A_8, %add3A_1655], %get3A_1658 : memref<64x133xf32, #tpu.memory_space<vmem>>[vector<16xi32>, vector<16xi32>], vector<16xf32>,
        %get3A_1659 = arith.index_cast %add3A_1653 : i32 to index
        %get3A_1660 = arith.constant 16 : index
        %get3A_1661 = tpu.vector_load %arg12[%get3A_1659, %get3A_1660] {strides = array<i32>} : memref<128x64xf32, #tpu.memory_space<vmem>>, vector<16xf32>,
        tpu.vector_store_idx %arg16[%add3A_11, %add3A_1655], %get3A_1661 : memref<64x133xf32, #tpu.memory_space<vmem>>[vector<16xi32>, vector<16xi32>], vector<16xf32>,
        %get3A_1662 = arith.index_cast %add3A_1653 : i32 to index
        %get3A_1663 = arith.constant 32 : index
        %get3A_1664 = tpu.vector_load %arg12[%get3A_1662, %get3A_1663] {strides = array<i32>} : memref<128x64xf32, #tpu.memory_space<vmem>>, vector<16xf32>,
        tpu.vector_store_idx %arg16[%add3A_14, %add3A_1655], %get3A_1664 : memref<64x133xf32, #tpu.memory_space<vmem>>[vector<16xi32>, vector<16xi32>], vector<16xf32>,
        %get3A_1665 = arith.index_cast %add3A_1653 : i32 to index
        %get3A_1666 = arith.constant 48 : index
        %get3A_1667 = tpu.vector_load %arg12[%get3A_1665, %get3A_1666] {strides = array<i32>} : memref<128x64xf32, #tpu.memory_space<vmem>>, vector<16xf32>,
        tpu.vector_store_idx %arg16[%add3A_17, %add3A_1655], %get3A_1667 : memref<64x133xf32, #tpu.memory_space<vmem>>[vector<16xi32>, vector<16xi32>], vector<16xf32>,
        %add3A_1668 = arith.constant 7 : i32
        %add3A_1669 = arith.addi %add3A_1556, %add3A_1668 : i32
        %add3A_1670 = vector.broadcast %add3A_1669 : i32 to vector<16xi32>
        %add3A_1671 = arith.addi %mul3A_5, %add3A_1670 : vector<16xi32>
        %get3A_1672 = arith.index_cast %add3A_1669 : i32 to index
        %get3A_1673 = arith.constant 0 : index
        %get3A_1674 = tpu.vector_load %arg12[%get3A_1672, %get3A_1673] {strides = array<i32>} : memref<128x64xf32, #tpu.memory_space<vmem>>, vector<16xf32>,
        tpu.vector_store_idx %arg16[%add3A_8, %add3A_1671], %get3A_1674 : memref<64x133xf32, #tpu.memory_space<vmem>>[vector<16xi32>, vector<16xi32>], vector<16xf32>,
        %get3A_1675 = arith.index_cast %add3A_1669 : i32 to index
        %get3A_1676 = arith.constant 16 : index
        %get3A_1677 = tpu.vector_load %arg12[%get3A_1675, %get3A_1676] {strides = array<i32>} : memref<128x64xf32, #tpu.memory_space<vmem>>, vector<16xf32>,
        tpu.vector_store_idx %arg16[%add3A_11, %add3A_1671], %get3A_1677 : memref<64x133xf32, #tpu.memory_space<vmem>>[vector<16xi32>, vector<16xi32>], vector<16xf32>,
        %get3A_1678 = arith.index_cast %add3A_1669 : i32 to index
        %get3A_1679 = arith.constant 32 : index
        %get3A_1680 = tpu.vector_load %arg12[%get3A_1678, %get3A_1679] {strides = array<i32>} : memref<128x64xf32, #tpu.memory_space<vmem>>, vector<16xf32>,
        tpu.vector_store_idx %arg16[%add3A_14, %add3A_1671], %get3A_1680 : memref<64x133xf32, #tpu.memory_space<vmem>>[vector<16xi32>, vector<16xi32>], vector<16xf32>,
        %get3A_1681 = arith.index_cast %add3A_1669 : i32 to index
        %get3A_1682 = arith.constant 48 : index
        %get3A_1683 = tpu.vector_load %arg12[%get3A_1681, %get3A_1682] {strides = array<i32>} : memref<128x64xf32, #tpu.memory_space<vmem>>, vector<16xf32>,
        tpu.vector_store_idx %arg16[%add3A_17, %add3A_1671], %get3A_1683 : memref<64x133xf32, #tpu.memory_space<vmem>>[vector<16xi32>, vector<16xi32>], vector<16xf32>,
      }
      %scan3A_1373 = arith.constant 16 : i32
      %jit3A_1374 = arith.constant 128 : i32
      %div3A_1375 = arith.divsi %add3A_1358, %jit3A_1374 : i32
      %sign3A_1376 = arith.constant 0 : i32
      %sign3A_1377 = arith.cmpi sgt, %add3A_1358, %sign3A_1376 : i32
      %sign3A_1378 = arith.extui %sign3A_1377 : i1 to i32
      %sign3A_1379 = arith.constant 0 : i32
      %sign3A_1380 = arith.cmpi slt, %add3A_1358, %sign3A_1379 : i32
      %sign3A_1381 = arith.extui %sign3A_1380 : i1 to i32
      %sign3A_1382 = arith.subi %sign3A_1378, %sign3A_1381 : i32
      %sign3A_1383 = arith.constant 0 : i32
      %sign3A_1384 = arith.cmpi sgt, %jit3A_1374, %sign3A_1383 : i32
      %sign3A_1385 = arith.extui %sign3A_1384 : i1 to i32
      %sign3A_1386 = arith.constant 0 : i32
      %sign3A_1387 = arith.cmpi slt, %jit3A_1374, %sign3A_1386 : i32
      %sign3A_1388 = arith.extui %sign3A_1387 : i1 to i32
      %sign3A_1389 = arith.subi %sign3A_1385, %sign3A_1388 : i32
      %ne3A_1390 = arith.cmpi ne, %sign3A_1382, %sign3A_1389 : i32
      %rem3A_1391 = arith.remsi %add3A_1358, %jit3A_1374 : i32
      %ne3A_1392 = arith.constant 0 : i32
      %ne3A_1393 = arith.cmpi ne, %rem3A_1391, %ne3A_1392 : i32
      %and3A_1394 = arith.andi %ne3A_1390, %ne3A_1393 : i1
      %sub3A_1395 = arith.constant 1 : i32
      %sub3A_1396 = arith.subi %div3A_1375, %sub3A_1395 : i32
      %select_n3A_1397 = arith.select %and3A_1394, %sub3A_1396, %div3A_1375 : i32
      %jit3A_1398 = arith.constant 128 : i32
      %eq3A_1399 = arith.constant 0 : i32
      %eq3A_1400 = arith.cmpi eq, %jit3A_1398, %eq3A_1399 : i32
      %jit3A_1401 = arith.constant 1 : i32
      %select_n3A_1402 = arith.select %eq3A_1400, %jit3A_1401, %jit3A_1398 : i32
      %rem3A_1403 = arith.remsi %add3A_1358, %select_n3A_1402 : i32
      %ne3A_1404 = arith.constant 0 : i32
      %ne3A_1405 = arith.cmpi ne, %rem3A_1403, %ne3A_1404 : i32
      %lt3A_1406 = arith.constant 0 : i32
      %lt3A_1407 = arith.cmpi slt, %rem3A_1403, %lt3A_1406 : i32
      %lt3A_1408 = arith.constant 0 : i32
      %lt3A_1409 = arith.cmpi slt, %select_n3A_1402, %lt3A_1408 : i32
      %ne3A_1410 = arith.xori %lt3A_1407, %lt3A_1409 : i1
      %and3A_1411 = arith.andi %ne3A_1410, %ne3A_1405 : i1
      %add3A_1412 = arith.addi %rem3A_1403, %select_n3A_1402 : i32
      %select_n3A_1413 = arith.select %and3A_1411, %add3A_1412, %rem3A_1403 : i32
      %dma_start3A_1414 = arith.constant 0 : i32
      %dma_start3A_1415 = arith.constant 0 : i32
      %dma_start3A_1416 = arith.constant 0 : i32
      %dma_start3A_1417 = tpu.memref_slice %arg16[%dma_start3A_1415, %dma_start3A_1416] : memref<64x133xf32, #tpu.memory_space<vmem>> -> memref<8x128xf32, #tpu.memory_space<vmem>>
      %dma_start3A_1418 = arith.constant 0 : i32
      %dma_start3A_1419 = arith.constant 0 : i32
      %dma_start3A_1420 = tpu.memref_slice %arg4[%select_n3A_1397, %dma_start3A_1414, %select_n3A_1413, %dma_start3A_1418, %dma_start3A_1419] : memref<50x8x128x8x128xf32, #tpu.memory_space<hbm>> -> memref<1x1x1x8x128xf32, #tpu.memory_space<hbm>>
      %dma_start3A_1421 = tpu.memref_squeeze %dma_start3A_1420 : memref<1x1x1x8x128xf32, #tpu.memory_space<hbm>> -> memref<8x128xf32, #tpu.memory_space<hbm>>
      %dma_start3A_1422 = arith.constant 0 : i32
      %dma_start3A_1423 = arith.constant 0 : i32
      %dma_start3A_1424 = tpu.memref_slice %arg4[%select_n3A_1397, %dma_start3A_1414, %select_n3A_1413, %dma_start3A_1422, %dma_start3A_1423] : memref<50x8x128x8x128xf32, #tpu.memory_space<hbm>> -> memref<1x1x1x8x128xf32, #tpu.memory_space<hbm>>
      %dma_start3A_1425 = tpu.memref_squeeze %dma_start3A_1424 : memref<1x1x1x8x128xf32, #tpu.memory_space<hbm>> -> memref<8x128xf32, #tpu.memory_space<hbm>>
      %dma_start3A_1426 = arith.constant 0 : i32
      %dma_start3A_1427 = arith.constant 0 : i32
      %dma_start3A_1428 = tpu.memref_slice %arg16[%dma_start3A_1426, %dma_start3A_1427] : memref<64x133xf32, #tpu.memory_space<vmem>> -> memref<8x128xf32, #tpu.memory_space<vmem>>
      tpu.enqueue_dma source(%dma_start3A_1428 : memref<8x128xf32, #tpu.memory_space<vmem>>) target(%dma_start3A_1425 : memref<8x128xf32, #tpu.memory_space<hbm>>) target_semaphore(%arg28 : memref<!tpu.dma_semaphore, #tpu.memory_space<semaphore_mem>>)
      %dma_start3A_1429 = arith.constant 1 : i32
      %dma_start3A_1430 = arith.constant 8 : i32
      %dma_start3A_1431 = arith.constant 0 : i32
      %dma_start3A_1432 = tpu.memref_slice %arg16[%dma_start3A_1430, %dma_start3A_1431] : memref<64x133xf32, #tpu.memory_space<vmem>> -> memref<8x128xf32, #tpu.memory_space<vmem>>
      %dma_start3A_1433 = arith.constant 0 : i32
      %dma_start3A_1434 = arith.constant 0 : i32
      %dma_start3A_1435 = tpu.memref_slice %arg4[%select_n3A_1397, %dma_start3A_1429, %select_n3A_1413, %dma_start3A_1433, %dma_start3A_1434] : memref<50x8x128x8x128xf32, #tpu.memory_space<hbm>> -> memref<1x1x1x8x128xf32, #tpu.memory_space<hbm>>
      %dma_start3A_1436 = tpu.memref_squeeze %dma_start3A_1435 : memref<1x1x1x8x128xf32, #tpu.memory_space<hbm>> -> memref<8x128xf32, #tpu.memory_space<hbm>>
      %dma_start3A_1437 = arith.constant 0 : i32
      %dma_start3A_1438 = arith.constant 0 : i32
      %dma_start3A_1439 = tpu.memref_slice %arg4[%select_n3A_1397, %dma_start3A_1429, %select_n3A_1413, %dma_start3A_1437, %dma_start3A_1438] : memref<50x8x128x8x128xf32, #tpu.memory_space<hbm>> -> memref<1x1x1x8x128xf32, #tpu.memory_space<hbm>>
      %dma_start3A_1440 = tpu.memref_squeeze %dma_start3A_1439 : memref<1x1x1x8x128xf32, #tpu.memory_space<hbm>> -> memref<8x128xf32, #tpu.memory_space<hbm>>
      %dma_start3A_1441 = arith.constant 8 : i32
      %dma_start3A_1442 = arith.constant 0 : i32
      %dma_start3A_1443 = tpu.memref_slice %arg16[%dma_start3A_1441, %dma_start3A_1442] : memref<64x133xf32, #tpu.memory_space<vmem>> -> memref<8x128xf32, #tpu.memory_space<vmem>>
      tpu.enqueue_dma source(%dma_start3A_1443 : memref<8x128xf32, #tpu.memory_space<vmem>>) target(%dma_start3A_1440 : memref<8x128xf32, #tpu.memory_space<hbm>>) target_semaphore(%arg28 : memref<!tpu.dma_semaphore, #tpu.memory_space<semaphore_mem>>)
      %dma_start3A_1444 = arith.constant 2 : i32
      %dma_start3A_1445 = arith.constant 16 : i32
      %dma_start3A_1446 = arith.constant 0 : i32
      %dma_start3A_1447 = tpu.memref_slice %arg16[%dma_start3A_1445, %dma_start3A_1446] : memref<64x133xf32, #tpu.memory_space<vmem>> -> memref<8x128xf32, #tpu.memory_space<vmem>>
      %dma_start3A_1448 = arith.constant 0 : i32
      %dma_start3A_1449 = arith.constant 0 : i32
      %dma_start3A_1450 = tpu.memref_slice %arg4[%select_n3A_1397, %dma_start3A_1444, %select_n3A_1413, %dma_start3A_1448, %dma_start3A_1449] : memref<50x8x128x8x128xf32, #tpu.memory_space<hbm>> -> memref<1x1x1x8x128xf32, #tpu.memory_space<hbm>>
      %dma_start3A_1451 = tpu.memref_squeeze %dma_start3A_1450 : memref<1x1x1x8x128xf32, #tpu.memory_space<hbm>> -> memref<8x128xf32, #tpu.memory_space<hbm>>
      %dma_start3A_1452 = arith.constant 0 : i32
      %dma_start3A_1453 = arith.constant 0 : i32
      %dma_start3A_1454 = tpu.memref_slice %arg4[%select_n3A_1397, %dma_start3A_1444, %select_n3A_1413, %dma_start3A_1452, %dma_start3A_1453] : memref<50x8x128x8x128xf32, #tpu.memory_space<hbm>> -> memref<1x1x1x8x128xf32, #tpu.memory_space<hbm>>
      %dma_start3A_1455 = tpu.memref_squeeze %dma_start3A_1454 : memref<1x1x1x8x128xf32, #tpu.memory_space<hbm>> -> memref<8x128xf32, #tpu.memory_space<hbm>>
      %dma_start3A_1456 = arith.constant 16 : i32
      %dma_start3A_1457 = arith.constant 0 : i32
      %dma_start3A_1458 = tpu.memref_slice %arg16[%dma_start3A_1456, %dma_start3A_1457] : memref<64x133xf32, #tpu.memory_space<vmem>> -> memref<8x128xf32, #tpu.memory_space<vmem>>
      tpu.enqueue_dma source(%dma_start3A_1458 : memref<8x128xf32, #tpu.memory_space<vmem>>) target(%dma_start3A_1455 : memref<8x128xf32, #tpu.memory_space<hbm>>) target_semaphore(%arg28 : memref<!tpu.dma_semaphore, #tpu.memory_space<semaphore_mem>>)
      %dma_start3A_1459 = arith.constant 3 : i32
      %dma_start3A_1460 = arith.constant 24 : i32
      %dma_start3A_1461 = arith.constant 0 : i32
      %dma_start3A_1462 = tpu.memref_slice %arg16[%dma_start3A_1460, %dma_start3A_1461] : memref<64x133xf32, #tpu.memory_space<vmem>> -> memref<8x128xf32, #tpu.memory_space<vmem>>
      %dma_start3A_1463 = arith.constant 0 : i32
      %dma_start3A_1464 = arith.constant 0 : i32
      %dma_start3A_1465 = tpu.memref_slice %arg4[%select_n3A_1397, %dma_start3A_1459, %select_n3A_1413, %dma_start3A_1463, %dma_start3A_1464] : memref<50x8x128x8x128xf32, #tpu.memory_space<hbm>> -> memref<1x1x1x8x128xf32, #tpu.memory_space<hbm>>
      %dma_start3A_1466 = tpu.memref_squeeze %dma_start3A_1465 : memref<1x1x1x8x128xf32, #tpu.memory_space<hbm>> -> memref<8x128xf32, #tpu.memory_space<hbm>>
      %dma_start3A_1467 = arith.constant 0 : i32
      %dma_start3A_1468 = arith.constant 0 : i32
      %dma_start3A_1469 = tpu.memref_slice %arg4[%select_n3A_1397, %dma_start3A_1459, %select_n3A_1413, %dma_start3A_1467, %dma_start3A_1468] : memref<50x8x128x8x128xf32, #tpu.memory_space<hbm>> -> memref<1x1x1x8x128xf32, #tpu.memory_space<hbm>>
      %dma_start3A_1470 = tpu.memref_squeeze %dma_start3A_1469 : memref<1x1x1x8x128xf32, #tpu.memory_space<hbm>> -> memref<8x128xf32, #tpu.memory_space<hbm>>
      %dma_start3A_1471 = arith.constant 24 : i32
      %dma_start3A_1472 = arith.constant 0 : i32
      %dma_start3A_1473 = tpu.memref_slice %arg16[%dma_start3A_1471, %dma_start3A_1472] : memref<64x133xf32, #tpu.memory_space<vmem>> -> memref<8x128xf32, #tpu.memory_space<vmem>>
      tpu.enqueue_dma source(%dma_start3A_1473 : memref<8x128xf32, #tpu.memory_space<vmem>>) target(%dma_start3A_1470 : memref<8x128xf32, #tpu.memory_space<hbm>>) target_semaphore(%arg28 : memref<!tpu.dma_semaphore, #tpu.memory_space<semaphore_mem>>)
      %dma_start3A_1474 = arith.constant 4 : i32
      %dma_start3A_1475 = arith.constant 32 : i32
      %dma_start3A_1476 = arith.constant 0 : i32
      %dma_start3A_1477 = tpu.memref_slice %arg16[%dma_start3A_1475, %dma_start3A_1476] : memref<64x133xf32, #tpu.memory_space<vmem>> -> memref<8x128xf32, #tpu.memory_space<vmem>>
      %dma_start3A_1478 = arith.constant 0 : i32
      %dma_start3A_1479 = arith.constant 0 : i32
      %dma_start3A_1480 = tpu.memref_slice %arg4[%select_n3A_1397, %dma_start3A_1474, %select_n3A_1413, %dma_start3A_1478, %dma_start3A_1479] : memref<50x8x128x8x128xf32, #tpu.memory_space<hbm>> -> memref<1x1x1x8x128xf32, #tpu.memory_space<hbm>>
      %dma_start3A_1481 = tpu.memref_squeeze %dma_start3A_1480 : memref<1x1x1x8x128xf32, #tpu.memory_space<hbm>> -> memref<8x128xf32, #tpu.memory_space<hbm>>
      %dma_start3A_1482 = arith.constant 0 : i32
      %dma_start3A_1483 = arith.constant 0 : i32
      %dma_start3A_1484 = tpu.memref_slice %arg4[%select_n3A_1397, %dma_start3A_1474, %select_n3A_1413, %dma_start3A_1482, %dma_start3A_1483] : memref<50x8x128x8x128xf32, #tpu.memory_space<hbm>> -> memref<1x1x1x8x128xf32, #tpu.memory_space<hbm>>
      %dma_start3A_1485 = tpu.memref_squeeze %dma_start3A_1484 : memref<1x1x1x8x128xf32, #tpu.memory_space<hbm>> -> memref<8x128xf32, #tpu.memory_space<hbm>>
      %dma_start3A_1486 = arith.constant 32 : i32
      %dma_start3A_1487 = arith.constant 0 : i32
      %dma_start3A_1488 = tpu.memref_slice %arg16[%dma_start3A_1486, %dma_start3A_1487] : memref<64x133xf32, #tpu.memory_space<vmem>> -> memref<8x128xf32, #tpu.memory_space<vmem>>
      tpu.enqueue_dma source(%dma_start3A_1488 : memref<8x128xf32, #tpu.memory_space<vmem>>) target(%dma_start3A_1485 : memref<8x128xf32, #tpu.memory_space<hbm>>) target_semaphore(%arg28 : memref<!tpu.dma_semaphore, #tpu.memory_space<semaphore_mem>>)
      %dma_start3A_1489 = arith.constant 5 : i32
      %dma_start3A_1490 = arith.constant 40 : i32
      %dma_start3A_1491 = arith.constant 0 : i32
      %dma_start3A_1492 = tpu.memref_slice %arg16[%dma_start3A_1490, %dma_start3A_1491] : memref<64x133xf32, #tpu.memory_space<vmem>> -> memref<8x128xf32, #tpu.memory_space<vmem>>
      %dma_start3A_1493 = arith.constant 0 : i32
      %dma_start3A_1494 = arith.constant 0 : i32
      %dma_start3A_1495 = tpu.memref_slice %arg4[%select_n3A_1397, %dma_start3A_1489, %select_n3A_1413, %dma_start3A_1493, %dma_start3A_1494] : memref<50x8x128x8x128xf32, #tpu.memory_space<hbm>> -> memref<1x1x1x8x128xf32, #tpu.memory_space<hbm>>
      %dma_start3A_1496 = tpu.memref_squeeze %dma_start3A_1495 : memref<1x1x1x8x128xf32, #tpu.memory_space<hbm>> -> memref<8x128xf32, #tpu.memory_space<hbm>>
      %dma_start3A_1497 = arith.constant 0 : i32
      %dma_start3A_1498 = arith.constant 0 : i32
      %dma_start3A_1499 = tpu.memref_slice %arg4[%select_n3A_1397, %dma_start3A_1489, %select_n3A_1413, %dma_start3A_1497, %dma_start3A_1498] : memref<50x8x128x8x128xf32, #tpu.memory_space<hbm>> -> memref<1x1x1x8x128xf32, #tpu.memory_space<hbm>>
      %dma_start3A_1500 = tpu.memref_squeeze %dma_start3A_1499 : memref<1x1x1x8x128xf32, #tpu.memory_space<hbm>> -> memref<8x128xf32, #tpu.memory_space<hbm>>
      %dma_start3A_1501 = arith.constant 40 : i32
      %dma_start3A_1502 = arith.constant 0 : i32
      %dma_start3A_1503 = tpu.memref_slice %arg16[%dma_start3A_1501, %dma_start3A_1502] : memref<64x133xf32, #tpu.memory_space<vmem>> -> memref<8x128xf32, #tpu.memory_space<vmem>>
      tpu.enqueue_dma source(%dma_start3A_1503 : memref<8x128xf32, #tpu.memory_space<vmem>>) target(%dma_start3A_1500 : memref<8x128xf32, #tpu.memory_space<hbm>>) target_semaphore(%arg28 : memref<!tpu.dma_semaphore, #tpu.memory_space<semaphore_mem>>)
      %dma_start3A_1504 = arith.constant 6 : i32
      %dma_start3A_1505 = arith.constant 48 : i32
      %dma_start3A_1506 = arith.constant 0 : i32
      %dma_start3A_1507 = tpu.memref_slice %arg16[%dma_start3A_1505, %dma_start3A_1506] : memref<64x133xf32, #tpu.memory_space<vmem>> -> memref<8x128xf32, #tpu.memory_space<vmem>>
      %dma_start3A_1508 = arith.constant 0 : i32
      %dma_start3A_1509 = arith.constant 0 : i32
      %dma_start3A_1510 = tpu.memref_slice %arg4[%select_n3A_1397, %dma_start3A_1504, %select_n3A_1413, %dma_start3A_1508, %dma_start3A_1509] : memref<50x8x128x8x128xf32, #tpu.memory_space<hbm>> -> memref<1x1x1x8x128xf32, #tpu.memory_space<hbm>>
      %dma_start3A_1511 = tpu.memref_squeeze %dma_start3A_1510 : memref<1x1x1x8x128xf32, #tpu.memory_space<hbm>> -> memref<8x128xf32, #tpu.memory_space<hbm>>
      %dma_start3A_1512 = arith.constant 0 : i32
      %dma_start3A_1513 = arith.constant 0 : i32
      %dma_start3A_1514 = tpu.memref_slice %arg4[%select_n3A_1397, %dma_start3A_1504, %select_n3A_1413, %dma_start3A_1512, %dma_start3A_1513] : memref<50x8x128x8x128xf32, #tpu.memory_space<hbm>> -> memref<1x1x1x8x128xf32, #tpu.memory_space<hbm>>
      %dma_start3A_1515 = tpu.memref_squeeze %dma_start3A_1514 : memref<1x1x1x8x128xf32, #tpu.memory_space<hbm>> -> memref<8x128xf32, #tpu.memory_space<hbm>>
      %dma_start3A_1516 = arith.constant 48 : i32
      %dma_start3A_1517 = arith.constant 0 : i32
      %dma_start3A_1518 = tpu.memref_slice %arg16[%dma_start3A_1516, %dma_start3A_1517] : memref<64x133xf32, #tpu.memory_space<vmem>> -> memref<8x128xf32, #tpu.memory_space<vmem>>
      tpu.enqueue_dma source(%dma_start3A_1518 : memref<8x128xf32, #tpu.memory_space<vmem>>) target(%dma_start3A_1515 : memref<8x128xf32, #tpu.memory_space<hbm>>) target_semaphore(%arg28 : memref<!tpu.dma_semaphore, #tpu.memory_space<semaphore_mem>>)
      %dma_start3A_1519 = arith.constant 7 : i32
      %dma_start3A_1520 = arith.constant 56 : i32
      %dma_start3A_1521 = arith.constant 0 : i32
      %dma_start3A_1522 = tpu.memref_slice %arg16[%dma_start3A_1520, %dma_start3A_1521] : memref<64x133xf32, #tpu.memory_space<vmem>> -> memref<8x128xf32, #tpu.memory_space<vmem>>
      %dma_start3A_1523 = arith.constant 0 : i32
      %dma_start3A_1524 = arith.constant 0 : i32
      %dma_start3A_1525 = tpu.memref_slice %arg4[%select_n3A_1397, %dma_start3A_1519, %select_n3A_1413, %dma_start3A_1523, %dma_start3A_1524] : memref<50x8x128x8x128xf32, #tpu.memory_space<hbm>> -> memref<1x1x1x8x128xf32, #tpu.memory_space<hbm>>
      %dma_start3A_1526 = tpu.memref_squeeze %dma_start3A_1525 : memref<1x1x1x8x128xf32, #tpu.memory_space<hbm>> -> memref<8x128xf32, #tpu.memory_space<hbm>>
      %dma_start3A_1527 = arith.constant 0 : i32
      %dma_start3A_1528 = arith.constant 0 : i32
      %dma_start3A_1529 = tpu.memref_slice %arg4[%select_n3A_1397, %dma_start3A_1519, %select_n3A_1413, %dma_start3A_1527, %dma_start3A_1528] : memref<50x8x128x8x128xf32, #tpu.memory_space<hbm>> -> memref<1x1x1x8x128xf32, #tpu.memory_space<hbm>>
      %dma_start3A_1530 = tpu.memref_squeeze %dma_start3A_1529 : memref<1x1x1x8x128xf32, #tpu.memory_space<hbm>> -> memref<8x128xf32, #tpu.memory_space<hbm>>
      %dma_start3A_1531 = arith.constant 56 : i32
      %dma_start3A_1532 = arith.constant 0 : i32
      %dma_start3A_1533 = tpu.memref_slice %arg16[%dma_start3A_1531, %dma_start3A_1532] : memref<64x133xf32, #tpu.memory_space<vmem>> -> memref<8x128xf32, #tpu.memory_space<vmem>>
      tpu.enqueue_dma source(%dma_start3A_1533 : memref<8x128xf32, #tpu.memory_space<vmem>>) target(%dma_start3A_1530 : memref<8x128xf32, #tpu.memory_space<hbm>>) target_semaphore(%arg28 : memref<!tpu.dma_semaphore, #tpu.memory_space<semaphore_mem>>)
      %add3A_1534 = arith.constant 3 : i32
      %add3A_1535 = arith.addi %add3A_770, %add3A_1534 : i32
      %add3A_1536 = arith.constant 4 : i32
      %add3A_1537 = arith.addi %add3A_1535, %add3A_1536 : i32
      %lt3A_1538 = arith.constant 200 : i32
      %lt3A_1539 = arith.cmpi slt, %add3A_1537, %lt3A_1538 : i32
      %convert_element_type3A_1540 = arith.extui %lt3A_1539 : i1 to i32
      %cond3A_1541 = arith.constant 0 : i32
      %cond3A_1542 = arith.cmpi ne, %convert_element_type3A_1540, %cond3A_1541 : i32
      scf.if %cond3A_1542 {
        %add3A_1552 = arith.constant 4 : i32
        %add3A_1553 = arith.addi %add3A_1358, %add3A_1552 : i32
        %jit3A_1554 = arith.constant 128 : i32
        %div3A_1555 = arith.divsi %add3A_1553, %jit3A_1554 : i32
        %sign3A_1556 = arith.constant 0 : i32
        %sign3A_1557 = arith.cmpi sgt, %add3A_1553, %sign3A_1556 : i32
        %sign3A_1558 = arith.extui %sign3A_1557 : i1 to i32
        %sign3A_1559 = arith.constant 0 : i32
        %sign3A_1560 = arith.cmpi slt, %add3A_1553, %sign3A_1559 : i32
        %sign3A_1561 = arith.extui %sign3A_1560 : i1 to i32
        %sign3A_1562 = arith.subi %sign3A_1558, %sign3A_1561 : i32
        %sign3A_1563 = arith.constant 0 : i32
        %sign3A_1564 = arith.cmpi sgt, %jit3A_1554, %sign3A_1563 : i32
        %sign3A_1565 = arith.extui %sign3A_1564 : i1 to i32
        %sign3A_1566 = arith.constant 0 : i32
        %sign3A_1567 = arith.cmpi slt, %jit3A_1554, %sign3A_1566 : i32
        %sign3A_1568 = arith.extui %sign3A_1567 : i1 to i32
        %sign3A_1569 = arith.subi %sign3A_1565, %sign3A_1568 : i32
        %ne3A_1570 = arith.cmpi ne, %sign3A_1562, %sign3A_1569 : i32
        %rem3A_1571 = arith.remsi %add3A_1553, %jit3A_1554 : i32
        %ne3A_1572 = arith.constant 0 : i32
        %ne3A_1573 = arith.cmpi ne, %rem3A_1571, %ne3A_1572 : i32
        %and3A_1574 = arith.andi %ne3A_1570, %ne3A_1573 : i1
        %sub3A_1575 = arith.constant 1 : i32
        %sub3A_1576 = arith.subi %div3A_1555, %sub3A_1575 : i32
        %select_n3A_1577 = arith.select %and3A_1574, %sub3A_1576, %div3A_1555 : i32
        %jit3A_1578 = arith.constant 128 : i32
        %eq3A_1579 = arith.constant 0 : i32
        %eq3A_1580 = arith.cmpi eq, %jit3A_1578, %eq3A_1579 : i32
        %jit3A_1581 = arith.constant 1 : i32
        %select_n3A_1582 = arith.select %eq3A_1580, %jit3A_1581, %jit3A_1578 : i32
        %rem3A_1583 = arith.remsi %add3A_1553, %select_n3A_1582 : i32
        %ne3A_1584 = arith.constant 0 : i32
        %ne3A_1585 = arith.cmpi ne, %rem3A_1583, %ne3A_1584 : i32
        %lt3A_1586 = arith.constant 0 : i32
        %lt3A_1587 = arith.cmpi slt, %rem3A_1583, %lt3A_1586 : i32
        %lt3A_1588 = arith.constant 0 : i32
        %lt3A_1589 = arith.cmpi slt, %select_n3A_1582, %lt3A_1588 : i32
        %ne3A_1590 = arith.xori %lt3A_1587, %lt3A_1589 : i1
        %and3A_1591 = arith.andi %ne3A_1590, %ne3A_1585 : i1
        %add3A_1592 = arith.addi %rem3A_1583, %select_n3A_1582 : i32
        %select_n3A_1593 = arith.select %and3A_1591, %add3A_1592, %rem3A_1583 : i32
        %mul3A_1594 = arith.constant 128 : i32
        %mul3A_1595 = arith.muli %select_n3A_1593, %mul3A_1594 : i32
        %dma_start3A_1596 = tpu.memref_slice %arg2[%select_n3A_1577, %mul3A_1595] : memref<50x16384xi32, #tpu.memory_space<hbm>> -> memref<1x128xi32, #tpu.memory_space<hbm>>
        %dma_start3A_1597 = tpu.memref_squeeze %dma_start3A_1596 : memref<1x128xi32, #tpu.memory_space<hbm>> -> memref<128xi32, #tpu.memory_space<hbm>>
        %dma_start3A_1598 = tpu.memref_slice %arg2[%select_n3A_1577, %mul3A_1595] : memref<50x16384xi32, #tpu.memory_space<hbm>> -> memref<1x128xi32, #tpu.memory_space<hbm>>
        %dma_start3A_1599 = tpu.memref_squeeze %dma_start3A_1598 : memref<1x128xi32, #tpu.memory_space<hbm>> -> memref<128xi32, #tpu.memory_space<hbm>>
        tpu.enqueue_dma source(%dma_start3A_1599 : memref<128xi32, #tpu.memory_space<hbm>>) target(%arg8 : memref<128xi32, #tpu.memory_space<vmem>>) target_semaphore(%arg20 : memref<!tpu.dma_semaphore, #tpu.memory_space<semaphore_mem>>)
      } else {
      }
      %add3A_1543 = arith.constant 3 : i32
      %add3A_1544 = arith.addi %add3A_770, %add3A_1543 : i32
      %add3A_1545 = arith.constant 2 : i32
      %add3A_1546 = arith.addi %add3A_1544, %add3A_1545 : i32
      %lt3A_1547 = arith.constant 200 : i32
      %lt3A_1548 = arith.cmpi slt, %add3A_1546, %lt3A_1547 : i32
      %convert_element_type3A_1549 = arith.extui %lt3A_1548 : i1 to i32
      %cond3A_1550 = arith.constant 0 : i32
      %cond3A_1551 = arith.cmpi ne, %convert_element_type3A_1549, %cond3A_1550 : i32
      scf.if %cond3A_1551 {
        %dma_wait3A_1552 = arith.constant 0 : i32
        %dma_wait3A_1553 = arith.constant 0 : i32
        %dma_wait3A_1554 = tpu.memref_slice %arg2[%dma_wait3A_1552, %dma_wait3A_1553] : memref<50x16384xi32, #tpu.memory_space<hbm>> -> memref<1x128xi32, #tpu.memory_space<hbm>>
        %dma_wait3A_1555 = tpu.memref_squeeze %dma_wait3A_1554 : memref<1x128xi32, #tpu.memory_space<hbm>> -> memref<128xi32, #tpu.memory_space<hbm>>
        %dma_wait3A_1556 = arith.constant 0 : i32
        %dma_wait3A_1557 = tpu.memref_slice %arg2[%dma_wait3A_1552, %dma_wait3A_1556] : memref<50x16384xi32, #tpu.memory_space<hbm>> -> memref<1x128xi32, #tpu.memory_space<hbm>>
        %dma_wait3A_1558 = tpu.memref_squeeze %dma_wait3A_1557 : memref<1x128xi32, #tpu.memory_space<hbm>> -> memref<128xi32, #tpu.memory_space<hbm>>
        tpu.wait_dma2 semaphore(%arg18 : memref<!tpu.dma_semaphore, #tpu.memory_space<semaphore_mem>>) src(%dma_wait3A_1558 : memref<128xi32, #tpu.memory_space<hbm>>) dst(%arg6 : memref<128xi32, #tpu.memory_space<vmem>>)
        %dma_start3A_1559 = arith.constant 0 : i32
        %dma_start3A_1560 = arith.constant 0 : i32
        %dma_start3A_1561 = tpu.memref_slice %arg3[%dma_start3A_1559, %dma_start3A_1560] : memref<1000000x64xf32, #tpu.memory_space<hbm>> -> memref<1000000x64xf32, #tpu.memory_space<hbm>>
        tpu.enqueue_indirect_dma source(%dma_start3A_1561 : memref<1000000x64xf32, #tpu.memory_space<hbm>>) target(%arg10 : memref<128x64xf32, #tpu.memory_space<vmem>>) offsets(%arg6 : memref<128xi32, #tpu.memory_space<vmem>>) semaphore(%arg22 : memref<!tpu.dma_semaphore, #tpu.memory_space<semaphore_mem>>)
      } else {
      }
    }
    %scan3A_221 = arith.constant 50 : i32
    %dma_wait3A_222 = arith.constant 0 : i32
    %dma_wait3A_223 = arith.constant 0 : i32
    %dma_wait3A_224 = arith.constant 0 : i32
    %dma_wait3A_225 = arith.constant 0 : i32
    %dma_wait3A_226 = arith.constant 0 : i32
    %dma_wait3A_227 = tpu.memref_slice %arg13[%dma_wait3A_225, %dma_wait3A_226] : memref<64x133xf32, #tpu.memory_space<vmem>> -> memref<8x128xf32, #tpu.memory_space<vmem>>
    %dma_wait3A_228 = arith.constant 0 : i32
    %dma_wait3A_229 = arith.constant 0 : i32
    %dma_wait3A_230 = tpu.memref_slice %arg4[%dma_wait3A_222, %dma_wait3A_223, %dma_wait3A_224, %dma_wait3A_228, %dma_wait3A_229] : memref<50x8x128x8x128xf32, #tpu.memory_space<hbm>> -> memref<1x1x1x8x128xf32, #tpu.memory_space<hbm>>
    %dma_wait3A_231 = tpu.memref_squeeze %dma_wait3A_230 : memref<1x1x1x8x128xf32, #tpu.memory_space<hbm>> -> memref<8x128xf32, #tpu.memory_space<hbm>>
    %dma_wait3A_232 = arith.constant 0 : i32
    %dma_wait3A_233 = arith.constant 0 : i32
    %dma_wait3A_234 = tpu.memref_slice %arg4[%dma_wait3A_222, %dma_wait3A_223, %dma_wait3A_224, %dma_wait3A_232, %dma_wait3A_233] : memref<50x8x128x8x128xf32, #tpu.memory_space<hbm>> -> memref<1x1x1x8x128xf32, #tpu.memory_space<hbm>>
    %dma_wait3A_235 = tpu.memref_squeeze %dma_wait3A_234 : memref<1x1x1x8x128xf32, #tpu.memory_space<hbm>> -> memref<8x128xf32, #tpu.memory_space<hbm>>
    %dma_wait3A_236 = arith.constant 0 : i32
    %dma_wait3A_237 = arith.constant 0 : i32
    %dma_wait3A_238 = tpu.memref_slice %arg13[%dma_wait3A_236, %dma_wait3A_237] : memref<64x133xf32, #tpu.memory_space<vmem>> -> memref<8x128xf32, #tpu.memory_space<vmem>>
    tpu.wait_dma2 semaphore(%arg25 : memref<!tpu.dma_semaphore, #tpu.memory_space<semaphore_mem>>) src(%dma_wait3A_238 : memref<8x128xf32, #tpu.memory_space<vmem>>) dst(%dma_wait3A_235 : memref<8x128xf32, #tpu.memory_space<hbm>>)
    %dma_wait3A_239 = arith.constant 0 : i32
    %dma_wait3A_240 = arith.constant 1 : i32
    %dma_wait3A_241 = arith.constant 0 : i32
    %dma_wait3A_242 = arith.constant 8 : i32
    %dma_wait3A_243 = arith.constant 0 : i32
    %dma_wait3A_244 = tpu.memref_slice %arg13[%dma_wait3A_242, %dma_wait3A_243] : memref<64x133xf32, #tpu.memory_space<vmem>> -> memref<8x128xf32, #tpu.memory_space<vmem>>
    %dma_wait3A_245 = arith.constant 0 : i32
    %dma_wait3A_246 = arith.constant 0 : i32
    %dma_wait3A_247 = tpu.memref_slice %arg4[%dma_wait3A_239, %dma_wait3A_240, %dma_wait3A_241, %dma_wait3A_245, %dma_wait3A_246] : memref<50x8x128x8x128xf32, #tpu.memory_space<hbm>> -> memref<1x1x1x8x128xf32, #tpu.memory_space<hbm>>
    %dma_wait3A_248 = tpu.memref_squeeze %dma_wait3A_247 : memref<1x1x1x8x128xf32, #tpu.memory_space<hbm>> -> memref<8x128xf32, #tpu.memory_space<hbm>>
    %dma_wait3A_249 = arith.constant 0 : i32
    %dma_wait3A_250 = arith.constant 0 : i32
    %dma_wait3A_251 = tpu.memref_slice %arg4[%dma_wait3A_239, %dma_wait3A_240, %dma_wait3A_241, %dma_wait3A_249, %dma_wait3A_250] : memref<50x8x128x8x128xf32, #tpu.memory_space<hbm>> -> memref<1x1x1x8x128xf32, #tpu.memory_space<hbm>>
    %dma_wait3A_252 = tpu.memref_squeeze %dma_wait3A_251 : memref<1x1x1x8x128xf32, #tpu.memory_space<hbm>> -> memref<8x128xf32, #tpu.memory_space<hbm>>
    %dma_wait3A_253 = arith.constant 8 : i32
    %dma_wait3A_254 = arith.constant 0 : i32
    %dma_wait3A_255 = tpu.memref_slice %arg13[%dma_wait3A_253, %dma_wait3A_254] : memref<64x133xf32, #tpu.memory_space<vmem>> -> memref<8x128xf32, #tpu.memory_space<vmem>>
    tpu.wait_dma2 semaphore(%arg25 : memref<!tpu.dma_semaphore, #tpu.memory_space<semaphore_mem>>) src(%dma_wait3A_255 : memref<8x128xf32, #tpu.memory_space<vmem>>) dst(%dma_wait3A_252 : memref<8x128xf32, #tpu.memory_space<hbm>>)
    %dma_wait3A_256 = arith.constant 0 : i32
    %dma_wait3A_257 = arith.constant 2 : i32
    %dma_wait3A_258 = arith.constant 0 : i32
    %dma_wait3A_259 = arith.constant 16 : i32
    %dma_wait3A_260 = arith.constant 0 : i32
    %dma_wait3A_261 = tpu.memref_slice %arg13[%dma_wait3A_259, %dma_wait3A_260] : memref<64x133xf32, #tpu.memory_space<vmem>> -> memref<8x128xf32, #tpu.memory_space<vmem>>
    %dma_wait3A_262 = arith.constant 0 : i32
    %dma_wait3A_263 = arith.constant 0 : i32
    %dma_wait3A_264 = tpu.memref_slice %arg4[%dma_wait3A_256, %dma_wait3A_257, %dma_wait3A_258, %dma_wait3A_262, %dma_wait3A_263] : memref<50x8x128x8x128xf32, #tpu.memory_space<hbm>> -> memref<1x1x1x8x128xf32, #tpu.memory_space<hbm>>
    %dma_wait3A_265 = tpu.memref_squeeze %dma_wait3A_264 : memref<1x1x1x8x128xf32, #tpu.memory_space<hbm>> -> memref<8x128xf32, #tpu.memory_space<hbm>>
    %dma_wait3A_266 = arith.constant 0 : i32
    %dma_wait3A_267 = arith.constant 0 : i32
    %dma_wait3A_268 = tpu.memref_slice %arg4[%dma_wait3A_256, %dma_wait3A_257, %dma_wait3A_258, %dma_wait3A_266, %dma_wait3A_267] : memref<50x8x128x8x128xf32, #tpu.memory_space<hbm>> -> memref<1x1x1x8x128xf32, #tpu.memory_space<hbm>>
    %dma_wait3A_269 = tpu.memref_squeeze %dma_wait3A_268 : memref<1x1x1x8x128xf32, #tpu.memory_space<hbm>> -> memref<8x128xf32, #tpu.memory_space<hbm>>
    %dma_wait3A_270 = arith.constant 16 : i32
    %dma_wait3A_271 = arith.constant 0 : i32
    %dma_wait3A_272 = tpu.memref_slice %arg13[%dma_wait3A_270, %dma_wait3A_271] : memref<64x133xf32, #tpu.memory_space<vmem>> -> memref<8x128xf32, #tpu.memory_space<vmem>>
    tpu.wait_dma2 semaphore(%arg25 : memref<!tpu.dma_semaphore, #tpu.memory_space<semaphore_mem>>) src(%dma_wait3A_272 : memref<8x128xf32, #tpu.memory_space<vmem>>) dst(%dma_wait3A_269 : memref<8x128xf32, #tpu.memory_space<hbm>>)
    %dma_wait3A_273 = arith.constant 0 : i32
    %dma_wait3A_274 = arith.constant 3 : i32
    %dma_wait3A_275 = arith.constant 0 : i32
    %dma_wait3A_276 = arith.constant 24 : i32
    %dma_wait3A_277 = arith.constant 0 : i32
    %dma_wait3A_278 = tpu.memref_slice %arg13[%dma_wait3A_276, %dma_wait3A_277] : memref<64x133xf32, #tpu.memory_space<vmem>> -> memref<8x128xf32, #tpu.memory_space<vmem>>
    %dma_wait3A_279 = arith.constant 0 : i32
    %dma_wait3A_280 = arith.constant 0 : i32
    %dma_wait3A_281 = tpu.memref_slice %arg4[%dma_wait3A_273, %dma_wait3A_274, %dma_wait3A_275, %dma_wait3A_279, %dma_wait3A_280] : memref<50x8x128x8x128xf32, #tpu.memory_space<hbm>> -> memref<1x1x1x8x128xf32, #tpu.memory_space<hbm>>
    %dma_wait3A_282 = tpu.memref_squeeze %dma_wait3A_281 : memref<1x1x1x8x128xf32, #tpu.memory_space<hbm>> -> memref<8x128xf32, #tpu.memory_space<hbm>>
    %dma_wait3A_283 = arith.constant 0 : i32
    %dma_wait3A_284 = arith.constant 0 : i32
    %dma_wait3A_285 = tpu.memref_slice %arg4[%dma_wait3A_273, %dma_wait3A_274, %dma_wait3A_275, %dma_wait3A_283, %dma_wait3A_284] : memref<50x8x128x8x128xf32, #tpu.memory_space<hbm>> -> memref<1x1x1x8x128xf32, #tpu.memory_space<hbm>>
    %dma_wait3A_286 = tpu.memref_squeeze %dma_wait3A_285 : memref<1x1x1x8x128xf32, #tpu.memory_space<hbm>> -> memref<8x128xf32, #tpu.memory_space<hbm>>
    %dma_wait3A_287 = arith.constant 24 : i32
    %dma_wait3A_288 = arith.constant 0 : i32
    %dma_wait3A_289 = tpu.memref_slice %arg13[%dma_wait3A_287, %dma_wait3A_288] : memref<64x133xf32, #tpu.memory_space<vmem>> -> memref<8x128xf32, #tpu.memory_space<vmem>>
    tpu.wait_dma2 semaphore(%arg25 : memref<!tpu.dma_semaphore, #tpu.memory_space<semaphore_mem>>) src(%dma_wait3A_289 : memref<8x128xf32, #tpu.memory_space<vmem>>) dst(%dma_wait3A_286 : memref<8x128xf32, #tpu.memory_space<hbm>>)
    %dma_wait3A_290 = arith.constant 0 : i32
    %dma_wait3A_291 = arith.constant 4 : i32
    %dma_wait3A_292 = arith.constant 0 : i32
    %dma_wait3A_293 = arith.constant 32 : i32
    %dma_wait3A_294 = arith.constant 0 : i32
    %dma_wait3A_295 = tpu.memref_slice %arg13[%dma_wait3A_293, %dma_wait3A_294] : memref<64x133xf32, #tpu.memory_space<vmem>> -> memref<8x128xf32, #tpu.memory_space<vmem>>
    %dma_wait3A_296 = arith.constant 0 : i32
    %dma_wait3A_297 = arith.constant 0 : i32
    %dma_wait3A_298 = tpu.memref_slice %arg4[%dma_wait3A_290, %dma_wait3A_291, %dma_wait3A_292, %dma_wait3A_296, %dma_wait3A_297] : memref<50x8x128x8x128xf32, #tpu.memory_space<hbm>> -> memref<1x1x1x8x128xf32, #tpu.memory_space<hbm>>
    %dma_wait3A_299 = tpu.memref_squeeze %dma_wait3A_298 : memref<1x1x1x8x128xf32, #tpu.memory_space<hbm>> -> memref<8x128xf32, #tpu.memory_space<hbm>>
    %dma_wait3A_300 = arith.constant 0 : i32
    %dma_wait3A_301 = arith.constant 0 : i32
    %dma_wait3A_302 = tpu.memref_slice %arg4[%dma_wait3A_290, %dma_wait3A_291, %dma_wait3A_292, %dma_wait3A_300, %dma_wait3A_301] : memref<50x8x128x8x128xf32, #tpu.memory_space<hbm>> -> memref<1x1x1x8x128xf32, #tpu.memory_space<hbm>>
    %dma_wait3A_303 = tpu.memref_squeeze %dma_wait3A_302 : memref<1x1x1x8x128xf32, #tpu.memory_space<hbm>> -> memref<8x128xf32, #tpu.memory_space<hbm>>
    %dma_wait3A_304 = arith.constant 32 : i32
    %dma_wait3A_305 = arith.constant 0 : i32
    %dma_wait3A_306 = tpu.memref_slice %arg13[%dma_wait3A_304, %dma_wait3A_305] : memref<64x133xf32, #tpu.memory_space<vmem>> -> memref<8x128xf32, #tpu.memory_space<vmem>>
    tpu.wait_dma2 semaphore(%arg25 : memref<!tpu.dma_semaphore, #tpu.memory_space<semaphore_mem>>) src(%dma_wait3A_306 : memref<8x128xf32, #tpu.memory_space<vmem>>) dst(%dma_wait3A_303 : memref<8x128xf32, #tpu.memory_space<hbm>>)
    %dma_wait3A_307 = arith.constant 0 : i32
    %dma_wait3A_308 = arith.constant 5 : i32
    %dma_wait3A_309 = arith.constant 0 : i32
    %dma_wait3A_310 = arith.constant 40 : i32
    %dma_wait3A_311 = arith.constant 0 : i32
    %dma_wait3A_312 = tpu.memref_slice %arg13[%dma_wait3A_310, %dma_wait3A_311] : memref<64x133xf32, #tpu.memory_space<vmem>> -> memref<8x128xf32, #tpu.memory_space<vmem>>
    %dma_wait3A_313 = arith.constant 0 : i32
    %dma_wait3A_314 = arith.constant 0 : i32
    %dma_wait3A_315 = tpu.memref_slice %arg4[%dma_wait3A_307, %dma_wait3A_308, %dma_wait3A_309, %dma_wait3A_313, %dma_wait3A_314] : memref<50x8x128x8x128xf32, #tpu.memory_space<hbm>> -> memref<1x1x1x8x128xf32, #tpu.memory_space<hbm>>
    %dma_wait3A_316 = tpu.memref_squeeze %dma_wait3A_315 : memref<1x1x1x8x128xf32, #tpu.memory_space<hbm>> -> memref<8x128xf32, #tpu.memory_space<hbm>>
    %dma_wait3A_317 = arith.constant 0 : i32
    %dma_wait3A_318 = arith.constant 0 : i32
    %dma_wait3A_319 = tpu.memref_slice %arg4[%dma_wait3A_307, %dma_wait3A_308, %dma_wait3A_309, %dma_wait3A_317, %dma_wait3A_318] : memref<50x8x128x8x128xf32, #tpu.memory_space<hbm>> -> memref<1x1x1x8x128xf32, #tpu.memory_space<hbm>>
    %dma_wait3A_320 = tpu.memref_squeeze %dma_wait3A_319 : memref<1x1x1x8x128xf32, #tpu.memory_space<hbm>> -> memref<8x128xf32, #tpu.memory_space<hbm>>
    %dma_wait3A_321 = arith.constant 40 : i32
    %dma_wait3A_322 = arith.constant 0 : i32
    %dma_wait3A_323 = tpu.memref_slice %arg13[%dma_wait3A_321, %dma_wait3A_322] : memref<64x133xf32, #tpu.memory_space<vmem>> -> memref<8x128xf32, #tpu.memory_space<vmem>>
    tpu.wait_dma2 semaphore(%arg25 : memref<!tpu.dma_semaphore, #tpu.memory_space<semaphore_mem>>) src(%dma_wait3A_323 : memref<8x128xf32, #tpu.memory_space<vmem>>) dst(%dma_wait3A_320 : memref<8x128xf32, #tpu.memory_space<hbm>>)
    %dma_wait3A_324 = arith.constant 0 : i32
    %dma_wait3A_325 = arith.constant 6 : i32
    %dma_wait3A_326 = arith.constant 0 : i32
    %dma_wait3A_327 = arith.constant 48 : i32
    %dma_wait3A_328 = arith.constant 0 : i32
    %dma_wait3A_329 = tpu.memref_slice %arg13[%dma_wait3A_327, %dma_wait3A_328] : memref<64x133xf32, #tpu.memory_space<vmem>> -> memref<8x128xf32, #tpu.memory_space<vmem>>
    %dma_wait3A_330 = arith.constant 0 : i32
    %dma_wait3A_331 = arith.constant 0 : i32
    %dma_wait3A_332 = tpu.memref_slice %arg4[%dma_wait3A_324, %dma_wait3A_325, %dma_wait3A_326, %dma_wait3A_330, %dma_wait3A_331] : memref<50x8x128x8x128xf32, #tpu.memory_space<hbm>> -> memref<1x1x1x8x128xf32, #tpu.memory_space<hbm>>
    %dma_wait3A_333 = tpu.memref_squeeze %dma_wait3A_332 : memref<1x1x1x8x128xf32, #tpu.memory_space<hbm>> -> memref<8x128xf32, #tpu.memory_space<hbm>>
    %dma_wait3A_334 = arith.constant 0 : i32
    %dma_wait3A_335 = arith.constant 0 : i32
    %dma_wait3A_336 = tpu.memref_slice %arg4[%dma_wait3A_324, %dma_wait3A_325, %dma_wait3A_326, %dma_wait3A_334, %dma_wait3A_335] : memref<50x8x128x8x128xf32, #tpu.memory_space<hbm>> -> memref<1x1x1x8x128xf32, #tpu.memory_space<hbm>>
    %dma_wait3A_337 = tpu.memref_squeeze %dma_wait3A_336 : memref<1x1x1x8x128xf32, #tpu.memory_space<hbm>> -> memref<8x128xf32, #tpu.memory_space<hbm>>
    %dma_wait3A_338 = arith.constant 48 : i32
    %dma_wait3A_339 = arith.constant 0 : i32
    %dma_wait3A_340 = tpu.memref_slice %arg13[%dma_wait3A_338, %dma_wait3A_339] : memref<64x133xf32, #tpu.memory_space<vmem>> -> memref<8x128xf32, #tpu.memory_space<vmem>>
    tpu.wait_dma2 semaphore(%arg25 : memref<!tpu.dma_semaphore, #tpu.memory_space<semaphore_mem>>) src(%dma_wait3A_340 : memref<8x128xf32, #tpu.memory_space<vmem>>) dst(%dma_wait3A_337 : memref<8x128xf32, #tpu.memory_space<hbm>>)
    %dma_wait3A_341 = arith.constant 0 : i32
    %dma_wait3A_342 = arith.constant 7 : i32
    %dma_wait3A_343 = arith.constant 0 : i32
    %dma_wait3A_344 = arith.constant 56 : i32
    %dma_wait3A_345 = arith.constant 0 : i32
    %dma_wait3A_346 = tpu.memref_slice %arg13[%dma_wait3A_344, %dma_wait3A_345] : memref<64x133xf32, #tpu.memory_space<vmem>> -> memref<8x128xf32, #tpu.memory_space<vmem>>
    %dma_wait3A_347 = arith.constant 0 : i32
    %dma_wait3A_348 = arith.constant 0 : i32
    %dma_wait3A_349 = tpu.memref_slice %arg4[%dma_wait3A_341, %dma_wait3A_342, %dma_wait3A_343, %dma_wait3A_347, %dma_wait3A_348] : memref<50x8x128x8x128xf32, #tpu.memory_space<hbm>> -> memref<1x1x1x8x128xf32, #tpu.memory_space<hbm>>
    %dma_wait3A_350 = tpu.memref_squeeze %dma_wait3A_349 : memref<1x1x1x8x128xf32, #tpu.memory_space<hbm>> -> memref<8x128xf32, #tpu.memory_space<hbm>>
    %dma_wait3A_351 = arith.constant 0 : i32
    %dma_wait3A_352 = arith.constant 0 : i32
    %dma_wait3A_353 = tpu.memref_slice %arg4[%dma_wait3A_341, %dma_wait3A_342, %dma_wait3A_343, %dma_wait3A_351, %dma_wait3A_352] : memref<50x8x128x8x128xf32, #tpu.memory_space<hbm>> -> memref<1x1x1x8x128xf32, #tpu.memory_space<hbm>>
    %dma_wait3A_354 = tpu.memref_squeeze %dma_wait3A_353 : memref<1x1x1x8x128xf32, #tpu.memory_space<hbm>> -> memref<8x128xf32, #tpu.memory_space<hbm>>
    %dma_wait3A_355 = arith.constant 56 : i32
    %dma_wait3A_356 = arith.constant 0 : i32
    %dma_wait3A_357 = tpu.memref_slice %arg13[%dma_wait3A_355, %dma_wait3A_356] : memref<64x133xf32, #tpu.memory_space<vmem>> -> memref<8x128xf32, #tpu.memory_space<vmem>>
    tpu.wait_dma2 semaphore(%arg25 : memref<!tpu.dma_semaphore, #tpu.memory_space<semaphore_mem>>) src(%dma_wait3A_357 : memref<8x128xf32, #tpu.memory_space<vmem>>) dst(%dma_wait3A_354 : memref<8x128xf32, #tpu.memory_space<hbm>>)
    %dma_wait3A_358 = arith.constant 0 : i32
    %dma_wait3A_359 = arith.constant 0 : i32
    %dma_wait3A_360 = arith.constant 0 : i32
    %dma_wait3A_361 = arith.constant 0 : i32
    %dma_wait3A_362 = arith.constant 0 : i32
    %dma_wait3A_363 = tpu.memref_slice %arg14[%dma_wait3A_361, %dma_wait3A_362] : memref<64x133xf32, #tpu.memory_space<vmem>> -> memref<8x128xf32, #tpu.memory_space<vmem>>
    %dma_wait3A_364 = arith.constant 0 : i32
    %dma_wait3A_365 = arith.constant 0 : i32
    %dma_wait3A_366 = tpu.memref_slice %arg4[%dma_wait3A_358, %dma_wait3A_359, %dma_wait3A_360, %dma_wait3A_364, %dma_wait3A_365] : memref<50x8x128x8x128xf32, #tpu.memory_space<hbm>> -> memref<1x1x1x8x128xf32, #tpu.memory_space<hbm>>
    %dma_wait3A_367 = tpu.memref_squeeze %dma_wait3A_366 : memref<1x1x1x8x128xf32, #tpu.memory_space<hbm>> -> memref<8x128xf32, #tpu.memory_space<hbm>>
    %dma_wait3A_368 = arith.constant 0 : i32
    %dma_wait3A_369 = arith.constant 0 : i32
    %dma_wait3A_370 = tpu.memref_slice %arg4[%dma_wait3A_358, %dma_wait3A_359, %dma_wait3A_360, %dma_wait3A_368, %dma_wait3A_369] : memref<50x8x128x8x128xf32, #tpu.memory_space<hbm>> -> memref<1x1x1x8x128xf32, #tpu.memory_space<hbm>>
    %dma_wait3A_371 = tpu.memref_squeeze %dma_wait3A_370 : memref<1x1x1x8x128xf32, #tpu.memory_space<hbm>> -> memref<8x128xf32, #tpu.memory_space<hbm>>
    %dma_wait3A_372 = arith.constant 0 : i32
    %dma_wait3A_373 = arith.constant 0 : i32
    %dma_wait3A_374 = tpu.memref_slice %arg14[%dma_wait3A_372, %dma_wait3A_373] : memref<64x133xf32, #tpu.memory_space<vmem>> -> memref<8x128xf32, #tpu.memory_space<vmem>>
    tpu.wait_dma2 semaphore(%arg26 : memref<!tpu.dma_semaphore, #tpu.memory_space<semaphore_mem>>) src(%dma_wait3A_374 : memref<8x128xf32, #tpu.memory_space<vmem>>) dst(%dma_wait3A_371 : memref<8x128xf32, #tpu.memory_space<hbm>>)
    %dma_wait3A_375 = arith.constant 0 : i32
    %dma_wait3A_376 = arith.constant 1 : i32
    %dma_wait3A_377 = arith.constant 0 : i32
    %dma_wait3A_378 = arith.constant 8 : i32
    %dma_wait3A_379 = arith.constant 0 : i32
    %dma_wait3A_380 = tpu.memref_slice %arg14[%dma_wait3A_378, %dma_wait3A_379] : memref<64x133xf32, #tpu.memory_space<vmem>> -> memref<8x128xf32, #tpu.memory_space<vmem>>
    %dma_wait3A_381 = arith.constant 0 : i32
    %dma_wait3A_382 = arith.constant 0 : i32
    %dma_wait3A_383 = tpu.memref_slice %arg4[%dma_wait3A_375, %dma_wait3A_376, %dma_wait3A_377, %dma_wait3A_381, %dma_wait3A_382] : memref<50x8x128x8x128xf32, #tpu.memory_space<hbm>> -> memref<1x1x1x8x128xf32, #tpu.memory_space<hbm>>
    %dma_wait3A_384 = tpu.memref_squeeze %dma_wait3A_383 : memref<1x1x1x8x128xf32, #tpu.memory_space<hbm>> -> memref<8x128xf32, #tpu.memory_space<hbm>>
    %dma_wait3A_385 = arith.constant 0 : i32
    %dma_wait3A_386 = arith.constant 0 : i32
    %dma_wait3A_387 = tpu.memref_slice %arg4[%dma_wait3A_375, %dma_wait3A_376, %dma_wait3A_377, %dma_wait3A_385, %dma_wait3A_386] : memref<50x8x128x8x128xf32, #tpu.memory_space<hbm>> -> memref<1x1x1x8x128xf32, #tpu.memory_space<hbm>>
    %dma_wait3A_388 = tpu.memref_squeeze %dma_wait3A_387 : memref<1x1x1x8x128xf32, #tpu.memory_space<hbm>> -> memref<8x128xf32, #tpu.memory_space<hbm>>
    %dma_wait3A_389 = arith.constant 8 : i32
    %dma_wait3A_390 = arith.constant 0 : i32
    %dma_wait3A_391 = tpu.memref_slice %arg14[%dma_wait3A_389, %dma_wait3A_390] : memref<64x133xf32, #tpu.memory_space<vmem>> -> memref<8x128xf32, #tpu.memory_space<vmem>>
    tpu.wait_dma2 semaphore(%arg26 : memref<!tpu.dma_semaphore, #tpu.memory_space<semaphore_mem>>) src(%dma_wait3A_391 : memref<8x128xf32, #tpu.memory_space<vmem>>) dst(%dma_wait3A_388 : memref<8x128xf32, #tpu.memory_space<hbm>>)
    %dma_wait3A_392 = arith.constant 0 : i32
    %dma_wait3A_393 = arith.constant 2 : i32
    %dma_wait3A_394 = arith.constant 0 : i32
    %dma_wait3A_395 = arith.constant 16 : i32
    %dma_wait3A_396 = arith.constant 0 : i32
    %dma_wait3A_397 = tpu.memref_slice %arg14[%dma_wait3A_395, %dma_wait3A_396] : memref<64x133xf32, #tpu.memory_space<vmem>> -> memref<8x128xf32, #tpu.memory_space<vmem>>
    %dma_wait3A_398 = arith.constant 0 : i32
    %dma_wait3A_399 = arith.constant 0 : i32
    %dma_wait3A_400 = tpu.memref_slice %arg4[%dma_wait3A_392, %dma_wait3A_393, %dma_wait3A_394, %dma_wait3A_398, %dma_wait3A_399] : memref<50x8x128x8x128xf32, #tpu.memory_space<hbm>> -> memref<1x1x1x8x128xf32, #tpu.memory_space<hbm>>
    %dma_wait3A_401 = tpu.memref_squeeze %dma_wait3A_400 : memref<1x1x1x8x128xf32, #tpu.memory_space<hbm>> -> memref<8x128xf32, #tpu.memory_space<hbm>>
    %dma_wait3A_402 = arith.constant 0 : i32
    %dma_wait3A_403 = arith.constant 0 : i32
    %dma_wait3A_404 = tpu.memref_slice %arg4[%dma_wait3A_392, %dma_wait3A_393, %dma_wait3A_394, %dma_wait3A_402, %dma_wait3A_403] : memref<50x8x128x8x128xf32, #tpu.memory_space<hbm>> -> memref<1x1x1x8x128xf32, #tpu.memory_space<hbm>>
    %dma_wait3A_405 = tpu.memref_squeeze %dma_wait3A_404 : memref<1x1x1x8x128xf32, #tpu.memory_space<hbm>> -> memref<8x128xf32, #tpu.memory_space<hbm>>
    %dma_wait3A_406 = arith.constant 16 : i32
    %dma_wait3A_407 = arith.constant 0 : i32
    %dma_wait3A_408 = tpu.memref_slice %arg14[%dma_wait3A_406, %dma_wait3A_407] : memref<64x133xf32, #tpu.memory_space<vmem>> -> memref<8x128xf32, #tpu.memory_space<vmem>>
    tpu.wait_dma2 semaphore(%arg26 : memref<!tpu.dma_semaphore, #tpu.memory_space<semaphore_mem>>) src(%dma_wait3A_408 : memref<8x128xf32, #tpu.memory_space<vmem>>) dst(%dma_wait3A_405 : memref<8x128xf32, #tpu.memory_space<hbm>>)
    %dma_wait3A_409 = arith.constant 0 : i32
    %dma_wait3A_410 = arith.constant 3 : i32
    %dma_wait3A_411 = arith.constant 0 : i32
    %dma_wait3A_412 = arith.constant 24 : i32
    %dma_wait3A_413 = arith.constant 0 : i32
    %dma_wait3A_414 = tpu.memref_slice %arg14[%dma_wait3A_412, %dma_wait3A_413] : memref<64x133xf32, #tpu.memory_space<vmem>> -> memref<8x128xf32, #tpu.memory_space<vmem>>
    %dma_wait3A_415 = arith.constant 0 : i32
    %dma_wait3A_416 = arith.constant 0 : i32
    %dma_wait3A_417 = tpu.memref_slice %arg4[%dma_wait3A_409, %dma_wait3A_410, %dma_wait3A_411, %dma_wait3A_415, %dma_wait3A_416] : memref<50x8x128x8x128xf32, #tpu.memory_space<hbm>> -> memref<1x1x1x8x128xf32, #tpu.memory_space<hbm>>
    %dma_wait3A_418 = tpu.memref_squeeze %dma_wait3A_417 : memref<1x1x1x8x128xf32, #tpu.memory_space<hbm>> -> memref<8x128xf32, #tpu.memory_space<hbm>>
    %dma_wait3A_419 = arith.constant 0 : i32
    %dma_wait3A_420 = arith.constant 0 : i32
    %dma_wait3A_421 = tpu.memref_slice %arg4[%dma_wait3A_409, %dma_wait3A_410, %dma_wait3A_411, %dma_wait3A_419, %dma_wait3A_420] : memref<50x8x128x8x128xf32, #tpu.memory_space<hbm>> -> memref<1x1x1x8x128xf32, #tpu.memory_space<hbm>>
    %dma_wait3A_422 = tpu.memref_squeeze %dma_wait3A_421 : memref<1x1x1x8x128xf32, #tpu.memory_space<hbm>> -> memref<8x128xf32, #tpu.memory_space<hbm>>
    %dma_wait3A_423 = arith.constant 24 : i32
    %dma_wait3A_424 = arith.constant 0 : i32
    %dma_wait3A_425 = tpu.memref_slice %arg14[%dma_wait3A_423, %dma_wait3A_424] : memref<64x133xf32, #tpu.memory_space<vmem>> -> memref<8x128xf32, #tpu.memory_space<vmem>>
    tpu.wait_dma2 semaphore(%arg26 : memref<!tpu.dma_semaphore, #tpu.memory_space<semaphore_mem>>) src(%dma_wait3A_425 : memref<8x128xf32, #tpu.memory_space<vmem>>) dst(%dma_wait3A_422 : memref<8x128xf32, #tpu.memory_space<hbm>>)
    %dma_wait3A_426 = arith.constant 0 : i32
    %dma_wait3A_427 = arith.constant 4 : i32
    %dma_wait3A_428 = arith.constant 0 : i32
    %dma_wait3A_429 = arith.constant 32 : i32
    %dma_wait3A_430 = arith.constant 0 : i32
    %dma_wait3A_431 = tpu.memref_slice %arg14[%dma_wait3A_429, %dma_wait3A_430] : memref<64x133xf32, #tpu.memory_space<vmem>> -> memref<8x128xf32, #tpu.memory_space<vmem>>
    %dma_wait3A_432 = arith.constant 0 : i32
    %dma_wait3A_433 = arith.constant 0 : i32
    %dma_wait3A_434 = tpu.memref_slice %arg4[%dma_wait3A_426, %dma_wait3A_427, %dma_wait3A_428, %dma_wait3A_432, %dma_wait3A_433] : memref<50x8x128x8x128xf32, #tpu.memory_space<hbm>> -> memref<1x1x1x8x128xf32, #tpu.memory_space<hbm>>
    %dma_wait3A_435 = tpu.memref_squeeze %dma_wait3A_434 : memref<1x1x1x8x128xf32, #tpu.memory_space<hbm>> -> memref<8x128xf32, #tpu.memory_space<hbm>>
    %dma_wait3A_436 = arith.constant 0 : i32
    %dma_wait3A_437 = arith.constant 0 : i32
    %dma_wait3A_438 = tpu.memref_slice %arg4[%dma_wait3A_426, %dma_wait3A_427, %dma_wait3A_428, %dma_wait3A_436, %dma_wait3A_437] : memref<50x8x128x8x128xf32, #tpu.memory_space<hbm>> -> memref<1x1x1x8x128xf32, #tpu.memory_space<hbm>>
    %dma_wait3A_439 = tpu.memref_squeeze %dma_wait3A_438 : memref<1x1x1x8x128xf32, #tpu.memory_space<hbm>> -> memref<8x128xf32, #tpu.memory_space<hbm>>
    %dma_wait3A_440 = arith.constant 32 : i32
    %dma_wait3A_441 = arith.constant 0 : i32
    %dma_wait3A_442 = tpu.memref_slice %arg14[%dma_wait3A_440, %dma_wait3A_441] : memref<64x133xf32, #tpu.memory_space<vmem>> -> memref<8x128xf32, #tpu.memory_space<vmem>>
    tpu.wait_dma2 semaphore(%arg26 : memref<!tpu.dma_semaphore, #tpu.memory_space<semaphore_mem>>) src(%dma_wait3A_442 : memref<8x128xf32, #tpu.memory_space<vmem>>) dst(%dma_wait3A_439 : memref<8x128xf32, #tpu.memory_space<hbm>>)
    %dma_wait3A_443 = arith.constant 0 : i32
    %dma_wait3A_444 = arith.constant 5 : i32
    %dma_wait3A_445 = arith.constant 0 : i32
    %dma_wait3A_446 = arith.constant 40 : i32
    %dma_wait3A_447 = arith.constant 0 : i32
    %dma_wait3A_448 = tpu.memref_slice %arg14[%dma_wait3A_446, %dma_wait3A_447] : memref<64x133xf32, #tpu.memory_space<vmem>> -> memref<8x128xf32, #tpu.memory_space<vmem>>
    %dma_wait3A_449 = arith.constant 0 : i32
    %dma_wait3A_450 = arith.constant 0 : i32
    %dma_wait3A_451 = tpu.memref_slice %arg4[%dma_wait3A_443, %dma_wait3A_444, %dma_wait3A_445, %dma_wait3A_449, %dma_wait3A_450] : memref<50x8x128x8x128xf32, #tpu.memory_space<hbm>> -> memref<1x1x1x8x128xf32, #tpu.memory_space<hbm>>
    %dma_wait3A_452 = tpu.memref_squeeze %dma_wait3A_451 : memref<1x1x1x8x128xf32, #tpu.memory_space<hbm>> -> memref<8x128xf32, #tpu.memory_space<hbm>>
    %dma_wait3A_453 = arith.constant 0 : i32
    %dma_wait3A_454 = arith.constant 0 : i32
    %dma_wait3A_455 = tpu.memref_slice %arg4[%dma_wait3A_443, %dma_wait3A_444, %dma_wait3A_445, %dma_wait3A_453, %dma_wait3A_454] : memref<50x8x128x8x128xf32, #tpu.memory_space<hbm>> -> memref<1x1x1x8x128xf32, #tpu.memory_space<hbm>>
    %dma_wait3A_456 = tpu.memref_squeeze %dma_wait3A_455 : memref<1x1x1x8x128xf32, #tpu.memory_space<hbm>> -> memref<8x128xf32, #tpu.memory_space<hbm>>
    %dma_wait3A_457 = arith.constant 40 : i32
    %dma_wait3A_458 = arith.constant 0 : i32
    %dma_wait3A_459 = tpu.memref_slice %arg14[%dma_wait3A_457, %dma_wait3A_458] : memref<64x133xf32, #tpu.memory_space<vmem>> -> memref<8x128xf32, #tpu.memory_space<vmem>>
    tpu.wait_dma2 semaphore(%arg26 : memref<!tpu.dma_semaphore, #tpu.memory_space<semaphore_mem>>) src(%dma_wait3A_459 : memref<8x128xf32, #tpu.memory_space<vmem>>) dst(%dma_wait3A_456 : memref<8x128xf32, #tpu.memory_space<hbm>>)
    %dma_wait3A_460 = arith.constant 0 : i32
    %dma_wait3A_461 = arith.constant 6 : i32
    %dma_wait3A_462 = arith.constant 0 : i32
    %dma_wait3A_463 = arith.constant 48 : i32
    %dma_wait3A_464 = arith.constant 0 : i32
    %dma_wait3A_465 = tpu.memref_slice %arg14[%dma_wait3A_463, %dma_wait3A_464] : memref<64x133xf32, #tpu.memory_space<vmem>> -> memref<8x128xf32, #tpu.memory_space<vmem>>
    %dma_wait3A_466 = arith.constant 0 : i32
    %dma_wait3A_467 = arith.constant 0 : i32
    %dma_wait3A_468 = tpu.memref_slice %arg4[%dma_wait3A_460, %dma_wait3A_461, %dma_wait3A_462, %dma_wait3A_466, %dma_wait3A_467] : memref<50x8x128x8x128xf32, #tpu.memory_space<hbm>> -> memref<1x1x1x8x128xf32, #tpu.memory_space<hbm>>
    %dma_wait3A_469 = tpu.memref_squeeze %dma_wait3A_468 : memref<1x1x1x8x128xf32, #tpu.memory_space<hbm>> -> memref<8x128xf32, #tpu.memory_space<hbm>>
    %dma_wait3A_470 = arith.constant 0 : i32
    %dma_wait3A_471 = arith.constant 0 : i32
    %dma_wait3A_472 = tpu.memref_slice %arg4[%dma_wait3A_460, %dma_wait3A_461, %dma_wait3A_462, %dma_wait3A_470, %dma_wait3A_471] : memref<50x8x128x8x128xf32, #tpu.memory_space<hbm>> -> memref<1x1x1x8x128xf32, #tpu.memory_space<hbm>>
    %dma_wait3A_473 = tpu.memref_squeeze %dma_wait3A_472 : memref<1x1x1x8x128xf32, #tpu.memory_space<hbm>> -> memref<8x128xf32, #tpu.memory_space<hbm>>
    %dma_wait3A_474 = arith.constant 48 : i32
    %dma_wait3A_475 = arith.constant 0 : i32
    %dma_wait3A_476 = tpu.memref_slice %arg14[%dma_wait3A_474, %dma_wait3A_475] : memref<64x133xf32, #tpu.memory_space<vmem>> -> memref<8x128xf32, #tpu.memory_space<vmem>>
    tpu.wait_dma2 semaphore(%arg26 : memref<!tpu.dma_semaphore, #tpu.memory_space<semaphore_mem>>) src(%dma_wait3A_476 : memref<8x128xf32, #tpu.memory_space<vmem>>) dst(%dma_wait3A_473 : memref<8x128xf32, #tpu.memory_space<hbm>>)
    %dma_wait3A_477 = arith.constant 0 : i32
    %dma_wait3A_478 = arith.constant 7 : i32
    %dma_wait3A_479 = arith.constant 0 : i32
    %dma_wait3A_480 = arith.constant 56 : i32
    %dma_wait3A_481 = arith.constant 0 : i32
    %dma_wait3A_482 = tpu.memref_slice %arg14[%dma_wait3A_480, %dma_wait3A_481] : memref<64x133xf32, #tpu.memory_space<vmem>> -> memref<8x128xf32, #tpu.memory_space<vmem>>
    %dma_wait3A_483 = arith.constant 0 : i32
    %dma_wait3A_484 = arith.constant 0 : i32
    %dma_wait3A_485 = tpu.memref_slice %arg4[%dma_wait3A_477, %dma_wait3A_478, %dma_wait3A_479, %dma_wait3A_483, %dma_wait3A_484] : memref<50x8x128x8x128xf32, #tpu.memory_space<hbm>> -> memref<1x1x1x8x128xf32, #tpu.memory_space<hbm>>
    %dma_wait3A_486 = tpu.memref_squeeze %dma_wait3A_485 : memref<1x1x1x8x128xf32, #tpu.memory_space<hbm>> -> memref<8x128xf32, #tpu.memory_space<hbm>>
    %dma_wait3A_487 = arith.constant 0 : i32
    %dma_wait3A_488 = arith.constant 0 : i32
    %dma_wait3A_489 = tpu.memref_slice %arg4[%dma_wait3A_477, %dma_wait3A_478, %dma_wait3A_479, %dma_wait3A_487, %dma_wait3A_488] : memref<50x8x128x8x128xf32, #tpu.memory_space<hbm>> -> memref<1x1x1x8x128xf32, #tpu.memory_space<hbm>>
    %dma_wait3A_490 = tpu.memref_squeeze %dma_wait3A_489 : memref<1x1x1x8x128xf32, #tpu.memory_space<hbm>> -> memref<8x128xf32, #tpu.memory_space<hbm>>
    %dma_wait3A_491 = arith.constant 56 : i32
    %dma_wait3A_492 = arith.constant 0 : i32
    %dma_wait3A_493 = tpu.memref_slice %arg14[%dma_wait3A_491, %dma_wait3A_492] : memref<64x133xf32, #tpu.memory_space<vmem>> -> memref<8x128xf32, #tpu.memory_space<vmem>>
    tpu.wait_dma2 semaphore(%arg26 : memref<!tpu.dma_semaphore, #tpu.memory_space<semaphore_mem>>) src(%dma_wait3A_493 : memref<8x128xf32, #tpu.memory_space<vmem>>) dst(%dma_wait3A_490 : memref<8x128xf32, #tpu.memory_space<hbm>>)
    %dma_wait3A_494 = arith.constant 0 : i32
    %dma_wait3A_495 = arith.constant 0 : i32
    %dma_wait3A_496 = arith.constant 0 : i32
    %dma_wait3A_497 = arith.constant 0 : i32
    %dma_wait3A_498 = arith.constant 0 : i32
    %dma_wait3A_499 = tpu.memref_slice %arg15[%dma_wait3A_497, %dma_wait3A_498] : memref<64x133xf32, #tpu.memory_space<vmem>> -> memref<8x128xf32, #tpu.memory_space<vmem>>
    %dma_wait3A_500 = arith.constant 0 : i32
    %dma_wait3A_501 = arith.constant 0 : i32
    %dma_wait3A_502 = tpu.memref_slice %arg4[%dma_wait3A_494, %dma_wait3A_495, %dma_wait3A_496, %dma_wait3A_500, %dma_wait3A_501] : memref<50x8x128x8x128xf32, #tpu.memory_space<hbm>> -> memref<1x1x1x8x128xf32, #tpu.memory_space<hbm>>
    %dma_wait3A_503 = tpu.memref_squeeze %dma_wait3A_502 : memref<1x1x1x8x128xf32, #tpu.memory_space<hbm>> -> memref<8x128xf32, #tpu.memory_space<hbm>>
    %dma_wait3A_504 = arith.constant 0 : i32
    %dma_wait3A_505 = arith.constant 0 : i32
    %dma_wait3A_506 = tpu.memref_slice %arg4[%dma_wait3A_494, %dma_wait3A_495, %dma_wait3A_496, %dma_wait3A_504, %dma_wait3A_505] : memref<50x8x128x8x128xf32, #tpu.memory_space<hbm>> -> memref<1x1x1x8x128xf32, #tpu.memory_space<hbm>>
    %dma_wait3A_507 = tpu.memref_squeeze %dma_wait3A_506 : memref<1x1x1x8x128xf32, #tpu.memory_space<hbm>> -> memref<8x128xf32, #tpu.memory_space<hbm>>
    %dma_wait3A_508 = arith.constant 0 : i32
    %dma_wait3A_509 = arith.constant 0 : i32
    %dma_wait3A_510 = tpu.memref_slice %arg15[%dma_wait3A_508, %dma_wait3A_509] : memref<64x133xf32, #tpu.memory_space<vmem>> -> memref<8x128xf32, #tpu.memory_space<vmem>>
    tpu.wait_dma2 semaphore(%arg27 : memref<!tpu.dma_semaphore, #tpu.memory_space<semaphore_mem>>) src(%dma_wait3A_510 : memref<8x128xf32, #tpu.memory_space<vmem>>) dst(%dma_wait3A_507 : memref<8x128xf32, #tpu.memory_space<hbm>>)
    %dma_wait3A_511 = arith.constant 0 : i32
    %dma_wait3A_512 = arith.constant 1 : i32
    %dma_wait3A_513 = arith.constant 0 : i32
    %dma_wait3A_514 = arith.constant 8 : i32
    %dma_wait3A_515 = arith.constant 0 : i32
    %dma_wait3A_516 = tpu.memref_slice %arg15[%dma_wait3A_514, %dma_wait3A_515] : memref<64x133xf32, #tpu.memory_space<vmem>> -> memref<8x128xf32, #tpu.memory_space<vmem>>
    %dma_wait3A_517 = arith.constant 0 : i32
    %dma_wait3A_518 = arith.constant 0 : i32
    %dma_wait3A_519 = tpu.memref_slice %arg4[%dma_wait3A_511, %dma_wait3A_512, %dma_wait3A_513, %dma_wait3A_517, %dma_wait3A_518] : memref<50x8x128x8x128xf32, #tpu.memory_space<hbm>> -> memref<1x1x1x8x128xf32, #tpu.memory_space<hbm>>
    %dma_wait3A_520 = tpu.memref_squeeze %dma_wait3A_519 : memref<1x1x1x8x128xf32, #tpu.memory_space<hbm>> -> memref<8x128xf32, #tpu.memory_space<hbm>>
    %dma_wait3A_521 = arith.constant 0 : i32
    %dma_wait3A_522 = arith.constant 0 : i32
    %dma_wait3A_523 = tpu.memref_slice %arg4[%dma_wait3A_511, %dma_wait3A_512, %dma_wait3A_513, %dma_wait3A_521, %dma_wait3A_522] : memref<50x8x128x8x128xf32, #tpu.memory_space<hbm>> -> memref<1x1x1x8x128xf32, #tpu.memory_space<hbm>>
    %dma_wait3A_524 = tpu.memref_squeeze %dma_wait3A_523 : memref<1x1x1x8x128xf32, #tpu.memory_space<hbm>> -> memref<8x128xf32, #tpu.memory_space<hbm>>
    %dma_wait3A_525 = arith.constant 8 : i32
    %dma_wait3A_526 = arith.constant 0 : i32
    %dma_wait3A_527 = tpu.memref_slice %arg15[%dma_wait3A_525, %dma_wait3A_526] : memref<64x133xf32, #tpu.memory_space<vmem>> -> memref<8x128xf32, #tpu.memory_space<vmem>>
    tpu.wait_dma2 semaphore(%arg27 : memref<!tpu.dma_semaphore, #tpu.memory_space<semaphore_mem>>) src(%dma_wait3A_527 : memref<8x128xf32, #tpu.memory_space<vmem>>) dst(%dma_wait3A_524 : memref<8x128xf32, #tpu.memory_space<hbm>>)
    %dma_wait3A_528 = arith.constant 0 : i32
    %dma_wait3A_529 = arith.constant 2 : i32
    %dma_wait3A_530 = arith.constant 0 : i32
    %dma_wait3A_531 = arith.constant 16 : i32
    %dma_wait3A_532 = arith.constant 0 : i32
    %dma_wait3A_533 = tpu.memref_slice %arg15[%dma_wait3A_531, %dma_wait3A_532] : memref<64x133xf32, #tpu.memory_space<vmem>> -> memref<8x128xf32, #tpu.memory_space<vmem>>
    %dma_wait3A_534 = arith.constant 0 : i32
    %dma_wait3A_535 = arith.constant 0 : i32
    %dma_wait3A_536 = tpu.memref_slice %arg4[%dma_wait3A_528, %dma_wait3A_529, %dma_wait3A_530, %dma_wait3A_534, %dma_wait3A_535] : memref<50x8x128x8x128xf32, #tpu.memory_space<hbm>> -> memref<1x1x1x8x128xf32, #tpu.memory_space<hbm>>
    %dma_wait3A_537 = tpu.memref_squeeze %dma_wait3A_536 : memref<1x1x1x8x128xf32, #tpu.memory_space<hbm>> -> memref<8x128xf32, #tpu.memory_space<hbm>>
    %dma_wait3A_538 = arith.constant 0 : i32
    %dma_wait3A_539 = arith.constant 0 : i32
    %dma_wait3A_540 = tpu.memref_slice %arg4[%dma_wait3A_528, %dma_wait3A_529, %dma_wait3A_530, %dma_wait3A_538, %dma_wait3A_539] : memref<50x8x128x8x128xf32, #tpu.memory_space<hbm>> -> memref<1x1x1x8x128xf32, #tpu.memory_space<hbm>>
    %dma_wait3A_541 = tpu.memref_squeeze %dma_wait3A_540 : memref<1x1x1x8x128xf32, #tpu.memory_space<hbm>> -> memref<8x128xf32, #tpu.memory_space<hbm>>
    %dma_wait3A_542 = arith.constant 16 : i32
    %dma_wait3A_543 = arith.constant 0 : i32
    %dma_wait3A_544 = tpu.memref_slice %arg15[%dma_wait3A_542, %dma_wait3A_543] : memref<64x133xf32, #tpu.memory_space<vmem>> -> memref<8x128xf32, #tpu.memory_space<vmem>>
    tpu.wait_dma2 semaphore(%arg27 : memref<!tpu.dma_semaphore, #tpu.memory_space<semaphore_mem>>) src(%dma_wait3A_544 : memref<8x128xf32, #tpu.memory_space<vmem>>) dst(%dma_wait3A_541 : memref<8x128xf32, #tpu.memory_space<hbm>>)
    %dma_wait3A_545 = arith.constant 0 : i32
    %dma_wait3A_546 = arith.constant 3 : i32
    %dma_wait3A_547 = arith.constant 0 : i32
    %dma_wait3A_548 = arith.constant 24 : i32
    %dma_wait3A_549 = arith.constant 0 : i32
    %dma_wait3A_550 = tpu.memref_slice %arg15[%dma_wait3A_548, %dma_wait3A_549] : memref<64x133xf32, #tpu.memory_space<vmem>> -> memref<8x128xf32, #tpu.memory_space<vmem>>
    %dma_wait3A_551 = arith.constant 0 : i32
    %dma_wait3A_552 = arith.constant 0 : i32
    %dma_wait3A_553 = tpu.memref_slice %arg4[%dma_wait3A_545, %dma_wait3A_546, %dma_wait3A_547, %dma_wait3A_551, %dma_wait3A_552] : memref<50x8x128x8x128xf32, #tpu.memory_space<hbm>> -> memref<1x1x1x8x128xf32, #tpu.memory_space<hbm>>
    %dma_wait3A_554 = tpu.memref_squeeze %dma_wait3A_553 : memref<1x1x1x8x128xf32, #tpu.memory_space<hbm>> -> memref<8x128xf32, #tpu.memory_space<hbm>>
    %dma_wait3A_555 = arith.constant 0 : i32
    %dma_wait3A_556 = arith.constant 0 : i32
    %dma_wait3A_557 = tpu.memref_slice %arg4[%dma_wait3A_545, %dma_wait3A_546, %dma_wait3A_547, %dma_wait3A_555, %dma_wait3A_556] : memref<50x8x128x8x128xf32, #tpu.memory_space<hbm>> -> memref<1x1x1x8x128xf32, #tpu.memory_space<hbm>>
    %dma_wait3A_558 = tpu.memref_squeeze %dma_wait3A_557 : memref<1x1x1x8x128xf32, #tpu.memory_space<hbm>> -> memref<8x128xf32, #tpu.memory_space<hbm>>
    %dma_wait3A_559 = arith.constant 24 : i32
    %dma_wait3A_560 = arith.constant 0 : i32
    %dma_wait3A_561 = tpu.memref_slice %arg15[%dma_wait3A_559, %dma_wait3A_560] : memref<64x133xf32, #tpu.memory_space<vmem>> -> memref<8x128xf32, #tpu.memory_space<vmem>>
    tpu.wait_dma2 semaphore(%arg27 : memref<!tpu.dma_semaphore, #tpu.memory_space<semaphore_mem>>) src(%dma_wait3A_561 : memref<8x128xf32, #tpu.memory_space<vmem>>) dst(%dma_wait3A_558 : memref<8x128xf32, #tpu.memory_space<hbm>>)
    %dma_wait3A_562 = arith.constant 0 : i32
    %dma_wait3A_563 = arith.constant 4 : i32
    %dma_wait3A_564 = arith.constant 0 : i32
    %dma_wait3A_565 = arith.constant 32 : i32
    %dma_wait3A_566 = arith.constant 0 : i32
    %dma_wait3A_567 = tpu.memref_slice %arg15[%dma_wait3A_565, %dma_wait3A_566] : memref<64x133xf32, #tpu.memory_space<vmem>> -> memref<8x128xf32, #tpu.memory_space<vmem>>
    %dma_wait3A_568 = arith.constant 0 : i32
    %dma_wait3A_569 = arith.constant 0 : i32
    %dma_wait3A_570 = tpu.memref_slice %arg4[%dma_wait3A_562, %dma_wait3A_563, %dma_wait3A_564, %dma_wait3A_568, %dma_wait3A_569] : memref<50x8x128x8x128xf32, #tpu.memory_space<hbm>> -> memref<1x1x1x8x128xf32, #tpu.memory_space<hbm>>
    %dma_wait3A_571 = tpu.memref_squeeze %dma_wait3A_570 : memref<1x1x1x8x128xf32, #tpu.memory_space<hbm>> -> memref<8x128xf32, #tpu.memory_space<hbm>>
    %dma_wait3A_572 = arith.constant 0 : i32
    %dma_wait3A_573 = arith.constant 0 : i32
    %dma_wait3A_574 = tpu.memref_slice %arg4[%dma_wait3A_562, %dma_wait3A_563, %dma_wait3A_564, %dma_wait3A_572, %dma_wait3A_573] : memref<50x8x128x8x128xf32, #tpu.memory_space<hbm>> -> memref<1x1x1x8x128xf32, #tpu.memory_space<hbm>>
    %dma_wait3A_575 = tpu.memref_squeeze %dma_wait3A_574 : memref<1x1x1x8x128xf32, #tpu.memory_space<hbm>> -> memref<8x128xf32, #tpu.memory_space<hbm>>
    %dma_wait3A_576 = arith.constant 32 : i32
    %dma_wait3A_577 = arith.constant 0 : i32
    %dma_wait3A_578 = tpu.memref_slice %arg15[%dma_wait3A_576, %dma_wait3A_577] : memref<64x133xf32, #tpu.memory_space<vmem>> -> memref<8x128xf32, #tpu.memory_space<vmem>>
    tpu.wait_dma2 semaphore(%arg27 : memref<!tpu.dma_semaphore, #tpu.memory_space<semaphore_mem>>) src(%dma_wait3A_578 : memref<8x128xf32, #tpu.memory_space<vmem>>) dst(%dma_wait3A_575 : memref<8x128xf32, #tpu.memory_space<hbm>>)
    %dma_wait3A_579 = arith.constant 0 : i32
    %dma_wait3A_580 = arith.constant 5 : i32
    %dma_wait3A_581 = arith.constant 0 : i32
    %dma_wait3A_582 = arith.constant 40 : i32
    %dma_wait3A_583 = arith.constant 0 : i32
    %dma_wait3A_584 = tpu.memref_slice %arg15[%dma_wait3A_582, %dma_wait3A_583] : memref<64x133xf32, #tpu.memory_space<vmem>> -> memref<8x128xf32, #tpu.memory_space<vmem>>
    %dma_wait3A_585 = arith.constant 0 : i32
    %dma_wait3A_586 = arith.constant 0 : i32
    %dma_wait3A_587 = tpu.memref_slice %arg4[%dma_wait3A_579, %dma_wait3A_580, %dma_wait3A_581, %dma_wait3A_585, %dma_wait3A_586] : memref<50x8x128x8x128xf32, #tpu.memory_space<hbm>> -> memref<1x1x1x8x128xf32, #tpu.memory_space<hbm>>
    %dma_wait3A_588 = tpu.memref_squeeze %dma_wait3A_587 : memref<1x1x1x8x128xf32, #tpu.memory_space<hbm>> -> memref<8x128xf32, #tpu.memory_space<hbm>>
    %dma_wait3A_589 = arith.constant 0 : i32
    %dma_wait3A_590 = arith.constant 0 : i32
    %dma_wait3A_591 = tpu.memref_slice %arg4[%dma_wait3A_579, %dma_wait3A_580, %dma_wait3A_581, %dma_wait3A_589, %dma_wait3A_590] : memref<50x8x128x8x128xf32, #tpu.memory_space<hbm>> -> memref<1x1x1x8x128xf32, #tpu.memory_space<hbm>>
    %dma_wait3A_592 = tpu.memref_squeeze %dma_wait3A_591 : memref<1x1x1x8x128xf32, #tpu.memory_space<hbm>> -> memref<8x128xf32, #tpu.memory_space<hbm>>
    %dma_wait3A_593 = arith.constant 40 : i32
    %dma_wait3A_594 = arith.constant 0 : i32
    %dma_wait3A_595 = tpu.memref_slice %arg15[%dma_wait3A_593, %dma_wait3A_594] : memref<64x133xf32, #tpu.memory_space<vmem>> -> memref<8x128xf32, #tpu.memory_space<vmem>>
    tpu.wait_dma2 semaphore(%arg27 : memref<!tpu.dma_semaphore, #tpu.memory_space<semaphore_mem>>) src(%dma_wait3A_595 : memref<8x128xf32, #tpu.memory_space<vmem>>) dst(%dma_wait3A_592 : memref<8x128xf32, #tpu.memory_space<hbm>>)
    %dma_wait3A_596 = arith.constant 0 : i32
    %dma_wait3A_597 = arith.constant 6 : i32
    %dma_wait3A_598 = arith.constant 0 : i32
    %dma_wait3A_599 = arith.constant 48 : i32
    %dma_wait3A_600 = arith.constant 0 : i32
    %dma_wait3A_601 = tpu.memref_slice %arg15[%dma_wait3A_599, %dma_wait3A_600] : memref<64x133xf32, #tpu.memory_space<vmem>> -> memref<8x128xf32, #tpu.memory_space<vmem>>
    %dma_wait3A_602 = arith.constant 0 : i32
    %dma_wait3A_603 = arith.constant 0 : i32
    %dma_wait3A_604 = tpu.memref_slice %arg4[%dma_wait3A_596, %dma_wait3A_597, %dma_wait3A_598, %dma_wait3A_602, %dma_wait3A_603] : memref<50x8x128x8x128xf32, #tpu.memory_space<hbm>> -> memref<1x1x1x8x128xf32, #tpu.memory_space<hbm>>
    %dma_wait3A_605 = tpu.memref_squeeze %dma_wait3A_604 : memref<1x1x1x8x128xf32, #tpu.memory_space<hbm>> -> memref<8x128xf32, #tpu.memory_space<hbm>>
    %dma_wait3A_606 = arith.constant 0 : i32
    %dma_wait3A_607 = arith.constant 0 : i32
    %dma_wait3A_608 = tpu.memref_slice %arg4[%dma_wait3A_596, %dma_wait3A_597, %dma_wait3A_598, %dma_wait3A_606, %dma_wait3A_607] : memref<50x8x128x8x128xf32, #tpu.memory_space<hbm>> -> memref<1x1x1x8x128xf32, #tpu.memory_space<hbm>>
    %dma_wait3A_609 = tpu.memref_squeeze %dma_wait3A_608 : memref<1x1x1x8x128xf32, #tpu.memory_space<hbm>> -> memref<8x128xf32, #tpu.memory_space<hbm>>
    %dma_wait3A_610 = arith.constant 48 : i32
    %dma_wait3A_611 = arith.constant 0 : i32
    %dma_wait3A_612 = tpu.memref_slice %arg15[%dma_wait3A_610, %dma_wait3A_611] : memref<64x133xf32, #tpu.memory_space<vmem>> -> memref<8x128xf32, #tpu.memory_space<vmem>>
    tpu.wait_dma2 semaphore(%arg27 : memref<!tpu.dma_semaphore, #tpu.memory_space<semaphore_mem>>) src(%dma_wait3A_612 : memref<8x128xf32, #tpu.memory_space<vmem>>) dst(%dma_wait3A_609 : memref<8x128xf32, #tpu.memory_space<hbm>>)
    %dma_wait3A_613 = arith.constant 0 : i32
    %dma_wait3A_614 = arith.constant 7 : i32
    %dma_wait3A_615 = arith.constant 0 : i32
    %dma_wait3A_616 = arith.constant 56 : i32
    %dma_wait3A_617 = arith.constant 0 : i32
    %dma_wait3A_618 = tpu.memref_slice %arg15[%dma_wait3A_616, %dma_wait3A_617] : memref<64x133xf32, #tpu.memory_space<vmem>> -> memref<8x128xf32, #tpu.memory_space<vmem>>
    %dma_wait3A_619 = arith.constant 0 : i32
    %dma_wait3A_620 = arith.constant 0 : i32
    %dma_wait3A_621 = tpu.memref_slice %arg4[%dma_wait3A_613, %dma_wait3A_614, %dma_wait3A_615, %dma_wait3A_619, %dma_wait3A_620] : memref<50x8x128x8x128xf32, #tpu.memory_space<hbm>> -> memref<1x1x1x8x128xf32, #tpu.memory_space<hbm>>
    %dma_wait3A_622 = tpu.memref_squeeze %dma_wait3A_621 : memref<1x1x1x8x128xf32, #tpu.memory_space<hbm>> -> memref<8x128xf32, #tpu.memory_space<hbm>>
    %dma_wait3A_623 = arith.constant 0 : i32
    %dma_wait3A_624 = arith.constant 0 : i32
    %dma_wait3A_625 = tpu.memref_slice %arg4[%dma_wait3A_613, %dma_wait3A_614, %dma_wait3A_615, %dma_wait3A_623, %dma_wait3A_624] : memref<50x8x128x8x128xf32, #tpu.memory_space<hbm>> -> memref<1x1x1x8x128xf32, #tpu.memory_space<hbm>>
    %dma_wait3A_626 = tpu.memref_squeeze %dma_wait3A_625 : memref<1x1x1x8x128xf32, #tpu.memory_space<hbm>> -> memref<8x128xf32, #tpu.memory_space<hbm>>
    %dma_wait3A_627 = arith.constant 56 : i32
    %dma_wait3A_628 = arith.constant 0 : i32
    %dma_wait3A_629 = tpu.memref_slice %arg15[%dma_wait3A_627, %dma_wait3A_628] : memref<64x133xf32, #tpu.memory_space<vmem>> -> memref<8x128xf32, #tpu.memory_space<vmem>>
    tpu.wait_dma2 semaphore(%arg27 : memref<!tpu.dma_semaphore, #tpu.memory_space<semaphore_mem>>) src(%dma_wait3A_629 : memref<8x128xf32, #tpu.memory_space<vmem>>) dst(%dma_wait3A_626 : memref<8x128xf32, #tpu.memory_space<hbm>>)
    %dma_wait3A_630 = arith.constant 0 : i32
    %dma_wait3A_631 = arith.constant 0 : i32
    %dma_wait3A_632 = arith.constant 0 : i32
    %dma_wait3A_633 = arith.constant 0 : i32
    %dma_wait3A_634 = arith.constant 0 : i32
    %dma_wait3A_635 = tpu.memref_slice %arg16[%dma_wait3A_633, %dma_wait3A_634] : memref<64x133xf32, #tpu.memory_space<vmem>> -> memref<8x128xf32, #tpu.memory_space<vmem>>
    %dma_wait3A_636 = arith.constant 0 : i32
    %dma_wait3A_637 = arith.constant 0 : i32
    %dma_wait3A_638 = tpu.memref_slice %arg4[%dma_wait3A_630, %dma_wait3A_631, %dma_wait3A_632, %dma_wait3A_636, %dma_wait3A_637] : memref<50x8x128x8x128xf32, #tpu.memory_space<hbm>> -> memref<1x1x1x8x128xf32, #tpu.memory_space<hbm>>
    %dma_wait3A_639 = tpu.memref_squeeze %dma_wait3A_638 : memref<1x1x1x8x128xf32, #tpu.memory_space<hbm>> -> memref<8x128xf32, #tpu.memory_space<hbm>>
    %dma_wait3A_640 = arith.constant 0 : i32
    %dma_wait3A_641 = arith.constant 0 : i32
    %dma_wait3A_642 = tpu.memref_slice %arg4[%dma_wait3A_630, %dma_wait3A_631, %dma_wait3A_632, %dma_wait3A_640, %dma_wait3A_641] : memref<50x8x128x8x128xf32, #tpu.memory_space<hbm>> -> memref<1x1x1x8x128xf32, #tpu.memory_space<hbm>>
    %dma_wait3A_643 = tpu.memref_squeeze %dma_wait3A_642 : memref<1x1x1x8x128xf32, #tpu.memory_space<hbm>> -> memref<8x128xf32, #tpu.memory_space<hbm>>
    %dma_wait3A_644 = arith.constant 0 : i32
    %dma_wait3A_645 = arith.constant 0 : i32
    %dma_wait3A_646 = tpu.memref_slice %arg16[%dma_wait3A_644, %dma_wait3A_645] : memref<64x133xf32, #tpu.memory_space<vmem>> -> memref<8x128xf32, #tpu.memory_space<vmem>>
    tpu.wait_dma2 semaphore(%arg28 : memref<!tpu.dma_semaphore, #tpu.memory_space<semaphore_mem>>) src(%dma_wait3A_646 : memref<8x128xf32, #tpu.memory_space<vmem>>) dst(%dma_wait3A_643 : memref<8x128xf32, #tpu.memory_space<hbm>>)
    %dma_wait3A_647 = arith.constant 0 : i32
    %dma_wait3A_648 = arith.constant 1 : i32
    %dma_wait3A_649 = arith.constant 0 : i32
    %dma_wait3A_650 = arith.constant 8 : i32
    %dma_wait3A_651 = arith.constant 0 : i32
    %dma_wait3A_652 = tpu.memref_slice %arg16[%dma_wait3A_650, %dma_wait3A_651] : memref<64x133xf32, #tpu.memory_space<vmem>> -> memref<8x128xf32, #tpu.memory_space<vmem>>
    %dma_wait3A_653 = arith.constant 0 : i32
    %dma_wait3A_654 = arith.constant 0 : i32
    %dma_wait3A_655 = tpu.memref_slice %arg4[%dma_wait3A_647, %dma_wait3A_648, %dma_wait3A_649, %dma_wait3A_653, %dma_wait3A_654] : memref<50x8x128x8x128xf32, #tpu.memory_space<hbm>> -> memref<1x1x1x8x128xf32, #tpu.memory_space<hbm>>
    %dma_wait3A_656 = tpu.memref_squeeze %dma_wait3A_655 : memref<1x1x1x8x128xf32, #tpu.memory_space<hbm>> -> memref<8x128xf32, #tpu.memory_space<hbm>>
    %dma_wait3A_657 = arith.constant 0 : i32
    %dma_wait3A_658 = arith.constant 0 : i32
    %dma_wait3A_659 = tpu.memref_slice %arg4[%dma_wait3A_647, %dma_wait3A_648, %dma_wait3A_649, %dma_wait3A_657, %dma_wait3A_658] : memref<50x8x128x8x128xf32, #tpu.memory_space<hbm>> -> memref<1x1x1x8x128xf32, #tpu.memory_space<hbm>>
    %dma_wait3A_660 = tpu.memref_squeeze %dma_wait3A_659 : memref<1x1x1x8x128xf32, #tpu.memory_space<hbm>> -> memref<8x128xf32, #tpu.memory_space<hbm>>
    %dma_wait3A_661 = arith.constant 8 : i32
    %dma_wait3A_662 = arith.constant 0 : i32
    %dma_wait3A_663 = tpu.memref_slice %arg16[%dma_wait3A_661, %dma_wait3A_662] : memref<64x133xf32, #tpu.memory_space<vmem>> -> memref<8x128xf32, #tpu.memory_space<vmem>>
    tpu.wait_dma2 semaphore(%arg28 : memref<!tpu.dma_semaphore, #tpu.memory_space<semaphore_mem>>) src(%dma_wait3A_663 : memref<8x128xf32, #tpu.memory_space<vmem>>) dst(%dma_wait3A_660 : memref<8x128xf32, #tpu.memory_space<hbm>>)
    %dma_wait3A_664 = arith.constant 0 : i32
    %dma_wait3A_665 = arith.constant 2 : i32
    %dma_wait3A_666 = arith.constant 0 : i32
    %dma_wait3A_667 = arith.constant 16 : i32
    %dma_wait3A_668 = arith.constant 0 : i32
    %dma_wait3A_669 = tpu.memref_slice %arg16[%dma_wait3A_667, %dma_wait3A_668] : memref<64x133xf32, #tpu.memory_space<vmem>> -> memref<8x128xf32, #tpu.memory_space<vmem>>
    %dma_wait3A_670 = arith.constant 0 : i32
    %dma_wait3A_671 = arith.constant 0 : i32
    %dma_wait3A_672 = tpu.memref_slice %arg4[%dma_wait3A_664, %dma_wait3A_665, %dma_wait3A_666, %dma_wait3A_670, %dma_wait3A_671] : memref<50x8x128x8x128xf32, #tpu.memory_space<hbm>> -> memref<1x1x1x8x128xf32, #tpu.memory_space<hbm>>
    %dma_wait3A_673 = tpu.memref_squeeze %dma_wait3A_672 : memref<1x1x1x8x128xf32, #tpu.memory_space<hbm>> -> memref<8x128xf32, #tpu.memory_space<hbm>>
    %dma_wait3A_674 = arith.constant 0 : i32
    %dma_wait3A_675 = arith.constant 0 : i32
    %dma_wait3A_676 = tpu.memref_slice %arg4[%dma_wait3A_664, %dma_wait3A_665, %dma_wait3A_666, %dma_wait3A_674, %dma_wait3A_675] : memref<50x8x128x8x128xf32, #tpu.memory_space<hbm>> -> memref<1x1x1x8x128xf32, #tpu.memory_space<hbm>>
    %dma_wait3A_677 = tpu.memref_squeeze %dma_wait3A_676 : memref<1x1x1x8x128xf32, #tpu.memory_space<hbm>> -> memref<8x128xf32, #tpu.memory_space<hbm>>
    %dma_wait3A_678 = arith.constant 16 : i32
    %dma_wait3A_679 = arith.constant 0 : i32
    %dma_wait3A_680 = tpu.memref_slice %arg16[%dma_wait3A_678, %dma_wait3A_679] : memref<64x133xf32, #tpu.memory_space<vmem>> -> memref<8x128xf32, #tpu.memory_space<vmem>>
    tpu.wait_dma2 semaphore(%arg28 : memref<!tpu.dma_semaphore, #tpu.memory_space<semaphore_mem>>) src(%dma_wait3A_680 : memref<8x128xf32, #tpu.memory_space<vmem>>) dst(%dma_wait3A_677 : memref<8x128xf32, #tpu.memory_space<hbm>>)
    %dma_wait3A_681 = arith.constant 0 : i32
    %dma_wait3A_682 = arith.constant 3 : i32
    %dma_wait3A_683 = arith.constant 0 : i32
    %dma_wait3A_684 = arith.constant 24 : i32
    %dma_wait3A_685 = arith.constant 0 : i32
    %dma_wait3A_686 = tpu.memref_slice %arg16[%dma_wait3A_684, %dma_wait3A_685] : memref<64x133xf32, #tpu.memory_space<vmem>> -> memref<8x128xf32, #tpu.memory_space<vmem>>
    %dma_wait3A_687 = arith.constant 0 : i32
    %dma_wait3A_688 = arith.constant 0 : i32
    %dma_wait3A_689 = tpu.memref_slice %arg4[%dma_wait3A_681, %dma_wait3A_682, %dma_wait3A_683, %dma_wait3A_687, %dma_wait3A_688] : memref<50x8x128x8x128xf32, #tpu.memory_space<hbm>> -> memref<1x1x1x8x128xf32, #tpu.memory_space<hbm>>
    %dma_wait3A_690 = tpu.memref_squeeze %dma_wait3A_689 : memref<1x1x1x8x128xf32, #tpu.memory_space<hbm>> -> memref<8x128xf32, #tpu.memory_space<hbm>>
    %dma_wait3A_691 = arith.constant 0 : i32
    %dma_wait3A_692 = arith.constant 0 : i32
    %dma_wait3A_693 = tpu.memref_slice %arg4[%dma_wait3A_681, %dma_wait3A_682, %dma_wait3A_683, %dma_wait3A_691, %dma_wait3A_692] : memref<50x8x128x8x128xf32, #tpu.memory_space<hbm>> -> memref<1x1x1x8x128xf32, #tpu.memory_space<hbm>>
    %dma_wait3A_694 = tpu.memref_squeeze %dma_wait3A_693 : memref<1x1x1x8x128xf32, #tpu.memory_space<hbm>> -> memref<8x128xf32, #tpu.memory_space<hbm>>
    %dma_wait3A_695 = arith.constant 24 : i32
    %dma_wait3A_696 = arith.constant 0 : i32
    %dma_wait3A_697 = tpu.memref_slice %arg16[%dma_wait3A_695, %dma_wait3A_696] : memref<64x133xf32, #tpu.memory_space<vmem>> -> memref<8x128xf32, #tpu.memory_space<vmem>>
    tpu.wait_dma2 semaphore(%arg28 : memref<!tpu.dma_semaphore, #tpu.memory_space<semaphore_mem>>) src(%dma_wait3A_697 : memref<8x128xf32, #tpu.memory_space<vmem>>) dst(%dma_wait3A_694 : memref<8x128xf32, #tpu.memory_space<hbm>>)
    %dma_wait3A_698 = arith.constant 0 : i32
    %dma_wait3A_699 = arith.constant 4 : i32
    %dma_wait3A_700 = arith.constant 0 : i32
    %dma_wait3A_701 = arith.constant 32 : i32
    %dma_wait3A_702 = arith.constant 0 : i32
    %dma_wait3A_703 = tpu.memref_slice %arg16[%dma_wait3A_701, %dma_wait3A_702] : memref<64x133xf32, #tpu.memory_space<vmem>> -> memref<8x128xf32, #tpu.memory_space<vmem>>
    %dma_wait3A_704 = arith.constant 0 : i32
    %dma_wait3A_705 = arith.constant 0 : i32
    %dma_wait3A_706 = tpu.memref_slice %arg4[%dma_wait3A_698, %dma_wait3A_699, %dma_wait3A_700, %dma_wait3A_704, %dma_wait3A_705] : memref<50x8x128x8x128xf32, #tpu.memory_space<hbm>> -> memref<1x1x1x8x128xf32, #tpu.memory_space<hbm>>
    %dma_wait3A_707 = tpu.memref_squeeze %dma_wait3A_706 : memref<1x1x1x8x128xf32, #tpu.memory_space<hbm>> -> memref<8x128xf32, #tpu.memory_space<hbm>>
    %dma_wait3A_708 = arith.constant 0 : i32
    %dma_wait3A_709 = arith.constant 0 : i32
    %dma_wait3A_710 = tpu.memref_slice %arg4[%dma_wait3A_698, %dma_wait3A_699, %dma_wait3A_700, %dma_wait3A_708, %dma_wait3A_709] : memref<50x8x128x8x128xf32, #tpu.memory_space<hbm>> -> memref<1x1x1x8x128xf32, #tpu.memory_space<hbm>>
    %dma_wait3A_711 = tpu.memref_squeeze %dma_wait3A_710 : memref<1x1x1x8x128xf32, #tpu.memory_space<hbm>> -> memref<8x128xf32, #tpu.memory_space<hbm>>
    %dma_wait3A_712 = arith.constant 32 : i32
    %dma_wait3A_713 = arith.constant 0 : i32
    %dma_wait3A_714 = tpu.memref_slice %arg16[%dma_wait3A_712, %dma_wait3A_713] : memref<64x133xf32, #tpu.memory_space<vmem>> -> memref<8x128xf32, #tpu.memory_space<vmem>>
    tpu.wait_dma2 semaphore(%arg28 : memref<!tpu.dma_semaphore, #tpu.memory_space<semaphore_mem>>) src(%dma_wait3A_714 : memref<8x128xf32, #tpu.memory_space<vmem>>) dst(%dma_wait3A_711 : memref<8x128xf32, #tpu.memory_space<hbm>>)
    %dma_wait3A_715 = arith.constant 0 : i32
    %dma_wait3A_716 = arith.constant 5 : i32
    %dma_wait3A_717 = arith.constant 0 : i32
    %dma_wait3A_718 = arith.constant 40 : i32
    %dma_wait3A_719 = arith.constant 0 : i32
    %dma_wait3A_720 = tpu.memref_slice %arg16[%dma_wait3A_718, %dma_wait3A_719] : memref<64x133xf32, #tpu.memory_space<vmem>> -> memref<8x128xf32, #tpu.memory_space<vmem>>
    %dma_wait3A_721 = arith.constant 0 : i32
    %dma_wait3A_722 = arith.constant 0 : i32
    %dma_wait3A_723 = tpu.memref_slice %arg4[%dma_wait3A_715, %dma_wait3A_716, %dma_wait3A_717, %dma_wait3A_721, %dma_wait3A_722] : memref<50x8x128x8x128xf32, #tpu.memory_space<hbm>> -> memref<1x1x1x8x128xf32, #tpu.memory_space<hbm>>
    %dma_wait3A_724 = tpu.memref_squeeze %dma_wait3A_723 : memref<1x1x1x8x128xf32, #tpu.memory_space<hbm>> -> memref<8x128xf32, #tpu.memory_space<hbm>>
    %dma_wait3A_725 = arith.constant 0 : i32
    %dma_wait3A_726 = arith.constant 0 : i32
    %dma_wait3A_727 = tpu.memref_slice %arg4[%dma_wait3A_715, %dma_wait3A_716, %dma_wait3A_717, %dma_wait3A_725, %dma_wait3A_726] : memref<50x8x128x8x128xf32, #tpu.memory_space<hbm>> -> memref<1x1x1x8x128xf32, #tpu.memory_space<hbm>>
    %dma_wait3A_728 = tpu.memref_squeeze %dma_wait3A_727 : memref<1x1x1x8x128xf32, #tpu.memory_space<hbm>> -> memref<8x128xf32, #tpu.memory_space<hbm>>
    %dma_wait3A_729 = arith.constant 40 : i32
    %dma_wait3A_730 = arith.constant 0 : i32
    %dma_wait3A_731 = tpu.memref_slice %arg16[%dma_wait3A_729, %dma_wait3A_730] : memref<64x133xf32, #tpu.memory_space<vmem>> -> memref<8x128xf32, #tpu.memory_space<vmem>>
    tpu.wait_dma2 semaphore(%arg28 : memref<!tpu.dma_semaphore, #tpu.memory_space<semaphore_mem>>) src(%dma_wait3A_731 : memref<8x128xf32, #tpu.memory_space<vmem>>) dst(%dma_wait3A_728 : memref<8x128xf32, #tpu.memory_space<hbm>>)
    %dma_wait3A_732 = arith.constant 0 : i32
    %dma_wait3A_733 = arith.constant 6 : i32
    %dma_wait3A_734 = arith.constant 0 : i32
    %dma_wait3A_735 = arith.constant 48 : i32
    %dma_wait3A_736 = arith.constant 0 : i32
    %dma_wait3A_737 = tpu.memref_slice %arg16[%dma_wait3A_735, %dma_wait3A_736] : memref<64x133xf32, #tpu.memory_space<vmem>> -> memref<8x128xf32, #tpu.memory_space<vmem>>
    %dma_wait3A_738 = arith.constant 0 : i32
    %dma_wait3A_739 = arith.constant 0 : i32
    %dma_wait3A_740 = tpu.memref_slice %arg4[%dma_wait3A_732, %dma_wait3A_733, %dma_wait3A_734, %dma_wait3A_738, %dma_wait3A_739] : memref<50x8x128x8x128xf32, #tpu.memory_space<hbm>> -> memref<1x1x1x8x128xf32, #tpu.memory_space<hbm>>
    %dma_wait3A_741 = tpu.memref_squeeze %dma_wait3A_740 : memref<1x1x1x8x128xf32, #tpu.memory_space<hbm>> -> memref<8x128xf32, #tpu.memory_space<hbm>>
    %dma_wait3A_742 = arith.constant 0 : i32
    %dma_wait3A_743 = arith.constant 0 : i32
    %dma_wait3A_744 = tpu.memref_slice %arg4[%dma_wait3A_732, %dma_wait3A_733, %dma_wait3A_734, %dma_wait3A_742, %dma_wait3A_743] : memref<50x8x128x8x128xf32, #tpu.memory_space<hbm>> -> memref<1x1x1x8x128xf32, #tpu.memory_space<hbm>>
    %dma_wait3A_745 = tpu.memref_squeeze %dma_wait3A_744 : memref<1x1x1x8x128xf32, #tpu.memory_space<hbm>> -> memref<8x128xf32, #tpu.memory_space<hbm>>
    %dma_wait3A_746 = arith.constant 48 : i32
    %dma_wait3A_747 = arith.constant 0 : i32
    %dma_wait3A_748 = tpu.memref_slice %arg16[%dma_wait3A_746, %dma_wait3A_747] : memref<64x133xf32, #tpu.memory_space<vmem>> -> memref<8x128xf32, #tpu.memory_space<vmem>>
    tpu.wait_dma2 semaphore(%arg28 : memref<!tpu.dma_semaphore, #tpu.memory_space<semaphore_mem>>) src(%dma_wait3A_748 : memref<8x128xf32, #tpu.memory_space<vmem>>) dst(%dma_wait3A_745 : memref<8x128xf32, #tpu.memory_space<hbm>>)
    %dma_wait3A_749 = arith.constant 0 : i32
    %dma_wait3A_750 = arith.constant 7 : i32
    %dma_wait3A_751 = arith.constant 0 : i32
    %dma_wait3A_752 = arith.constant 56 : i32
    %dma_wait3A_753 = arith.constant 0 : i32
    %dma_wait3A_754 = tpu.memref_slice %arg16[%dma_wait3A_752, %dma_wait3A_753] : memref<64x133xf32, #tpu.memory_space<vmem>> -> memref<8x128xf32, #tpu.memory_space<vmem>>
    %dma_wait3A_755 = arith.constant 0 : i32
    %dma_wait3A_756 = arith.constant 0 : i32
    %dma_wait3A_757 = tpu.memref_slice %arg4[%dma_wait3A_749, %dma_wait3A_750, %dma_wait3A_751, %dma_wait3A_755, %dma_wait3A_756] : memref<50x8x128x8x128xf32, #tpu.memory_space<hbm>> -> memref<1x1x1x8x128xf32, #tpu.memory_space<hbm>>
    %dma_wait3A_758 = tpu.memref_squeeze %dma_wait3A_757 : memref<1x1x1x8x128xf32, #tpu.memory_space<hbm>> -> memref<8x128xf32, #tpu.memory_space<hbm>>
    %dma_wait3A_759 = arith.constant 0 : i32
    %dma_wait3A_760 = arith.constant 0 : i32
    %dma_wait3A_761 = tpu.memref_slice %arg4[%dma_wait3A_749, %dma_wait3A_750, %dma_wait3A_751, %dma_wait3A_759, %dma_wait3A_760] : memref<50x8x128x8x128xf32, #tpu.memory_space<hbm>> -> memref<1x1x1x8x128xf32, #tpu.memory_space<hbm>>
    %dma_wait3A_762 = tpu.memref_squeeze %dma_wait3A_761 : memref<1x1x1x8x128xf32, #tpu.memory_space<hbm>> -> memref<8x128xf32, #tpu.memory_space<hbm>>
    %dma_wait3A_763 = arith.constant 56 : i32
    %dma_wait3A_764 = arith.constant 0 : i32
    %dma_wait3A_765 = tpu.memref_slice %arg16[%dma_wait3A_763, %dma_wait3A_764] : memref<64x133xf32, #tpu.memory_space<vmem>> -> memref<8x128xf32, #tpu.memory_space<vmem>>
    tpu.wait_dma2 semaphore(%arg28 : memref<!tpu.dma_semaphore, #tpu.memory_space<semaphore_mem>>) src(%dma_wait3A_765 : memref<8x128xf32, #tpu.memory_space<vmem>>) dst(%dma_wait3A_762 : memref<8x128xf32, #tpu.memory_space<hbm>>)
    return
  }
}

</mosaic_0001>

<sc_bundles>
// kernel: kernel.3.cloned.1.call-start
scs
__scs_entry_jumppad:
0x0: {  	(pc) =	sbr.rel $0x88, $3  }
0x1: {  	(tag) =	ssettag $0x0;
	lr =	simm.s32 $0x1  }
0x2: {  	[smem:$0x3F9F] =	sst lr;
	_ =	strace $0xD0000000  }
0x3: {  	_ = 	snop  }
0x4: {  	_ = 	snop  }
0x5: {  	_ = 	snop  }
0x6: {  	_ = 	snop  }
0x7: {  	_ = 	snop  }
__scs_overlays_trampoline_lowered:
0x8: {  	[smem:$0x3FAE] =	sst s0  }
0x9: {  	[smem:$0x3FAF] =	sst s1  }
0xa: {  	[smem:$0x3FB0] =	sst s2  }
0xb: {  	[smem:$0x3FB1] =	sst s3  }
0xc: {  	[smem:$0x3FB2] =	sst s4  }
0xd: {  	[smem:$0x3FB3] =	sst s5  }
0xe: {  	[smem:$0x3FB4] =	sst s6  }
0xf: {  	[smem:$0x3FB5] =	sst s7  }
0x10: {  	[smem:$0x3FB6] =	sst s8  }
0x11: {  	[smem:$0x3FB7] =	sst s9;
	s0 =	simm.s32 @!p0 $0x0  }
0x12: {  	s1 =	sld [smem:$0x3F9D];
	s0 =	simm.s32 @p0 $0x1  }
0x13: {  	[smem:$0x3FB8] =	sst s0;
	s0 =	simm.s32 @!p1 $0x0  }
0x14: {  	s2 =	sld [smem:$0x3F9C];
	s0 =	simm.s32 @p1 $0x1  }
0x15: {  	[smem:$0x3FB9] =	sst s0;
	s0 =	simm.s32 @!p2 $0x0  }
0x16: {  	s3 =	sld [smem:$0x3FDB];
	s0 =	simm.s32 @p2 $0x1  }
0x17: {  	s4 =	simm.s32 $0x1BF5;
	[smem:$0x3FBB] =	sst s0  }
0x18: {  	s0 =	sld [smem:$0x3F9E];
	_ =	swait.ge [sflag:s4], $0x0  }
0x19: {  	s7 =	sld [smem:$0x3F9F]  }
0x1a: {  	s8 =	sadd.s32 $0xFFFFE003, lr  }
0x1b: {  	s9 =	sadd.s32 $0xFFFFFEF7, lr;
	s5 =	simm.s32 $0xFFFFFFFF;
	p2 =	slt.u32 s8, $0xFFFFF086  }
0x1c: {  	p1 =	slt.u32 s9, $0xF7A;
	s5 =	simm.s32 @!p2 $0x0  }
0x1d: {  	s5 =	simm.s32 @p1 $0x1;
	p0 =	seq.s32 s7, s2  }
0x1e: {  	s7 =	smul.u32 @!p0 $0xF7A, s2;
	p2 =	seq.s32 @!p0 s5, $0x0  }
0x1f: {  	s9 =	smul.u32 $0xF7A, s1;
	s8 =	simm.s32 @!p0 $0x1BF5;
	p2 =	por !p2, p0  }
0x20: {  	[sflag:s8] =	ssyncset.s32 @!p0 $0xFFFFF086;
	s6 =	sadd.s32 @!p0 s3, s7;
	s7 =	simm.s32 @!p0 $0x108  }
0x21: {  	s3 =	sadd.s32 s3, s9;
	s6 =	sadd.s32 @!p0 $0x88, s6;
	s7 =	simm.s32 @p2 $0x1082  }
0x22: {  	[simem:s7], [sflag:s8] =	dma.local @!p0 [hbm:s6], $0xF7A  }
0x23: {  	s9 =	sor.u32 $0xD0000000, s2;
	s6 =	simm.s32 $0x108;
	_ =	swait.ge @!p0 [sflag:s8], $0x0  }
0x24: {  	s3 =	sadd.s32 $0x88, s3;
	s6 =	simm.s32 @!p1 $0x1082;
	[sflag:s4] =	ssyncset.s32 $0xFFFFF086  }
0x25: {  	[simem:s6], [sflag:s4] =	dma.local [hbm:s3], $0xF7A  }
0x26: {  	[smem:$0x3F9F] =	sst s1;
	(tag) =	ssettag s2;
	_ =	strace s9  }
0x27: {  	s1 =	sld [smem:$0x3FAF]  }
0x28: {  	s2 =	sld [smem:$0x3FB0]  }
0x29: {  	s4 =	sld [smem:$0x3FB2]  }
0x2a: {  	p0 =	seq.s32 s5, $0x0;
	s5 =	sld [smem:$0x3FB3]  }
0x2b: {  	s6 =	sld [smem:$0x3FB4]  }
0x2c: {  	s7 =	sld [smem:$0x3FB5]  }
0x2d: {  	s3 =	simm.s32 $0x108;
	s8 =	sld [smem:$0x3FB6]  }
0x2e: {  	s3 =	simm.s32 @!p0 $0x1082;
	s9 =	sld [smem:$0x3FB7]  }
0x2f: {  	lr =	sadd.s32 s0, s3;
	s0 =	sld [smem:$0x3FAE]  }
0x30: {  	s3 =	sld [smem:$0x3FB1]  }
0x31: {  	[smem:$0x3FBA] =	sst s10  }
0x32: {  	s10 =	sld [smem:$0x3FB8];
	_ =	sdelay $0x3  }
0x33: {  	p0 =	seq.s32 s10, $0x1;
	s10 =	sld [smem:$0x3FBA];
	_ =	sdelay $0x3  }
0x34: {  	[smem:$0x3FBA] =	sst s10  }
0x35: {  	s10 =	sld [smem:$0x3FB9];
	_ =	sdelay $0x3  }
0x36: {  	p1 =	seq.s32 s10, $0x1;
	s10 =	sld [smem:$0x3FBA];
	_ =	sdelay $0x3  }
0x37: {  	[smem:$0x3FBA] =	sst s10  }
0x38: {  	s10 =	sld [smem:$0x3FBB]  }
0x39: {  	_ = 	snop;
	(pc) =	sbr.ind lr, $3  }
0x3a: {  	_ = 	snop  }
0x3b: {  	_ = 	snop  }
0x3c: {  	p2 =	seq.s32 s10, $0x1;
	s10 =	sld [smem:$0x3FBA]  }
0x3d: {  	_ =	shalt  }
0x3e: {  	_ =	shalt  }
0x3f: {  	_ =	shalt  }
0x40: {  	_ =	shalt  }
0x41: {  	_ =	shalt  }
0x42: {  	_ =	shalt  }
0x43: {  	_ =	shalt  }
0x44: {  	_ =	shalt  }
0x45: {  	_ =	shalt  }
0x46: {  	_ =	shalt  }
0x47: {  	_ =	shalt  }
0x48: {  	_ =	shalt  }
0x49: {  	_ =	shalt  }
0x4a: {  	_ =	shalt  }
0x4b: {  	_ =	shalt  }
0x4c: {  	_ =	shalt  }
0x4d: {  	_ =	shalt  }
0x4e: {  	_ =	shalt  }
0x4f: {  	_ =	shalt  }
0x50: {  	_ =	shalt  }
0x51: {  	_ =	shalt  }
0x52: {  	_ =	shalt  }
0x53: {  	_ =	shalt  }
0x54: {  	_ =	shalt  }
0x55: {  	_ =	shalt  }
0x56: {  	_ =	shalt  }
0x57: {  	_ =	shalt  }
0x58: {  	_ =	shalt  }
0x59: {  	_ =	shalt  }
0x5a: {  	_ =	shalt  }
0x5b: {  	_ =	shalt  }
0x5c: {  	_ =	shalt  }
0x5d: {  	_ =	shalt  }
0x5e: {  	_ =	shalt  }
0x5f: {  	_ =	shalt  }
0x60: {  	_ =	shalt  }
0x61: {  	_ =	shalt  }
0x62: {  	_ =	shalt  }
0x63: {  	_ =	shalt  }
0x64: {  	_ =	shalt  }
0x65: {  	_ =	shalt  }
0x66: {  	_ =	shalt  }
0x67: {  	_ =	shalt  }
0x68: {  	_ =	shalt  }
0x69: {  	_ =	shalt  }
0x6a: {  	_ =	shalt  }
0x6b: {  	_ =	shalt  }
0x6c: {  	_ =	shalt  }
0x6d: {  	_ =	shalt  }
0x6e: {  	_ =	shalt  }
0x6f: {  	_ =	shalt  }
0x70: {  	_ =	shalt  }
0x71: {  	_ =	shalt  }
0x72: {  	_ =	shalt  }
0x73: {  	_ =	shalt  }
0x74: {  	_ =	shalt  }
0x75: {  	_ =	shalt  }
0x76: {  	_ =	shalt  }
0x77: {  	_ =	shalt  }
0x78: {  	_ =	shalt  }
0x79: {  	_ =	shalt  }
0x7a: {  	_ =	shalt  }
0x7b: {  	_ =	shalt  }
0x7c: {  	_ =	shalt  }
0x7d: {  	_ =	shalt  }
0x7e: {  	_ =	shalt  }
0x7f: {  	_ =	shalt  }
0x80: {  	_ =	shalt  }
0x81: {  	_ =	shalt  }
0x82: {  	_ =	shalt  }
0x83: {  	_ =	shalt  }
0x84: {  	_ =	shalt  }
0x85: {  	_ =	shalt  }
0x86: {  	_ =	shalt  }
0x87: {  	_ =	shalt  }
.Lfunc_end0:
.L_simem_size_0:
called_computation_lowered:
.L_overlay_start_0:
0x88: {  	s2 =	sld [smem:$0x3FD9]  }
0x89: {  	s3 =	sld [smem:$0x3FFE];
	_ =	sdelay $0x1  }
0x8a: {  	s1 =	srdreg.scid  }
0x8b: {  	s0 =	sand.u32 $0x1, s1  }
0x8c: {  	s17 =	sshll.u32 s0, $0xA;
	s2 =	sadd.s32 s3, s2  }
0x8d: {  	s2 =	sadd.s32 s2, s17  }
0x8e: {  	[smem:$0x3FC6] =	sst s2  }
0x8f: {  	_ = 	snop  }
0x90: {  	s2 =	sld [smem:$0x3FD0];
	(tm) =	ssettm $0x1  }
0x91: {  	s18 =	sld [smem:$0x3FFB];
	_ =	sdelay $0x3  }
0x92: {  	_ =	strace s18  }
0x93: {  	s3 =	sld [smem:$0x3FFC];
	_ =	sdelay $0x3  }
0x94: {  	_ =	strace s3  }
0x95: {  	s3 =	sld [smem:$0x3FFD];
	_ =	sdelay $0x3  }
0x96: {  	_ =	strace s3  }
0x97: {  	_ =	strace $0x8FFFFFFF  }
0x98: {  	s19 =	sld [smem:$0x3FDB];
	_ =	sdelay $0x1  }
0x99: {  	s4 =	simm.s32 $_scs_section_size  }
0x9a: {  	s5 =	simm.s32 $_size__tile_overlayer_lowered;
	s6 =	simm.s32 $_tile_overlayer_lowered  }
0x9b: {  	s22 =	simm.s32 $0x1BFF;
	s21 =	sshll.u32 s6, $0x1;
	s3 =	sadd.s32 s4, s19  }
0x9c: {  	s7 =	simm.s32 $0x0;
	s20 =	sshll.u32 s5, $0x1;
	s5 =	sadd.s32 s21, s3  }
0x9d: {  	[timem:s7], [sflag:s22] =	dma.local [hbm:s5], s20  }
0x9e: {  	_ =	swait.ge [sflag:s22], s20  }
0x9f: {  	s4 =	ssub.s32 $0x0, s20;
	[sflag:s22] =	ssyncset.done $0x0  }
0xa0: {  	[sflag:s22] =	ssyncadd.s32 s4;
	_ =	sdelay $0x1  }
0xa1: {  	s23 =	simm.s32 $0x1B8B  }
0xa2: {  	_ =	swait.ge [sflag:s23], $0x1  }
0xa3: {  	[sflag:s23] =	ssyncset.done $0x0  }
0xa4: {  	s25 =	simm.s32 $0x1B8E;
	s24 =	sld [smem:$0x3FFE];
	[sflag:s23] =	ssyncadd.s32 $0xFFFFFFFF  }
0xa5: {  	s26 =	simm.s32 $execute0_lowered;
	[smem:$0x3FD2] =	sst s25  }
0xa6: {  	s5 =	sshll.u32 s26, $0x1;
	_ =	strace $0x80000046;
	[dreg:$0x1] =	wrdreg $0xFFFFFFFF  }
0xa7: {  	s28 =	simm.s32 $_size_execute0_lowered;
	s3 =	sadd.s32 s3, s5;
	[dreg:$0x0] =	wrdreg $0x0  }
0xa8: {  	s5 =	sshll.u32 s28, $0x1;
	[dreg:$0x2] =	wrdreg s3  }
0xa9: {  	[dreg:$0x3] =	wrdreg s5  }
0xaa: {  	[dreg:$0x4] =	wrdreg $0xC0  }
0xab: {  	_ =	task [dreg:s7], $0x5FFFF  }
0xac: {  	[dreg:$0x1] =	wrdreg $0xFFFFFFFF  }
0xad: {  	[dreg:$0x0] =	wrdreg $0x60  }
0xae: {  	[dreg:$0x2] =	wrdreg s24  }
0xaf: {  	[dreg:$0x3] =	wrdreg s2  }
0xb0: {  	[dreg:$0x4] =	wrdreg $0x9  }
0xb1: {  	_ =	task.clear_ibuf [dreg:s7], $0x5FFFF;
	_ =	strace $0x90000046  }
0xb2: {  	s29 =	simm.s32 $0x9;
	_ =	strace $0x80000048  }
0xb3: {  	_ =	swait.ge [sflag:s29], $0x1  }
0xb4: {  	[sflag:s29] =	ssyncadd.s32 $0xFFFFFFFF  }
0xb5: {  	_ =	strace $0x90000048  }
0xb6: {  	_ =	sfence  }
0xb7: {  	s30 =	sld [smem:$0x0];
	_ =	sdelay $0x2  }
0xb8: {  	s31 =	sshll.u32 s1, $0xD;
	s1 =	sshrl.u32 s1, $0x2  }
0xb9: {  	s3 =	sand.u32 $0x4000, s31;
	s1 =	sadd.s32 s1, s30  }
0xba: {  	s0 =	sor.u32 s3, s0;
	s1 =	sshll.u32 s1, $0x11  }
0xbb: {  	s0 =	sor.u32 s1, s0  }
0xbc: {  	s0 =	sadd.s32 $0x8F2B, s0  }
0xbd: {  	[sflag:s0] =	ssyncadd.remote.s32 $0x1  }
0xbe: {  	_ =	sfence.sel $0xFFFF  }
0xbf: {  	[dreg:$0x0] =	wrdreg $0xFFFFFFFF;
	(pc) =	sbr.abs _section_cstart, $3  }
0xc0: {  	[dreg:$0x1] =	wrdreg $0xFFFFFFFF  }
0xc1: {  	_ =	task.clear_ibuf [dreg:s7], $0x2FFFF;
	_ =	strace $0x9FFFFFFF  }
0xc2: {  	(tm) =	ssettm $0x7FFFFFFF  }
0xc3: {  	_ =	shalt  }
tec
execute0_lowered:
.L_overlay_start_1:
0x0: {  	(tag) =	ssettag $0x1  }
0x1: {  	s0 =	srdreg.scid;
	s5 =	rddreg [dreg:$0x0]  }
0x2: {  	s1 =	stileid.u32;
	s2 =	rddreg [dreg:$0x1]  }
0x3: {  	s3 =	simm.s32 $0x0;
	s28 =	simm.s32 $0x2;
	s30 =	simm.s32 $0x5  }
0x4: {  	s31 =	simm.s32 $0x8200;
	s9 =	simm.s32 $0x6;
	s17 =	simm.s32 $0xA400  }
0x5: {  	s29 =	simm.s32 $0x7;
	s8 =	simm.s32 $0x0;
	s0 =	sand.u32 $0x1, s0  }
0x6: {  	s1 =	sshll.u32 s1, $0x1;
	[smem:$0x7FF] =	sst s3;
	s10 =	sadd.s32 $0x4000, s2  }
0x7: {  	s11 =	sadd.s32 $0x8000, s2;
	s12 =	sadd.s32 $0xC000, s2;
	s13 =	sadd.s32 $0x10000, s2  }
0x8: {  	s14 =	sadd.s32 $0x14000, s2;
	s15 =	sadd.s32 $0x18000, s2;
	s16 =	sadd.s32 $0x1C000, s2  }
0x9: {  	v0 =	vlaneseq.u32;
	s23 =	sadd.s32 $0x640, s5;
	s24 =	sadd.s32 $0x650, s5;
	s25 =	sadd.s32 $0x660, s5  }
0xa: {  	v0 =	vmul.u32 $0x88, v0;
	s1 =	sor.u32 s0, s1;
	_ =	strace $0x80000047;
	[dreg:$0x9] =	wrdreg s23  }
0xb: {  	v1 =	vimm.s32 $0x0;
	vm0 =	vcmask $0x300;
	s26 =	sadd.s32 $0x670, s5;
	[dreg:$0xa] =	wrdreg s24;
	s4 =	smul.u32 $0x6400, s1  }
0xc: {  	v1 =	vsel vm0, $0x3, v1;
	s0 =	ssub.s32 $0x2, s0;
	[dreg:$0xb] =	wrdreg s25;
	s6 =	smul.u32 $0x2400, s1;
	v2 =	vadd.s32 $0x880, v0  }
0xd: {  	[dreg:$0xc] =	wrdreg s26;
	s24 =	simm.s32 $0x180;
	s7 =	sshrl.u32 s0, $0x1;
	v3 =	vadd.s32 $0x1100, v0;
	v4 =	vadd.s32 $0x1980, v0;
	v5 =	vor.u32 $0x1, v0  }
0xe: {  	s1 =	smul.u32 $0xC8, s1;
	v6 =	vadd.s32 $0x881, v0;
	v7 =	vadd.s32 $0x1101, v0;
	v8 =	vadd.s32 $0x1981, v0;
	s4 =	sand.u32 $0xFC000, s4;
	s6 =	sand.u32 $0x3C00, s6  }
0xf: {  	s26 =	simm.s32 $0x4;
	v9 =	vor.u32 $0x2, v0;
	v10 =	vadd.s32 $0x882, v0;
	v11 =	vadd.s32 $0x1102, v0;
	s0 =	ssub.s32 s0, s7;
	s4 =	sor.u32 s6, s4  }
0x10: {  	v12 =	vadd.s32 $0x1982, v0;
	v13 =	vor.u32 $0x3, v0;
	v14 =	vadd.s32 $0x883, v0;
	s7 =	simm.s32 $0x3;
	[dreg:$0x3] =	wrdreg s1;
	s4 =	sshrl.u32 s4, $0x3  }
0x11: {  	v15 =	vadd.s32 $0x1103, v0;
	v16 =	vadd.s32 $0x1983, v0;
	v17 =	vor.u32 $0x4, v0;
	s0 =	smax.u32 s0, $0x1;
	s1 =	simm.s32 $0xC600;
	s18 =	sadd.s32 s4, s5  }
.Ltmp0:
0x12: {  	v18 =	vadd.s32 $0x884, v0;
	v19 =	vadd.s32 $0x1104, v0;
	v20 =	vadd.s32 $0x1984, v0;
	[dreg:$0x8] =	wrdreg s0;
	s19 =	sadd.s32 $0x600, s18;
	(pc) =	sbr.rel .LBB2_1-.Ltmp0, $4  }
0x13: {  	v21 =	vor.u32 $0x5, v0;
	v22 =	vadd.s32 $0x885, v0;
	v23 =	vadd.s32 $0x1105, v0;
	s0 =	simm.s32 $0xC;
	s20 =	sadd.s32 $0x610, s18;
	[dreg:$0x4] =	wrdreg s19  }
0x14: {  	v24 =	vadd.s32 $0x1985, v0;
	v25 =	vor.u32 $0x6, v0;
	v26 =	vadd.s32 $0x886, v0;
	s6 =	simm.s32 $0xE800;
	s21 =	sadd.s32 $0x620, s18;
	[dreg:$0x5] =	wrdreg s20  }
0x15: {  	v27 =	vadd.s32 $0x1106, v0;
	v28 =	vadd.s32 $0x1986, v0;
	v29 =	vor.u32 $0x7, v0;
	s4 =	sadd.s32 $0xF42A00, s5;
	s22 =	sadd.s32 $0x630, s18;
	[dreg:$0x6] =	wrdreg s21  }
0x16: {  	v30 =	vadd.s32 $0x887, v0;
	v31 =	vadd.s32 $0x1107, v0;
	v32 =	vadd.s32 $0x1987, v0;
	[dreg:$0x7] =	wrdreg s22;
	s22 =	simm.s32 $0x80;
	s20 =	simm.s32 $0x8  }
.LBB2_16:
0x17: {  	s5 =	simm.s32 $0x9  }
0x18: {  	_ =	swait.ge [sflag:s5], $0x400  }
0x19: {  	[sflag:s5] =	ssyncset.done $0x0  }
0x1a: {  	[sflag:s5] =	ssyncadd.s32 $0xFFFFFC00  }
0x1b: {  	_ =	swait.ge [sflag:s5], $0x400  }
0x1c: {  	[sflag:s5] =	ssyncset.done $0x0  }
0x1d: {  	[sflag:s5] =	ssyncadd.s32 $0xFFFFFC00  }
0x1e: {  	_ =	swait.ge [sflag:s5], $0x400  }
0x1f: {  	[sflag:s5] =	ssyncset.done $0x0  }
0x20: {  	[sflag:s5] =	ssyncadd.s32 $0xFFFFFC00  }
0x21: {  	_ =	swait.ge [sflag:s5], $0x400  }
0x22: {  	[sflag:s5] =	ssyncset.done $0x0  }
0x23: {  	[sflag:s5] =	ssyncadd.s32 $0xFFFFFC00  }
0x24: {  	_ =	swait.ge [sflag:s5], $0x400  }
0x25: {  	[sflag:s5] =	ssyncset.done $0x0  }
0x26: {  	[sflag:s5] =	ssyncadd.s32 $0xFFFFFC00  }
0x27: {  	_ =	swait.ge [sflag:s5], $0x400  }
0x28: {  	[sflag:s5] =	ssyncset.done $0x0  }
0x29: {  	[sflag:s5] =	ssyncadd.s32 $0xFFFFFC00  }
0x2a: {  	_ =	swait.ge [sflag:s5], $0x400  }
0x2b: {  	[sflag:s5] =	ssyncset.done $0x0  }
0x2c: {  	[sflag:s5] =	ssyncadd.s32 $0xFFFFFC00  }
0x2d: {  	_ =	swait.ge [sflag:s5], $0x400  }
0x2e: {  	[sflag:s5] =	ssyncset.done $0x0  }
0x2f: {  	s21 =	simm.s32 $0xA;
	[sflag:s5] =	ssyncadd.s32 $0xFFFFFC00  }
0x30: {  	_ =	swait.ge [sflag:s21], $0x400  }
0x31: {  	[sflag:s21] =	ssyncset.done $0x0  }
0x32: {  	[sflag:s21] =	ssyncadd.s32 $0xFFFFFC00  }
0x33: {  	_ =	swait.ge [sflag:s21], $0x400  }
0x34: {  	[sflag:s21] =	ssyncset.done $0x0  }
0x35: {  	[sflag:s21] =	ssyncadd.s32 $0xFFFFFC00  }
0x36: {  	_ =	swait.ge [sflag:s21], $0x400  }
0x37: {  	[sflag:s21] =	ssyncset.done $0x0  }
0x38: {  	[sflag:s21] =	ssyncadd.s32 $0xFFFFFC00  }
0x39: {  	_ =	swait.ge [sflag:s21], $0x400  }
0x3a: {  	[sflag:s21] =	ssyncset.done $0x0  }
0x3b: {  	[sflag:s21] =	ssyncadd.s32 $0xFFFFFC00  }
0x3c: {  	_ =	swait.ge [sflag:s21], $0x400  }
0x3d: {  	[sflag:s21] =	ssyncset.done $0x0  }
0x3e: {  	[sflag:s21] =	ssyncadd.s32 $0xFFFFFC00  }
0x3f: {  	_ =	swait.ge [sflag:s21], $0x400  }
0x40: {  	[sflag:s21] =	ssyncset.done $0x0  }
0x41: {  	[sflag:s21] =	ssyncadd.s32 $0xFFFFFC00  }
0x42: {  	_ =	swait.ge [sflag:s21], $0x400  }
0x43: {  	[sflag:s21] =	ssyncset.done $0x0  }
0x44: {  	[sflag:s21] =	ssyncadd.s32 $0xFFFFFC00  }
0x45: {  	_ =	swait.ge [sflag:s21], $0x400  }
0x46: {  	[sflag:s21] =	ssyncset.done $0x0  }
0x47: {  	s23 =	simm.s32 $0xB;
	[sflag:s21] =	ssyncadd.s32 $0xFFFFFC00  }
0x48: {  	_ =	swait.ge [sflag:s23], $0x400  }
0x49: {  	[sflag:s23] =	ssyncset.done $0x0  }
0x4a: {  	[sflag:s23] =	ssyncadd.s32 $0xFFFFFC00  }
0x4b: {  	_ =	swait.ge [sflag:s23], $0x400  }
0x4c: {  	[sflag:s23] =	ssyncset.done $0x0  }
0x4d: {  	[sflag:s23] =	ssyncadd.s32 $0xFFFFFC00  }
0x4e: {  	_ =	swait.ge [sflag:s23], $0x400  }
0x4f: {  	[sflag:s23] =	ssyncset.done $0x0  }
0x50: {  	[sflag:s23] =	ssyncadd.s32 $0xFFFFFC00  }
0x51: {  	_ =	swait.ge [sflag:s23], $0x400  }
0x52: {  	[sflag:s23] =	ssyncset.done $0x0  }
0x53: {  	[sflag:s23] =	ssyncadd.s32 $0xFFFFFC00  }
0x54: {  	_ =	swait.ge [sflag:s23], $0x400  }
0x55: {  	[sflag:s23] =	ssyncset.done $0x0  }
0x56: {  	[sflag:s23] =	ssyncadd.s32 $0xFFFFFC00  }
0x57: {  	_ =	swait.ge [sflag:s23], $0x400  }
0x58: {  	[sflag:s23] =	ssyncset.done $0x0  }
0x59: {  	[sflag:s23] =	ssyncadd.s32 $0xFFFFFC00  }
0x5a: {  	_ =	swait.ge [sflag:s23], $0x400  }
0x5b: {  	[sflag:s23] =	ssyncset.done $0x0  }
0x5c: {  	[sflag:s23] =	ssyncadd.s32 $0xFFFFFC00  }
0x5d: {  	_ =	swait.ge [sflag:s23], $0x400  }
0x5e: {  	[sflag:s23] =	ssyncset.done $0x0  }
0x5f: {  	[sflag:s23] =	ssyncadd.s32 $0xFFFFFC00  }
0x60: {  	_ =	swait.ge [sflag:s0], $0x400  }
0x61: {  	[sflag:s0] =	ssyncset.done $0x0  }
0x62: {  	[sflag:s0] =	ssyncadd.s32 $0xFFFFFC00  }
0x63: {  	_ =	swait.ge [sflag:s0], $0x400  }
0x64: {  	[sflag:s0] =	ssyncset.done $0x0  }
0x65: {  	[sflag:s0] =	ssyncadd.s32 $0xFFFFFC00  }
0x66: {  	_ =	swait.ge [sflag:s0], $0x400  }
0x67: {  	[sflag:s0] =	ssyncset.done $0x0  }
0x68: {  	[sflag:s0] =	ssyncadd.s32 $0xFFFFFC00  }
0x69: {  	_ =	swait.ge [sflag:s0], $0x400  }
0x6a: {  	[sflag:s0] =	ssyncset.done $0x0  }
0x6b: {  	[sflag:s0] =	ssyncadd.s32 $0xFFFFFC00  }
0x6c: {  	_ =	swait.ge [sflag:s0], $0x400  }
0x6d: {  	[sflag:s0] =	ssyncset.done $0x0  }
0x6e: {  	[sflag:s0] =	ssyncadd.s32 $0xFFFFFC00  }
0x6f: {  	_ =	swait.ge [sflag:s0], $0x400  }
0x70: {  	[sflag:s0] =	ssyncset.done $0x0  }
0x71: {  	[sflag:s0] =	ssyncadd.s32 $0xFFFFFC00  }
0x72: {  	_ =	swait.ge [sflag:s0], $0x400  }
0x73: {  	[sflag:s0] =	ssyncset.done $0x0  }
0x74: {  	[sflag:s0] =	ssyncadd.s32 $0xFFFFFC00  }
0x75: {  	_ =	swait.ge [sflag:s0], $0x400  }
0x76: {  	s8 =	rddreg [dreg:$0xd]  }
0x77: {  	s25 =	rddreg [dreg:$0x8];
	s8 =	sadd.s32 $0x1, s8  }
0x78: {  	p0 =	sne.s32 s8, s25  }
.Ltmp1:
0x79: {  	_ = 	snop;
	(pc) =	sbr.rel @!p0 .LBB2_17-.Ltmp1, $3  }
0x7a: {  	_ =	sdelay $0x1  }
0x7b: {  	[sflag:s0] =	ssyncset.done $0x0  }
0x7c: {  	[sflag:s0] =	ssyncadd.s32 $0xFFFFFC00  }
.LBB2_1:
0x7d: {  	[dreg:$0xd] =	wrdreg s8  }
0x7e: {  	s5 =	rddreg [dreg:$0x4]  }
0x7f: {  	[tilespmem:s3], [sflag:$0x1] =	stream.linear.gather [hbm4b:s5+s3], $0x80, $0x38;
	[tilespmem:$0x10A00] =	vst v63  }
0x80: {  	s8 =	rddreg [dreg:$0x5]  }
0x81: {  	[tilespmem:s22], [sflag:$0x2] =	stream.linear.gather [hbm4b:s8+s3], $0x80, $0x38;
	[tilespmem:$0x10A00] =	vst v63  }
0x82: {  	s18 =	rddreg [dreg:$0x6];
	s19 =	simm.s32 $0x100  }
0x83: {  	[tilespmem:s19], [sflag:$0x3] =	stream.linear.gather [hbm4b:s18+s3], $0x80, $0x38;
	[tilespmem:$0x10A00] =	vst v63  }
0x84: {  	s21 =	rddreg [dreg:$0x7];
	s23 =	simm.s32 $0x1  }
0x85: {  	[tilespmem:s24], [sflag:$0x4] =	stream.linear.gather [hbm4b:s21+s3], $0x80, $0x38;
	[tilespmem:$0x10A00] =	vst v63  }
0x86: {  	_ =	swait.ge [sflag:s23], $0x80  }
0x87: {  	[sflag:s23] =	ssyncset.done $0x0  }
0x88: {  	s24 =	simm.s32 $0x200;
	[sflag:s23] =	ssyncadd.s32 $0xFFFFFF80  }
0x89: {  	[tilespmem:s24], [sflag:$0x5] =	stream.indirect.gather [hbm4b:s4+s22], $0x40, s3, s22, $0xb8;
	[tilespmem:$0x10A00] =	vst v63  }
0x8a: {  	_ =	swait.ge [sflag:s28], $0x80  }
0x8b: {  	[sflag:s28] =	ssyncset.done $0x0  }
0x8c: {  	s25 =	simm.s32 $0x2200;
	s8 =	simm.s32 $0x0;
	[sflag:s28] =	ssyncadd.s32 $0xFFFFFF80  }
0x8d: {  	[tilespmem:s25], [sflag:$0x6] =	stream.indirect.gather [hbm4b:s4+s22], $0x40, s22, s22, $0xb8;
	[tilespmem:$0x10A00] =	vst v63  }
.LBB2_2:
0x8e: {  	_ =	swait.ge [sflag:s30], $0x2000  }
0x8f: {  	p0 =	seq.s32 s8, $0x0;
	[sflag:s30] =	ssyncset.done $0x0  }
0x90: {  	s5 =	simm.s32 @!p0 $0x9;
	[sflag:s30] =	ssyncadd.s32 $0xFFFFE000  }
0x91: {  	_ =	swait.ge @!p0 [sflag:s5], $0x400  }
0x92: {  	[sflag:s5] =	ssyncset.done @!p0 $0x0  }
0x93: {  	[sflag:s5] =	ssyncadd.s32 @!p0 $0xFFFFFC00  }
0x94: {  	_ =	swait.ge @!p0 [sflag:s5], $0x400  }
0x95: {  	[sflag:s5] =	ssyncset.done @!p0 $0x0  }
0x96: {  	[sflag:s5] =	ssyncadd.s32 @!p0 $0xFFFFFC00  }
0x97: {  	_ =	swait.ge @!p0 [sflag:s5], $0x400  }
0x98: {  	[sflag:s5] =	ssyncset.done @!p0 $0x0  }
0x99: {  	[sflag:s5] =	ssyncadd.s32 @!p0 $0xFFFFFC00  }
0x9a: {  	_ =	swait.ge @!p0 [sflag:s5], $0x400  }
0x9b: {  	[sflag:s5] =	ssyncset.done @!p0 $0x0  }
0x9c: {  	[sflag:s5] =	ssyncadd.s32 @!p0 $0xFFFFFC00  }
0x9d: {  	_ =	swait.ge @!p0 [sflag:s5], $0x400  }
0x9e: {  	[sflag:s5] =	ssyncset.done @!p0 $0x0  }
0x9f: {  	[sflag:s5] =	ssyncadd.s32 @!p0 $0xFFFFFC00  }
0xa0: {  	_ =	swait.ge @!p0 [sflag:s5], $0x400  }
0xa1: {  	[sflag:s5] =	ssyncset.done @!p0 $0x0  }
0xa2: {  	[sflag:s5] =	ssyncadd.s32 @!p0 $0xFFFFFC00  }
0xa3: {  	s18 =	simm.s32 $0x0;
	_ =	swait.ge @!p0 [sflag:s5], $0x400  }
0xa4: {  	v33 =	vmov s18;
	[sflag:s5] =	ssyncset.done @!p0 $0x0  }
0xa5: {  	v33 =	vshrl.u32 v33, $0x3;
	[sflag:s5] =	ssyncadd.s32 @!p0 $0xFFFFFC00  }
0xa6: {  	v33 =	vshll.u32 v33, v1;
	_ =	swait.ge @!p0 [sflag:s5], $0x400  }
0xa7: {  	v33 =	vbroadcast v33, $0x0;
	[sflag:s5] =	ssyncset.done @!p0 $0x0  }
0xa8: {  	s21 =	simm.s32 $0x300;
	[sflag:s5] =	ssyncadd.s32 @!p0 $0xFFFFFC00  }
0xa9: {  	v35 =	vadd.s32 v0, v33;
	v34 =	vld [tilespmem:s21+$0xFFFFFF00];
	_ =	sdelay $0x4  }
0xaa: {  	[tilespmem:v35+s31+$0x0] =	vst.idx.msk $0xffff, v34  }
0xab: {  	v56 =	vadd.s32 v2, v33;
	v34 =	vld [tilespmem:s21+$0xFFFFFF10];
	_ =	sdelay $0x4  }
0xac: {  	[tilespmem:v56+s31+$0x0] =	vst.idx.msk $0xffff, v34  }
0xad: {  	v57 =	vadd.s32 v3, v33;
	v34 =	vld [tilespmem:s21+$0xFFFFFF20];
	_ =	sdelay $0x4  }
0xae: {  	[tilespmem:v57+s31+$0x0] =	vst.idx.msk $0xffff, v34  }
0xaf: {  	s19 =	simm.s32 $0x1;
	v33 =	vadd.s32 v4, v33;
	v34 =	vld [tilespmem:s21+$0xFFFFFF30]  }
0xb0: {  	v58 =	vmov s19  }
0xb1: {  	v35 =	vshrl.u32 v58, $0x3  }
0xb2: {  	v35 =	vshll.u32 v35, v1  }
0xb3: {  	v35 =	vbroadcast v35, $0x0  }
0xb4: {  	[tilespmem:v33+s31+$0x0] =	vst.idx.msk $0xffff, v34  }
0xb5: {  	v59 =	vadd.s32 v5, v35;
	v33 =	vld [tilespmem:s21+$0xFFFFFF40];
	_ =	sdelay $0x4  }
0xb6: {  	[tilespmem:v59+s31+$0x0] =	vst.idx.msk $0xffff, v33  }
0xb7: {  	v60 =	vadd.s32 v6, v35;
	v33 =	vld [tilespmem:s21+$0xFFFFFF50];
	_ =	sdelay $0x4  }
0xb8: {  	[tilespmem:v60+s31+$0x0] =	vst.idx.msk $0xffff, v33  }
0xb9: {  	v61 =	vadd.s32 v7, v35;
	v33 =	vld [tilespmem:s21+$0xFFFFFF60];
	_ =	sdelay $0x4  }
0xba: {  	[tilespmem:v61+s31+$0x0] =	vst.idx.msk $0xffff, v33  }
0xbb: {  	s23 =	simm.s32 $0x2;
	v62 =	vadd.s32 v8, v35;
	v33 =	vld [tilespmem:s21+$0xFFFFFF70]  }
0xbc: {  	v63 =	vmov s23  }
0xbd: {  	v35 =	vshrl.u32 v63, $0x3  }
0xbe: {  	v35 =	vshll.u32 v35, v1  }
0xbf: {  	v35 =	vbroadcast v35, $0x0  }
0xc0: {  	[tilespmem:v62+s31+$0x0] =	vst.idx.msk $0xffff, v33  }
0xc1: {  	v36 =	vadd.s32 v9, v35;
	v33 =	vld [tilespmem:s21+$0xFFFFFF80];
	_ =	sdelay $0x4  }
0xc2: {  	[tilespmem:v36+s31+$0x0] =	vst.idx.msk $0xffff, v33  }
0xc3: {  	v37 =	vadd.s32 v10, v35;
	v33 =	vld [tilespmem:s21+$0xFFFFFF90];
	_ =	sdelay $0x4  }
0xc4: {  	[tilespmem:v37+s31+$0x0] =	vst.idx.msk $0xffff, v33  }
0xc5: {  	v38 =	vadd.s32 v11, v35;
	v33 =	vld [tilespmem:s21+$0xFFFFFFA0];
	_ =	sdelay $0x4  }
0xc6: {  	[tilespmem:v38+s31+$0x0] =	vst.idx.msk $0xffff, v33  }
0xc7: {  	s24 =	simm.s32 $0x3;
	v39 =	vadd.s32 v12, v35;
	v33 =	vld [tilespmem:s21+$0xFFFFFFB0]  }
0xc8: {  	v40 =	vmov s24  }
0xc9: {  	v35 =	vshrl.u32 v40, $0x3  }
0xca: {  	v35 =	vshll.u32 v35, v1  }
0xcb: {  	v35 =	vbroadcast v35, $0x0  }
0xcc: {  	[tilespmem:v39+s31+$0x0] =	vst.idx.msk $0xffff, v33  }
0xcd: {  	v41 =	vadd.s32 v13, v35;
	v33 =	vld [tilespmem:s21+$0xFFFFFFC0];
	_ =	sdelay $0x4  }
0xce: {  	[tilespmem:v41+s31+$0x0] =	vst.idx.msk $0xffff, v33  }
0xcf: {  	v42 =	vadd.s32 v14, v35;
	v33 =	vld [tilespmem:s21+$0xFFFFFFD0];
	_ =	sdelay $0x4  }
0xd0: {  	[tilespmem:v42+s31+$0x0] =	vst.idx.msk $0xffff, v33  }
0xd1: {  	v43 =	vadd.s32 v15, v35;
	v33 =	vld [tilespmem:s21+$0xFFFFFFE0];
	_ =	sdelay $0x4  }
0xd2: {  	[tilespmem:v43+s31+$0x0] =	vst.idx.msk $0xffff, v33  }
0xd3: {  	s25 =	simm.s32 $0x4;
	v44 =	vadd.s32 v16, v35;
	v33 =	vld [tilespmem:s21+$0xFFFFFFF0]  }
0xd4: {  	v45 =	vmov s25  }
0xd5: {  	v35 =	vshrl.u32 v45, $0x3  }
0xd6: {  	v35 =	vshll.u32 v35, v1  }
0xd7: {  	v35 =	vbroadcast v35, $0x0  }
0xd8: {  	[tilespmem:v44+s31+$0x0] =	vst.idx.msk $0xffff, v33  }
0xd9: {  	v46 =	vadd.s32 v17, v35;
	v33 =	vld [tilespmem:s21+$0x0];
	_ =	sdelay $0x4  }
0xda: {  	[tilespmem:v46+s31+$0x0] =	vst.idx.msk $0xffff, v33  }
0xdb: {  	v47 =	vadd.s32 v18, v35;
	v33 =	vld [tilespmem:s21+$0x10];
	_ =	sdelay $0x4  }
0xdc: {  	[tilespmem:v47+s31+$0x0] =	vst.idx.msk $0xffff, v33  }
0xdd: {  	v48 =	vadd.s32 v19, v35;
	v33 =	vld [tilespmem:s21+$0x20];
	_ =	sdelay $0x4  }
0xde: {  	[tilespmem:v48+s31+$0x0] =	vst.idx.msk $0xffff, v33  }
0xdf: {  	s18 =	simm.s32 $0x5;
	v49 =	vadd.s32 v20, v35;
	v33 =	vld [tilespmem:s21+$0x30]  }
0xe0: {  	v50 =	vmov s18  }
0xe1: {  	v35 =	vshrl.u32 v50, $0x3  }
0xe2: {  	v35 =	vshll.u32 v35, v1  }
0xe3: {  	v35 =	vbroadcast v35, $0x0  }
0xe4: {  	[tilespmem:v49+s31+$0x0] =	vst.idx.msk $0xffff, v33  }
0xe5: {  	v51 =	vadd.s32 v21, v35;
	v33 =	vld [tilespmem:s21+$0x40];
	_ =	sdelay $0x4  }
0xe6: {  	[tilespmem:v51+s31+$0x0] =	vst.idx.msk $0xffff, v33  }
0xe7: {  	v52 =	vadd.s32 v22, v35;
	v33 =	vld [tilespmem:s21+$0x50];
	_ =	sdelay $0x4  }
0xe8: {  	[tilespmem:v52+s31+$0x0] =	vst.idx.msk $0xffff, v33  }
0xe9: {  	v53 =	vadd.s32 v23, v35;
	v33 =	vld [tilespmem:s21+$0x60];
	_ =	sdelay $0x4  }
0xea: {  	[tilespmem:v53+s31+$0x0] =	vst.idx.msk $0xffff, v33  }
0xeb: {  	s19 =	simm.s32 $0x6;
	v54 =	vadd.s32 v24, v35;
	v33 =	vld [tilespmem:s21+$0x70]  }
0xec: {  	v55 =	vmov s19  }
0xed: {  	v35 =	vshrl.u32 v55, $0x3  }
0xee: {  	v35 =	vshll.u32 v35, v1  }
0xef: {  	v35 =	vbroadcast v35, $0x0  }
0xf0: {  	[tilespmem:v54+s31+$0x0] =	vst.idx.msk $0xffff, v33  }
0xf1: {  	v56 =	vadd.s32 v25, v35;
	v33 =	vld [tilespmem:s21+$0x80];
	_ =	sdelay $0x4  }
0xf2: {  	[tilespmem:v56+s31+$0x0] =	vst.idx.msk $0xffff, v33  }
0xf3: {  	v57 =	vadd.s32 v26, v35;
	v33 =	vld [tilespmem:s21+$0x90];
	_ =	sdelay $0x4  }
0xf4: {  	[tilespmem:v57+s31+$0x0] =	vst.idx.msk $0xffff, v33  }
0xf5: {  	v58 =	vadd.s32 v27, v35;
	v33 =	vld [tilespmem:s21+$0xA0];
	_ =	sdelay $0x4  }
0xf6: {  	[tilespmem:v58+s31+$0x0] =	vst.idx.msk $0xffff, v33  }
0xf7: {  	s23 =	simm.s32 $0x7;
	v59 =	vadd.s32 v28, v35;
	v33 =	vld [tilespmem:s21+$0xB0]  }
0xf8: {  	v60 =	vmov s23  }
0xf9: {  	v35 =	vshrl.u32 v60, $0x3  }
0xfa: {  	v35 =	vshll.u32 v35, v1  }
0xfb: {  	v35 =	vbroadcast v35, $0x0  }
0xfc: {  	[tilespmem:v59+s31+$0x0] =	vst.idx.msk $0xffff, v33  }
0xfd: {  	v61 =	vadd.s32 v29, v35;
	v33 =	vld [tilespmem:s21+$0xC0];
	_ =	sdelay $0x4  }
0xfe: {  	[tilespmem:v61+s31+$0x0] =	vst.idx.msk $0xffff, v33  }
0xff: {  	v62 =	vadd.s32 v30, v35;
	v33 =	vld [tilespmem:s21+$0xD0];
	_ =	sdelay $0x4  }
0x100: {  	[tilespmem:v62+s31+$0x0] =	vst.idx.msk $0xffff, v33  }
0x101: {  	v63 =	vadd.s32 v31, v35;
	v33 =	vld [tilespmem:s21+$0xE0];
	_ =	sdelay $0x4  }
0x102: {  	s24 =	sshll.u32 s8, $0x2;
	s19 =	simm.s32 $0x8;
	s25 =	rddreg [dreg:$0x3];
	[tilespmem:v63+s31+$0x0] =	vst.idx.msk $0xffff, v33  }
0x103: {  	s18 =	simm.s32 $0x17;
	s5 =	simm.s32 $0xF;
	s23 =	sadd.s32 s25, s24;
	v34 =	vadd.s32 v32, v35;
	v33 =	vld [tilespmem:s21+$0xF0]  }
.LBB2_3:
0x104: {  	p1 =	sne.s32 s18, $0x7F;
	v35 =	vmov s19  }
0x105: {  	v35 =	vshrl.u32 v35, $0x3  }
0x106: {  	v35 =	vshll.u32 v35, v1  }
0x107: {  	v35 =	vbroadcast v35, $0x0  }
0x108: {  	s21 =	sadd.s32 $0x200, s21;
	[tilespmem:v34+s31+$0x0] =	vst.idx.msk $0xffff, v33  }
0x109: {  	v33 =	vld [tilespmem:s21+$0xFFFFFF00];
	v34 =	vadd.s32 v0, v35;
	_ =	sdelay $0x4  }
0x10a: {  	[tilespmem:v34+s31+$0x0] =	vst.idx.msk $0xffff, v33  }
0x10b: {  	v34 =	vadd.s32 v2, v35;
	v33 =	vld [tilespmem:s21+$0xFFFFFF10];
	_ =	sdelay $0x4  }
0x10c: {  	[tilespmem:v34+s31+$0x0] =	vst.idx.msk $0xffff, v33  }
0x10d: {  	v34 =	vadd.s32 v3, v35;
	v33 =	vld [tilespmem:s21+$0xFFFFFF20];
	_ =	sdelay $0x4  }
0x10e: {  	[tilespmem:v34+s31+$0x0] =	vst.idx.msk $0xffff, v33  }
0x10f: {  	s19 =	sadd.s32 $0xFFFFFFFA, s5;
	v34 =	vadd.s32 v4, v35;
	v33 =	vld [tilespmem:s21+$0xFFFFFF30]  }
0x110: {  	v35 =	vmov s19  }
0x111: {  	v35 =	vshrl.u32 v35, $0x3  }
0x112: {  	v35 =	vshll.u32 v35, v1  }
0x113: {  	v35 =	vbroadcast v35, $0x0  }
0x114: {  	[tilespmem:v34+s31+$0x0] =	vst.idx.msk $0xffff, v33  }
0x115: {  	v34 =	vadd.s32 v5, v35;
	v33 =	vld [tilespmem:s21+$0xFFFFFF40];
	_ =	sdelay $0x4  }
0x116: {  	[tilespmem:v34+s31+$0x0] =	vst.idx.msk $0xffff, v33  }
0x117: {  	v34 =	vadd.s32 v6, v35;
	v33 =	vld [tilespmem:s21+$0xFFFFFF50];
	_ =	sdelay $0x4  }
0x118: {  	[tilespmem:v34+s31+$0x0] =	vst.idx.msk $0xffff, v33  }
0x119: {  	v34 =	vadd.s32 v7, v35;
	v33 =	vld [tilespmem:s21+$0xFFFFFF60];
	_ =	sdelay $0x4  }
0x11a: {  	[tilespmem:v34+s31+$0x0] =	vst.idx.msk $0xffff, v33  }
0x11b: {  	s19 =	sadd.s32 $0xFFFFFFFB, s5;
	v34 =	vadd.s32 v8, v35;
	v33 =	vld [tilespmem:s21+$0xFFFFFF70]  }
0x11c: {  	v35 =	vmov s19  }
0x11d: {  	v35 =	vshrl.u32 v35, $0x3  }
0x11e: {  	v35 =	vshll.u32 v35, v1  }
0x11f: {  	v35 =	vbroadcast v35, $0x0  }
0x120: {  	[tilespmem:v34+s31+$0x0] =	vst.idx.msk $0xffff, v33  }
0x121: {  	v34 =	vadd.s32 v9, v35;
	v33 =	vld [tilespmem:s21+$0xFFFFFF80];
	_ =	sdelay $0x4  }
0x122: {  	[tilespmem:v34+s31+$0x0] =	vst.idx.msk $0xffff, v33  }
0x123: {  	v34 =	vadd.s32 v10, v35;
	v33 =	vld [tilespmem:s21+$0xFFFFFF90];
	_ =	sdelay $0x4  }
0x124: {  	[tilespmem:v34+s31+$0x0] =	vst.idx.msk $0xffff, v33  }
0x125: {  	v34 =	vadd.s32 v11, v35;
	v33 =	vld [tilespmem:s21+$0xFFFFFFA0];
	_ =	sdelay $0x4  }
0x126: {  	[tilespmem:v34+s31+$0x0] =	vst.idx.msk $0xffff, v33  }
0x127: {  	s19 =	sadd.s32 $0xFFFFFFFC, s5;
	v34 =	vadd.s32 v12, v35;
	v33 =	vld [tilespmem:s21+$0xFFFFFFB0]  }
0x128: {  	v35 =	vmov s19  }
0x129: {  	v35 =	vshrl.u32 v35, $0x3  }
0x12a: {  	v35 =	vshll.u32 v35, v1  }
0x12b: {  	v35 =	vbroadcast v35, $0x0  }
0x12c: {  	[tilespmem:v34+s31+$0x0] =	vst.idx.msk $0xffff, v33  }
0x12d: {  	v34 =	vadd.s32 v13, v35;
	v33 =	vld [tilespmem:s21+$0xFFFFFFC0];
	_ =	sdelay $0x4  }
0x12e: {  	[tilespmem:v34+s31+$0x0] =	vst.idx.msk $0xffff, v33  }
0x12f: {  	v34 =	vadd.s32 v14, v35;
	v33 =	vld [tilespmem:s21+$0xFFFFFFD0];
	_ =	sdelay $0x4  }
0x130: {  	[tilespmem:v34+s31+$0x0] =	vst.idx.msk $0xffff, v33  }
0x131: {  	v34 =	vadd.s32 v15, v35;
	v33 =	vld [tilespmem:s21+$0xFFFFFFE0];
	_ =	sdelay $0x4  }
0x132: {  	[tilespmem:v34+s31+$0x0] =	vst.idx.msk $0xffff, v33  }
0x133: {  	s19 =	sadd.s32 $0xFFFFFFFD, s5;
	v34 =	vadd.s32 v16, v35;
	v33 =	vld [tilespmem:s21+$0xFFFFFFF0]  }
0x134: {  	v35 =	vmov s19  }
0x135: {  	v35 =	vshrl.u32 v35, $0x3  }
0x136: {  	v35 =	vshll.u32 v35, v1  }
0x137: {  	v35 =	vbroadcast v35, $0x0  }
0x138: {  	[tilespmem:v34+s31+$0x0] =	vst.idx.msk $0xffff, v33  }
0x139: {  	v34 =	vadd.s32 v17, v35;
	v33 =	vld [tilespmem:s21+$0x0];
	_ =	sdelay $0x4  }
0x13a: {  	[tilespmem:v34+s31+$0x0] =	vst.idx.msk $0xffff, v33  }
0x13b: {  	v34 =	vadd.s32 v18, v35;
	v33 =	vld [tilespmem:s21+$0x10];
	_ =	sdelay $0x4  }
0x13c: {  	[tilespmem:v34+s31+$0x0] =	vst.idx.msk $0xffff, v33  }
0x13d: {  	v34 =	vadd.s32 v19, v35;
	v33 =	vld [tilespmem:s21+$0x20];
	_ =	sdelay $0x4  }
0x13e: {  	[tilespmem:v34+s31+$0x0] =	vst.idx.msk $0xffff, v33  }
0x13f: {  	s19 =	sadd.s32 $0xFFFFFFFE, s5;
	v34 =	vadd.s32 v20, v35;
	v33 =	vld [tilespmem:s21+$0x30]  }
0x140: {  	v35 =	vmov s19  }
0x141: {  	v35 =	vshrl.u32 v35, $0x3  }
0x142: {  	v35 =	vshll.u32 v35, v1  }
0x143: {  	v35 =	vbroadcast v35, $0x0  }
0x144: {  	[tilespmem:v34+s31+$0x0] =	vst.idx.msk $0xffff, v33  }
0x145: {  	v34 =	vadd.s32 v21, v35;
	v33 =	vld [tilespmem:s21+$0x40];
	_ =	sdelay $0x4  }
0x146: {  	[tilespmem:v34+s31+$0x0] =	vst.idx.msk $0xffff, v33  }
0x147: {  	v34 =	vadd.s32 v22, v35;
	v33 =	vld [tilespmem:s21+$0x50];
	_ =	sdelay $0x4  }
0x148: {  	[tilespmem:v34+s31+$0x0] =	vst.idx.msk $0xffff, v33  }
0x149: {  	v34 =	vadd.s32 v23, v35;
	v33 =	vld [tilespmem:s21+$0x60];
	_ =	sdelay $0x4  }
0x14a: {  	[tilespmem:v34+s31+$0x0] =	vst.idx.msk $0xffff, v33  }
0x14b: {  	s19 =	sadd.s32 $0xFFFFFFFF, s5;
	v34 =	vadd.s32 v24, v35;
	v33 =	vld [tilespmem:s21+$0x70]  }
0x14c: {  	v35 =	vmov s19  }
0x14d: {  	v35 =	vshrl.u32 v35, $0x3  }
0x14e: {  	v35 =	vshll.u32 v35, v1  }
0x14f: {  	v35 =	vbroadcast v35, $0x0  }
0x150: {  	[tilespmem:v34+s31+$0x0] =	vst.idx.msk $0xffff, v33  }
0x151: {  	v34 =	vadd.s32 v25, v35;
	v33 =	vld [tilespmem:s21+$0x80];
	_ =	sdelay $0x4  }
0x152: {  	[tilespmem:v34+s31+$0x0] =	vst.idx.msk $0xffff, v33  }
0x153: {  	v34 =	vadd.s32 v26, v35;
	v33 =	vld [tilespmem:s21+$0x90];
	_ =	sdelay $0x4  }
0x154: {  	[tilespmem:v34+s31+$0x0] =	vst.idx.msk $0xffff, v33  }
0x155: {  	v34 =	vadd.s32 v27, v35;
	v33 =	vld [tilespmem:s21+$0xA0];
	_ =	sdelay $0x4  }
0x156: {  	[tilespmem:v34+s31+$0x0] =	vst.idx.msk $0xffff, v33  }
0x157: {  	v34 =	vadd.s32 v28, v35;
	v33 =	vld [tilespmem:s21+$0xB0]  }
0x158: {  	v35 =	vmov s5;
	s5 =	smov.u32 s18  }
0x159: {  	v35 =	vshrl.u32 v35, $0x3  }
0x15a: {  	v35 =	vshll.u32 v35, v1  }
0x15b: {  	v35 =	vbroadcast v35, $0x0  }
0x15c: {  	[tilespmem:v34+s31+$0x0] =	vst.idx.msk $0xffff, v33  }
0x15d: {  	v34 =	vadd.s32 v29, v35;
	v33 =	vld [tilespmem:s21+$0xC0];
	_ =	sdelay $0x4  }
0x15e: {  	[tilespmem:v34+s31+$0x0] =	vst.idx.msk $0xffff, v33  }
0x15f: {  	v34 =	vadd.s32 v30, v35;
	v33 =	vld [tilespmem:s21+$0xD0];
	_ =	sdelay $0x4  }
0x160: {  	[tilespmem:v34+s31+$0x0] =	vst.idx.msk $0xffff, v33  }
0x161: {  	v34 =	vadd.s32 v31, v35;
	v33 =	vld [tilespmem:s21+$0xE0];
	_ =	sdelay $0x1  }
.Ltmp2:
0x162: {  	(pc) =	sbr.rel @p1 .LBB2_3-.Ltmp2, $3  }
0x163: {  	_ =	sdelay $0x1  }
0x164: {  	[tilespmem:v34+s31+$0x0] =	vst.idx.msk $0xffff, v33  }
0x165: {  	s18 =	sadd.s32 $0x8, s18;
	s19 =	sadd.s32 $0xFFFFFFF9, s5;
	v34 =	vadd.s32 v32, v35;
	v33 =	vld [tilespmem:s21+$0xF0]  }
0x166: {  	v35 =	vmov s19  }
0x167: {  	v35 =	vshrl.u32 v35, $0x3  }
0x168: {  	v35 =	vshll.u32 v35, v1  }
0x169: {  	v35 =	vbroadcast v35, $0x0  }
0x16a: {  	s18 =	sadd.s32 $0x200, s21;
	[tilespmem:v34+s31+$0x0] =	vst.idx.msk $0xffff, v33  }
0x16b: {  	v33 =	vld [tilespmem:s18+$0xFFFFFF00];
	v42 =	vadd.s32 v0, v35;
	_ =	sdelay $0x4  }
0x16c: {  	[tilespmem:v42+s31+$0x0] =	vst.idx.msk $0xffff, v33  }
0x16d: {  	v43 =	vadd.s32 v2, v35;
	v33 =	vld [tilespmem:s18+$0xFFFFFF10];
	_ =	sdelay $0x4  }
0x16e: {  	[tilespmem:v43+s31+$0x0] =	vst.idx.msk $0xffff, v33  }
0x16f: {  	v44 =	vadd.s32 v3, v35;
	v33 =	vld [tilespmem:s18+$0xFFFFFF20];
	_ =	sdelay $0x4  }
0x170: {  	[tilespmem:v44+s31+$0x0] =	vst.idx.msk $0xffff, v33  }
0x171: {  	s21 =	sadd.s32 $0xFFFFFFFA, s5;
	v45 =	vadd.s32 v4, v35;
	v33 =	vld [tilespmem:s18+$0xFFFFFF30]  }
0x172: {  	v46 =	vmov s21  }
0x173: {  	v35 =	vshrl.u32 v46, $0x3  }
0x174: {  	v35 =	vshll.u32 v35, v1  }
0x175: {  	v35 =	vbroadcast v35, $0x0  }
0x176: {  	[tilespmem:v45+s31+$0x0] =	vst.idx.msk $0xffff, v33  }
0x177: {  	v47 =	vadd.s32 v5, v35;
	v33 =	vld [tilespmem:s18+$0xFFFFFF40];
	_ =	sdelay $0x4  }
0x178: {  	[tilespmem:v47+s31+$0x0] =	vst.idx.msk $0xffff, v33  }
0x179: {  	v48 =	vadd.s32 v6, v35;
	v33 =	vld [tilespmem:s18+$0xFFFFFF50];
	_ =	sdelay $0x4  }
0x17a: {  	[tilespmem:v48+s31+$0x0] =	vst.idx.msk $0xffff, v33  }
0x17b: {  	v49 =	vadd.s32 v7, v35;
	v33 =	vld [tilespmem:s18+$0xFFFFFF60];
	_ =	sdelay $0x4  }
0x17c: {  	[tilespmem:v49+s31+$0x0] =	vst.idx.msk $0xffff, v33  }
0x17d: {  	s24 =	sadd.s32 $0xFFFFFFFB, s5;
	v50 =	vadd.s32 v8, v35;
	v33 =	vld [tilespmem:s18+$0xFFFFFF70]  }
0x17e: {  	v51 =	vmov s24  }
0x17f: {  	v35 =	vshrl.u32 v51, $0x3  }
0x180: {  	v35 =	vshll.u32 v35, v1  }
0x181: {  	v35 =	vbroadcast v35, $0x0  }
0x182: {  	[tilespmem:v50+s31+$0x0] =	vst.idx.msk $0xffff, v33  }
0x183: {  	v52 =	vadd.s32 v9, v35;
	v33 =	vld [tilespmem:s18+$0xFFFFFF80];
	_ =	sdelay $0x4  }
0x184: {  	[tilespmem:v52+s31+$0x0] =	vst.idx.msk $0xffff, v33  }
0x185: {  	v53 =	vadd.s32 v10, v35;
	v33 =	vld [tilespmem:s18+$0xFFFFFF90];
	_ =	sdelay $0x4  }
0x186: {  	[tilespmem:v53+s31+$0x0] =	vst.idx.msk $0xffff, v33  }
0x187: {  	v54 =	vadd.s32 v11, v35;
	v33 =	vld [tilespmem:s18+$0xFFFFFFA0];
	_ =	sdelay $0x4  }
0x188: {  	[tilespmem:v54+s31+$0x0] =	vst.idx.msk $0xffff, v33  }
0x189: {  	s25 =	sadd.s32 $0xFFFFFFFC, s5;
	v55 =	vadd.s32 v12, v35;
	v33 =	vld [tilespmem:s18+$0xFFFFFFB0]  }
0x18a: {  	v56 =	vmov s25  }
0x18b: {  	v35 =	vshrl.u32 v56, $0x3  }
0x18c: {  	v35 =	vshll.u32 v35, v1  }
0x18d: {  	v35 =	vbroadcast v35, $0x0  }
0x18e: {  	[tilespmem:v55+s31+$0x0] =	vst.idx.msk $0xffff, v33  }
0x18f: {  	v57 =	vadd.s32 v13, v35;
	v33 =	vld [tilespmem:s18+$0xFFFFFFC0];
	_ =	sdelay $0x4  }
0x190: {  	[tilespmem:v57+s31+$0x0] =	vst.idx.msk $0xffff, v33  }
0x191: {  	v58 =	vadd.s32 v14, v35;
	v33 =	vld [tilespmem:s18+$0xFFFFFFD0];
	_ =	sdelay $0x4  }
0x192: {  	[tilespmem:v58+s31+$0x0] =	vst.idx.msk $0xffff, v33  }
0x193: {  	v59 =	vadd.s32 v15, v35;
	v33 =	vld [tilespmem:s18+$0xFFFFFFE0];
	_ =	sdelay $0x4  }
0x194: {  	[tilespmem:v59+s31+$0x0] =	vst.idx.msk $0xffff, v33  }
0x195: {  	s21 =	sadd.s32 $0xFFFFFFFD, s5;
	v60 =	vadd.s32 v16, v35;
	v33 =	vld [tilespmem:s18+$0xFFFFFFF0]  }
0x196: {  	v61 =	vmov s21  }
0x197: {  	v35 =	vshrl.u32 v61, $0x3  }
0x198: {  	v35 =	vshll.u32 v35, v1  }
0x199: {  	v35 =	vbroadcast v35, $0x0  }
0x19a: {  	[tilespmem:v60+s31+$0x0] =	vst.idx.msk $0xffff, v33  }
0x19b: {  	v62 =	vadd.s32 v17, v35;
	v33 =	vld [tilespmem:s18+$0x0];
	_ =	sdelay $0x4  }
0x19c: {  	[tilespmem:v62+s31+$0x0] =	vst.idx.msk $0xffff, v33  }
0x19d: {  	v63 =	vadd.s32 v18, v35;
	v33 =	vld [tilespmem:s18+$0x10];
	_ =	sdelay $0x4  }
0x19e: {  	[tilespmem:v63+s31+$0x0] =	vst.idx.msk $0xffff, v33  }
0x19f: {  	v36 =	vadd.s32 v19, v35;
	v33 =	vld [tilespmem:s18+$0x20];
	_ =	sdelay $0x4  }
0x1a0: {  	[tilespmem:v36+s31+$0x0] =	vst.idx.msk $0xffff, v33  }
0x1a1: {  	s24 =	sadd.s32 $0xFFFFFFFE, s5;
	v37 =	vadd.s32 v20, v35;
	v33 =	vld [tilespmem:s18+$0x30]  }
0x1a2: {  	v38 =	vmov s24  }
0x1a3: {  	v35 =	vshrl.u32 v38, $0x3  }
0x1a4: {  	v35 =	vshll.u32 v35, v1  }
0x1a5: {  	v35 =	vbroadcast v35, $0x0  }
0x1a6: {  	[tilespmem:v37+s31+$0x0] =	vst.idx.msk $0xffff, v33  }
0x1a7: {  	v39 =	vadd.s32 v21, v35;
	v33 =	vld [tilespmem:s18+$0x40];
	_ =	sdelay $0x4  }
0x1a8: {  	[tilespmem:v39+s31+$0x0] =	vst.idx.msk $0xffff, v33  }
0x1a9: {  	v40 =	vadd.s32 v22, v35;
	v33 =	vld [tilespmem:s18+$0x50];
	_ =	sdelay $0x4  }
0x1aa: {  	[tilespmem:v40+s31+$0x0] =	vst.idx.msk $0xffff, v33  }
0x1ab: {  	v41 =	vadd.s32 v23, v35;
	v33 =	vld [tilespmem:s18+$0x60];
	_ =	sdelay $0x4  }
0x1ac: {  	[tilespmem:v41+s31+$0x0] =	vst.idx.msk $0xffff, v33  }
0x1ad: {  	s25 =	sadd.s32 $0xFFFFFFFF, s5;
	v42 =	vadd.s32 v24, v35;
	v33 =	vld [tilespmem:s18+$0x70]  }
0x1ae: {  	v43 =	vmov s25  }
0x1af: {  	v35 =	vshrl.u32 v43, $0x3  }
0x1b0: {  	v35 =	vshll.u32 v35, v1  }
0x1b1: {  	v35 =	vbroadcast v35, $0x0  }
0x1b2: {  	[tilespmem:v42+s31+$0x0] =	vst.idx.msk $0xffff, v33  }
0x1b3: {  	v44 =	vadd.s32 v25, v35;
	v33 =	vld [tilespmem:s18+$0x80];
	_ =	sdelay $0x4  }
0x1b4: {  	[tilespmem:v44+s31+$0x0] =	vst.idx.msk $0xffff, v33  }
0x1b5: {  	v45 =	vadd.s32 v26, v35;
	v33 =	vld [tilespmem:s18+$0x90];
	_ =	sdelay $0x4  }
0x1b6: {  	[tilespmem:v45+s31+$0x0] =	vst.idx.msk $0xffff, v33  }
0x1b7: {  	v46 =	vadd.s32 v27, v35;
	v33 =	vld [tilespmem:s18+$0xA0];
	_ =	sdelay $0x4  }
0x1b8: {  	[tilespmem:v46+s31+$0x0] =	vst.idx.msk $0xffff, v33  }
0x1b9: {  	v47 =	vadd.s32 v28, v35;
	v33 =	vld [tilespmem:s18+$0xB0]  }
0x1ba: {  	v48 =	vmov s5  }
0x1bb: {  	v35 =	vshrl.u32 v48, $0x3  }
0x1bc: {  	v35 =	vshll.u32 v35, v1  }
0x1bd: {  	v35 =	vbroadcast v35, $0x0  }
0x1be: {  	[tilespmem:v47+s31+$0x0] =	vst.idx.msk $0xffff, v33  }
0x1bf: {  	v49 =	vadd.s32 v29, v35;
	v33 =	vld [tilespmem:s18+$0xC0];
	_ =	sdelay $0x4  }
0x1c0: {  	[tilespmem:v49+s31+$0x0] =	vst.idx.msk $0xffff, v33  }
0x1c1: {  	v50 =	vadd.s32 v30, v35;
	v33 =	vld [tilespmem:s18+$0xD0];
	_ =	sdelay $0x4  }
0x1c2: {  	[tilespmem:v50+s31+$0x0] =	vst.idx.msk $0xffff, v33  }
0x1c3: {  	v51 =	vadd.s32 v31, v35;
	v33 =	vld [tilespmem:s18+$0xE0];
	_ =	sdelay $0x4  }
0x1c4: {  	[tilespmem:v51+s31+$0x0] =	vst.idx.msk $0xffff, v33  }
0x1c5: {  	v52 =	vadd.s32 v32, v35;
	v33 =	vld [tilespmem:s18+$0xF0]  }
0x1c6: {  	s19 =	sshll.u32 s23, $0xA;
	s18 =	sshll.u32 s23, $0xD  }
0x1c7: {  	s5 =	sand.u32 $0x7FF00000, s18;
	s18 =	sand.u32 $0x1F000, s19  }
0x1c8: {  	s5 =	sor.u32 s18, s5  }
0x1c9: {  	s25 =	sshrl.u32 s5, $0x3  }
0x1ca: {  	s5 =	sadd.s32 s2, s25;
	[tilespmem:v52+s31+$0x0] =	vst.idx.msk $0xffff, v33  }
0x1cb: {  	[hbm4b:s5+s3] =	stream.linear.scatter [tilespmem:s31], [sflag:$0x9], $0x80, $0x38;
	[tilespmem:$0x10A00] =	vst v63  }
0x1cc: {  	s24 =	simm.s32 $0x8288;
	s21 =	sadd.s32 $0x10, s5  }
0x1cd: {  	[hbm4b:s21+s3] =	stream.linear.scatter [tilespmem:s24], [sflag:$0x9], $0x80, $0x38;
	[tilespmem:$0x10A00] =	vst v63  }
0x1ce: {  	s21 =	sadd.s32 $0x20, s5;
	s24 =	simm.s32 $0x8310  }
0x1cf: {  	[hbm4b:s21+s3] =	stream.linear.scatter [tilespmem:s24], [sflag:$0x9], $0x80, $0x38;
	[tilespmem:$0x10A00] =	vst v63  }
0x1d0: {  	s21 =	sadd.s32 $0x30, s5;
	s24 =	simm.s32 $0x8398  }
0x1d1: {  	[hbm4b:s21+s3] =	stream.linear.scatter [tilespmem:s24], [sflag:$0x9], $0x80, $0x38;
	[tilespmem:$0x10A00] =	vst v63  }
0x1d2: {  	s21 =	sadd.s32 $0x40, s5;
	s24 =	simm.s32 $0x8420  }
0x1d3: {  	[hbm4b:s21+s3] =	stream.linear.scatter [tilespmem:s24], [sflag:$0x9], $0x80, $0x38;
	[tilespmem:$0x10A00] =	vst v63  }
0x1d4: {  	s21 =	sadd.s32 $0x50, s5;
	s24 =	simm.s32 $0x84A8  }
0x1d5: {  	[hbm4b:s21+s3] =	stream.linear.scatter [tilespmem:s24], [sflag:$0x9], $0x80, $0x38;
	[tilespmem:$0x10A00] =	vst v63  }
0x1d6: {  	s19 =	sadd.s32 $0x60, s5;
	s21 =	simm.s32 $0x8530  }
0x1d7: {  	[hbm4b:s19+s3] =	stream.linear.scatter [tilespmem:s21], [sflag:$0x9], $0x80, $0x38;
	[tilespmem:$0x10A00] =	vst v63  }
0x1d8: {  	s5 =	sadd.s32 $0x70, s5;
	s24 =	simm.s32 $0x85B8  }
0x1d9: {  	[hbm4b:s5+s3] =	stream.linear.scatter [tilespmem:s24], [sflag:$0x9], $0x80, $0x38;
	[tilespmem:$0x10A00] =	vst v63  }
0x1da: {  	s19 =	simm.s32 $0x8640;
	s5 =	sadd.s32 s25, s10  }
0x1db: {  	[hbm4b:s5+s3] =	stream.linear.scatter [tilespmem:s19], [sflag:$0x9], $0x80, $0x38;
	[tilespmem:$0x10A00] =	vst v63  }
0x1dc: {  	s24 =	simm.s32 $0x86C8;
	s21 =	sadd.s32 $0x10, s5  }
0x1dd: {  	[hbm4b:s21+s3] =	stream.linear.scatter [tilespmem:s24], [sflag:$0x9], $0x80, $0x38;
	[tilespmem:$0x10A00] =	vst v63  }
0x1de: {  	s21 =	sadd.s32 $0x20, s5;
	s24 =	simm.s32 $0x8750  }
0x1df: {  	[hbm4b:s21+s3] =	stream.linear.scatter [tilespmem:s24], [sflag:$0x9], $0x80, $0x38;
	[tilespmem:$0x10A00] =	vst v63  }
0x1e0: {  	s21 =	sadd.s32 $0x30, s5;
	s24 =	simm.s32 $0x87D8  }
0x1e1: {  	[hbm4b:s21+s3] =	stream.linear.scatter [tilespmem:s24], [sflag:$0x9], $0x80, $0x38;
	[tilespmem:$0x10A00] =	vst v63  }
0x1e2: {  	s21 =	sadd.s32 $0x40, s5;
	s24 =	simm.s32 $0x8860  }
0x1e3: {  	[hbm4b:s21+s3] =	stream.linear.scatter [tilespmem:s24], [sflag:$0x9], $0x80, $0x38;
	[tilespmem:$0x10A00] =	vst v63  }
0x1e4: {  	s21 =	sadd.s32 $0x50, s5;
	s24 =	simm.s32 $0x88E8  }
0x1e5: {  	[hbm4b:s21+s3] =	stream.linear.scatter [tilespmem:s24], [sflag:$0x9], $0x80, $0x38;
	[tilespmem:$0x10A00] =	vst v63  }
0x1e6: {  	s19 =	sadd.s32 $0x60, s5;
	s21 =	simm.s32 $0x8970  }
0x1e7: {  	[hbm4b:s19+s3] =	stream.linear.scatter [tilespmem:s21], [sflag:$0x9], $0x80, $0x38;
	[tilespmem:$0x10A00] =	vst v63  }
0x1e8: {  	s5 =	sadd.s32 $0x70, s5;
	s24 =	simm.s32 $0x89F8  }
0x1e9: {  	[hbm4b:s5+s3] =	stream.linear.scatter [tilespmem:s24], [sflag:$0x9], $0x80, $0x38;
	[tilespmem:$0x10A00] =	vst v63  }
0x1ea: {  	s19 =	simm.s32 $0x8A80;
	s5 =	sadd.s32 s25, s11  }
0x1eb: {  	[hbm4b:s5+s3] =	stream.linear.scatter [tilespmem:s19], [sflag:$0x9], $0x80, $0x38;
	[tilespmem:$0x10A00] =	vst v63  }
0x1ec: {  	s24 =	simm.s32 $0x8B08;
	s21 =	sadd.s32 $0x10, s5  }
0x1ed: {  	[hbm4b:s21+s3] =	stream.linear.scatter [tilespmem:s24], [sflag:$0x9], $0x80, $0x38;
	[tilespmem:$0x10A00] =	vst v63  }
0x1ee: {  	s21 =	sadd.s32 $0x20, s5;
	s24 =	simm.s32 $0x8B90  }
0x1ef: {  	[hbm4b:s21+s3] =	stream.linear.scatter [tilespmem:s24], [sflag:$0x9], $0x80, $0x38;
	[tilespmem:$0x10A00] =	vst v63  }
0x1f0: {  	s21 =	sadd.s32 $0x30, s5;
	s24 =	simm.s32 $0x8C18  }
0x1f1: {  	[hbm4b:s21+s3] =	stream.linear.scatter [tilespmem:s24], [sflag:$0x9], $0x80, $0x38;
	[tilespmem:$0x10A00] =	vst v63  }
0x1f2: {  	s21 =	sadd.s32 $0x40, s5;
	s24 =	simm.s32 $0x8CA0  }
0x1f3: {  	[hbm4b:s21+s3] =	stream.linear.scatter [tilespmem:s24], [sflag:$0x9], $0x80, $0x38;
	[tilespmem:$0x10A00] =	vst v63  }
0x1f4: {  	s21 =	sadd.s32 $0x50, s5;
	s24 =	simm.s32 $0x8D28  }
0x1f5: {  	[hbm4b:s21+s3] =	stream.linear.scatter [tilespmem:s24], [sflag:$0x9], $0x80, $0x38;
	[tilespmem:$0x10A00] =	vst v63  }
0x1f6: {  	s19 =	sadd.s32 $0x60, s5;
	s21 =	simm.s32 $0x8DB0  }
0x1f7: {  	[hbm4b:s19+s3] =	stream.linear.scatter [tilespmem:s21], [sflag:$0x9], $0x80, $0x38;
	[tilespmem:$0x10A00] =	vst v63  }
0x1f8: {  	s5 =	sadd.s32 $0x70, s5;
	s24 =	simm.s32 $0x8E38  }
0x1f9: {  	[hbm4b:s5+s3] =	stream.linear.scatter [tilespmem:s24], [sflag:$0x9], $0x80, $0x38;
	[tilespmem:$0x10A00] =	vst v63  }
0x1fa: {  	s19 =	simm.s32 $0x8EC0;
	s5 =	sadd.s32 s25, s12  }
0x1fb: {  	[hbm4b:s5+s3] =	stream.linear.scatter [tilespmem:s19], [sflag:$0x9], $0x80, $0x38;
	[tilespmem:$0x10A00] =	vst v63  }
0x1fc: {  	s24 =	simm.s32 $0x8F48;
	s21 =	sadd.s32 $0x10, s5  }
0x1fd: {  	[hbm4b:s21+s3] =	stream.linear.scatter [tilespmem:s24], [sflag:$0x9], $0x80, $0x38;
	[tilespmem:$0x10A00] =	vst v63  }
0x1fe: {  	s21 =	sadd.s32 $0x20, s5;
	s24 =	simm.s32 $0x8FD0  }
0x1ff: {  	[hbm4b:s21+s3] =	stream.linear.scatter [tilespmem:s24], [sflag:$0x9], $0x80, $0x38;
	[tilespmem:$0x10A00] =	vst v63  }
0x200: {  	s21 =	sadd.s32 $0x30, s5;
	s24 =	simm.s32 $0x9058  }
0x201: {  	[hbm4b:s21+s3] =	stream.linear.scatter [tilespmem:s24], [sflag:$0x9], $0x80, $0x38;
	[tilespmem:$0x10A00] =	vst v63  }
0x202: {  	s21 =	sadd.s32 $0x40, s5;
	s24 =	simm.s32 $0x90E0  }
0x203: {  	[hbm4b:s21+s3] =	stream.linear.scatter [tilespmem:s24], [sflag:$0x9], $0x80, $0x38;
	[tilespmem:$0x10A00] =	vst v63  }
0x204: {  	s21 =	sadd.s32 $0x50, s5;
	s24 =	simm.s32 $0x9168  }
0x205: {  	[hbm4b:s21+s3] =	stream.linear.scatter [tilespmem:s24], [sflag:$0x9], $0x80, $0x38;
	[tilespmem:$0x10A00] =	vst v63  }
0x206: {  	s19 =	sadd.s32 $0x60, s5;
	s21 =	simm.s32 $0x91F0  }
0x207: {  	[hbm4b:s19+s3] =	stream.linear.scatter [tilespmem:s21], [sflag:$0x9], $0x80, $0x38;
	[tilespmem:$0x10A00] =	vst v63  }
0x208: {  	s5 =	sadd.s32 $0x70, s5;
	s24 =	simm.s32 $0x9278  }
0x209: {  	[hbm4b:s5+s3] =	stream.linear.scatter [tilespmem:s24], [sflag:$0x9], $0x80, $0x38;
	[tilespmem:$0x10A00] =	vst v63  }
0x20a: {  	s19 =	simm.s32 $0x9300;
	s5 =	sadd.s32 s25, s13  }
0x20b: {  	[hbm4b:s5+s3] =	stream.linear.scatter [tilespmem:s19], [sflag:$0x9], $0x80, $0x38;
	[tilespmem:$0x10A00] =	vst v63  }
0x20c: {  	s24 =	simm.s32 $0x9388;
	s21 =	sadd.s32 $0x10, s5  }
0x20d: {  	[hbm4b:s21+s3] =	stream.linear.scatter [tilespmem:s24], [sflag:$0x9], $0x80, $0x38;
	[tilespmem:$0x10A00] =	vst v63  }
0x20e: {  	s21 =	sadd.s32 $0x20, s5;
	s24 =	simm.s32 $0x9410  }
0x20f: {  	[hbm4b:s21+s3] =	stream.linear.scatter [tilespmem:s24], [sflag:$0x9], $0x80, $0x38;
	[tilespmem:$0x10A00] =	vst v63  }
0x210: {  	s21 =	sadd.s32 $0x30, s5;
	s24 =	simm.s32 $0x9498  }
0x211: {  	[hbm4b:s21+s3] =	stream.linear.scatter [tilespmem:s24], [sflag:$0x9], $0x80, $0x38;
	[tilespmem:$0x10A00] =	vst v63  }
0x212: {  	s21 =	sadd.s32 $0x40, s5;
	s24 =	simm.s32 $0x9520  }
0x213: {  	[hbm4b:s21+s3] =	stream.linear.scatter [tilespmem:s24], [sflag:$0x9], $0x80, $0x38;
	[tilespmem:$0x10A00] =	vst v63  }
0x214: {  	s21 =	sadd.s32 $0x50, s5;
	s24 =	simm.s32 $0x95A8  }
0x215: {  	[hbm4b:s21+s3] =	stream.linear.scatter [tilespmem:s24], [sflag:$0x9], $0x80, $0x38;
	[tilespmem:$0x10A00] =	vst v63  }
0x216: {  	s19 =	sadd.s32 $0x60, s5;
	s21 =	simm.s32 $0x9630  }
0x217: {  	[hbm4b:s19+s3] =	stream.linear.scatter [tilespmem:s21], [sflag:$0x9], $0x80, $0x38;
	[tilespmem:$0x10A00] =	vst v63  }
0x218: {  	s5 =	sadd.s32 $0x70, s5;
	s24 =	simm.s32 $0x96B8  }
0x219: {  	[hbm4b:s5+s3] =	stream.linear.scatter [tilespmem:s24], [sflag:$0x9], $0x80, $0x38;
	[tilespmem:$0x10A00] =	vst v63  }
0x21a: {  	s19 =	simm.s32 $0x9740;
	s5 =	sadd.s32 s25, s14  }
0x21b: {  	[hbm4b:s5+s3] =	stream.linear.scatter [tilespmem:s19], [sflag:$0x9], $0x80, $0x38;
	[tilespmem:$0x10A00] =	vst v63  }
0x21c: {  	s24 =	simm.s32 $0x97C8;
	s21 =	sadd.s32 $0x10, s5  }
0x21d: {  	[hbm4b:s21+s3] =	stream.linear.scatter [tilespmem:s24], [sflag:$0x9], $0x80, $0x38;
	[tilespmem:$0x10A00] =	vst v63  }
0x21e: {  	s21 =	sadd.s32 $0x20, s5;
	s24 =	simm.s32 $0x9850  }
0x21f: {  	[hbm4b:s21+s3] =	stream.linear.scatter [tilespmem:s24], [sflag:$0x9], $0x80, $0x38;
	[tilespmem:$0x10A00] =	vst v63  }
0x220: {  	s21 =	sadd.s32 $0x30, s5;
	s24 =	simm.s32 $0x98D8  }
0x221: {  	[hbm4b:s21+s3] =	stream.linear.scatter [tilespmem:s24], [sflag:$0x9], $0x80, $0x38;
	[tilespmem:$0x10A00] =	vst v63  }
0x222: {  	s21 =	sadd.s32 $0x40, s5;
	s24 =	simm.s32 $0x9960  }
0x223: {  	[hbm4b:s21+s3] =	stream.linear.scatter [tilespmem:s24], [sflag:$0x9], $0x80, $0x38;
	[tilespmem:$0x10A00] =	vst v63  }
0x224: {  	s21 =	sadd.s32 $0x50, s5;
	s24 =	simm.s32 $0x99E8  }
0x225: {  	[hbm4b:s21+s3] =	stream.linear.scatter [tilespmem:s24], [sflag:$0x9], $0x80, $0x38;
	[tilespmem:$0x10A00] =	vst v63  }
0x226: {  	s19 =	sadd.s32 $0x60, s5;
	s21 =	simm.s32 $0x9A70  }
0x227: {  	[hbm4b:s19+s3] =	stream.linear.scatter [tilespmem:s21], [sflag:$0x9], $0x80, $0x38;
	[tilespmem:$0x10A00] =	vst v63  }
0x228: {  	s5 =	sadd.s32 $0x70, s5;
	s24 =	simm.s32 $0x9AF8  }
0x229: {  	[hbm4b:s5+s3] =	stream.linear.scatter [tilespmem:s24], [sflag:$0x9], $0x80, $0x38;
	[tilespmem:$0x10A00] =	vst v63  }
0x22a: {  	s19 =	simm.s32 $0x9B80;
	s5 =	sadd.s32 s25, s15  }
0x22b: {  	[hbm4b:s5+s3] =	stream.linear.scatter [tilespmem:s19], [sflag:$0x9], $0x80, $0x38;
	[tilespmem:$0x10A00] =	vst v63  }
0x22c: {  	s24 =	simm.s32 $0x9C08;
	s21 =	sadd.s32 $0x10, s5  }
0x22d: {  	[hbm4b:s21+s3] =	stream.linear.scatter [tilespmem:s24], [sflag:$0x9], $0x80, $0x38;
	[tilespmem:$0x10A00] =	vst v63  }
0x22e: {  	s21 =	sadd.s32 $0x20, s5;
	s24 =	simm.s32 $0x9C90  }
0x22f: {  	[hbm4b:s21+s3] =	stream.linear.scatter [tilespmem:s24], [sflag:$0x9], $0x80, $0x38;
	[tilespmem:$0x10A00] =	vst v63  }
0x230: {  	s21 =	sadd.s32 $0x30, s5;
	s24 =	simm.s32 $0x9D18  }
0x231: {  	[hbm4b:s21+s3] =	stream.linear.scatter [tilespmem:s24], [sflag:$0x9], $0x80, $0x38;
	[tilespmem:$0x10A00] =	vst v63  }
0x232: {  	s21 =	sadd.s32 $0x40, s5;
	s24 =	simm.s32 $0x9DA0  }
0x233: {  	[hbm4b:s21+s3] =	stream.linear.scatter [tilespmem:s24], [sflag:$0x9], $0x80, $0x38;
	[tilespmem:$0x10A00] =	vst v63  }
0x234: {  	s21 =	sadd.s32 $0x50, s5;
	s24 =	simm.s32 $0x9E28  }
0x235: {  	[hbm4b:s21+s3] =	stream.linear.scatter [tilespmem:s24], [sflag:$0x9], $0x80, $0x38;
	[tilespmem:$0x10A00] =	vst v63  }
0x236: {  	s19 =	sadd.s32 $0x60, s5;
	s21 =	simm.s32 $0x9EB0  }
0x237: {  	[hbm4b:s19+s3] =	stream.linear.scatter [tilespmem:s21], [sflag:$0x9], $0x80, $0x38;
	[tilespmem:$0x10A00] =	vst v63  }
0x238: {  	s5 =	sadd.s32 $0x70, s5;
	s24 =	simm.s32 $0x9F38  }
0x239: {  	[hbm4b:s5+s3] =	stream.linear.scatter [tilespmem:s24], [sflag:$0x9], $0x80, $0x38;
	[tilespmem:$0x10A00] =	vst v63  }
0x23a: {  	s19 =	simm.s32 $0x9FC0;
	s5 =	sadd.s32 s25, s16  }
0x23b: {  	[hbm4b:s5+s3] =	stream.linear.scatter [tilespmem:s19], [sflag:$0x9], $0x80, $0x38;
	[tilespmem:$0x10A00] =	vst v63  }
0x23c: {  	s24 =	simm.s32 $0xA048;
	s21 =	sadd.s32 $0x10, s5  }
0x23d: {  	[hbm4b:s21+s3] =	stream.linear.scatter [tilespmem:s24], [sflag:$0x9], $0x80, $0x38;
	[tilespmem:$0x10A00] =	vst v63  }
0x23e: {  	s21 =	sadd.s32 $0x20, s5;
	s24 =	simm.s32 $0xA0D0  }
0x23f: {  	[hbm4b:s21+s3] =	stream.linear.scatter [tilespmem:s24], [sflag:$0x9], $0x80, $0x38;
	[tilespmem:$0x10A00] =	vst v63  }
0x240: {  	s21 =	sadd.s32 $0x30, s5;
	s24 =	simm.s32 $0xA158  }
0x241: {  	[hbm4b:s21+s3] =	stream.linear.scatter [tilespmem:s24], [sflag:$0x9], $0x80, $0x38;
	[tilespmem:$0x10A00] =	vst v63  }
0x242: {  	s21 =	sadd.s32 $0x40, s5;
	s24 =	simm.s32 $0xA1E0  }
0x243: {  	[hbm4b:s21+s3] =	stream.linear.scatter [tilespmem:s24], [sflag:$0x9], $0x80, $0x38;
	[tilespmem:$0x10A00] =	vst v63  }
0x244: {  	s21 =	sadd.s32 $0x50, s5;
	s24 =	simm.s32 $0xA268  }
0x245: {  	[hbm4b:s21+s3] =	stream.linear.scatter [tilespmem:s24], [sflag:$0x9], $0x80, $0x38;
	[tilespmem:$0x10A00] =	vst v63  }
0x246: {  	s19 =	sadd.s32 $0x60, s5;
	s21 =	simm.s32 $0xA2F0  }
0x247: {  	[hbm4b:s19+s3] =	stream.linear.scatter [tilespmem:s21], [sflag:$0x9], $0x80, $0x38;
	[tilespmem:$0x10A00] =	vst v63  }
0x248: {  	p1 =	seq.s32 s8, $0x31;
	s5 =	sadd.s32 $0x70, s5;
	s24 =	simm.s32 $0xA378  }
0x249: {  	[hbm4b:s5+s3] =	stream.linear.scatter [tilespmem:s24], [sflag:$0x9], $0x80, $0x38;
	[tilespmem:$0x10A00] =	vst v63  }
0x24a: {  	s21 =	sshll.u32 @!p1 s23, $0x4;
	s5 =	rddreg [dreg:$0x9]  }
0x24b: {  	s18 =	simm.s32 @!p1 $0x0;
	s5 =	sadd.s32 @!p1 s5, s21  }
0x24c: {  	[tilespmem:s18], [sflag:$0x1] =	stream.linear.gather @!p1 [hbm4b:s5+s18], $0x80, $0x38;
	[tilespmem:$0x10A00] =	vst v63  }
0x24d: {  	_ =	swait.ge [sflag:s7], $0x80  }
0x24e: {  	[sflag:s7] =	ssyncset.done $0x0  }
0x24f: {  	s19 =	simm.s32 $0x100;
	s24 =	simm.s32 $0x4200;
	[sflag:s7] =	ssyncadd.s32 $0xFFFFFF80  }
0x250: {  	[tilespmem:s24], [sflag:$0x7] =	stream.indirect.gather [hbm4b:s4+s22], $0x40, s19, s22, $0xb8;
	[tilespmem:$0x10A00] =	vst v63  }
0x251: {  	_ =	swait.ge [sflag:s9], $0x2000  }
0x252: {  	[sflag:s9] =	ssyncset.done $0x0  }
0x253: {  	s5 =	simm.s32 @!p0 $0xA;
	[sflag:s9] =	ssyncadd.s32 $0xFFFFE000  }
0x254: {  	_ =	swait.ge @!p0 [sflag:s5], $0x400  }
0x255: {  	[sflag:s5] =	ssyncset.done @!p0 $0x0  }
0x256: {  	[sflag:s5] =	ssyncadd.s32 @!p0 $0xFFFFFC00  }
0x257: {  	_ =	swait.ge @!p0 [sflag:s5], $0x400  }
0x258: {  	[sflag:s5] =	ssyncset.done @!p0 $0x0  }
0x259: {  	[sflag:s5] =	ssyncadd.s32 @!p0 $0xFFFFFC00  }
0x25a: {  	_ =	swait.ge @!p0 [sflag:s5], $0x400  }
0x25b: {  	[sflag:s5] =	ssyncset.done @!p0 $0x0  }
0x25c: {  	[sflag:s5] =	ssyncadd.s32 @!p0 $0xFFFFFC00  }
0x25d: {  	_ =	swait.ge @!p0 [sflag:s5], $0x400  }
0x25e: {  	[sflag:s5] =	ssyncset.done @!p0 $0x0  }
0x25f: {  	[sflag:s5] =	ssyncadd.s32 @!p0 $0xFFFFFC00  }
0x260: {  	_ =	swait.ge @!p0 [sflag:s5], $0x400  }
0x261: {  	[sflag:s5] =	ssyncset.done @!p0 $0x0  }
0x262: {  	[sflag:s5] =	ssyncadd.s32 @!p0 $0xFFFFFC00  }
0x263: {  	_ =	swait.ge @!p0 [sflag:s5], $0x400  }
0x264: {  	[sflag:s5] =	ssyncset.done @!p0 $0x0  }
0x265: {  	[sflag:s5] =	ssyncadd.s32 @!p0 $0xFFFFFC00  }
0x266: {  	s19 =	simm.s32 $0x0;
	_ =	swait.ge @!p0 [sflag:s5], $0x400  }
0x267: {  	v53 =	vmov s19;
	[sflag:s5] =	ssyncset.done @!p0 $0x0  }
0x268: {  	v33 =	vshrl.u32 v53, $0x3;
	[sflag:s5] =	ssyncadd.s32 @!p0 $0xFFFFFC00  }
0x269: {  	v33 =	vshll.u32 v33, v1;
	_ =	swait.ge @!p0 [sflag:s5], $0x400  }
0x26a: {  	v33 =	vbroadcast v33, $0x0;
	[sflag:s5] =	ssyncset.done @!p0 $0x0  }
0x26b: {  	[sflag:s5] =	ssyncadd.s32 @!p0 $0xFFFFFC00;
	s5 =	simm.s32 $0x2300  }
0x26c: {  	v55 =	vadd.s32 v0, v33;
	v54 =	vld [tilespmem:s5+$0xFFFFFF00];
	_ =	sdelay $0x4  }
0x26d: {  	[tilespmem:v55+s17+$0x0] =	vst.idx.msk $0xffff, v54  }
0x26e: {  	v56 =	vadd.s32 v2, v33;
	v34 =	vld [tilespmem:s5+$0xFFFFFF10];
	_ =	sdelay $0x4  }
0x26f: {  	[tilespmem:v56+s17+$0x0] =	vst.idx.msk $0xffff, v34  }
0x270: {  	v57 =	vadd.s32 v3, v33;
	v34 =	vld [tilespmem:s5+$0xFFFFFF20];
	_ =	sdelay $0x4  }
0x271: {  	[tilespmem:v57+s17+$0x0] =	vst.idx.msk $0xffff, v34  }
0x272: {  	s24 =	simm.s32 $0x1;
	v33 =	vadd.s32 v4, v33;
	v34 =	vld [tilespmem:s5+$0xFFFFFF30]  }
0x273: {  	v58 =	vmov s24  }
0x274: {  	v35 =	vshrl.u32 v58, $0x3  }
0x275: {  	v35 =	vshll.u32 v35, v1  }
0x276: {  	v35 =	vbroadcast v35, $0x0  }
0x277: {  	[tilespmem:v33+s17+$0x0] =	vst.idx.msk $0xffff, v34  }
0x278: {  	v59 =	vadd.s32 v5, v35;
	v33 =	vld [tilespmem:s5+$0xFFFFFF40];
	_ =	sdelay $0x4  }
0x279: {  	[tilespmem:v59+s17+$0x0] =	vst.idx.msk $0xffff, v33  }
0x27a: {  	v60 =	vadd.s32 v6, v35;
	v33 =	vld [tilespmem:s5+$0xFFFFFF50];
	_ =	sdelay $0x4  }
0x27b: {  	[tilespmem:v60+s17+$0x0] =	vst.idx.msk $0xffff, v33  }
0x27c: {  	v61 =	vadd.s32 v7, v35;
	v33 =	vld [tilespmem:s5+$0xFFFFFF60];
	_ =	sdelay $0x4  }
0x27d: {  	[tilespmem:v61+s17+$0x0] =	vst.idx.msk $0xffff, v33  }
0x27e: {  	s19 =	simm.s32 $0x2;
	v62 =	vadd.s32 v8, v35;
	v33 =	vld [tilespmem:s5+$0xFFFFFF70]  }
0x27f: {  	v63 =	vmov s19  }
0x280: {  	v35 =	vshrl.u32 v63, $0x3  }
0x281: {  	v35 =	vshll.u32 v35, v1  }
0x282: {  	v35 =	vbroadcast v35, $0x0  }
0x283: {  	[tilespmem:v62+s17+$0x0] =	vst.idx.msk $0xffff, v33  }
0x284: {  	v36 =	vadd.s32 v9, v35;
	v33 =	vld [tilespmem:s5+$0xFFFFFF80];
	_ =	sdelay $0x4  }
0x285: {  	[tilespmem:v36+s17+$0x0] =	vst.idx.msk $0xffff, v33  }
0x286: {  	v37 =	vadd.s32 v10, v35;
	v33 =	vld [tilespmem:s5+$0xFFFFFF90];
	_ =	sdelay $0x4  }
0x287: {  	[tilespmem:v37+s17+$0x0] =	vst.idx.msk $0xffff, v33  }
0x288: {  	v38 =	vadd.s32 v11, v35;
	v33 =	vld [tilespmem:s5+$0xFFFFFFA0];
	_ =	sdelay $0x4  }
0x289: {  	[tilespmem:v38+s17+$0x0] =	vst.idx.msk $0xffff, v33  }
0x28a: {  	s24 =	simm.s32 $0x3;
	v39 =	vadd.s32 v12, v35;
	v33 =	vld [tilespmem:s5+$0xFFFFFFB0]  }
0x28b: {  	v40 =	vmov s24  }
0x28c: {  	v35 =	vshrl.u32 v40, $0x3  }
0x28d: {  	v35 =	vshll.u32 v35, v1  }
0x28e: {  	v35 =	vbroadcast v35, $0x0  }
0x28f: {  	[tilespmem:v39+s17+$0x0] =	vst.idx.msk $0xffff, v33  }
0x290: {  	v41 =	vadd.s32 v13, v35;
	v33 =	vld [tilespmem:s5+$0xFFFFFFC0];
	_ =	sdelay $0x4  }
0x291: {  	[tilespmem:v41+s17+$0x0] =	vst.idx.msk $0xffff, v33  }
0x292: {  	v42 =	vadd.s32 v14, v35;
	v33 =	vld [tilespmem:s5+$0xFFFFFFD0];
	_ =	sdelay $0x4  }
0x293: {  	[tilespmem:v42+s17+$0x0] =	vst.idx.msk $0xffff, v33  }
0x294: {  	v43 =	vadd.s32 v15, v35;
	v33 =	vld [tilespmem:s5+$0xFFFFFFE0];
	_ =	sdelay $0x4  }
0x295: {  	[tilespmem:v43+s17+$0x0] =	vst.idx.msk $0xffff, v33  }
0x296: {  	s19 =	simm.s32 $0x4;
	v44 =	vadd.s32 v16, v35;
	v33 =	vld [tilespmem:s5+$0xFFFFFFF0]  }
0x297: {  	v45 =	vmov s19  }
0x298: {  	v35 =	vshrl.u32 v45, $0x3  }
0x299: {  	v35 =	vshll.u32 v35, v1  }
0x29a: {  	v35 =	vbroadcast v35, $0x0  }
0x29b: {  	[tilespmem:v44+s17+$0x0] =	vst.idx.msk $0xffff, v33  }
0x29c: {  	v46 =	vadd.s32 v17, v35;
	v33 =	vld [tilespmem:s5+$0x0];
	_ =	sdelay $0x4  }
0x29d: {  	[tilespmem:v46+s17+$0x0] =	vst.idx.msk $0xffff, v33  }
0x29e: {  	v47 =	vadd.s32 v18, v35;
	v33 =	vld [tilespmem:s5+$0x10];
	_ =	sdelay $0x4  }
0x29f: {  	[tilespmem:v47+s17+$0x0] =	vst.idx.msk $0xffff, v33  }
0x2a0: {  	v48 =	vadd.s32 v19, v35;
	v33 =	vld [tilespmem:s5+$0x20];
	_ =	sdelay $0x4  }
0x2a1: {  	[tilespmem:v48+s17+$0x0] =	vst.idx.msk $0xffff, v33  }
0x2a2: {  	s24 =	simm.s32 $0x5;
	v49 =	vadd.s32 v20, v35;
	v33 =	vld [tilespmem:s5+$0x30]  }
0x2a3: {  	v50 =	vmov s24  }
0x2a4: {  	v35 =	vshrl.u32 v50, $0x3  }
0x2a5: {  	v35 =	vshll.u32 v35, v1  }
0x2a6: {  	v35 =	vbroadcast v35, $0x0  }
0x2a7: {  	[tilespmem:v49+s17+$0x0] =	vst.idx.msk $0xffff, v33  }
0x2a8: {  	v51 =	vadd.s32 v21, v35;
	v33 =	vld [tilespmem:s5+$0x40];
	_ =	sdelay $0x4  }
0x2a9: {  	[tilespmem:v51+s17+$0x0] =	vst.idx.msk $0xffff, v33  }
0x2aa: {  	v52 =	vadd.s32 v22, v35;
	v33 =	vld [tilespmem:s5+$0x50];
	_ =	sdelay $0x4  }
0x2ab: {  	[tilespmem:v52+s17+$0x0] =	vst.idx.msk $0xffff, v33  }
0x2ac: {  	v53 =	vadd.s32 v23, v35;
	v33 =	vld [tilespmem:s5+$0x60];
	_ =	sdelay $0x4  }
0x2ad: {  	[tilespmem:v53+s17+$0x0] =	vst.idx.msk $0xffff, v33  }
0x2ae: {  	s19 =	simm.s32 $0x6;
	v54 =	vadd.s32 v24, v35;
	v33 =	vld [tilespmem:s5+$0x70]  }
0x2af: {  	v55 =	vmov s19  }
0x2b0: {  	v35 =	vshrl.u32 v55, $0x3  }
0x2b1: {  	v35 =	vshll.u32 v35, v1  }
0x2b2: {  	v35 =	vbroadcast v35, $0x0  }
0x2b3: {  	[tilespmem:v54+s17+$0x0] =	vst.idx.msk $0xffff, v33  }
0x2b4: {  	v56 =	vadd.s32 v25, v35;
	v33 =	vld [tilespmem:s5+$0x80];
	_ =	sdelay $0x4  }
0x2b5: {  	[tilespmem:v56+s17+$0x0] =	vst.idx.msk $0xffff, v33  }
0x2b6: {  	v57 =	vadd.s32 v26, v35;
	v33 =	vld [tilespmem:s5+$0x90];
	_ =	sdelay $0x4  }
0x2b7: {  	[tilespmem:v57+s17+$0x0] =	vst.idx.msk $0xffff, v33  }
0x2b8: {  	v58 =	vadd.s32 v27, v35;
	v33 =	vld [tilespmem:s5+$0xA0];
	_ =	sdelay $0x4  }
0x2b9: {  	[tilespmem:v58+s17+$0x0] =	vst.idx.msk $0xffff, v33  }
0x2ba: {  	s24 =	simm.s32 $0x7;
	v59 =	vadd.s32 v28, v35;
	v33 =	vld [tilespmem:s5+$0xB0]  }
0x2bb: {  	v60 =	vmov s24  }
0x2bc: {  	v35 =	vshrl.u32 v60, $0x3  }
0x2bd: {  	v35 =	vshll.u32 v35, v1  }
0x2be: {  	v35 =	vbroadcast v35, $0x0  }
0x2bf: {  	[tilespmem:v59+s17+$0x0] =	vst.idx.msk $0xffff, v33  }
0x2c0: {  	v61 =	vadd.s32 v29, v35;
	v33 =	vld [tilespmem:s5+$0xC0];
	_ =	sdelay $0x4  }
0x2c1: {  	[tilespmem:v61+s17+$0x0] =	vst.idx.msk $0xffff, v33  }
0x2c2: {  	v62 =	vadd.s32 v30, v35;
	v33 =	vld [tilespmem:s5+$0xD0];
	_ =	sdelay $0x4  }
0x2c3: {  	[tilespmem:v62+s17+$0x0] =	vst.idx.msk $0xffff, v33  }
0x2c4: {  	v63 =	vadd.s32 v31, v35;
	v33 =	vld [tilespmem:s5+$0xE0];
	_ =	sdelay $0x4  }
0x2c5: {  	[tilespmem:v63+s17+$0x0] =	vst.idx.msk $0xffff, v33  }
0x2c6: {  	s18 =	simm.s32 $0xF;
	s19 =	simm.s32 $0x17;
	s24 =	simm.s32 $0x8;
	v34 =	vadd.s32 v32, v35;
	v33 =	vld [tilespmem:s5+$0xF0]  }
.LBB2_5:
0x2c7: {  	p2 =	sne.s32 s19, $0x7F;
	v35 =	vmov s24  }
0x2c8: {  	v35 =	vshrl.u32 v35, $0x3  }
0x2c9: {  	v35 =	vshll.u32 v35, v1  }
0x2ca: {  	v35 =	vbroadcast v35, $0x0  }
0x2cb: {  	s5 =	sadd.s32 $0x200, s5;
	[tilespmem:v34+s17+$0x0] =	vst.idx.msk $0xffff, v33  }
0x2cc: {  	v33 =	vld [tilespmem:s5+$0xFFFFFF00];
	v34 =	vadd.s32 v0, v35;
	_ =	sdelay $0x4  }
0x2cd: {  	[tilespmem:v34+s17+$0x0] =	vst.idx.msk $0xffff, v33  }
0x2ce: {  	v34 =	vadd.s32 v2, v35;
	v33 =	vld [tilespmem:s5+$0xFFFFFF10];
	_ =	sdelay $0x4  }
0x2cf: {  	[tilespmem:v34+s17+$0x0] =	vst.idx.msk $0xffff, v33  }
0x2d0: {  	v34 =	vadd.s32 v3, v35;
	v33 =	vld [tilespmem:s5+$0xFFFFFF20];
	_ =	sdelay $0x4  }
0x2d1: {  	[tilespmem:v34+s17+$0x0] =	vst.idx.msk $0xffff, v33  }
0x2d2: {  	s24 =	sadd.s32 $0xFFFFFFFA, s18;
	v34 =	vadd.s32 v4, v35;
	v33 =	vld [tilespmem:s5+$0xFFFFFF30]  }
0x2d3: {  	v35 =	vmov s24  }
0x2d4: {  	v35 =	vshrl.u32 v35, $0x3  }
0x2d5: {  	v35 =	vshll.u32 v35, v1  }
0x2d6: {  	v35 =	vbroadcast v35, $0x0  }
0x2d7: {  	[tilespmem:v34+s17+$0x0] =	vst.idx.msk $0xffff, v33  }
0x2d8: {  	v34 =	vadd.s32 v5, v35;
	v33 =	vld [tilespmem:s5+$0xFFFFFF40];
	_ =	sdelay $0x4  }
0x2d9: {  	[tilespmem:v34+s17+$0x0] =	vst.idx.msk $0xffff, v33  }
0x2da: {  	v34 =	vadd.s32 v6, v35;
	v33 =	vld [tilespmem:s5+$0xFFFFFF50];
	_ =	sdelay $0x4  }
0x2db: {  	[tilespmem:v34+s17+$0x0] =	vst.idx.msk $0xffff, v33  }
0x2dc: {  	v34 =	vadd.s32 v7, v35;
	v33 =	vld [tilespmem:s5+$0xFFFFFF60];
	_ =	sdelay $0x4  }
0x2dd: {  	[tilespmem:v34+s17+$0x0] =	vst.idx.msk $0xffff, v33  }
0x2de: {  	s24 =	sadd.s32 $0xFFFFFFFB, s18;
	v34 =	vadd.s32 v8, v35;
	v33 =	vld [tilespmem:s5+$0xFFFFFF70]  }
0x2df: {  	v35 =	vmov s24  }
0x2e0: {  	v35 =	vshrl.u32 v35, $0x3  }
0x2e1: {  	v35 =	vshll.u32 v35, v1  }
0x2e2: {  	v35 =	vbroadcast v35, $0x0  }
0x2e3: {  	[tilespmem:v34+s17+$0x0] =	vst.idx.msk $0xffff, v33  }
0x2e4: {  	v34 =	vadd.s32 v9, v35;
	v33 =	vld [tilespmem:s5+$0xFFFFFF80];
	_ =	sdelay $0x4  }
0x2e5: {  	[tilespmem:v34+s17+$0x0] =	vst.idx.msk $0xffff, v33  }
0x2e6: {  	v34 =	vadd.s32 v10, v35;
	v33 =	vld [tilespmem:s5+$0xFFFFFF90];
	_ =	sdelay $0x4  }
0x2e7: {  	[tilespmem:v34+s17+$0x0] =	vst.idx.msk $0xffff, v33  }
0x2e8: {  	v34 =	vadd.s32 v11, v35;
	v33 =	vld [tilespmem:s5+$0xFFFFFFA0];
	_ =	sdelay $0x4  }
0x2e9: {  	[tilespmem:v34+s17+$0x0] =	vst.idx.msk $0xffff, v33  }
0x2ea: {  	s24 =	sadd.s32 $0xFFFFFFFC, s18;
	v34 =	vadd.s32 v12, v35;
	v33 =	vld [tilespmem:s5+$0xFFFFFFB0]  }
0x2eb: {  	v35 =	vmov s24  }
0x2ec: {  	v35 =	vshrl.u32 v35, $0x3  }
0x2ed: {  	v35 =	vshll.u32 v35, v1  }
0x2ee: {  	v35 =	vbroadcast v35, $0x0  }
0x2ef: {  	[tilespmem:v34+s17+$0x0] =	vst.idx.msk $0xffff, v33  }
0x2f0: {  	v34 =	vadd.s32 v13, v35;
	v33 =	vld [tilespmem:s5+$0xFFFFFFC0];
	_ =	sdelay $0x4  }
0x2f1: {  	[tilespmem:v34+s17+$0x0] =	vst.idx.msk $0xffff, v33  }
0x2f2: {  	v34 =	vadd.s32 v14, v35;
	v33 =	vld [tilespmem:s5+$0xFFFFFFD0];
	_ =	sdelay $0x4  }
0x2f3: {  	[tilespmem:v34+s17+$0x0] =	vst.idx.msk $0xffff, v33  }
0x2f4: {  	v34 =	vadd.s32 v15, v35;
	v33 =	vld [tilespmem:s5+$0xFFFFFFE0];
	_ =	sdelay $0x4  }
0x2f5: {  	[tilespmem:v34+s17+$0x0] =	vst.idx.msk $0xffff, v33  }
0x2f6: {  	s24 =	sadd.s32 $0xFFFFFFFD, s18;
	v34 =	vadd.s32 v16, v35;
	v33 =	vld [tilespmem:s5+$0xFFFFFFF0]  }
0x2f7: {  	v35 =	vmov s24  }
0x2f8: {  	v35 =	vshrl.u32 v35, $0x3  }
0x2f9: {  	v35 =	vshll.u32 v35, v1  }
0x2fa: {  	v35 =	vbroadcast v35, $0x0  }
0x2fb: {  	[tilespmem:v34+s17+$0x0] =	vst.idx.msk $0xffff, v33  }
0x2fc: {  	v34 =	vadd.s32 v17, v35;
	v33 =	vld [tilespmem:s5+$0x0];
	_ =	sdelay $0x4  }
0x2fd: {  	[tilespmem:v34+s17+$0x0] =	vst.idx.msk $0xffff, v33  }
0x2fe: {  	v34 =	vadd.s32 v18, v35;
	v33 =	vld [tilespmem:s5+$0x10];
	_ =	sdelay $0x4  }
0x2ff: {  	[tilespmem:v34+s17+$0x0] =	vst.idx.msk $0xffff, v33  }
0x300: {  	v34 =	vadd.s32 v19, v35;
	v33 =	vld [tilespmem:s5+$0x20];
	_ =	sdelay $0x4  }
0x301: {  	[tilespmem:v34+s17+$0x0] =	vst.idx.msk $0xffff, v33  }
0x302: {  	s24 =	sadd.s32 $0xFFFFFFFE, s18;
	v34 =	vadd.s32 v20, v35;
	v33 =	vld [tilespmem:s5+$0x30]  }
0x303: {  	v35 =	vmov s24  }
0x304: {  	v35 =	vshrl.u32 v35, $0x3  }
0x305: {  	v35 =	vshll.u32 v35, v1  }
0x306: {  	v35 =	vbroadcast v35, $0x0  }
0x307: {  	[tilespmem:v34+s17+$0x0] =	vst.idx.msk $0xffff, v33  }
0x308: {  	v34 =	vadd.s32 v21, v35;
	v33 =	vld [tilespmem:s5+$0x40];
	_ =	sdelay $0x4  }
0x309: {  	[tilespmem:v34+s17+$0x0] =	vst.idx.msk $0xffff, v33  }
0x30a: {  	v34 =	vadd.s32 v22, v35;
	v33 =	vld [tilespmem:s5+$0x50];
	_ =	sdelay $0x4  }
0x30b: {  	[tilespmem:v34+s17+$0x0] =	vst.idx.msk $0xffff, v33  }
0x30c: {  	v34 =	vadd.s32 v23, v35;
	v33 =	vld [tilespmem:s5+$0x60];
	_ =	sdelay $0x4  }
0x30d: {  	[tilespmem:v34+s17+$0x0] =	vst.idx.msk $0xffff, v33  }
0x30e: {  	s24 =	sadd.s32 $0xFFFFFFFF, s18;
	v34 =	vadd.s32 v24, v35;
	v33 =	vld [tilespmem:s5+$0x70]  }
0x30f: {  	v35 =	vmov s24  }
0x310: {  	v35 =	vshrl.u32 v35, $0x3  }
0x311: {  	v35 =	vshll.u32 v35, v1  }
0x312: {  	v35 =	vbroadcast v35, $0x0  }
0x313: {  	[tilespmem:v34+s17+$0x0] =	vst.idx.msk $0xffff, v33  }
0x314: {  	v34 =	vadd.s32 v25, v35;
	v33 =	vld [tilespmem:s5+$0x80];
	_ =	sdelay $0x4  }
0x315: {  	[tilespmem:v34+s17+$0x0] =	vst.idx.msk $0xffff, v33  }
0x316: {  	v34 =	vadd.s32 v26, v35;
	v33 =	vld [tilespmem:s5+$0x90];
	_ =	sdelay $0x4  }
0x317: {  	[tilespmem:v34+s17+$0x0] =	vst.idx.msk $0xffff, v33  }
0x318: {  	v34 =	vadd.s32 v27, v35;
	v33 =	vld [tilespmem:s5+$0xA0];
	_ =	sdelay $0x4  }
0x319: {  	[tilespmem:v34+s17+$0x0] =	vst.idx.msk $0xffff, v33  }
0x31a: {  	v34 =	vadd.s32 v28, v35;
	v33 =	vld [tilespmem:s5+$0xB0]  }
0x31b: {  	v35 =	vmov s18;
	s18 =	smov.u32 s19  }
0x31c: {  	v35 =	vshrl.u32 v35, $0x3  }
0x31d: {  	v35 =	vshll.u32 v35, v1  }
0x31e: {  	v35 =	vbroadcast v35, $0x0  }
0x31f: {  	[tilespmem:v34+s17+$0x0] =	vst.idx.msk $0xffff, v33  }
0x320: {  	v34 =	vadd.s32 v29, v35;
	v33 =	vld [tilespmem:s5+$0xC0];
	_ =	sdelay $0x4  }
0x321: {  	[tilespmem:v34+s17+$0x0] =	vst.idx.msk $0xffff, v33  }
0x322: {  	v34 =	vadd.s32 v30, v35;
	v33 =	vld [tilespmem:s5+$0xD0];
	_ =	sdelay $0x4  }
0x323: {  	[tilespmem:v34+s17+$0x0] =	vst.idx.msk $0xffff, v33  }
0x324: {  	v34 =	vadd.s32 v31, v35;
	v33 =	vld [tilespmem:s5+$0xE0];
	_ =	sdelay $0x1  }
.Ltmp3:
0x325: {  	(pc) =	sbr.rel @p2 .LBB2_5-.Ltmp3, $3  }
0x326: {  	_ =	sdelay $0x1  }
0x327: {  	[tilespmem:v34+s17+$0x0] =	vst.idx.msk $0xffff, v33  }
0x328: {  	s19 =	sadd.s32 $0x8, s19;
	s24 =	sadd.s32 $0xFFFFFFF9, s18;
	v34 =	vadd.s32 v32, v35;
	v33 =	vld [tilespmem:s5+$0xF0]  }
0x329: {  	v35 =	vmov s24  }
0x32a: {  	v35 =	vshrl.u32 v35, $0x3  }
0x32b: {  	v35 =	vshll.u32 v35, v1  }
0x32c: {  	v35 =	vbroadcast v35, $0x0  }
0x32d: {  	s5 =	sadd.s32 $0x200, s5;
	[tilespmem:v34+s17+$0x0] =	vst.idx.msk $0xffff, v33  }
0x32e: {  	v33 =	vld [tilespmem:s5+$0xFFFFFF00];
	v42 =	vadd.s32 v0, v35;
	_ =	sdelay $0x4  }
0x32f: {  	[tilespmem:v42+s17+$0x0] =	vst.idx.msk $0xffff, v33  }
0x330: {  	v43 =	vadd.s32 v2, v35;
	v33 =	vld [tilespmem:s5+$0xFFFFFF10];
	_ =	sdelay $0x4  }
0x331: {  	[tilespmem:v43+s17+$0x0] =	vst.idx.msk $0xffff, v33  }
0x332: {  	v44 =	vadd.s32 v3, v35;
	v33 =	vld [tilespmem:s5+$0xFFFFFF20];
	_ =	sdelay $0x4  }
0x333: {  	[tilespmem:v44+s17+$0x0] =	vst.idx.msk $0xffff, v33  }
0x334: {  	s19 =	sadd.s32 $0xFFFFFFFA, s18;
	v45 =	vadd.s32 v4, v35;
	v33 =	vld [tilespmem:s5+$0xFFFFFF30]  }
0x335: {  	v46 =	vmov s19  }
0x336: {  	v35 =	vshrl.u32 v46, $0x3  }
0x337: {  	v35 =	vshll.u32 v35, v1  }
0x338: {  	v35 =	vbroadcast v35, $0x0  }
0x339: {  	[tilespmem:v45+s17+$0x0] =	vst.idx.msk $0xffff, v33  }
0x33a: {  	v47 =	vadd.s32 v5, v35;
	v33 =	vld [tilespmem:s5+$0xFFFFFF40];
	_ =	sdelay $0x4  }
0x33b: {  	[tilespmem:v47+s17+$0x0] =	vst.idx.msk $0xffff, v33  }
0x33c: {  	v48 =	vadd.s32 v6, v35;
	v33 =	vld [tilespmem:s5+$0xFFFFFF50];
	_ =	sdelay $0x4  }
0x33d: {  	[tilespmem:v48+s17+$0x0] =	vst.idx.msk $0xffff, v33  }
0x33e: {  	v49 =	vadd.s32 v7, v35;
	v33 =	vld [tilespmem:s5+$0xFFFFFF60];
	_ =	sdelay $0x4  }
0x33f: {  	[tilespmem:v49+s17+$0x0] =	vst.idx.msk $0xffff, v33  }
0x340: {  	s24 =	sadd.s32 $0xFFFFFFFB, s18;
	v50 =	vadd.s32 v8, v35;
	v33 =	vld [tilespmem:s5+$0xFFFFFF70]  }
0x341: {  	v51 =	vmov s24  }
0x342: {  	v35 =	vshrl.u32 v51, $0x3  }
0x343: {  	v35 =	vshll.u32 v35, v1  }
0x344: {  	v35 =	vbroadcast v35, $0x0  }
0x345: {  	[tilespmem:v50+s17+$0x0] =	vst.idx.msk $0xffff, v33  }
0x346: {  	v52 =	vadd.s32 v9, v35;
	v33 =	vld [tilespmem:s5+$0xFFFFFF80];
	_ =	sdelay $0x4  }
0x347: {  	[tilespmem:v52+s17+$0x0] =	vst.idx.msk $0xffff, v33  }
0x348: {  	v53 =	vadd.s32 v10, v35;
	v33 =	vld [tilespmem:s5+$0xFFFFFF90];
	_ =	sdelay $0x4  }
0x349: {  	[tilespmem:v53+s17+$0x0] =	vst.idx.msk $0xffff, v33  }
0x34a: {  	v54 =	vadd.s32 v11, v35;
	v33 =	vld [tilespmem:s5+$0xFFFFFFA0];
	_ =	sdelay $0x4  }
0x34b: {  	[tilespmem:v54+s17+$0x0] =	vst.idx.msk $0xffff, v33  }
0x34c: {  	s24 =	sadd.s32 $0xFFFFFFFC, s18;
	v55 =	vadd.s32 v12, v35;
	v33 =	vld [tilespmem:s5+$0xFFFFFFB0]  }
0x34d: {  	v56 =	vmov s24  }
0x34e: {  	v35 =	vshrl.u32 v56, $0x3  }
0x34f: {  	v35 =	vshll.u32 v35, v1  }
0x350: {  	v35 =	vbroadcast v35, $0x0  }
0x351: {  	[tilespmem:v55+s17+$0x0] =	vst.idx.msk $0xffff, v33  }
0x352: {  	v57 =	vadd.s32 v13, v35;
	v33 =	vld [tilespmem:s5+$0xFFFFFFC0];
	_ =	sdelay $0x4  }
0x353: {  	[tilespmem:v57+s17+$0x0] =	vst.idx.msk $0xffff, v33  }
0x354: {  	v58 =	vadd.s32 v14, v35;
	v33 =	vld [tilespmem:s5+$0xFFFFFFD0];
	_ =	sdelay $0x4  }
0x355: {  	[tilespmem:v58+s17+$0x0] =	vst.idx.msk $0xffff, v33  }
0x356: {  	v59 =	vadd.s32 v15, v35;
	v33 =	vld [tilespmem:s5+$0xFFFFFFE0];
	_ =	sdelay $0x4  }
0x357: {  	[tilespmem:v59+s17+$0x0] =	vst.idx.msk $0xffff, v33  }
0x358: {  	s24 =	sadd.s32 $0xFFFFFFFD, s18;
	v60 =	vadd.s32 v16, v35;
	v33 =	vld [tilespmem:s5+$0xFFFFFFF0]  }
0x359: {  	v61 =	vmov s24  }
0x35a: {  	v35 =	vshrl.u32 v61, $0x3  }
0x35b: {  	v35 =	vshll.u32 v35, v1  }
0x35c: {  	v35 =	vbroadcast v35, $0x0  }
0x35d: {  	[tilespmem:v60+s17+$0x0] =	vst.idx.msk $0xffff, v33  }
0x35e: {  	v62 =	vadd.s32 v17, v35;
	v33 =	vld [tilespmem:s5+$0x0];
	_ =	sdelay $0x4  }
0x35f: {  	[tilespmem:v62+s17+$0x0] =	vst.idx.msk $0xffff, v33  }
0x360: {  	v63 =	vadd.s32 v18, v35;
	v33 =	vld [tilespmem:s5+$0x10];
	_ =	sdelay $0x4  }
0x361: {  	[tilespmem:v63+s17+$0x0] =	vst.idx.msk $0xffff, v33  }
0x362: {  	v36 =	vadd.s32 v19, v35;
	v33 =	vld [tilespmem:s5+$0x20];
	_ =	sdelay $0x4  }
0x363: {  	[tilespmem:v36+s17+$0x0] =	vst.idx.msk $0xffff, v33  }
0x364: {  	s24 =	sadd.s32 $0xFFFFFFFE, s18;
	v37 =	vadd.s32 v20, v35;
	v33 =	vld [tilespmem:s5+$0x30]  }
0x365: {  	v38 =	vmov s24  }
0x366: {  	v35 =	vshrl.u32 v38, $0x3  }
0x367: {  	v35 =	vshll.u32 v35, v1  }
0x368: {  	v35 =	vbroadcast v35, $0x0  }
0x369: {  	[tilespmem:v37+s17+$0x0] =	vst.idx.msk $0xffff, v33  }
0x36a: {  	v39 =	vadd.s32 v21, v35;
	v33 =	vld [tilespmem:s5+$0x40];
	_ =	sdelay $0x4  }
0x36b: {  	[tilespmem:v39+s17+$0x0] =	vst.idx.msk $0xffff, v33  }
0x36c: {  	v40 =	vadd.s32 v22, v35;
	v33 =	vld [tilespmem:s5+$0x50];
	_ =	sdelay $0x4  }
0x36d: {  	[tilespmem:v40+s17+$0x0] =	vst.idx.msk $0xffff, v33  }
0x36e: {  	v41 =	vadd.s32 v23, v35;
	v33 =	vld [tilespmem:s5+$0x60];
	_ =	sdelay $0x4  }
0x36f: {  	[tilespmem:v41+s17+$0x0] =	vst.idx.msk $0xffff, v33  }
0x370: {  	s24 =	sadd.s32 $0xFFFFFFFF, s18;
	v42 =	vadd.s32 v24, v35;
	v33 =	vld [tilespmem:s5+$0x70]  }
0x371: {  	v43 =	vmov s24  }
0x372: {  	v35 =	vshrl.u32 v43, $0x3  }
0x373: {  	v35 =	vshll.u32 v35, v1  }
0x374: {  	v35 =	vbroadcast v35, $0x0  }
0x375: {  	[tilespmem:v42+s17+$0x0] =	vst.idx.msk $0xffff, v33  }
0x376: {  	v44 =	vadd.s32 v25, v35;
	v33 =	vld [tilespmem:s5+$0x80];
	_ =	sdelay $0x4  }
0x377: {  	[tilespmem:v44+s17+$0x0] =	vst.idx.msk $0xffff, v33  }
0x378: {  	v45 =	vadd.s32 v26, v35;
	v33 =	vld [tilespmem:s5+$0x90];
	_ =	sdelay $0x4  }
0x379: {  	[tilespmem:v45+s17+$0x0] =	vst.idx.msk $0xffff, v33  }
0x37a: {  	v46 =	vadd.s32 v27, v35;
	v33 =	vld [tilespmem:s5+$0xA0];
	_ =	sdelay $0x4  }
0x37b: {  	[tilespmem:v46+s17+$0x0] =	vst.idx.msk $0xffff, v33  }
0x37c: {  	v47 =	vadd.s32 v28, v35;
	v33 =	vld [tilespmem:s5+$0xB0]  }
0x37d: {  	v48 =	vmov s18  }
0x37e: {  	v35 =	vshrl.u32 v48, $0x3  }
0x37f: {  	v35 =	vshll.u32 v35, v1  }
0x380: {  	v35 =	vbroadcast v35, $0x0  }
0x381: {  	[tilespmem:v47+s17+$0x0] =	vst.idx.msk $0xffff, v33  }
0x382: {  	v49 =	vadd.s32 v29, v35;
	v33 =	vld [tilespmem:s5+$0xC0];
	_ =	sdelay $0x4  }
0x383: {  	[tilespmem:v49+s17+$0x0] =	vst.idx.msk $0xffff, v33  }
0x384: {  	v50 =	vadd.s32 v30, v35;
	v33 =	vld [tilespmem:s5+$0xD0];
	_ =	sdelay $0x4  }
0x385: {  	[tilespmem:v50+s17+$0x0] =	vst.idx.msk $0xffff, v33  }
0x386: {  	v51 =	vadd.s32 v31, v35;
	v33 =	vld [tilespmem:s5+$0xE0];
	_ =	sdelay $0x4  }
0x387: {  	[tilespmem:v51+s17+$0x0] =	vst.idx.msk $0xffff, v33  }
0x388: {  	v52 =	vadd.s32 v32, v35;
	v33 =	vld [tilespmem:s5+$0xF0];
	_ =	sdelay $0x3  }
0x389: {  	s5 =	sor.u32 $0x80, s25  }
0x38a: {  	s18 =	sadd.s32 s2, s5;
	[tilespmem:v52+s17+$0x0] =	vst.idx.msk $0xffff, v33  }
0x38b: {  	[hbm4b:s18+s3] =	stream.linear.scatter [tilespmem:s17], [sflag:$0xA], $0x80, $0x38;
	[tilespmem:$0x10A00] =	vst v63  }
0x38c: {  	s24 =	simm.s32 $0xA488;
	s19 =	sadd.s32 $0x10, s18  }
0x38d: {  	[hbm4b:s19+s3] =	stream.linear.scatter [tilespmem:s24], [sflag:$0xA], $0x80, $0x38;
	[tilespmem:$0x10A00] =	vst v63  }
0x38e: {  	s19 =	sadd.s32 $0x20, s18;
	s24 =	simm.s32 $0xA510  }
0x38f: {  	[hbm4b:s19+s3] =	stream.linear.scatter [tilespmem:s24], [sflag:$0xA], $0x80, $0x38;
	[tilespmem:$0x10A00] =	vst v63  }
0x390: {  	s19 =	sadd.s32 $0x30, s18;
	s24 =	simm.s32 $0xA598  }
0x391: {  	[hbm4b:s19+s3] =	stream.linear.scatter [tilespmem:s24], [sflag:$0xA], $0x80, $0x38;
	[tilespmem:$0x10A00] =	vst v63  }
0x392: {  	s19 =	sadd.s32 $0x40, s18;
	s24 =	simm.s32 $0xA620  }
0x393: {  	[hbm4b:s19+s3] =	stream.linear.scatter [tilespmem:s24], [sflag:$0xA], $0x80, $0x38;
	[tilespmem:$0x10A00] =	vst v63  }
0x394: {  	s19 =	sadd.s32 $0x50, s18;
	s24 =	simm.s32 $0xA6A8  }
0x395: {  	[hbm4b:s19+s3] =	stream.linear.scatter [tilespmem:s24], [sflag:$0xA], $0x80, $0x38;
	[tilespmem:$0x10A00] =	vst v63  }
0x396: {  	s19 =	sadd.s32 $0x60, s18;
	s24 =	simm.s32 $0xA730  }
0x397: {  	[hbm4b:s19+s3] =	stream.linear.scatter [tilespmem:s24], [sflag:$0xA], $0x80, $0x38;
	[tilespmem:$0x10A00] =	vst v63  }
0x398: {  	s18 =	sadd.s32 $0x70, s18;
	s24 =	simm.s32 $0xA7B8  }
0x399: {  	[hbm4b:s18+s3] =	stream.linear.scatter [tilespmem:s24], [sflag:$0xA], $0x80, $0x38;
	[tilespmem:$0x10A00] =	vst v63  }
0x39a: {  	s18 =	sadd.s32 s5, s10;
	s24 =	simm.s32 $0xA840  }
0x39b: {  	[hbm4b:s18+s3] =	stream.linear.scatter [tilespmem:s24], [sflag:$0xA], $0x80, $0x38;
	[tilespmem:$0x10A00] =	vst v63  }
0x39c: {  	s19 =	sadd.s32 $0x10, s18;
	s24 =	simm.s32 $0xA8C8  }
0x39d: {  	[hbm4b:s19+s3] =	stream.linear.scatter [tilespmem:s24], [sflag:$0xA], $0x80, $0x38;
	[tilespmem:$0x10A00] =	vst v63  }
0x39e: {  	s19 =	sadd.s32 $0x20, s18;
	s24 =	simm.s32 $0xA950  }
0x39f: {  	[hbm4b:s19+s3] =	stream.linear.scatter [tilespmem:s24], [sflag:$0xA], $0x80, $0x38;
	[tilespmem:$0x10A00] =	vst v63  }
0x3a0: {  	s19 =	sadd.s32 $0x30, s18;
	s24 =	simm.s32 $0xA9D8  }
0x3a1: {  	[hbm4b:s19+s3] =	stream.linear.scatter [tilespmem:s24], [sflag:$0xA], $0x80, $0x38;
	[tilespmem:$0x10A00] =	vst v63  }
0x3a2: {  	s19 =	sadd.s32 $0x40, s18;
	s24 =	simm.s32 $0xAA60  }
0x3a3: {  	[hbm4b:s19+s3] =	stream.linear.scatter [tilespmem:s24], [sflag:$0xA], $0x80, $0x38;
	[tilespmem:$0x10A00] =	vst v63  }
0x3a4: {  	s19 =	sadd.s32 $0x50, s18;
	s24 =	simm.s32 $0xAAE8  }
0x3a5: {  	[hbm4b:s19+s3] =	stream.linear.scatter [tilespmem:s24], [sflag:$0xA], $0x80, $0x38;
	[tilespmem:$0x10A00] =	vst v63  }
0x3a6: {  	s19 =	sadd.s32 $0x60, s18;
	s24 =	simm.s32 $0xAB70  }
0x3a7: {  	[hbm4b:s19+s3] =	stream.linear.scatter [tilespmem:s24], [sflag:$0xA], $0x80, $0x38;
	[tilespmem:$0x10A00] =	vst v63  }
0x3a8: {  	s18 =	sadd.s32 $0x70, s18;
	s24 =	simm.s32 $0xABF8  }
0x3a9: {  	[hbm4b:s18+s3] =	stream.linear.scatter [tilespmem:s24], [sflag:$0xA], $0x80, $0x38;
	[tilespmem:$0x10A00] =	vst v63  }
0x3aa: {  	s18 =	sadd.s32 s5, s11;
	s24 =	simm.s32 $0xAC80  }
0x3ab: {  	[hbm4b:s18+s3] =	stream.linear.scatter [tilespmem:s24], [sflag:$0xA], $0x80, $0x38;
	[tilespmem:$0x10A00] =	vst v63  }
0x3ac: {  	s19 =	sadd.s32 $0x10, s18;
	s24 =	simm.s32 $0xAD08  }
0x3ad: {  	[hbm4b:s19+s3] =	stream.linear.scatter [tilespmem:s24], [sflag:$0xA], $0x80, $0x38;
	[tilespmem:$0x10A00] =	vst v63  }
0x3ae: {  	s19 =	sadd.s32 $0x20, s18;
	s24 =	simm.s32 $0xAD90  }
0x3af: {  	[hbm4b:s19+s3] =	stream.linear.scatter [tilespmem:s24], [sflag:$0xA], $0x80, $0x38;
	[tilespmem:$0x10A00] =	vst v63  }
0x3b0: {  	s19 =	sadd.s32 $0x30, s18;
	s24 =	simm.s32 $0xAE18  }
0x3b1: {  	[hbm4b:s19+s3] =	stream.linear.scatter [tilespmem:s24], [sflag:$0xA], $0x80, $0x38;
	[tilespmem:$0x10A00] =	vst v63  }
0x3b2: {  	s19 =	sadd.s32 $0x40, s18;
	s24 =	simm.s32 $0xAEA0  }
0x3b3: {  	[hbm4b:s19+s3] =	stream.linear.scatter [tilespmem:s24], [sflag:$0xA], $0x80, $0x38;
	[tilespmem:$0x10A00] =	vst v63  }
0x3b4: {  	s19 =	sadd.s32 $0x50, s18;
	s24 =	simm.s32 $0xAF28  }
0x3b5: {  	[hbm4b:s19+s3] =	stream.linear.scatter [tilespmem:s24], [sflag:$0xA], $0x80, $0x38;
	[tilespmem:$0x10A00] =	vst v63  }
0x3b6: {  	s19 =	sadd.s32 $0x60, s18;
	s24 =	simm.s32 $0xAFB0  }
0x3b7: {  	[hbm4b:s19+s3] =	stream.linear.scatter [tilespmem:s24], [sflag:$0xA], $0x80, $0x38;
	[tilespmem:$0x10A00] =	vst v63  }
0x3b8: {  	s18 =	sadd.s32 $0x70, s18;
	s24 =	simm.s32 $0xB038  }
0x3b9: {  	[hbm4b:s18+s3] =	stream.linear.scatter [tilespmem:s24], [sflag:$0xA], $0x80, $0x38;
	[tilespmem:$0x10A00] =	vst v63  }
0x3ba: {  	s18 =	sadd.s32 s5, s12;
	s24 =	simm.s32 $0xB0C0  }
0x3bb: {  	[hbm4b:s18+s3] =	stream.linear.scatter [tilespmem:s24], [sflag:$0xA], $0x80, $0x38;
	[tilespmem:$0x10A00] =	vst v63  }
0x3bc: {  	s19 =	sadd.s32 $0x10, s18;
	s24 =	simm.s32 $0xB148  }
0x3bd: {  	[hbm4b:s19+s3] =	stream.linear.scatter [tilespmem:s24], [sflag:$0xA], $0x80, $0x38;
	[tilespmem:$0x10A00] =	vst v63  }
0x3be: {  	s19 =	sadd.s32 $0x20, s18;
	s24 =	simm.s32 $0xB1D0  }
0x3bf: {  	[hbm4b:s19+s3] =	stream.linear.scatter [tilespmem:s24], [sflag:$0xA], $0x80, $0x38;
	[tilespmem:$0x10A00] =	vst v63  }
0x3c0: {  	s19 =	sadd.s32 $0x30, s18;
	s24 =	simm.s32 $0xB258  }
0x3c1: {  	[hbm4b:s19+s3] =	stream.linear.scatter [tilespmem:s24], [sflag:$0xA], $0x80, $0x38;
	[tilespmem:$0x10A00] =	vst v63  }
0x3c2: {  	s19 =	sadd.s32 $0x40, s18;
	s24 =	simm.s32 $0xB2E0  }
0x3c3: {  	[hbm4b:s19+s3] =	stream.linear.scatter [tilespmem:s24], [sflag:$0xA], $0x80, $0x38;
	[tilespmem:$0x10A00] =	vst v63  }
0x3c4: {  	s19 =	sadd.s32 $0x50, s18;
	s24 =	simm.s32 $0xB368  }
0x3c5: {  	[hbm4b:s19+s3] =	stream.linear.scatter [tilespmem:s24], [sflag:$0xA], $0x80, $0x38;
	[tilespmem:$0x10A00] =	vst v63  }
0x3c6: {  	s19 =	sadd.s32 $0x60, s18;
	s24 =	simm.s32 $0xB3F0  }
0x3c7: {  	[hbm4b:s19+s3] =	stream.linear.scatter [tilespmem:s24], [sflag:$0xA], $0x80, $0x38;
	[tilespmem:$0x10A00] =	vst v63  }
0x3c8: {  	s18 =	sadd.s32 $0x70, s18;
	s24 =	simm.s32 $0xB478  }
0x3c9: {  	[hbm4b:s18+s3] =	stream.linear.scatter [tilespmem:s24], [sflag:$0xA], $0x80, $0x38;
	[tilespmem:$0x10A00] =	vst v63  }
0x3ca: {  	s18 =	sadd.s32 s5, s13;
	s24 =	simm.s32 $0xB500  }
0x3cb: {  	[hbm4b:s18+s3] =	stream.linear.scatter [tilespmem:s24], [sflag:$0xA], $0x80, $0x38;
	[tilespmem:$0x10A00] =	vst v63  }
0x3cc: {  	s19 =	sadd.s32 $0x10, s18;
	s24 =	simm.s32 $0xB588  }
0x3cd: {  	[hbm4b:s19+s3] =	stream.linear.scatter [tilespmem:s24], [sflag:$0xA], $0x80, $0x38;
	[tilespmem:$0x10A00] =	vst v63  }
0x3ce: {  	s19 =	sadd.s32 $0x20, s18;
	s24 =	simm.s32 $0xB610  }
0x3cf: {  	[hbm4b:s19+s3] =	stream.linear.scatter [tilespmem:s24], [sflag:$0xA], $0x80, $0x38;
	[tilespmem:$0x10A00] =	vst v63  }
0x3d0: {  	s19 =	sadd.s32 $0x30, s18;
	s24 =	simm.s32 $0xB698  }
0x3d1: {  	[hbm4b:s19+s3] =	stream.linear.scatter [tilespmem:s24], [sflag:$0xA], $0x80, $0x38;
	[tilespmem:$0x10A00] =	vst v63  }
0x3d2: {  	s19 =	sadd.s32 $0x40, s18;
	s24 =	simm.s32 $0xB720  }
0x3d3: {  	[hbm4b:s19+s3] =	stream.linear.scatter [tilespmem:s24], [sflag:$0xA], $0x80, $0x38;
	[tilespmem:$0x10A00] =	vst v63  }
0x3d4: {  	s19 =	sadd.s32 $0x50, s18;
	s24 =	simm.s32 $0xB7A8  }
0x3d5: {  	[hbm4b:s19+s3] =	stream.linear.scatter [tilespmem:s24], [sflag:$0xA], $0x80, $0x38;
	[tilespmem:$0x10A00] =	vst v63  }
0x3d6: {  	s19 =	sadd.s32 $0x60, s18;
	s24 =	simm.s32 $0xB830  }
0x3d7: {  	[hbm4b:s19+s3] =	stream.linear.scatter [tilespmem:s24], [sflag:$0xA], $0x80, $0x38;
	[tilespmem:$0x10A00] =	vst v63  }
0x3d8: {  	s18 =	sadd.s32 $0x70, s18;
	s24 =	simm.s32 $0xB8B8  }
0x3d9: {  	[hbm4b:s18+s3] =	stream.linear.scatter [tilespmem:s24], [sflag:$0xA], $0x80, $0x38;
	[tilespmem:$0x10A00] =	vst v63  }
0x3da: {  	s18 =	sadd.s32 s5, s14;
	s24 =	simm.s32 $0xB940  }
0x3db: {  	[hbm4b:s18+s3] =	stream.linear.scatter [tilespmem:s24], [sflag:$0xA], $0x80, $0x38;
	[tilespmem:$0x10A00] =	vst v63  }
0x3dc: {  	s19 =	sadd.s32 $0x10, s18;
	s24 =	simm.s32 $0xB9C8  }
0x3dd: {  	[hbm4b:s19+s3] =	stream.linear.scatter [tilespmem:s24], [sflag:$0xA], $0x80, $0x38;
	[tilespmem:$0x10A00] =	vst v63  }
0x3de: {  	s19 =	sadd.s32 $0x20, s18;
	s24 =	simm.s32 $0xBA50  }
0x3df: {  	[hbm4b:s19+s3] =	stream.linear.scatter [tilespmem:s24], [sflag:$0xA], $0x80, $0x38;
	[tilespmem:$0x10A00] =	vst v63  }
0x3e0: {  	s19 =	sadd.s32 $0x30, s18;
	s24 =	simm.s32 $0xBAD8  }
0x3e1: {  	[hbm4b:s19+s3] =	stream.linear.scatter [tilespmem:s24], [sflag:$0xA], $0x80, $0x38;
	[tilespmem:$0x10A00] =	vst v63  }
0x3e2: {  	s19 =	sadd.s32 $0x40, s18;
	s24 =	simm.s32 $0xBB60  }
0x3e3: {  	[hbm4b:s19+s3] =	stream.linear.scatter [tilespmem:s24], [sflag:$0xA], $0x80, $0x38;
	[tilespmem:$0x10A00] =	vst v63  }
0x3e4: {  	s19 =	sadd.s32 $0x50, s18;
	s24 =	simm.s32 $0xBBE8  }
0x3e5: {  	[hbm4b:s19+s3] =	stream.linear.scatter [tilespmem:s24], [sflag:$0xA], $0x80, $0x38;
	[tilespmem:$0x10A00] =	vst v63  }
0x3e6: {  	s19 =	sadd.s32 $0x60, s18;
	s24 =	simm.s32 $0xBC70  }
0x3e7: {  	[hbm4b:s19+s3] =	stream.linear.scatter [tilespmem:s24], [sflag:$0xA], $0x80, $0x38;
	[tilespmem:$0x10A00] =	vst v63  }
0x3e8: {  	s18 =	sadd.s32 $0x70, s18;
	s24 =	simm.s32 $0xBCF8  }
0x3e9: {  	[hbm4b:s18+s3] =	stream.linear.scatter [tilespmem:s24], [sflag:$0xA], $0x80, $0x38;
	[tilespmem:$0x10A00] =	vst v63  }
0x3ea: {  	s18 =	sadd.s32 s5, s15;
	s24 =	simm.s32 $0xBD80  }
0x3eb: {  	[hbm4b:s18+s3] =	stream.linear.scatter [tilespmem:s24], [sflag:$0xA], $0x80, $0x38;
	[tilespmem:$0x10A00] =	vst v63  }
0x3ec: {  	s19 =	sadd.s32 $0x10, s18;
	s24 =	simm.s32 $0xBE08  }
0x3ed: {  	[hbm4b:s19+s3] =	stream.linear.scatter [tilespmem:s24], [sflag:$0xA], $0x80, $0x38;
	[tilespmem:$0x10A00] =	vst v63  }
0x3ee: {  	s19 =	sadd.s32 $0x20, s18;
	s24 =	simm.s32 $0xBE90  }
0x3ef: {  	[hbm4b:s19+s3] =	stream.linear.scatter [tilespmem:s24], [sflag:$0xA], $0x80, $0x38;
	[tilespmem:$0x10A00] =	vst v63  }
0x3f0: {  	s19 =	sadd.s32 $0x30, s18;
	s24 =	simm.s32 $0xBF18  }
0x3f1: {  	[hbm4b:s19+s3] =	stream.linear.scatter [tilespmem:s24], [sflag:$0xA], $0x80, $0x38;
	[tilespmem:$0x10A00] =	vst v63  }
0x3f2: {  	s19 =	sadd.s32 $0x40, s18;
	s24 =	simm.s32 $0xBFA0  }
0x3f3: {  	[hbm4b:s19+s3] =	stream.linear.scatter [tilespmem:s24], [sflag:$0xA], $0x80, $0x38;
	[tilespmem:$0x10A00] =	vst v63  }
0x3f4: {  	s19 =	sadd.s32 $0x50, s18;
	s24 =	simm.s32 $0xC028  }
0x3f5: {  	[hbm4b:s19+s3] =	stream.linear.scatter [tilespmem:s24], [sflag:$0xA], $0x80, $0x38;
	[tilespmem:$0x10A00] =	vst v63  }
0x3f6: {  	s19 =	sadd.s32 $0x60, s18;
	s24 =	simm.s32 $0xC0B0  }
0x3f7: {  	[hbm4b:s19+s3] =	stream.linear.scatter [tilespmem:s24], [sflag:$0xA], $0x80, $0x38;
	[tilespmem:$0x10A00] =	vst v63  }
0x3f8: {  	s18 =	sadd.s32 $0x70, s18;
	s24 =	simm.s32 $0xC138  }
0x3f9: {  	[hbm4b:s18+s3] =	stream.linear.scatter [tilespmem:s24], [sflag:$0xA], $0x80, $0x38;
	[tilespmem:$0x10A00] =	vst v63  }
0x3fa: {  	s5 =	sadd.s32 s5, s16;
	s24 =	simm.s32 $0xC1C0  }
0x3fb: {  	[hbm4b:s5+s3] =	stream.linear.scatter [tilespmem:s24], [sflag:$0xA], $0x80, $0x38;
	[tilespmem:$0x10A00] =	vst v63  }
0x3fc: {  	s19 =	sadd.s32 $0x10, s5;
	s24 =	simm.s32 $0xC248  }
0x3fd: {  	[hbm4b:s19+s3] =	stream.linear.scatter [tilespmem:s24], [sflag:$0xA], $0x80, $0x38;
	[tilespmem:$0x10A00] =	vst v63  }
0x3fe: {  	s19 =	sadd.s32 $0x20, s5;
	s24 =	simm.s32 $0xC2D0  }
0x3ff: {  	[hbm4b:s19+s3] =	stream.linear.scatter [tilespmem:s24], [sflag:$0xA], $0x80, $0x38;
	[tilespmem:$0x10A00] =	vst v63  }
0x400: {  	s19 =	sadd.s32 $0x30, s5;
	s24 =	simm.s32 $0xC358  }
0x401: {  	[hbm4b:s19+s3] =	stream.linear.scatter [tilespmem:s24], [sflag:$0xA], $0x80, $0x38;
	[tilespmem:$0x10A00] =	vst v63  }
0x402: {  	s19 =	sadd.s32 $0x40, s5;
	s24 =	simm.s32 $0xC3E0  }
0x403: {  	[hbm4b:s19+s3] =	stream.linear.scatter [tilespmem:s24], [sflag:$0xA], $0x80, $0x38;
	[tilespmem:$0x10A00] =	vst v63  }
0x404: {  	s19 =	sadd.s32 $0x50, s5;
	s24 =	simm.s32 $0xC468  }
0x405: {  	[hbm4b:s19+s3] =	stream.linear.scatter [tilespmem:s24], [sflag:$0xA], $0x80, $0x38;
	[tilespmem:$0x10A00] =	vst v63  }
0x406: {  	s19 =	sadd.s32 $0x60, s5;
	s24 =	simm.s32 $0xC4F0  }
0x407: {  	[hbm4b:s19+s3] =	stream.linear.scatter [tilespmem:s24], [sflag:$0xA], $0x80, $0x38;
	[tilespmem:$0x10A00] =	vst v63  }
0x408: {  	s5 =	sadd.s32 $0x70, s5;
	s24 =	simm.s32 $0xC578  }
0x409: {  	[hbm4b:s5+s3] =	stream.linear.scatter [tilespmem:s24], [sflag:$0xA], $0x80, $0x38;
	[tilespmem:$0x10A00] =	vst v63  }
0x40a: {  	s5 =	rddreg [dreg:$0xa]  }
0x40b: {  	s18 =	simm.s32 @!p1 $0x0;
	s19 =	simm.s32 @!p1 $0x80;
	s5 =	sadd.s32 @!p1 s5, s21  }
0x40c: {  	[tilespmem:s19], [sflag:$0x2] =	stream.linear.gather @!p1 [hbm4b:s5+s18], $0x80, $0x38;
	[tilespmem:$0x10A00] =	vst v63  }
0x40d: {  	_ =	swait.ge [sflag:s26], $0x80  }
0x40e: {  	[sflag:s26] =	ssyncset.done $0x0  }
0x40f: {  	s24 =	simm.s32 $0x180;
	s18 =	simm.s32 $0x6200;
	[sflag:s26] =	ssyncadd.s32 $0xFFFFFF80  }
0x410: {  	[tilespmem:s18], [sflag:$0x8] =	stream.indirect.gather [hbm4b:s4+s22], $0x40, s24, s22, $0xb8;
	[tilespmem:$0x10A00] =	vst v63  }
0x411: {  	_ =	swait.ge [sflag:s29], $0x2000  }
0x412: {  	[sflag:s29] =	ssyncset.done $0x0  }
0x413: {  	s5 =	simm.s32 @!p0 $0xB;
	[sflag:s29] =	ssyncadd.s32 $0xFFFFE000  }
0x414: {  	_ =	swait.ge @!p0 [sflag:s5], $0x400  }
0x415: {  	[sflag:s5] =	ssyncset.done @!p0 $0x0  }
0x416: {  	[sflag:s5] =	ssyncadd.s32 @!p0 $0xFFFFFC00  }
0x417: {  	_ =	swait.ge @!p0 [sflag:s5], $0x400  }
0x418: {  	[sflag:s5] =	ssyncset.done @!p0 $0x0  }
0x419: {  	[sflag:s5] =	ssyncadd.s32 @!p0 $0xFFFFFC00  }
0x41a: {  	_ =	swait.ge @!p0 [sflag:s5], $0x400  }
0x41b: {  	[sflag:s5] =	ssyncset.done @!p0 $0x0  }
0x41c: {  	[sflag:s5] =	ssyncadd.s32 @!p0 $0xFFFFFC00  }
0x41d: {  	_ =	swait.ge @!p0 [sflag:s5], $0x400  }
0x41e: {  	[sflag:s5] =	ssyncset.done @!p0 $0x0  }
0x41f: {  	[sflag:s5] =	ssyncadd.s32 @!p0 $0xFFFFFC00  }
0x420: {  	_ =	swait.ge @!p0 [sflag:s5], $0x400  }
0x421: {  	[sflag:s5] =	ssyncset.done @!p0 $0x0  }
0x422: {  	[sflag:s5] =	ssyncadd.s32 @!p0 $0xFFFFFC00  }
0x423: {  	_ =	swait.ge @!p0 [sflag:s5], $0x400  }
0x424: {  	[sflag:s5] =	ssyncset.done @!p0 $0x0  }
0x425: {  	[sflag:s5] =	ssyncadd.s32 @!p0 $0xFFFFFC00  }
0x426: {  	s19 =	simm.s32 $0x0;
	_ =	swait.ge @!p0 [sflag:s5], $0x400  }
0x427: {  	v53 =	vmov s19;
	[sflag:s5] =	ssyncset.done @!p0 $0x0  }
0x428: {  	v33 =	vshrl.u32 v53, $0x3;
	[sflag:s5] =	ssyncadd.s32 @!p0 $0xFFFFFC00  }
0x429: {  	v33 =	vshll.u32 v33, v1;
	_ =	swait.ge @!p0 [sflag:s5], $0x400  }
0x42a: {  	v33 =	vbroadcast v33, $0x0;
	[sflag:s5] =	ssyncset.done @!p0 $0x0  }
0x42b: {  	[sflag:s5] =	ssyncadd.s32 @!p0 $0xFFFFFC00;
	s5 =	simm.s32 $0x4300  }
0x42c: {  	v55 =	vadd.s32 v0, v33;
	v54 =	vld [tilespmem:s5+$0xFFFFFF00];
	_ =	sdelay $0x4  }
0x42d: {  	[tilespmem:v55+s1+$0x0] =	vst.idx.msk $0xffff, v54  }
0x42e: {  	v56 =	vadd.s32 v2, v33;
	v34 =	vld [tilespmem:s5+$0xFFFFFF10];
	_ =	sdelay $0x4  }
0x42f: {  	[tilespmem:v56+s1+$0x0] =	vst.idx.msk $0xffff, v34  }
0x430: {  	v57 =	vadd.s32 v3, v33;
	v34 =	vld [tilespmem:s5+$0xFFFFFF20];
	_ =	sdelay $0x4  }
0x431: {  	[tilespmem:v57+s1+$0x0] =	vst.idx.msk $0xffff, v34  }
0x432: {  	s21 =	simm.s32 $0x1;
	v33 =	vadd.s32 v4, v33;
	v34 =	vld [tilespmem:s5+$0xFFFFFF30]  }
0x433: {  	v58 =	vmov s21  }
0x434: {  	v35 =	vshrl.u32 v58, $0x3  }
0x435: {  	v35 =	vshll.u32 v35, v1  }
0x436: {  	v35 =	vbroadcast v35, $0x0  }
0x437: {  	[tilespmem:v33+s1+$0x0] =	vst.idx.msk $0xffff, v34  }
0x438: {  	v59 =	vadd.s32 v5, v35;
	v33 =	vld [tilespmem:s5+$0xFFFFFF40];
	_ =	sdelay $0x4  }
0x439: {  	[tilespmem:v59+s1+$0x0] =	vst.idx.msk $0xffff, v33  }
0x43a: {  	v60 =	vadd.s32 v6, v35;
	v33 =	vld [tilespmem:s5+$0xFFFFFF50];
	_ =	sdelay $0x4  }
0x43b: {  	[tilespmem:v60+s1+$0x0] =	vst.idx.msk $0xffff, v33  }
0x43c: {  	v61 =	vadd.s32 v7, v35;
	v33 =	vld [tilespmem:s5+$0xFFFFFF60];
	_ =	sdelay $0x4  }
0x43d: {  	[tilespmem:v61+s1+$0x0] =	vst.idx.msk $0xffff, v33  }
0x43e: {  	s19 =	simm.s32 $0x2;
	v62 =	vadd.s32 v8, v35;
	v33 =	vld [tilespmem:s5+$0xFFFFFF70]  }
0x43f: {  	v63 =	vmov s19  }
0x440: {  	v35 =	vshrl.u32 v63, $0x3  }
0x441: {  	v35 =	vshll.u32 v35, v1  }
0x442: {  	v35 =	vbroadcast v35, $0x0  }
0x443: {  	[tilespmem:v62+s1+$0x0] =	vst.idx.msk $0xffff, v33  }
0x444: {  	v36 =	vadd.s32 v9, v35;
	v33 =	vld [tilespmem:s5+$0xFFFFFF80];
	_ =	sdelay $0x4  }
0x445: {  	[tilespmem:v36+s1+$0x0] =	vst.idx.msk $0xffff, v33  }
0x446: {  	v37 =	vadd.s32 v10, v35;
	v33 =	vld [tilespmem:s5+$0xFFFFFF90];
	_ =	sdelay $0x4  }
0x447: {  	[tilespmem:v37+s1+$0x0] =	vst.idx.msk $0xffff, v33  }
0x448: {  	v38 =	vadd.s32 v11, v35;
	v33 =	vld [tilespmem:s5+$0xFFFFFFA0];
	_ =	sdelay $0x4  }
0x449: {  	[tilespmem:v38+s1+$0x0] =	vst.idx.msk $0xffff, v33  }
0x44a: {  	s21 =	simm.s32 $0x3;
	v39 =	vadd.s32 v12, v35;
	v33 =	vld [tilespmem:s5+$0xFFFFFFB0]  }
0x44b: {  	v40 =	vmov s21  }
0x44c: {  	v35 =	vshrl.u32 v40, $0x3  }
0x44d: {  	v35 =	vshll.u32 v35, v1  }
0x44e: {  	v35 =	vbroadcast v35, $0x0  }
0x44f: {  	[tilespmem:v39+s1+$0x0] =	vst.idx.msk $0xffff, v33  }
0x450: {  	v41 =	vadd.s32 v13, v35;
	v33 =	vld [tilespmem:s5+$0xFFFFFFC0];
	_ =	sdelay $0x4  }
0x451: {  	[tilespmem:v41+s1+$0x0] =	vst.idx.msk $0xffff, v33  }
0x452: {  	v42 =	vadd.s32 v14, v35;
	v33 =	vld [tilespmem:s5+$0xFFFFFFD0];
	_ =	sdelay $0x4  }
0x453: {  	[tilespmem:v42+s1+$0x0] =	vst.idx.msk $0xffff, v33  }
0x454: {  	v43 =	vadd.s32 v15, v35;
	v33 =	vld [tilespmem:s5+$0xFFFFFFE0];
	_ =	sdelay $0x4  }
0x455: {  	[tilespmem:v43+s1+$0x0] =	vst.idx.msk $0xffff, v33  }
0x456: {  	s19 =	simm.s32 $0x4;
	v44 =	vadd.s32 v16, v35;
	v33 =	vld [tilespmem:s5+$0xFFFFFFF0]  }
0x457: {  	v45 =	vmov s19  }
0x458: {  	v35 =	vshrl.u32 v45, $0x3  }
0x459: {  	v35 =	vshll.u32 v35, v1  }
0x45a: {  	v35 =	vbroadcast v35, $0x0  }
0x45b: {  	[tilespmem:v44+s1+$0x0] =	vst.idx.msk $0xffff, v33  }
0x45c: {  	v46 =	vadd.s32 v17, v35;
	v33 =	vld [tilespmem:s5+$0x0];
	_ =	sdelay $0x4  }
0x45d: {  	[tilespmem:v46+s1+$0x0] =	vst.idx.msk $0xffff, v33  }
0x45e: {  	v47 =	vadd.s32 v18, v35;
	v33 =	vld [tilespmem:s5+$0x10];
	_ =	sdelay $0x4  }
0x45f: {  	[tilespmem:v47+s1+$0x0] =	vst.idx.msk $0xffff, v33  }
0x460: {  	v48 =	vadd.s32 v19, v35;
	v33 =	vld [tilespmem:s5+$0x20];
	_ =	sdelay $0x4  }
0x461: {  	[tilespmem:v48+s1+$0x0] =	vst.idx.msk $0xffff, v33  }
0x462: {  	s21 =	simm.s32 $0x5;
	v49 =	vadd.s32 v20, v35;
	v33 =	vld [tilespmem:s5+$0x30]  }
0x463: {  	v50 =	vmov s21  }
0x464: {  	v35 =	vshrl.u32 v50, $0x3  }
0x465: {  	v35 =	vshll.u32 v35, v1  }
0x466: {  	v35 =	vbroadcast v35, $0x0  }
0x467: {  	[tilespmem:v49+s1+$0x0] =	vst.idx.msk $0xffff, v33  }
0x468: {  	v51 =	vadd.s32 v21, v35;
	v33 =	vld [tilespmem:s5+$0x40];
	_ =	sdelay $0x4  }
0x469: {  	[tilespmem:v51+s1+$0x0] =	vst.idx.msk $0xffff, v33  }
0x46a: {  	v52 =	vadd.s32 v22, v35;
	v33 =	vld [tilespmem:s5+$0x50];
	_ =	sdelay $0x4  }
0x46b: {  	[tilespmem:v52+s1+$0x0] =	vst.idx.msk $0xffff, v33  }
0x46c: {  	v53 =	vadd.s32 v23, v35;
	v33 =	vld [tilespmem:s5+$0x60];
	_ =	sdelay $0x4  }
0x46d: {  	[tilespmem:v53+s1+$0x0] =	vst.idx.msk $0xffff, v33  }
0x46e: {  	s19 =	simm.s32 $0x6;
	v54 =	vadd.s32 v24, v35;
	v33 =	vld [tilespmem:s5+$0x70]  }
0x46f: {  	v55 =	vmov s19  }
0x470: {  	v35 =	vshrl.u32 v55, $0x3  }
0x471: {  	v35 =	vshll.u32 v35, v1  }
0x472: {  	v35 =	vbroadcast v35, $0x0  }
0x473: {  	[tilespmem:v54+s1+$0x0] =	vst.idx.msk $0xffff, v33  }
0x474: {  	v56 =	vadd.s32 v25, v35;
	v33 =	vld [tilespmem:s5+$0x80];
	_ =	sdelay $0x4  }
0x475: {  	[tilespmem:v56+s1+$0x0] =	vst.idx.msk $0xffff, v33  }
0x476: {  	v57 =	vadd.s32 v26, v35;
	v33 =	vld [tilespmem:s5+$0x90];
	_ =	sdelay $0x4  }
0x477: {  	[tilespmem:v57+s1+$0x0] =	vst.idx.msk $0xffff, v33  }
0x478: {  	v58 =	vadd.s32 v27, v35;
	v33 =	vld [tilespmem:s5+$0xA0];
	_ =	sdelay $0x4  }
0x479: {  	[tilespmem:v58+s1+$0x0] =	vst.idx.msk $0xffff, v33  }
0x47a: {  	s21 =	simm.s32 $0x7;
	v59 =	vadd.s32 v28, v35;
	v33 =	vld [tilespmem:s5+$0xB0]  }
0x47b: {  	v60 =	vmov s21  }
0x47c: {  	v35 =	vshrl.u32 v60, $0x3  }
0x47d: {  	v35 =	vshll.u32 v35, v1  }
0x47e: {  	v35 =	vbroadcast v35, $0x0  }
0x47f: {  	[tilespmem:v59+s1+$0x0] =	vst.idx.msk $0xffff, v33  }
0x480: {  	v61 =	vadd.s32 v29, v35;
	v33 =	vld [tilespmem:s5+$0xC0];
	_ =	sdelay $0x4  }
0x481: {  	[tilespmem:v61+s1+$0x0] =	vst.idx.msk $0xffff, v33  }
0x482: {  	v62 =	vadd.s32 v30, v35;
	v33 =	vld [tilespmem:s5+$0xD0];
	_ =	sdelay $0x4  }
0x483: {  	[tilespmem:v62+s1+$0x0] =	vst.idx.msk $0xffff, v33  }
0x484: {  	v63 =	vadd.s32 v31, v35;
	v33 =	vld [tilespmem:s5+$0xE0];
	_ =	sdelay $0x4  }
0x485: {  	[tilespmem:v63+s1+$0x0] =	vst.idx.msk $0xffff, v33  }
0x486: {  	s18 =	simm.s32 $0xF;
	s19 =	simm.s32 $0x17;
	s21 =	simm.s32 $0x8;
	v34 =	vadd.s32 v32, v35;
	v33 =	vld [tilespmem:s5+$0xF0]  }
.LBB2_7:
0x487: {  	p2 =	sne.s32 s19, $0x7F;
	v35 =	vmov s21  }
0x488: {  	v35 =	vshrl.u32 v35, $0x3  }
0x489: {  	v35 =	vshll.u32 v35, v1  }
0x48a: {  	v35 =	vbroadcast v35, $0x0  }
0x48b: {  	s5 =	sadd.s32 $0x200, s5;
	[tilespmem:v34+s1+$0x0] =	vst.idx.msk $0xffff, v33  }
0x48c: {  	v33 =	vld [tilespmem:s5+$0xFFFFFF00];
	v34 =	vadd.s32 v0, v35;
	_ =	sdelay $0x4  }
0x48d: {  	[tilespmem:v34+s1+$0x0] =	vst.idx.msk $0xffff, v33  }
0x48e: {  	v34 =	vadd.s32 v2, v35;
	v33 =	vld [tilespmem:s5+$0xFFFFFF10];
	_ =	sdelay $0x4  }
0x48f: {  	[tilespmem:v34+s1+$0x0] =	vst.idx.msk $0xffff, v33  }
0x490: {  	v34 =	vadd.s32 v3, v35;
	v33 =	vld [tilespmem:s5+$0xFFFFFF20];
	_ =	sdelay $0x4  }
0x491: {  	[tilespmem:v34+s1+$0x0] =	vst.idx.msk $0xffff, v33  }
0x492: {  	s21 =	sadd.s32 $0xFFFFFFFA, s18;
	v34 =	vadd.s32 v4, v35;
	v33 =	vld [tilespmem:s5+$0xFFFFFF30]  }
0x493: {  	v35 =	vmov s21  }
0x494: {  	v35 =	vshrl.u32 v35, $0x3  }
0x495: {  	v35 =	vshll.u32 v35, v1  }
0x496: {  	v35 =	vbroadcast v35, $0x0  }
0x497: {  	[tilespmem:v34+s1+$0x0] =	vst.idx.msk $0xffff, v33  }
0x498: {  	v34 =	vadd.s32 v5, v35;
	v33 =	vld [tilespmem:s5+$0xFFFFFF40];
	_ =	sdelay $0x4  }
0x499: {  	[tilespmem:v34+s1+$0x0] =	vst.idx.msk $0xffff, v33  }
0x49a: {  	v34 =	vadd.s32 v6, v35;
	v33 =	vld [tilespmem:s5+$0xFFFFFF50];
	_ =	sdelay $0x4  }
0x49b: {  	[tilespmem:v34+s1+$0x0] =	vst.idx.msk $0xffff, v33  }
0x49c: {  	v34 =	vadd.s32 v7, v35;
	v33 =	vld [tilespmem:s5+$0xFFFFFF60];
	_ =	sdelay $0x4  }
0x49d: {  	[tilespmem:v34+s1+$0x0] =	vst.idx.msk $0xffff, v33  }
0x49e: {  	s21 =	sadd.s32 $0xFFFFFFFB, s18;
	v34 =	vadd.s32 v8, v35;
	v33 =	vld [tilespmem:s5+$0xFFFFFF70]  }
0x49f: {  	v35 =	vmov s21  }
0x4a0: {  	v35 =	vshrl.u32 v35, $0x3  }
0x4a1: {  	v35 =	vshll.u32 v35, v1  }
0x4a2: {  	v35 =	vbroadcast v35, $0x0  }
0x4a3: {  	[tilespmem:v34+s1+$0x0] =	vst.idx.msk $0xffff, v33  }
0x4a4: {  	v34 =	vadd.s32 v9, v35;
	v33 =	vld [tilespmem:s5+$0xFFFFFF80];
	_ =	sdelay $0x4  }
0x4a5: {  	[tilespmem:v34+s1+$0x0] =	vst.idx.msk $0xffff, v33  }
0x4a6: {  	v34 =	vadd.s32 v10, v35;
	v33 =	vld [tilespmem:s5+$0xFFFFFF90];
	_ =	sdelay $0x4  }
0x4a7: {  	[tilespmem:v34+s1+$0x0] =	vst.idx.msk $0xffff, v33  }
0x4a8: {  	v34 =	vadd.s32 v11, v35;
	v33 =	vld [tilespmem:s5+$0xFFFFFFA0];
	_ =	sdelay $0x4  }
0x4a9: {  	[tilespmem:v34+s1+$0x0] =	vst.idx.msk $0xffff, v33  }
0x4aa: {  	s21 =	sadd.s32 $0xFFFFFFFC, s18;
	v34 =	vadd.s32 v12, v35;
	v33 =	vld [tilespmem:s5+$0xFFFFFFB0]  }
0x4ab: {  	v35 =	vmov s21  }
0x4ac: {  	v35 =	vshrl.u32 v35, $0x3  }
0x4ad: {  	v35 =	vshll.u32 v35, v1  }
0x4ae: {  	v35 =	vbroadcast v35, $0x0  }
0x4af: {  	[tilespmem:v34+s1+$0x0] =	vst.idx.msk $0xffff, v33  }
0x4b0: {  	v34 =	vadd.s32 v13, v35;
	v33 =	vld [tilespmem:s5+$0xFFFFFFC0];
	_ =	sdelay $0x4  }
0x4b1: {  	[tilespmem:v34+s1+$0x0] =	vst.idx.msk $0xffff, v33  }
0x4b2: {  	v34 =	vadd.s32 v14, v35;
	v33 =	vld [tilespmem:s5+$0xFFFFFFD0];
	_ =	sdelay $0x4  }
0x4b3: {  	[tilespmem:v34+s1+$0x0] =	vst.idx.msk $0xffff, v33  }
0x4b4: {  	v34 =	vadd.s32 v15, v35;
	v33 =	vld [tilespmem:s5+$0xFFFFFFE0];
	_ =	sdelay $0x4  }
0x4b5: {  	[tilespmem:v34+s1+$0x0] =	vst.idx.msk $0xffff, v33  }
0x4b6: {  	s21 =	sadd.s32 $0xFFFFFFFD, s18;
	v34 =	vadd.s32 v16, v35;
	v33 =	vld [tilespmem:s5+$0xFFFFFFF0]  }
0x4b7: {  	v35 =	vmov s21  }
0x4b8: {  	v35 =	vshrl.u32 v35, $0x3  }
0x4b9: {  	v35 =	vshll.u32 v35, v1  }
0x4ba: {  	v35 =	vbroadcast v35, $0x0  }
0x4bb: {  	[tilespmem:v34+s1+$0x0] =	vst.idx.msk $0xffff, v33  }
0x4bc: {  	v34 =	vadd.s32 v17, v35;
	v33 =	vld [tilespmem:s5+$0x0];
	_ =	sdelay $0x4  }
0x4bd: {  	[tilespmem:v34+s1+$0x0] =	vst.idx.msk $0xffff, v33  }
0x4be: {  	v34 =	vadd.s32 v18, v35;
	v33 =	vld [tilespmem:s5+$0x10];
	_ =	sdelay $0x4  }
0x4bf: {  	[tilespmem:v34+s1+$0x0] =	vst.idx.msk $0xffff, v33  }
0x4c0: {  	v34 =	vadd.s32 v19, v35;
	v33 =	vld [tilespmem:s5+$0x20];
	_ =	sdelay $0x4  }
0x4c1: {  	[tilespmem:v34+s1+$0x0] =	vst.idx.msk $0xffff, v33  }
0x4c2: {  	s21 =	sadd.s32 $0xFFFFFFFE, s18;
	v34 =	vadd.s32 v20, v35;
	v33 =	vld [tilespmem:s5+$0x30]  }
0x4c3: {  	v35 =	vmov s21  }
0x4c4: {  	v35 =	vshrl.u32 v35, $0x3  }
0x4c5: {  	v35 =	vshll.u32 v35, v1  }
0x4c6: {  	v35 =	vbroadcast v35, $0x0  }
0x4c7: {  	[tilespmem:v34+s1+$0x0] =	vst.idx.msk $0xffff, v33  }
0x4c8: {  	v34 =	vadd.s32 v21, v35;
	v33 =	vld [tilespmem:s5+$0x40];
	_ =	sdelay $0x4  }
0x4c9: {  	[tilespmem:v34+s1+$0x0] =	vst.idx.msk $0xffff, v33  }
0x4ca: {  	v34 =	vadd.s32 v22, v35;
	v33 =	vld [tilespmem:s5+$0x50];
	_ =	sdelay $0x4  }
0x4cb: {  	[tilespmem:v34+s1+$0x0] =	vst.idx.msk $0xffff, v33  }
0x4cc: {  	v34 =	vadd.s32 v23, v35;
	v33 =	vld [tilespmem:s5+$0x60];
	_ =	sdelay $0x4  }
0x4cd: {  	[tilespmem:v34+s1+$0x0] =	vst.idx.msk $0xffff, v33  }
0x4ce: {  	s21 =	sadd.s32 $0xFFFFFFFF, s18;
	v34 =	vadd.s32 v24, v35;
	v33 =	vld [tilespmem:s5+$0x70]  }
0x4cf: {  	v35 =	vmov s21  }
0x4d0: {  	v35 =	vshrl.u32 v35, $0x3  }
0x4d1: {  	v35 =	vshll.u32 v35, v1  }
0x4d2: {  	v35 =	vbroadcast v35, $0x0  }
0x4d3: {  	[tilespmem:v34+s1+$0x0] =	vst.idx.msk $0xffff, v33  }
0x4d4: {  	v34 =	vadd.s32 v25, v35;
	v33 =	vld [tilespmem:s5+$0x80];
	_ =	sdelay $0x4  }
0x4d5: {  	[tilespmem:v34+s1+$0x0] =	vst.idx.msk $0xffff, v33  }
0x4d6: {  	v34 =	vadd.s32 v26, v35;
	v33 =	vld [tilespmem:s5+$0x90];
	_ =	sdelay $0x4  }
0x4d7: {  	[tilespmem:v34+s1+$0x0] =	vst.idx.msk $0xffff, v33  }
0x4d8: {  	v34 =	vadd.s32 v27, v35;
	v33 =	vld [tilespmem:s5+$0xA0];
	_ =	sdelay $0x4  }
0x4d9: {  	[tilespmem:v34+s1+$0x0] =	vst.idx.msk $0xffff, v33  }
0x4da: {  	v34 =	vadd.s32 v28, v35;
	v33 =	vld [tilespmem:s5+$0xB0]  }
0x4db: {  	v35 =	vmov s18;
	s18 =	smov.u32 s19  }
0x4dc: {  	v35 =	vshrl.u32 v35, $0x3  }
0x4dd: {  	v35 =	vshll.u32 v35, v1  }
0x4de: {  	v35 =	vbroadcast v35, $0x0  }
0x4df: {  	[tilespmem:v34+s1+$0x0] =	vst.idx.msk $0xffff, v33  }
0x4e0: {  	v34 =	vadd.s32 v29, v35;
	v33 =	vld [tilespmem:s5+$0xC0];
	_ =	sdelay $0x4  }
0x4e1: {  	[tilespmem:v34+s1+$0x0] =	vst.idx.msk $0xffff, v33  }
0x4e2: {  	v34 =	vadd.s32 v30, v35;
	v33 =	vld [tilespmem:s5+$0xD0];
	_ =	sdelay $0x4  }
0x4e3: {  	[tilespmem:v34+s1+$0x0] =	vst.idx.msk $0xffff, v33  }
0x4e4: {  	v34 =	vadd.s32 v31, v35;
	v33 =	vld [tilespmem:s5+$0xE0];
	_ =	sdelay $0x1  }
.Ltmp4:
0x4e5: {  	(pc) =	sbr.rel @p2 .LBB2_7-.Ltmp4, $3  }
0x4e6: {  	_ =	sdelay $0x1  }
0x4e7: {  	[tilespmem:v34+s1+$0x0] =	vst.idx.msk $0xffff, v33  }
0x4e8: {  	s19 =	sadd.s32 $0x8, s19;
	s21 =	sadd.s32 $0xFFFFFFF9, s18;
	v34 =	vadd.s32 v32, v35;
	v33 =	vld [tilespmem:s5+$0xF0]  }
0x4e9: {  	v35 =	vmov s21  }
0x4ea: {  	v35 =	vshrl.u32 v35, $0x3  }
0x4eb: {  	v35 =	vshll.u32 v35, v1  }
0x4ec: {  	v35 =	vbroadcast v35, $0x0  }
0x4ed: {  	s5 =	sadd.s32 $0x200, s5;
	[tilespmem:v34+s1+$0x0] =	vst.idx.msk $0xffff, v33  }
0x4ee: {  	v33 =	vld [tilespmem:s5+$0xFFFFFF00];
	v53 =	vadd.s32 v0, v35;
	_ =	sdelay $0x4  }
0x4ef: {  	[tilespmem:v53+s1+$0x0] =	vst.idx.msk $0xffff, v33  }
0x4f0: {  	v54 =	vadd.s32 v2, v35;
	v33 =	vld [tilespmem:s5+$0xFFFFFF10];
	_ =	sdelay $0x4  }
0x4f1: {  	[tilespmem:v54+s1+$0x0] =	vst.idx.msk $0xffff, v33  }
0x4f2: {  	v55 =	vadd.s32 v3, v35;
	v33 =	vld [tilespmem:s5+$0xFFFFFF20];
	_ =	sdelay $0x4  }
0x4f3: {  	[tilespmem:v55+s1+$0x0] =	vst.idx.msk $0xffff, v33  }
0x4f4: {  	s19 =	sadd.s32 $0xFFFFFFFA, s18;
	v56 =	vadd.s32 v4, v35;
	v33 =	vld [tilespmem:s5+$0xFFFFFF30]  }
0x4f5: {  	v57 =	vmov s19  }
0x4f6: {  	v35 =	vshrl.u32 v57, $0x3  }
0x4f7: {  	v35 =	vshll.u32 v35, v1  }
0x4f8: {  	v35 =	vbroadcast v35, $0x0  }
0x4f9: {  	[tilespmem:v56+s1+$0x0] =	vst.idx.msk $0xffff, v33  }
0x4fa: {  	v58 =	vadd.s32 v5, v35;
	v33 =	vld [tilespmem:s5+$0xFFFFFF40];
	_ =	sdelay $0x4  }
0x4fb: {  	[tilespmem:v58+s1+$0x0] =	vst.idx.msk $0xffff, v33  }
0x4fc: {  	v59 =	vadd.s32 v6, v35;
	v33 =	vld [tilespmem:s5+$0xFFFFFF50];
	_ =	sdelay $0x4  }
0x4fd: {  	[tilespmem:v59+s1+$0x0] =	vst.idx.msk $0xffff, v33  }
0x4fe: {  	v60 =	vadd.s32 v7, v35;
	v33 =	vld [tilespmem:s5+$0xFFFFFF60];
	_ =	sdelay $0x4  }
0x4ff: {  	[tilespmem:v60+s1+$0x0] =	vst.idx.msk $0xffff, v33  }
0x500: {  	s21 =	sadd.s32 $0xFFFFFFFB, s18;
	v61 =	vadd.s32 v8, v35;
	v33 =	vld [tilespmem:s5+$0xFFFFFF70]  }
0x501: {  	v62 =	vmov s21  }
0x502: {  	v35 =	vshrl.u32 v62, $0x3  }
0x503: {  	v35 =	vshll.u32 v35, v1  }
0x504: {  	v35 =	vbroadcast v35, $0x0  }
0x505: {  	[tilespmem:v61+s1+$0x0] =	vst.idx.msk $0xffff, v33  }
0x506: {  	v63 =	vadd.s32 v9, v35;
	v33 =	vld [tilespmem:s5+$0xFFFFFF80];
	_ =	sdelay $0x4  }
0x507: {  	[tilespmem:v63+s1+$0x0] =	vst.idx.msk $0xffff, v33  }
0x508: {  	v36 =	vadd.s32 v10, v35;
	v33 =	vld [tilespmem:s5+$0xFFFFFF90];
	_ =	sdelay $0x4  }
0x509: {  	[tilespmem:v36+s1+$0x0] =	vst.idx.msk $0xffff, v33  }
0x50a: {  	v37 =	vadd.s32 v11, v35;
	v33 =	vld [tilespmem:s5+$0xFFFFFFA0];
	_ =	sdelay $0x4  }
0x50b: {  	[tilespmem:v37+s1+$0x0] =	vst.idx.msk $0xffff, v33  }
0x50c: {  	s21 =	sadd.s32 $0xFFFFFFFC, s18;
	v38 =	vadd.s32 v12, v35;
	v33 =	vld [tilespmem:s5+$0xFFFFFFB0]  }
0x50d: {  	v39 =	vmov s21  }
0x50e: {  	v35 =	vshrl.u32 v39, $0x3  }
0x50f: {  	v35 =	vshll.u32 v35, v1  }
0x510: {  	v35 =	vbroadcast v35, $0x0  }
0x511: {  	[tilespmem:v38+s1+$0x0] =	vst.idx.msk $0xffff, v33  }
0x512: {  	v40 =	vadd.s32 v13, v35;
	v33 =	vld [tilespmem:s5+$0xFFFFFFC0];
	_ =	sdelay $0x4  }
0x513: {  	[tilespmem:v40+s1+$0x0] =	vst.idx.msk $0xffff, v33  }
0x514: {  	v41 =	vadd.s32 v14, v35;
	v33 =	vld [tilespmem:s5+$0xFFFFFFD0];
	_ =	sdelay $0x4  }
0x515: {  	[tilespmem:v41+s1+$0x0] =	vst.idx.msk $0xffff, v33  }
0x516: {  	v42 =	vadd.s32 v15, v35;
	v33 =	vld [tilespmem:s5+$0xFFFFFFE0];
	_ =	sdelay $0x4  }
0x517: {  	[tilespmem:v42+s1+$0x0] =	vst.idx.msk $0xffff, v33  }
0x518: {  	s21 =	sadd.s32 $0xFFFFFFFD, s18;
	v43 =	vadd.s32 v16, v35;
	v33 =	vld [tilespmem:s5+$0xFFFFFFF0]  }
0x519: {  	v44 =	vmov s21  }
0x51a: {  	v35 =	vshrl.u32 v44, $0x3  }
0x51b: {  	v35 =	vshll.u32 v35, v1  }
0x51c: {  	v35 =	vbroadcast v35, $0x0  }
0x51d: {  	[tilespmem:v43+s1+$0x0] =	vst.idx.msk $0xffff, v33  }
0x51e: {  	v45 =	vadd.s32 v17, v35;
	v33 =	vld [tilespmem:s5+$0x0];
	_ =	sdelay $0x4  }
0x51f: {  	[tilespmem:v45+s1+$0x0] =	vst.idx.msk $0xffff, v33  }
0x520: {  	v46 =	vadd.s32 v18, v35;
	v33 =	vld [tilespmem:s5+$0x10];
	_ =	sdelay $0x4  }
0x521: {  	[tilespmem:v46+s1+$0x0] =	vst.idx.msk $0xffff, v33  }
0x522: {  	v47 =	vadd.s32 v19, v35;
	v33 =	vld [tilespmem:s5+$0x20];
	_ =	sdelay $0x4  }
0x523: {  	[tilespmem:v47+s1+$0x0] =	vst.idx.msk $0xffff, v33  }
0x524: {  	s21 =	sadd.s32 $0xFFFFFFFE, s18;
	v48 =	vadd.s32 v20, v35;
	v33 =	vld [tilespmem:s5+$0x30]  }
0x525: {  	v49 =	vmov s21  }
0x526: {  	v35 =	vshrl.u32 v49, $0x3  }
0x527: {  	v35 =	vshll.u32 v35, v1  }
0x528: {  	v35 =	vbroadcast v35, $0x0  }
0x529: {  	[tilespmem:v48+s1+$0x0] =	vst.idx.msk $0xffff, v33  }
0x52a: {  	v50 =	vadd.s32 v21, v35;
	v33 =	vld [tilespmem:s5+$0x40];
	_ =	sdelay $0x4  }
0x52b: {  	[tilespmem:v50+s1+$0x0] =	vst.idx.msk $0xffff, v33  }
0x52c: {  	v51 =	vadd.s32 v22, v35;
	v33 =	vld [tilespmem:s5+$0x50];
	_ =	sdelay $0x4  }
0x52d: {  	[tilespmem:v51+s1+$0x0] =	vst.idx.msk $0xffff, v33  }
0x52e: {  	v52 =	vadd.s32 v23, v35;
	v33 =	vld [tilespmem:s5+$0x60];
	_ =	sdelay $0x4  }
0x52f: {  	[tilespmem:v52+s1+$0x0] =	vst.idx.msk $0xffff, v33  }
0x530: {  	s21 =	sadd.s32 $0xFFFFFFFF, s18;
	v53 =	vadd.s32 v24, v35;
	v33 =	vld [tilespmem:s5+$0x70]  }
0x531: {  	v54 =	vmov s21  }
0x532: {  	v35 =	vshrl.u32 v54, $0x3  }
0x533: {  	v35 =	vshll.u32 v35, v1  }
0x534: {  	v35 =	vbroadcast v35, $0x0  }
0x535: {  	[tilespmem:v53+s1+$0x0] =	vst.idx.msk $0xffff, v33  }
0x536: {  	v55 =	vadd.s32 v25, v35;
	v33 =	vld [tilespmem:s5+$0x80];
	_ =	sdelay $0x4  }
0x537: {  	[tilespmem:v55+s1+$0x0] =	vst.idx.msk $0xffff, v33  }
0x538: {  	v56 =	vadd.s32 v26, v35;
	v33 =	vld [tilespmem:s5+$0x90];
	_ =	sdelay $0x4  }
0x539: {  	[tilespmem:v56+s1+$0x0] =	vst.idx.msk $0xffff, v33  }
0x53a: {  	v57 =	vadd.s32 v27, v35;
	v33 =	vld [tilespmem:s5+$0xA0];
	_ =	sdelay $0x4  }
0x53b: {  	[tilespmem:v57+s1+$0x0] =	vst.idx.msk $0xffff, v33  }
0x53c: {  	v58 =	vadd.s32 v28, v35;
	v33 =	vld [tilespmem:s5+$0xB0]  }
0x53d: {  	v59 =	vmov s18  }
0x53e: {  	v35 =	vshrl.u32 v59, $0x3  }
0x53f: {  	v35 =	vshll.u32 v35, v1  }
0x540: {  	v35 =	vbroadcast v35, $0x0  }
0x541: {  	[tilespmem:v58+s1+$0x0] =	vst.idx.msk $0xffff, v33  }
0x542: {  	v60 =	vadd.s32 v29, v35;
	v33 =	vld [tilespmem:s5+$0xC0];
	_ =	sdelay $0x4  }
0x543: {  	[tilespmem:v60+s1+$0x0] =	vst.idx.msk $0xffff, v33  }
0x544: {  	v61 =	vadd.s32 v30, v35;
	v33 =	vld [tilespmem:s5+$0xD0];
	_ =	sdelay $0x4  }
0x545: {  	[tilespmem:v61+s1+$0x0] =	vst.idx.msk $0xffff, v33  }
0x546: {  	v62 =	vadd.s32 v31, v35;
	v33 =	vld [tilespmem:s5+$0xE0];
	_ =	sdelay $0x4  }
0x547: {  	[tilespmem:v62+s1+$0x0] =	vst.idx.msk $0xffff, v33  }
0x548: {  	v63 =	vadd.s32 v32, v35;
	v33 =	vld [tilespmem:s5+$0xF0];
	_ =	sdelay $0x3  }
0x549: {  	s5 =	sor.u32 $0x100, s25  }
0x54a: {  	s18 =	sadd.s32 s2, s5;
	[tilespmem:v63+s1+$0x0] =	vst.idx.msk $0xffff, v33  }
0x54b: {  	[hbm4b:s18+s3] =	stream.linear.scatter [tilespmem:s1], [sflag:$0xB], $0x80, $0x38;
	[tilespmem:$0x10A00] =	vst v63  }
0x54c: {  	s21 =	simm.s32 $0xC688;
	s19 =	sadd.s32 $0x10, s18  }
0x54d: {  	[hbm4b:s19+s3] =	stream.linear.scatter [tilespmem:s21], [sflag:$0xB], $0x80, $0x38;
	[tilespmem:$0x10A00] =	vst v63  }
0x54e: {  	s19 =	sadd.s32 $0x20, s18;
	s21 =	simm.s32 $0xC710  }
0x54f: {  	[hbm4b:s19+s3] =	stream.linear.scatter [tilespmem:s21], [sflag:$0xB], $0x80, $0x38;
	[tilespmem:$0x10A00] =	vst v63  }
0x550: {  	s19 =	sadd.s32 $0x30, s18;
	s21 =	simm.s32 $0xC798  }
0x551: {  	[hbm4b:s19+s3] =	stream.linear.scatter [tilespmem:s21], [sflag:$0xB], $0x80, $0x38;
	[tilespmem:$0x10A00] =	vst v63  }
0x552: {  	s19 =	sadd.s32 $0x40, s18;
	s21 =	simm.s32 $0xC820  }
0x553: {  	[hbm4b:s19+s3] =	stream.linear.scatter [tilespmem:s21], [sflag:$0xB], $0x80, $0x38;
	[tilespmem:$0x10A00] =	vst v63  }
0x554: {  	s19 =	sadd.s32 $0x50, s18;
	s21 =	simm.s32 $0xC8A8  }
0x555: {  	[hbm4b:s19+s3] =	stream.linear.scatter [tilespmem:s21], [sflag:$0xB], $0x80, $0x38;
	[tilespmem:$0x10A00] =	vst v63  }
0x556: {  	s19 =	sadd.s32 $0x60, s18;
	s21 =	simm.s32 $0xC930  }
0x557: {  	[hbm4b:s19+s3] =	stream.linear.scatter [tilespmem:s21], [sflag:$0xB], $0x80, $0x38;
	[tilespmem:$0x10A00] =	vst v63  }
0x558: {  	s18 =	sadd.s32 $0x70, s18;
	s21 =	simm.s32 $0xC9B8  }
0x559: {  	[hbm4b:s18+s3] =	stream.linear.scatter [tilespmem:s21], [sflag:$0xB], $0x80, $0x38;
	[tilespmem:$0x10A00] =	vst v63  }
0x55a: {  	s18 =	sadd.s32 s5, s10;
	s21 =	simm.s32 $0xCA40  }
0x55b: {  	[hbm4b:s18+s3] =	stream.linear.scatter [tilespmem:s21], [sflag:$0xB], $0x80, $0x38;
	[tilespmem:$0x10A00] =	vst v63  }
0x55c: {  	s19 =	sadd.s32 $0x10, s18;
	s21 =	simm.s32 $0xCAC8  }
0x55d: {  	[hbm4b:s19+s3] =	stream.linear.scatter [tilespmem:s21], [sflag:$0xB], $0x80, $0x38;
	[tilespmem:$0x10A00] =	vst v63  }
0x55e: {  	s19 =	sadd.s32 $0x20, s18;
	s21 =	simm.s32 $0xCB50  }
0x55f: {  	[hbm4b:s19+s3] =	stream.linear.scatter [tilespmem:s21], [sflag:$0xB], $0x80, $0x38;
	[tilespmem:$0x10A00] =	vst v63  }
0x560: {  	s19 =	sadd.s32 $0x30, s18;
	s21 =	simm.s32 $0xCBD8  }
0x561: {  	[hbm4b:s19+s3] =	stream.linear.scatter [tilespmem:s21], [sflag:$0xB], $0x80, $0x38;
	[tilespmem:$0x10A00] =	vst v63  }
0x562: {  	s19 =	sadd.s32 $0x40, s18;
	s21 =	simm.s32 $0xCC60  }
0x563: {  	[hbm4b:s19+s3] =	stream.linear.scatter [tilespmem:s21], [sflag:$0xB], $0x80, $0x38;
	[tilespmem:$0x10A00] =	vst v63  }
0x564: {  	s19 =	sadd.s32 $0x50, s18;
	s21 =	simm.s32 $0xCCE8  }
0x565: {  	[hbm4b:s19+s3] =	stream.linear.scatter [tilespmem:s21], [sflag:$0xB], $0x80, $0x38;
	[tilespmem:$0x10A00] =	vst v63  }
0x566: {  	s19 =	sadd.s32 $0x60, s18;
	s21 =	simm.s32 $0xCD70  }
0x567: {  	[hbm4b:s19+s3] =	stream.linear.scatter [tilespmem:s21], [sflag:$0xB], $0x80, $0x38;
	[tilespmem:$0x10A00] =	vst v63  }
0x568: {  	s18 =	sadd.s32 $0x70, s18;
	s21 =	simm.s32 $0xCDF8  }
0x569: {  	[hbm4b:s18+s3] =	stream.linear.scatter [tilespmem:s21], [sflag:$0xB], $0x80, $0x38;
	[tilespmem:$0x10A00] =	vst v63  }
0x56a: {  	s18 =	sadd.s32 s5, s11;
	s21 =	simm.s32 $0xCE80  }
0x56b: {  	[hbm4b:s18+s3] =	stream.linear.scatter [tilespmem:s21], [sflag:$0xB], $0x80, $0x38;
	[tilespmem:$0x10A00] =	vst v63  }
0x56c: {  	s19 =	sadd.s32 $0x10, s18;
	s21 =	simm.s32 $0xCF08  }
0x56d: {  	[hbm4b:s19+s3] =	stream.linear.scatter [tilespmem:s21], [sflag:$0xB], $0x80, $0x38;
	[tilespmem:$0x10A00] =	vst v63  }
0x56e: {  	s19 =	sadd.s32 $0x20, s18;
	s21 =	simm.s32 $0xCF90  }
0x56f: {  	[hbm4b:s19+s3] =	stream.linear.scatter [tilespmem:s21], [sflag:$0xB], $0x80, $0x38;
	[tilespmem:$0x10A00] =	vst v63  }
0x570: {  	s19 =	sadd.s32 $0x30, s18;
	s21 =	simm.s32 $0xD018  }
0x571: {  	[hbm4b:s19+s3] =	stream.linear.scatter [tilespmem:s21], [sflag:$0xB], $0x80, $0x38;
	[tilespmem:$0x10A00] =	vst v63  }
0x572: {  	s19 =	sadd.s32 $0x40, s18;
	s21 =	simm.s32 $0xD0A0  }
0x573: {  	[hbm4b:s19+s3] =	stream.linear.scatter [tilespmem:s21], [sflag:$0xB], $0x80, $0x38;
	[tilespmem:$0x10A00] =	vst v63  }
0x574: {  	s19 =	sadd.s32 $0x50, s18;
	s21 =	simm.s32 $0xD128  }
0x575: {  	[hbm4b:s19+s3] =	stream.linear.scatter [tilespmem:s21], [sflag:$0xB], $0x80, $0x38;
	[tilespmem:$0x10A00] =	vst v63  }
0x576: {  	s19 =	sadd.s32 $0x60, s18;
	s21 =	simm.s32 $0xD1B0  }
0x577: {  	[hbm4b:s19+s3] =	stream.linear.scatter [tilespmem:s21], [sflag:$0xB], $0x80, $0x38;
	[tilespmem:$0x10A00] =	vst v63  }
0x578: {  	s18 =	sadd.s32 $0x70, s18;
	s21 =	simm.s32 $0xD238  }
0x579: {  	[hbm4b:s18+s3] =	stream.linear.scatter [tilespmem:s21], [sflag:$0xB], $0x80, $0x38;
	[tilespmem:$0x10A00] =	vst v63  }
0x57a: {  	s18 =	sadd.s32 s5, s12;
	s21 =	simm.s32 $0xD2C0  }
0x57b: {  	[hbm4b:s18+s3] =	stream.linear.scatter [tilespmem:s21], [sflag:$0xB], $0x80, $0x38;
	[tilespmem:$0x10A00] =	vst v63  }
0x57c: {  	s19 =	sadd.s32 $0x10, s18;
	s21 =	simm.s32 $0xD348  }
0x57d: {  	[hbm4b:s19+s3] =	stream.linear.scatter [tilespmem:s21], [sflag:$0xB], $0x80, $0x38;
	[tilespmem:$0x10A00] =	vst v63  }
0x57e: {  	s19 =	sadd.s32 $0x20, s18;
	s21 =	simm.s32 $0xD3D0  }
0x57f: {  	[hbm4b:s19+s3] =	stream.linear.scatter [tilespmem:s21], [sflag:$0xB], $0x80, $0x38;
	[tilespmem:$0x10A00] =	vst v63  }
0x580: {  	s19 =	sadd.s32 $0x30, s18;
	s21 =	simm.s32 $0xD458  }
0x581: {  	[hbm4b:s19+s3] =	stream.linear.scatter [tilespmem:s21], [sflag:$0xB], $0x80, $0x38;
	[tilespmem:$0x10A00] =	vst v63  }
0x582: {  	s19 =	sadd.s32 $0x40, s18;
	s21 =	simm.s32 $0xD4E0  }
0x583: {  	[hbm4b:s19+s3] =	stream.linear.scatter [tilespmem:s21], [sflag:$0xB], $0x80, $0x38;
	[tilespmem:$0x10A00] =	vst v63  }
0x584: {  	s19 =	sadd.s32 $0x50, s18;
	s21 =	simm.s32 $0xD568  }
0x585: {  	[hbm4b:s19+s3] =	stream.linear.scatter [tilespmem:s21], [sflag:$0xB], $0x80, $0x38;
	[tilespmem:$0x10A00] =	vst v63  }
0x586: {  	s19 =	sadd.s32 $0x60, s18;
	s21 =	simm.s32 $0xD5F0  }
0x587: {  	[hbm4b:s19+s3] =	stream.linear.scatter [tilespmem:s21], [sflag:$0xB], $0x80, $0x38;
	[tilespmem:$0x10A00] =	vst v63  }
0x588: {  	s18 =	sadd.s32 $0x70, s18;
	s21 =	simm.s32 $0xD678  }
0x589: {  	[hbm4b:s18+s3] =	stream.linear.scatter [tilespmem:s21], [sflag:$0xB], $0x80, $0x38;
	[tilespmem:$0x10A00] =	vst v63  }
0x58a: {  	s18 =	sadd.s32 s5, s13;
	s21 =	simm.s32 $0xD700  }
0x58b: {  	[hbm4b:s18+s3] =	stream.linear.scatter [tilespmem:s21], [sflag:$0xB], $0x80, $0x38;
	[tilespmem:$0x10A00] =	vst v63  }
0x58c: {  	s19 =	sadd.s32 $0x10, s18;
	s21 =	simm.s32 $0xD788  }
0x58d: {  	[hbm4b:s19+s3] =	stream.linear.scatter [tilespmem:s21], [sflag:$0xB], $0x80, $0x38;
	[tilespmem:$0x10A00] =	vst v63  }
0x58e: {  	s19 =	sadd.s32 $0x20, s18;
	s21 =	simm.s32 $0xD810  }
0x58f: {  	[hbm4b:s19+s3] =	stream.linear.scatter [tilespmem:s21], [sflag:$0xB], $0x80, $0x38;
	[tilespmem:$0x10A00] =	vst v63  }
0x590: {  	s19 =	sadd.s32 $0x30, s18;
	s21 =	simm.s32 $0xD898  }
0x591: {  	[hbm4b:s19+s3] =	stream.linear.scatter [tilespmem:s21], [sflag:$0xB], $0x80, $0x38;
	[tilespmem:$0x10A00] =	vst v63  }
0x592: {  	s19 =	sadd.s32 $0x40, s18;
	s21 =	simm.s32 $0xD920  }
0x593: {  	[hbm4b:s19+s3] =	stream.linear.scatter [tilespmem:s21], [sflag:$0xB], $0x80, $0x38;
	[tilespmem:$0x10A00] =	vst v63  }
0x594: {  	s19 =	sadd.s32 $0x50, s18;
	s21 =	simm.s32 $0xD9A8  }
0x595: {  	[hbm4b:s19+s3] =	stream.linear.scatter [tilespmem:s21], [sflag:$0xB], $0x80, $0x38;
	[tilespmem:$0x10A00] =	vst v63  }
0x596: {  	s19 =	sadd.s32 $0x60, s18;
	s21 =	simm.s32 $0xDA30  }
0x597: {  	[hbm4b:s19+s3] =	stream.linear.scatter [tilespmem:s21], [sflag:$0xB], $0x80, $0x38;
	[tilespmem:$0x10A00] =	vst v63  }
0x598: {  	s18 =	sadd.s32 $0x70, s18;
	s21 =	simm.s32 $0xDAB8  }
0x599: {  	[hbm4b:s18+s3] =	stream.linear.scatter [tilespmem:s21], [sflag:$0xB], $0x80, $0x38;
	[tilespmem:$0x10A00] =	vst v63  }
0x59a: {  	s18 =	sadd.s32 s5, s14;
	s21 =	simm.s32 $0xDB40  }
0x59b: {  	[hbm4b:s18+s3] =	stream.linear.scatter [tilespmem:s21], [sflag:$0xB], $0x80, $0x38;
	[tilespmem:$0x10A00] =	vst v63  }
0x59c: {  	s19 =	sadd.s32 $0x10, s18;
	s21 =	simm.s32 $0xDBC8  }
0x59d: {  	[hbm4b:s19+s3] =	stream.linear.scatter [tilespmem:s21], [sflag:$0xB], $0x80, $0x38;
	[tilespmem:$0x10A00] =	vst v63  }
0x59e: {  	s19 =	sadd.s32 $0x20, s18;
	s21 =	simm.s32 $0xDC50  }
0x59f: {  	[hbm4b:s19+s3] =	stream.linear.scatter [tilespmem:s21], [sflag:$0xB], $0x80, $0x38;
	[tilespmem:$0x10A00] =	vst v63  }
0x5a0: {  	s19 =	sadd.s32 $0x30, s18;
	s21 =	simm.s32 $0xDCD8  }
0x5a1: {  	[hbm4b:s19+s3] =	stream.linear.scatter [tilespmem:s21], [sflag:$0xB], $0x80, $0x38;
	[tilespmem:$0x10A00] =	vst v63  }
0x5a2: {  	s19 =	sadd.s32 $0x40, s18;
	s21 =	simm.s32 $0xDD60  }
0x5a3: {  	[hbm4b:s19+s3] =	stream.linear.scatter [tilespmem:s21], [sflag:$0xB], $0x80, $0x38;
	[tilespmem:$0x10A00] =	vst v63  }
0x5a4: {  	s19 =	sadd.s32 $0x50, s18;
	s21 =	simm.s32 $0xDDE8  }
0x5a5: {  	[hbm4b:s19+s3] =	stream.linear.scatter [tilespmem:s21], [sflag:$0xB], $0x80, $0x38;
	[tilespmem:$0x10A00] =	vst v63  }
0x5a6: {  	s19 =	sadd.s32 $0x60, s18;
	s21 =	simm.s32 $0xDE70  }
0x5a7: {  	[hbm4b:s19+s3] =	stream.linear.scatter [tilespmem:s21], [sflag:$0xB], $0x80, $0x38;
	[tilespmem:$0x10A00] =	vst v63  }
0x5a8: {  	s18 =	sadd.s32 $0x70, s18;
	s21 =	simm.s32 $0xDEF8  }
0x5a9: {  	[hbm4b:s18+s3] =	stream.linear.scatter [tilespmem:s21], [sflag:$0xB], $0x80, $0x38;
	[tilespmem:$0x10A00] =	vst v63  }
0x5aa: {  	s18 =	sadd.s32 s5, s15;
	s21 =	simm.s32 $0xDF80  }
0x5ab: {  	[hbm4b:s18+s3] =	stream.linear.scatter [tilespmem:s21], [sflag:$0xB], $0x80, $0x38;
	[tilespmem:$0x10A00] =	vst v63  }
0x5ac: {  	s19 =	sadd.s32 $0x10, s18;
	s21 =	simm.s32 $0xE008  }
0x5ad: {  	[hbm4b:s19+s3] =	stream.linear.scatter [tilespmem:s21], [sflag:$0xB], $0x80, $0x38;
	[tilespmem:$0x10A00] =	vst v63  }
0x5ae: {  	s19 =	sadd.s32 $0x20, s18;
	s21 =	simm.s32 $0xE090  }
0x5af: {  	[hbm4b:s19+s3] =	stream.linear.scatter [tilespmem:s21], [sflag:$0xB], $0x80, $0x38;
	[tilespmem:$0x10A00] =	vst v63  }
0x5b0: {  	s19 =	sadd.s32 $0x30, s18;
	s21 =	simm.s32 $0xE118  }
0x5b1: {  	[hbm4b:s19+s3] =	stream.linear.scatter [tilespmem:s21], [sflag:$0xB], $0x80, $0x38;
	[tilespmem:$0x10A00] =	vst v63  }
0x5b2: {  	s19 =	sadd.s32 $0x40, s18;
	s21 =	simm.s32 $0xE1A0  }
0x5b3: {  	[hbm4b:s19+s3] =	stream.linear.scatter [tilespmem:s21], [sflag:$0xB], $0x80, $0x38;
	[tilespmem:$0x10A00] =	vst v63  }
0x5b4: {  	s19 =	sadd.s32 $0x50, s18;
	s21 =	simm.s32 $0xE228  }
0x5b5: {  	[hbm4b:s19+s3] =	stream.linear.scatter [tilespmem:s21], [sflag:$0xB], $0x80, $0x38;
	[tilespmem:$0x10A00] =	vst v63  }
0x5b6: {  	s19 =	sadd.s32 $0x60, s18;
	s21 =	simm.s32 $0xE2B0  }
0x5b7: {  	[hbm4b:s19+s3] =	stream.linear.scatter [tilespmem:s21], [sflag:$0xB], $0x80, $0x38;
	[tilespmem:$0x10A00] =	vst v63  }
0x5b8: {  	s18 =	sadd.s32 $0x70, s18;
	s21 =	simm.s32 $0xE338  }
0x5b9: {  	[hbm4b:s18+s3] =	stream.linear.scatter [tilespmem:s21], [sflag:$0xB], $0x80, $0x38;
	[tilespmem:$0x10A00] =	vst v63  }
0x5ba: {  	s5 =	sadd.s32 s5, s16;
	s21 =	simm.s32 $0xE3C0  }
0x5bb: {  	[hbm4b:s5+s3] =	stream.linear.scatter [tilespmem:s21], [sflag:$0xB], $0x80, $0x38;
	[tilespmem:$0x10A00] =	vst v63  }
0x5bc: {  	s19 =	sadd.s32 $0x10, s5;
	s21 =	simm.s32 $0xE448  }
0x5bd: {  	[hbm4b:s19+s3] =	stream.linear.scatter [tilespmem:s21], [sflag:$0xB], $0x80, $0x38;
	[tilespmem:$0x10A00] =	vst v63  }
0x5be: {  	s19 =	sadd.s32 $0x20, s5;
	s21 =	simm.s32 $0xE4D0  }
0x5bf: {  	[hbm4b:s19+s3] =	stream.linear.scatter [tilespmem:s21], [sflag:$0xB], $0x80, $0x38;
	[tilespmem:$0x10A00] =	vst v63  }
0x5c0: {  	s19 =	sadd.s32 $0x30, s5;
	s21 =	simm.s32 $0xE558  }
0x5c1: {  	[hbm4b:s19+s3] =	stream.linear.scatter [tilespmem:s21], [sflag:$0xB], $0x80, $0x38;
	[tilespmem:$0x10A00] =	vst v63  }
0x5c2: {  	s19 =	sadd.s32 $0x40, s5;
	s21 =	simm.s32 $0xE5E0  }
0x5c3: {  	[hbm4b:s19+s3] =	stream.linear.scatter [tilespmem:s21], [sflag:$0xB], $0x80, $0x38;
	[tilespmem:$0x10A00] =	vst v63  }
0x5c4: {  	p2 =	sne.s32 s8, $0x31;
	s19 =	sadd.s32 $0x50, s5;
	s21 =	simm.s32 $0xE668  }
0x5c5: {  	[hbm4b:s19+s3] =	stream.linear.scatter [tilespmem:s21], [sflag:$0xB], $0x80, $0x38;
	[tilespmem:$0x10A00] =	vst v63  }
.Ltmp5:
0x5c6: {  	_ = 	snop;
	(pc) =	sbr.rel @p2 .LBB2_10-.Ltmp5, $4  }
0x5c7: {  	s19 =	sadd.s32 $0x60, s5;
	s21 =	simm.s32 $0xE6F0  }
0x5c8: {  	[hbm4b:s19+s3] =	stream.linear.scatter [tilespmem:s21], [sflag:$0xB], $0x80, $0x38;
	[tilespmem:$0x10A00] =	vst v63  }
0x5c9: {  	s5 =	sadd.s32 $0x70, s5;
	s21 =	simm.s32 $0xE778  }
0x5ca: {  	[hbm4b:s5+s3] =	stream.linear.scatter [tilespmem:s21], [sflag:$0xB], $0x80, $0x38;
	[tilespmem:$0x10A00] =	vst v63  }
.Ltmp6:
0x5cb: {  	(pc) =	sbr.rel .LBB2_11-.Ltmp6, $4  }
0x5cc: {  	_ = 	snop  }
0x5cd: {  	_ =	swait.ge [sflag:s20], $0x2000  }
0x5ce: {  	[sflag:s20] =	ssyncset.done $0x0  }
0x5cf: {  	[sflag:s20] =	ssyncadd.s32 $0xFFFFE000  }
.LBB2_10:
0x5d0: {  	s5 =	sshll.u32 s23, $0x4;
	s18 =	rddreg [dreg:$0xb]  }
0x5d1: {  	s21 =	simm.s32 $0x100;
	s19 =	simm.s32 $0x1;
	s5 =	sadd.s32 s18, s5  }
0x5d2: {  	[tilespmem:s21], [sflag:$0x3] =	stream.linear.gather [hbm4b:s5+s3], $0x80, $0x38;
	[tilespmem:$0x10A00] =	vst v63  }
0x5d3: {  	_ =	swait.ge [sflag:s19], $0x80  }
0x5d4: {  	[sflag:s19] =	ssyncset.done $0x0  }
.Ltmp7:
0x5d5: {  	s21 =	simm.s32 $0x200;
	[sflag:s19] =	ssyncadd.s32 $0xFFFFFF80;
	(pc) =	sbr.rel @p0 .LBB2_12-.Ltmp7, $4  }
0x5d6: {  	[tilespmem:s21], [sflag:$0x5] =	stream.indirect.gather [hbm4b:s4+s22], $0x40, s3, s22, $0xb8;
	[tilespmem:$0x10A00] =	vst v63  }
0x5d7: {  	_ =	swait.ge [sflag:s20], $0x2000  }
0x5d8: {  	[sflag:s20] =	ssyncset.done $0x0  }
0x5d9: {  	[sflag:s20] =	ssyncadd.s32 $0xFFFFE000  }
.LBB2_11:
0x5da: {  	_ =	swait.ge [sflag:s0], $0x400  }
0x5db: {  	[sflag:s0] =	ssyncset.done $0x0  }
0x5dc: {  	[sflag:s0] =	ssyncadd.s32 $0xFFFFFC00  }
0x5dd: {  	_ =	swait.ge [sflag:s0], $0x400  }
0x5de: {  	[sflag:s0] =	ssyncset.done $0x0  }
0x5df: {  	[sflag:s0] =	ssyncadd.s32 $0xFFFFFC00  }
0x5e0: {  	_ =	swait.ge [sflag:s0], $0x400  }
0x5e1: {  	[sflag:s0] =	ssyncset.done $0x0  }
0x5e2: {  	[sflag:s0] =	ssyncadd.s32 $0xFFFFFC00  }
0x5e3: {  	_ =	swait.ge [sflag:s0], $0x400  }
0x5e4: {  	[sflag:s0] =	ssyncset.done $0x0  }
0x5e5: {  	[sflag:s0] =	ssyncadd.s32 $0xFFFFFC00  }
0x5e6: {  	_ =	swait.ge [sflag:s0], $0x400  }
0x5e7: {  	[sflag:s0] =	ssyncset.done $0x0  }
0x5e8: {  	[sflag:s0] =	ssyncadd.s32 $0xFFFFFC00  }
0x5e9: {  	_ =	swait.ge [sflag:s0], $0x400  }
0x5ea: {  	[sflag:s0] =	ssyncset.done $0x0  }
0x5eb: {  	[sflag:s0] =	ssyncadd.s32 $0xFFFFFC00  }
0x5ec: {  	_ =	swait.ge [sflag:s0], $0x400  }
0x5ed: {  	[sflag:s0] =	ssyncset.done $0x0  }
0x5ee: {  	[sflag:s0] =	ssyncadd.s32 $0xFFFFFC00  }
0x5ef: {  	_ =	swait.ge [sflag:s0], $0x400  }
0x5f0: {  	[sflag:s0] =	ssyncset.done $0x0  }
0x5f1: {  	[sflag:s0] =	ssyncadd.s32 $0xFFFFFC00  }
.LBB2_12:
0x5f2: {  	s5 =	simm.s32 $0x0  }
0x5f3: {  	v33 =	vmov s5  }
0x5f4: {  	v33 =	vshrl.u32 v33, $0x3  }
0x5f5: {  	v33 =	vshll.u32 v33, v1  }
0x5f6: {  	v33 =	vbroadcast v33, $0x0  }
0x5f7: {  	s5 =	simm.s32 $0x6300  }
0x5f8: {  	v34 =	vld [tilespmem:s5+$0xFFFFFF00];
	v35 =	vadd.s32 v0, v33;
	_ =	sdelay $0x4  }
0x5f9: {  	[tilespmem:v35+s6+$0x0] =	vst.idx.msk $0xffff, v34  }
0x5fa: {  	v56 =	vadd.s32 v2, v33;
	v34 =	vld [tilespmem:s5+$0xFFFFFF10];
	_ =	sdelay $0x4  }
0x5fb: {  	[tilespmem:v56+s6+$0x0] =	vst.idx.msk $0xffff, v34  }
0x5fc: {  	v57 =	vadd.s32 v3, v33;
	v34 =	vld [tilespmem:s5+$0xFFFFFF20];
	_ =	sdelay $0x4  }
0x5fd: {  	[tilespmem:v57+s6+$0x0] =	vst.idx.msk $0xffff, v34  }
0x5fe: {  	s18 =	simm.s32 $0x1;
	v33 =	vadd.s32 v4, v33;
	v34 =	vld [tilespmem:s5+$0xFFFFFF30]  }
0x5ff: {  	v58 =	vmov s18  }
0x600: {  	v35 =	vshrl.u32 v58, $0x3  }
0x601: {  	v35 =	vshll.u32 v35, v1  }
0x602: {  	v35 =	vbroadcast v35, $0x0  }
0x603: {  	[tilespmem:v33+s6+$0x0] =	vst.idx.msk $0xffff, v34  }
0x604: {  	v59 =	vadd.s32 v5, v35;
	v33 =	vld [tilespmem:s5+$0xFFFFFF40];
	_ =	sdelay $0x4  }
0x605: {  	[tilespmem:v59+s6+$0x0] =	vst.idx.msk $0xffff, v33  }
0x606: {  	v60 =	vadd.s32 v6, v35;
	v33 =	vld [tilespmem:s5+$0xFFFFFF50];
	_ =	sdelay $0x4  }
0x607: {  	[tilespmem:v60+s6+$0x0] =	vst.idx.msk $0xffff, v33  }
0x608: {  	v61 =	vadd.s32 v7, v35;
	v33 =	vld [tilespmem:s5+$0xFFFFFF60];
	_ =	sdelay $0x4  }
0x609: {  	[tilespmem:v61+s6+$0x0] =	vst.idx.msk $0xffff, v33  }
0x60a: {  	s19 =	simm.s32 $0x2;
	v62 =	vadd.s32 v8, v35;
	v33 =	vld [tilespmem:s5+$0xFFFFFF70]  }
0x60b: {  	v63 =	vmov s19  }
0x60c: {  	v35 =	vshrl.u32 v63, $0x3  }
0x60d: {  	v35 =	vshll.u32 v35, v1  }
0x60e: {  	v35 =	vbroadcast v35, $0x0  }
0x60f: {  	[tilespmem:v62+s6+$0x0] =	vst.idx.msk $0xffff, v33  }
0x610: {  	v36 =	vadd.s32 v9, v35;
	v33 =	vld [tilespmem:s5+$0xFFFFFF80];
	_ =	sdelay $0x4  }
0x611: {  	[tilespmem:v36+s6+$0x0] =	vst.idx.msk $0xffff, v33  }
0x612: {  	v37 =	vadd.s32 v10, v35;
	v33 =	vld [tilespmem:s5+$0xFFFFFF90];
	_ =	sdelay $0x4  }
0x613: {  	[tilespmem:v37+s6+$0x0] =	vst.idx.msk $0xffff, v33  }
0x614: {  	v38 =	vadd.s32 v11, v35;
	v33 =	vld [tilespmem:s5+$0xFFFFFFA0];
	_ =	sdelay $0x4  }
0x615: {  	[tilespmem:v38+s6+$0x0] =	vst.idx.msk $0xffff, v33  }
0x616: {  	s21 =	simm.s32 $0x3;
	v39 =	vadd.s32 v12, v35;
	v33 =	vld [tilespmem:s5+$0xFFFFFFB0]  }
0x617: {  	v40 =	vmov s21  }
0x618: {  	v35 =	vshrl.u32 v40, $0x3  }
0x619: {  	v35 =	vshll.u32 v35, v1  }
0x61a: {  	v35 =	vbroadcast v35, $0x0  }
0x61b: {  	[tilespmem:v39+s6+$0x0] =	vst.idx.msk $0xffff, v33  }
0x61c: {  	v41 =	vadd.s32 v13, v35;
	v33 =	vld [tilespmem:s5+$0xFFFFFFC0];
	_ =	sdelay $0x4  }
0x61d: {  	[tilespmem:v41+s6+$0x0] =	vst.idx.msk $0xffff, v33  }
0x61e: {  	v42 =	vadd.s32 v14, v35;
	v33 =	vld [tilespmem:s5+$0xFFFFFFD0];
	_ =	sdelay $0x4  }
0x61f: {  	[tilespmem:v42+s6+$0x0] =	vst.idx.msk $0xffff, v33  }
0x620: {  	v43 =	vadd.s32 v15, v35;
	v33 =	vld [tilespmem:s5+$0xFFFFFFE0];
	_ =	sdelay $0x4  }
0x621: {  	[tilespmem:v43+s6+$0x0] =	vst.idx.msk $0xffff, v33  }
0x622: {  	s19 =	simm.s32 $0x4;
	v44 =	vadd.s32 v16, v35;
	v33 =	vld [tilespmem:s5+$0xFFFFFFF0]  }
0x623: {  	v45 =	vmov s19  }
0x624: {  	v35 =	vshrl.u32 v45, $0x3  }
0x625: {  	v35 =	vshll.u32 v35, v1  }
0x626: {  	v35 =	vbroadcast v35, $0x0  }
0x627: {  	[tilespmem:v44+s6+$0x0] =	vst.idx.msk $0xffff, v33  }
0x628: {  	v46 =	vadd.s32 v17, v35;
	v33 =	vld [tilespmem:s5+$0x0];
	_ =	sdelay $0x4  }
0x629: {  	[tilespmem:v46+s6+$0x0] =	vst.idx.msk $0xffff, v33  }
0x62a: {  	v47 =	vadd.s32 v18, v35;
	v33 =	vld [tilespmem:s5+$0x10];
	_ =	sdelay $0x4  }
0x62b: {  	[tilespmem:v47+s6+$0x0] =	vst.idx.msk $0xffff, v33  }
0x62c: {  	v48 =	vadd.s32 v19, v35;
	v33 =	vld [tilespmem:s5+$0x20];
	_ =	sdelay $0x4  }
0x62d: {  	[tilespmem:v48+s6+$0x0] =	vst.idx.msk $0xffff, v33  }
0x62e: {  	s21 =	simm.s32 $0x5;
	v49 =	vadd.s32 v20, v35;
	v33 =	vld [tilespmem:s5+$0x30]  }
0x62f: {  	v50 =	vmov s21  }
0x630: {  	v35 =	vshrl.u32 v50, $0x3  }
0x631: {  	v35 =	vshll.u32 v35, v1  }
0x632: {  	v35 =	vbroadcast v35, $0x0  }
0x633: {  	[tilespmem:v49+s6+$0x0] =	vst.idx.msk $0xffff, v33  }
0x634: {  	v51 =	vadd.s32 v21, v35;
	v33 =	vld [tilespmem:s5+$0x40];
	_ =	sdelay $0x4  }
0x635: {  	[tilespmem:v51+s6+$0x0] =	vst.idx.msk $0xffff, v33  }
0x636: {  	v52 =	vadd.s32 v22, v35;
	v33 =	vld [tilespmem:s5+$0x50];
	_ =	sdelay $0x4  }
0x637: {  	[tilespmem:v52+s6+$0x0] =	vst.idx.msk $0xffff, v33  }
0x638: {  	v53 =	vadd.s32 v23, v35;
	v33 =	vld [tilespmem:s5+$0x60];
	_ =	sdelay $0x4  }
0x639: {  	[tilespmem:v53+s6+$0x0] =	vst.idx.msk $0xffff, v33  }
0x63a: {  	s19 =	simm.s32 $0x6;
	v54 =	vadd.s32 v24, v35;
	v33 =	vld [tilespmem:s5+$0x70]  }
0x63b: {  	v55 =	vmov s19  }
0x63c: {  	v35 =	vshrl.u32 v55, $0x3  }
0x63d: {  	v35 =	vshll.u32 v35, v1  }
0x63e: {  	v35 =	vbroadcast v35, $0x0  }
0x63f: {  	[tilespmem:v54+s6+$0x0] =	vst.idx.msk $0xffff, v33  }
0x640: {  	v56 =	vadd.s32 v25, v35;
	v33 =	vld [tilespmem:s5+$0x80];
	_ =	sdelay $0x4  }
0x641: {  	[tilespmem:v56+s6+$0x0] =	vst.idx.msk $0xffff, v33  }
0x642: {  	v57 =	vadd.s32 v26, v35;
	v33 =	vld [tilespmem:s5+$0x90];
	_ =	sdelay $0x4  }
0x643: {  	[tilespmem:v57+s6+$0x0] =	vst.idx.msk $0xffff, v33  }
0x644: {  	v58 =	vadd.s32 v27, v35;
	v33 =	vld [tilespmem:s5+$0xA0];
	_ =	sdelay $0x4  }
0x645: {  	[tilespmem:v58+s6+$0x0] =	vst.idx.msk $0xffff, v33  }
0x646: {  	s21 =	simm.s32 $0x7;
	v59 =	vadd.s32 v28, v35;
	v33 =	vld [tilespmem:s5+$0xB0]  }
0x647: {  	v60 =	vmov s21  }
0x648: {  	v35 =	vshrl.u32 v60, $0x3  }
0x649: {  	v35 =	vshll.u32 v35, v1  }
0x64a: {  	v35 =	vbroadcast v35, $0x0  }
0x64b: {  	[tilespmem:v59+s6+$0x0] =	vst.idx.msk $0xffff, v33  }
0x64c: {  	v61 =	vadd.s32 v29, v35;
	v33 =	vld [tilespmem:s5+$0xC0];
	_ =	sdelay $0x4  }
0x64d: {  	[tilespmem:v61+s6+$0x0] =	vst.idx.msk $0xffff, v33  }
0x64e: {  	v62 =	vadd.s32 v30, v35;
	v33 =	vld [tilespmem:s5+$0xD0];
	_ =	sdelay $0x4  }
0x64f: {  	[tilespmem:v62+s6+$0x0] =	vst.idx.msk $0xffff, v33  }
0x650: {  	v63 =	vadd.s32 v31, v35;
	v33 =	vld [tilespmem:s5+$0xE0];
	_ =	sdelay $0x4  }
0x651: {  	[tilespmem:v63+s6+$0x0] =	vst.idx.msk $0xffff, v33  }
0x652: {  	s18 =	simm.s32 $0xF;
	s19 =	simm.s32 $0x17;
	s21 =	simm.s32 $0x8;
	v34 =	vadd.s32 v32, v35;
	v33 =	vld [tilespmem:s5+$0xF0]  }
.LBB2_13:
0x653: {  	p0 =	sne.s32 s19, $0x7F;
	v35 =	vmov s21  }
0x654: {  	v35 =	vshrl.u32 v35, $0x3  }
0x655: {  	v35 =	vshll.u32 v35, v1  }
0x656: {  	v35 =	vbroadcast v35, $0x0  }
0x657: {  	s5 =	sadd.s32 $0x200, s5;
	[tilespmem:v34+s6+$0x0] =	vst.idx.msk $0xffff, v33  }
0x658: {  	v33 =	vld [tilespmem:s5+$0xFFFFFF00];
	v34 =	vadd.s32 v0, v35;
	_ =	sdelay $0x4  }
0x659: {  	[tilespmem:v34+s6+$0x0] =	vst.idx.msk $0xffff, v33  }
0x65a: {  	v34 =	vadd.s32 v2, v35;
	v33 =	vld [tilespmem:s5+$0xFFFFFF10];
	_ =	sdelay $0x4  }
0x65b: {  	[tilespmem:v34+s6+$0x0] =	vst.idx.msk $0xffff, v33  }
0x65c: {  	v34 =	vadd.s32 v3, v35;
	v33 =	vld [tilespmem:s5+$0xFFFFFF20];
	_ =	sdelay $0x4  }
0x65d: {  	[tilespmem:v34+s6+$0x0] =	vst.idx.msk $0xffff, v33  }
0x65e: {  	s21 =	sadd.s32 $0xFFFFFFFA, s18;
	v34 =	vadd.s32 v4, v35;
	v33 =	vld [tilespmem:s5+$0xFFFFFF30]  }
0x65f: {  	v35 =	vmov s21  }
0x660: {  	v35 =	vshrl.u32 v35, $0x3  }
0x661: {  	v35 =	vshll.u32 v35, v1  }
0x662: {  	v35 =	vbroadcast v35, $0x0  }
0x663: {  	[tilespmem:v34+s6+$0x0] =	vst.idx.msk $0xffff, v33  }
0x664: {  	v34 =	vadd.s32 v5, v35;
	v33 =	vld [tilespmem:s5+$0xFFFFFF40];
	_ =	sdelay $0x4  }
0x665: {  	[tilespmem:v34+s6+$0x0] =	vst.idx.msk $0xffff, v33  }
0x666: {  	v34 =	vadd.s32 v6, v35;
	v33 =	vld [tilespmem:s5+$0xFFFFFF50];
	_ =	sdelay $0x4  }
0x667: {  	[tilespmem:v34+s6+$0x0] =	vst.idx.msk $0xffff, v33  }
0x668: {  	v34 =	vadd.s32 v7, v35;
	v33 =	vld [tilespmem:s5+$0xFFFFFF60];
	_ =	sdelay $0x4  }
0x669: {  	[tilespmem:v34+s6+$0x0] =	vst.idx.msk $0xffff, v33  }
0x66a: {  	s21 =	sadd.s32 $0xFFFFFFFB, s18;
	v34 =	vadd.s32 v8, v35;
	v33 =	vld [tilespmem:s5+$0xFFFFFF70]  }
0x66b: {  	v35 =	vmov s21  }
0x66c: {  	v35 =	vshrl.u32 v35, $0x3  }
0x66d: {  	v35 =	vshll.u32 v35, v1  }
0x66e: {  	v35 =	vbroadcast v35, $0x0  }
0x66f: {  	[tilespmem:v34+s6+$0x0] =	vst.idx.msk $0xffff, v33  }
0x670: {  	v34 =	vadd.s32 v9, v35;
	v33 =	vld [tilespmem:s5+$0xFFFFFF80];
	_ =	sdelay $0x4  }
0x671: {  	[tilespmem:v34+s6+$0x0] =	vst.idx.msk $0xffff, v33  }
0x672: {  	v34 =	vadd.s32 v10, v35;
	v33 =	vld [tilespmem:s5+$0xFFFFFF90];
	_ =	sdelay $0x4  }
0x673: {  	[tilespmem:v34+s6+$0x0] =	vst.idx.msk $0xffff, v33  }
0x674: {  	v34 =	vadd.s32 v11, v35;
	v33 =	vld [tilespmem:s5+$0xFFFFFFA0];
	_ =	sdelay $0x4  }
0x675: {  	[tilespmem:v34+s6+$0x0] =	vst.idx.msk $0xffff, v33  }
0x676: {  	s21 =	sadd.s32 $0xFFFFFFFC, s18;
	v34 =	vadd.s32 v12, v35;
	v33 =	vld [tilespmem:s5+$0xFFFFFFB0]  }
0x677: {  	v35 =	vmov s21  }
0x678: {  	v35 =	vshrl.u32 v35, $0x3  }
0x679: {  	v35 =	vshll.u32 v35, v1  }
0x67a: {  	v35 =	vbroadcast v35, $0x0  }
0x67b: {  	[tilespmem:v34+s6+$0x0] =	vst.idx.msk $0xffff, v33  }
0x67c: {  	v34 =	vadd.s32 v13, v35;
	v33 =	vld [tilespmem:s5+$0xFFFFFFC0];
	_ =	sdelay $0x4  }
0x67d: {  	[tilespmem:v34+s6+$0x0] =	vst.idx.msk $0xffff, v33  }
0x67e: {  	v34 =	vadd.s32 v14, v35;
	v33 =	vld [tilespmem:s5+$0xFFFFFFD0];
	_ =	sdelay $0x4  }
0x67f: {  	[tilespmem:v34+s6+$0x0] =	vst.idx.msk $0xffff, v33  }
0x680: {  	v34 =	vadd.s32 v15, v35;
	v33 =	vld [tilespmem:s5+$0xFFFFFFE0];
	_ =	sdelay $0x4  }
0x681: {  	[tilespmem:v34+s6+$0x0] =	vst.idx.msk $0xffff, v33  }
0x682: {  	s21 =	sadd.s32 $0xFFFFFFFD, s18;
	v34 =	vadd.s32 v16, v35;
	v33 =	vld [tilespmem:s5+$0xFFFFFFF0]  }
0x683: {  	v35 =	vmov s21  }
0x684: {  	v35 =	vshrl.u32 v35, $0x3  }
0x685: {  	v35 =	vshll.u32 v35, v1  }
0x686: {  	v35 =	vbroadcast v35, $0x0  }
0x687: {  	[tilespmem:v34+s6+$0x0] =	vst.idx.msk $0xffff, v33  }
0x688: {  	v34 =	vadd.s32 v17, v35;
	v33 =	vld [tilespmem:s5+$0x0];
	_ =	sdelay $0x4  }
0x689: {  	[tilespmem:v34+s6+$0x0] =	vst.idx.msk $0xffff, v33  }
0x68a: {  	v34 =	vadd.s32 v18, v35;
	v33 =	vld [tilespmem:s5+$0x10];
	_ =	sdelay $0x4  }
0x68b: {  	[tilespmem:v34+s6+$0x0] =	vst.idx.msk $0xffff, v33  }
0x68c: {  	v34 =	vadd.s32 v19, v35;
	v33 =	vld [tilespmem:s5+$0x20];
	_ =	sdelay $0x4  }
0x68d: {  	[tilespmem:v34+s6+$0x0] =	vst.idx.msk $0xffff, v33  }
0x68e: {  	s21 =	sadd.s32 $0xFFFFFFFE, s18;
	v34 =	vadd.s32 v20, v35;
	v33 =	vld [tilespmem:s5+$0x30]  }
0x68f: {  	v35 =	vmov s21  }
0x690: {  	v35 =	vshrl.u32 v35, $0x3  }
0x691: {  	v35 =	vshll.u32 v35, v1  }
0x692: {  	v35 =	vbroadcast v35, $0x0  }
0x693: {  	[tilespmem:v34+s6+$0x0] =	vst.idx.msk $0xffff, v33  }
0x694: {  	v34 =	vadd.s32 v21, v35;
	v33 =	vld [tilespmem:s5+$0x40];
	_ =	sdelay $0x4  }
0x695: {  	[tilespmem:v34+s6+$0x0] =	vst.idx.msk $0xffff, v33  }
0x696: {  	v34 =	vadd.s32 v22, v35;
	v33 =	vld [tilespmem:s5+$0x50];
	_ =	sdelay $0x4  }
0x697: {  	[tilespmem:v34+s6+$0x0] =	vst.idx.msk $0xffff, v33  }
0x698: {  	v34 =	vadd.s32 v23, v35;
	v33 =	vld [tilespmem:s5+$0x60];
	_ =	sdelay $0x4  }
0x699: {  	[tilespmem:v34+s6+$0x0] =	vst.idx.msk $0xffff, v33  }
0x69a: {  	s21 =	sadd.s32 $0xFFFFFFFF, s18;
	v34 =	vadd.s32 v24, v35;
	v33 =	vld [tilespmem:s5+$0x70]  }
0x69b: {  	v35 =	vmov s21  }
0x69c: {  	v35 =	vshrl.u32 v35, $0x3  }
0x69d: {  	v35 =	vshll.u32 v35, v1  }
0x69e: {  	v35 =	vbroadcast v35, $0x0  }
0x69f: {  	[tilespmem:v34+s6+$0x0] =	vst.idx.msk $0xffff, v33  }
0x6a0: {  	v34 =	vadd.s32 v25, v35;
	v33 =	vld [tilespmem:s5+$0x80];
	_ =	sdelay $0x4  }
0x6a1: {  	[tilespmem:v34+s6+$0x0] =	vst.idx.msk $0xffff, v33  }
0x6a2: {  	v34 =	vadd.s32 v26, v35;
	v33 =	vld [tilespmem:s5+$0x90];
	_ =	sdelay $0x4  }
0x6a3: {  	[tilespmem:v34+s6+$0x0] =	vst.idx.msk $0xffff, v33  }
0x6a4: {  	v34 =	vadd.s32 v27, v35;
	v33 =	vld [tilespmem:s5+$0xA0];
	_ =	sdelay $0x4  }
0x6a5: {  	[tilespmem:v34+s6+$0x0] =	vst.idx.msk $0xffff, v33  }
0x6a6: {  	v34 =	vadd.s32 v28, v35;
	v33 =	vld [tilespmem:s5+$0xB0]  }
0x6a7: {  	v35 =	vmov s18;
	s18 =	smov.u32 s19  }
0x6a8: {  	v35 =	vshrl.u32 v35, $0x3  }
0x6a9: {  	v35 =	vshll.u32 v35, v1  }
0x6aa: {  	v35 =	vbroadcast v35, $0x0  }
0x6ab: {  	[tilespmem:v34+s6+$0x0] =	vst.idx.msk $0xffff, v33  }
0x6ac: {  	v34 =	vadd.s32 v29, v35;
	v33 =	vld [tilespmem:s5+$0xC0];
	_ =	sdelay $0x4  }
0x6ad: {  	[tilespmem:v34+s6+$0x0] =	vst.idx.msk $0xffff, v33  }
0x6ae: {  	v34 =	vadd.s32 v30, v35;
	v33 =	vld [tilespmem:s5+$0xD0];
	_ =	sdelay $0x4  }
0x6af: {  	[tilespmem:v34+s6+$0x0] =	vst.idx.msk $0xffff, v33  }
0x6b0: {  	v34 =	vadd.s32 v31, v35;
	v33 =	vld [tilespmem:s5+$0xE0];
	_ =	sdelay $0x1  }
.Ltmp8:
0x6b1: {  	(pc) =	sbr.rel @p0 .LBB2_13-.Ltmp8, $3  }
0x6b2: {  	_ =	sdelay $0x1  }
0x6b3: {  	[tilespmem:v34+s6+$0x0] =	vst.idx.msk $0xffff, v33  }
0x6b4: {  	s19 =	sadd.s32 $0x8, s19;
	s21 =	sadd.s32 $0xFFFFFFF9, s18;
	v34 =	vadd.s32 v32, v35;
	v33 =	vld [tilespmem:s5+$0xF0]  }
0x6b5: {  	v35 =	vmov s21  }
0x6b6: {  	v35 =	vshrl.u32 v35, $0x3  }
0x6b7: {  	v35 =	vshll.u32 v35, v1  }
0x6b8: {  	v35 =	vbroadcast v35, $0x0  }
0x6b9: {  	s5 =	sadd.s32 $0x200, s5;
	[tilespmem:v34+s6+$0x0] =	vst.idx.msk $0xffff, v33  }
0x6ba: {  	v33 =	vld [tilespmem:s5+$0xFFFFFF00];
	v53 =	vadd.s32 v0, v35;
	_ =	sdelay $0x4  }
0x6bb: {  	[tilespmem:v53+s6+$0x0] =	vst.idx.msk $0xffff, v33  }
0x6bc: {  	v54 =	vadd.s32 v2, v35;
	v33 =	vld [tilespmem:s5+$0xFFFFFF10];
	_ =	sdelay $0x4  }
0x6bd: {  	[tilespmem:v54+s6+$0x0] =	vst.idx.msk $0xffff, v33  }
0x6be: {  	v55 =	vadd.s32 v3, v35;
	v33 =	vld [tilespmem:s5+$0xFFFFFF20];
	_ =	sdelay $0x4  }
0x6bf: {  	[tilespmem:v55+s6+$0x0] =	vst.idx.msk $0xffff, v33  }
0x6c0: {  	s19 =	sadd.s32 $0xFFFFFFFA, s18;
	v56 =	vadd.s32 v4, v35;
	v33 =	vld [tilespmem:s5+$0xFFFFFF30]  }
0x6c1: {  	v57 =	vmov s19  }
0x6c2: {  	v35 =	vshrl.u32 v57, $0x3  }
0x6c3: {  	v35 =	vshll.u32 v35, v1  }
0x6c4: {  	v35 =	vbroadcast v35, $0x0  }
0x6c5: {  	[tilespmem:v56+s6+$0x0] =	vst.idx.msk $0xffff, v33  }
0x6c6: {  	v58 =	vadd.s32 v5, v35;
	v33 =	vld [tilespmem:s5+$0xFFFFFF40];
	_ =	sdelay $0x4  }
0x6c7: {  	[tilespmem:v58+s6+$0x0] =	vst.idx.msk $0xffff, v33  }
0x6c8: {  	v59 =	vadd.s32 v6, v35;
	v33 =	vld [tilespmem:s5+$0xFFFFFF50];
	_ =	sdelay $0x4  }
0x6c9: {  	[tilespmem:v59+s6+$0x0] =	vst.idx.msk $0xffff, v33  }
0x6ca: {  	v60 =	vadd.s32 v7, v35;
	v33 =	vld [tilespmem:s5+$0xFFFFFF60];
	_ =	sdelay $0x4  }
0x6cb: {  	[tilespmem:v60+s6+$0x0] =	vst.idx.msk $0xffff, v33  }
0x6cc: {  	s21 =	sadd.s32 $0xFFFFFFFB, s18;
	v61 =	vadd.s32 v8, v35;
	v33 =	vld [tilespmem:s5+$0xFFFFFF70]  }
0x6cd: {  	v62 =	vmov s21  }
0x6ce: {  	v35 =	vshrl.u32 v62, $0x3  }
0x6cf: {  	v35 =	vshll.u32 v35, v1  }
0x6d0: {  	v35 =	vbroadcast v35, $0x0  }
0x6d1: {  	[tilespmem:v61+s6+$0x0] =	vst.idx.msk $0xffff, v33  }
0x6d2: {  	v63 =	vadd.s32 v9, v35;
	v33 =	vld [tilespmem:s5+$0xFFFFFF80];
	_ =	sdelay $0x4  }
0x6d3: {  	[tilespmem:v63+s6+$0x0] =	vst.idx.msk $0xffff, v33  }
0x6d4: {  	v36 =	vadd.s32 v10, v35;
	v33 =	vld [tilespmem:s5+$0xFFFFFF90];
	_ =	sdelay $0x4  }
0x6d5: {  	[tilespmem:v36+s6+$0x0] =	vst.idx.msk $0xffff, v33  }
0x6d6: {  	v37 =	vadd.s32 v11, v35;
	v33 =	vld [tilespmem:s5+$0xFFFFFFA0];
	_ =	sdelay $0x4  }
0x6d7: {  	[tilespmem:v37+s6+$0x0] =	vst.idx.msk $0xffff, v33  }
0x6d8: {  	s21 =	sadd.s32 $0xFFFFFFFC, s18;
	v38 =	vadd.s32 v12, v35;
	v33 =	vld [tilespmem:s5+$0xFFFFFFB0]  }
0x6d9: {  	v39 =	vmov s21  }
0x6da: {  	v35 =	vshrl.u32 v39, $0x3  }
0x6db: {  	v35 =	vshll.u32 v35, v1  }
0x6dc: {  	v35 =	vbroadcast v35, $0x0  }
0x6dd: {  	[tilespmem:v38+s6+$0x0] =	vst.idx.msk $0xffff, v33  }
0x6de: {  	v40 =	vadd.s32 v13, v35;
	v33 =	vld [tilespmem:s5+$0xFFFFFFC0];
	_ =	sdelay $0x4  }
0x6df: {  	[tilespmem:v40+s6+$0x0] =	vst.idx.msk $0xffff, v33  }
0x6e0: {  	v41 =	vadd.s32 v14, v35;
	v33 =	vld [tilespmem:s5+$0xFFFFFFD0];
	_ =	sdelay $0x4  }
0x6e1: {  	[tilespmem:v41+s6+$0x0] =	vst.idx.msk $0xffff, v33  }
0x6e2: {  	v42 =	vadd.s32 v15, v35;
	v33 =	vld [tilespmem:s5+$0xFFFFFFE0];
	_ =	sdelay $0x4  }
0x6e3: {  	[tilespmem:v42+s6+$0x0] =	vst.idx.msk $0xffff, v33  }
0x6e4: {  	s21 =	sadd.s32 $0xFFFFFFFD, s18;
	v43 =	vadd.s32 v16, v35;
	v33 =	vld [tilespmem:s5+$0xFFFFFFF0]  }
0x6e5: {  	v44 =	vmov s21  }
0x6e6: {  	v35 =	vshrl.u32 v44, $0x3  }
0x6e7: {  	v35 =	vshll.u32 v35, v1  }
0x6e8: {  	v35 =	vbroadcast v35, $0x0  }
0x6e9: {  	[tilespmem:v43+s6+$0x0] =	vst.idx.msk $0xffff, v33  }
0x6ea: {  	v45 =	vadd.s32 v17, v35;
	v33 =	vld [tilespmem:s5+$0x0];
	_ =	sdelay $0x4  }
0x6eb: {  	[tilespmem:v45+s6+$0x0] =	vst.idx.msk $0xffff, v33  }
0x6ec: {  	v46 =	vadd.s32 v18, v35;
	v33 =	vld [tilespmem:s5+$0x10];
	_ =	sdelay $0x4  }
0x6ed: {  	[tilespmem:v46+s6+$0x0] =	vst.idx.msk $0xffff, v33  }
0x6ee: {  	v47 =	vadd.s32 v19, v35;
	v33 =	vld [tilespmem:s5+$0x20];
	_ =	sdelay $0x4  }
0x6ef: {  	[tilespmem:v47+s6+$0x0] =	vst.idx.msk $0xffff, v33  }
0x6f0: {  	s21 =	sadd.s32 $0xFFFFFFFE, s18;
	v48 =	vadd.s32 v20, v35;
	v33 =	vld [tilespmem:s5+$0x30]  }
0x6f1: {  	v49 =	vmov s21  }
0x6f2: {  	v35 =	vshrl.u32 v49, $0x3  }
0x6f3: {  	v35 =	vshll.u32 v35, v1  }
0x6f4: {  	v35 =	vbroadcast v35, $0x0  }
0x6f5: {  	[tilespmem:v48+s6+$0x0] =	vst.idx.msk $0xffff, v33  }
0x6f6: {  	v50 =	vadd.s32 v21, v35;
	v33 =	vld [tilespmem:s5+$0x40];
	_ =	sdelay $0x4  }
0x6f7: {  	[tilespmem:v50+s6+$0x0] =	vst.idx.msk $0xffff, v33  }
0x6f8: {  	v51 =	vadd.s32 v22, v35;
	v33 =	vld [tilespmem:s5+$0x50];
	_ =	sdelay $0x4  }
0x6f9: {  	[tilespmem:v51+s6+$0x0] =	vst.idx.msk $0xffff, v33  }
0x6fa: {  	v52 =	vadd.s32 v23, v35;
	v33 =	vld [tilespmem:s5+$0x60];
	_ =	sdelay $0x4  }
0x6fb: {  	[tilespmem:v52+s6+$0x0] =	vst.idx.msk $0xffff, v33  }
0x6fc: {  	s21 =	sadd.s32 $0xFFFFFFFF, s18;
	v53 =	vadd.s32 v24, v35;
	v33 =	vld [tilespmem:s5+$0x70]  }
0x6fd: {  	v54 =	vmov s21  }
0x6fe: {  	v35 =	vshrl.u32 v54, $0x3  }
0x6ff: {  	v35 =	vshll.u32 v35, v1  }
0x700: {  	v35 =	vbroadcast v35, $0x0  }
0x701: {  	[tilespmem:v53+s6+$0x0] =	vst.idx.msk $0xffff, v33  }
0x702: {  	v55 =	vadd.s32 v25, v35;
	v33 =	vld [tilespmem:s5+$0x80];
	_ =	sdelay $0x4  }
0x703: {  	[tilespmem:v55+s6+$0x0] =	vst.idx.msk $0xffff, v33  }
0x704: {  	v56 =	vadd.s32 v26, v35;
	v33 =	vld [tilespmem:s5+$0x90];
	_ =	sdelay $0x4  }
0x705: {  	[tilespmem:v56+s6+$0x0] =	vst.idx.msk $0xffff, v33  }
0x706: {  	v57 =	vadd.s32 v27, v35;
	v33 =	vld [tilespmem:s5+$0xA0];
	_ =	sdelay $0x4  }
0x707: {  	[tilespmem:v57+s6+$0x0] =	vst.idx.msk $0xffff, v33  }
0x708: {  	v58 =	vadd.s32 v28, v35;
	v33 =	vld [tilespmem:s5+$0xB0]  }
0x709: {  	v59 =	vmov s18  }
0x70a: {  	v35 =	vshrl.u32 v59, $0x3  }
0x70b: {  	v35 =	vshll.u32 v35, v1  }
0x70c: {  	v35 =	vbroadcast v35, $0x0  }
0x70d: {  	[tilespmem:v58+s6+$0x0] =	vst.idx.msk $0xffff, v33  }
0x70e: {  	v60 =	vadd.s32 v29, v35;
	v33 =	vld [tilespmem:s5+$0xC0];
	_ =	sdelay $0x4  }
0x70f: {  	[tilespmem:v60+s6+$0x0] =	vst.idx.msk $0xffff, v33  }
0x710: {  	v61 =	vadd.s32 v30, v35;
	v33 =	vld [tilespmem:s5+$0xD0];
	_ =	sdelay $0x4  }
0x711: {  	[tilespmem:v61+s6+$0x0] =	vst.idx.msk $0xffff, v33  }
0x712: {  	v62 =	vadd.s32 v31, v35;
	v33 =	vld [tilespmem:s5+$0xE0];
	_ =	sdelay $0x4  }
0x713: {  	[tilespmem:v62+s6+$0x0] =	vst.idx.msk $0xffff, v33  }
0x714: {  	v63 =	vadd.s32 v32, v35;
	v33 =	vld [tilespmem:s5+$0xF0];
	_ =	sdelay $0x3  }
0x715: {  	s5 =	sor.u32 $0x180, s25  }
0x716: {  	s18 =	sadd.s32 s2, s5;
	[tilespmem:v63+s6+$0x0] =	vst.idx.msk $0xffff, v33  }
0x717: {  	[hbm4b:s18+s3] =	stream.linear.scatter [tilespmem:s6], [sflag:$0xC], $0x80, $0x38;
	[tilespmem:$0x10A00] =	vst v63  }
0x718: {  	s25 =	simm.s32 $0xE888;
	s21 =	sadd.s32 $0x10, s18  }
0x719: {  	[hbm4b:s21+s3] =	stream.linear.scatter [tilespmem:s25], [sflag:$0xC], $0x80, $0x38;
	[tilespmem:$0x10A00] =	vst v63  }
0x71a: {  	s21 =	sadd.s32 $0x20, s18;
	s25 =	simm.s32 $0xE910  }
0x71b: {  	[hbm4b:s21+s3] =	stream.linear.scatter [tilespmem:s25], [sflag:$0xC], $0x80, $0x38;
	[tilespmem:$0x10A00] =	vst v63  }
0x71c: {  	s21 =	sadd.s32 $0x30, s18;
	s25 =	simm.s32 $0xE998  }
0x71d: {  	[hbm4b:s21+s3] =	stream.linear.scatter [tilespmem:s25], [sflag:$0xC], $0x80, $0x38;
	[tilespmem:$0x10A00] =	vst v63  }
0x71e: {  	s21 =	sadd.s32 $0x40, s18;
	s25 =	simm.s32 $0xEA20  }
0x71f: {  	[hbm4b:s21+s3] =	stream.linear.scatter [tilespmem:s25], [sflag:$0xC], $0x80, $0x38;
	[tilespmem:$0x10A00] =	vst v63  }
0x720: {  	s21 =	sadd.s32 $0x50, s18;
	s25 =	simm.s32 $0xEAA8  }
0x721: {  	[hbm4b:s21+s3] =	stream.linear.scatter [tilespmem:s25], [sflag:$0xC], $0x80, $0x38;
	[tilespmem:$0x10A00] =	vst v63  }
0x722: {  	s21 =	sadd.s32 $0x60, s18;
	s25 =	simm.s32 $0xEB30  }
0x723: {  	[hbm4b:s21+s3] =	stream.linear.scatter [tilespmem:s25], [sflag:$0xC], $0x80, $0x38;
	[tilespmem:$0x10A00] =	vst v63  }
0x724: {  	s18 =	sadd.s32 $0x70, s18;
	s21 =	simm.s32 $0xEBB8  }
0x725: {  	[hbm4b:s18+s3] =	stream.linear.scatter [tilespmem:s21], [sflag:$0xC], $0x80, $0x38;
	[tilespmem:$0x10A00] =	vst v63  }
0x726: {  	s25 =	simm.s32 $0xEC40;
	s18 =	sadd.s32 s5, s10  }
0x727: {  	[hbm4b:s18+s3] =	stream.linear.scatter [tilespmem:s25], [sflag:$0xC], $0x80, $0x38;
	[tilespmem:$0x10A00] =	vst v63  }
0x728: {  	s21 =	sadd.s32 $0x10, s18;
	s25 =	simm.s32 $0xECC8  }
0x729: {  	[hbm4b:s21+s3] =	stream.linear.scatter [tilespmem:s25], [sflag:$0xC], $0x80, $0x38;
	[tilespmem:$0x10A00] =	vst v63  }
0x72a: {  	s21 =	sadd.s32 $0x20, s18;
	s25 =	simm.s32 $0xED50  }
0x72b: {  	[hbm4b:s21+s3] =	stream.linear.scatter [tilespmem:s25], [sflag:$0xC], $0x80, $0x38;
	[tilespmem:$0x10A00] =	vst v63  }
0x72c: {  	s21 =	sadd.s32 $0x30, s18;
	s25 =	simm.s32 $0xEDD8  }
0x72d: {  	[hbm4b:s21+s3] =	stream.linear.scatter [tilespmem:s25], [sflag:$0xC], $0x80, $0x38;
	[tilespmem:$0x10A00] =	vst v63  }
0x72e: {  	s21 =	sadd.s32 $0x40, s18;
	s25 =	simm.s32 $0xEE60  }
0x72f: {  	[hbm4b:s21+s3] =	stream.linear.scatter [tilespmem:s25], [sflag:$0xC], $0x80, $0x38;
	[tilespmem:$0x10A00] =	vst v63  }
0x730: {  	s21 =	sadd.s32 $0x50, s18;
	s25 =	simm.s32 $0xEEE8  }
0x731: {  	[hbm4b:s21+s3] =	stream.linear.scatter [tilespmem:s25], [sflag:$0xC], $0x80, $0x38;
	[tilespmem:$0x10A00] =	vst v63  }
0x732: {  	s21 =	sadd.s32 $0x60, s18;
	s25 =	simm.s32 $0xEF70  }
0x733: {  	[hbm4b:s21+s3] =	stream.linear.scatter [tilespmem:s25], [sflag:$0xC], $0x80, $0x38;
	[tilespmem:$0x10A00] =	vst v63  }
0x734: {  	s18 =	sadd.s32 $0x70, s18;
	s21 =	simm.s32 $0xEFF8  }
0x735: {  	[hbm4b:s18+s3] =	stream.linear.scatter [tilespmem:s21], [sflag:$0xC], $0x80, $0x38;
	[tilespmem:$0x10A00] =	vst v63  }
0x736: {  	s25 =	simm.s32 $0xF080;
	s18 =	sadd.s32 s5, s11  }
0x737: {  	[hbm4b:s18+s3] =	stream.linear.scatter [tilespmem:s25], [sflag:$0xC], $0x80, $0x38;
	[tilespmem:$0x10A00] =	vst v63  }
0x738: {  	s21 =	sadd.s32 $0x10, s18;
	s25 =	simm.s32 $0xF108  }
0x739: {  	[hbm4b:s21+s3] =	stream.linear.scatter [tilespmem:s25], [sflag:$0xC], $0x80, $0x38;
	[tilespmem:$0x10A00] =	vst v63  }
0x73a: {  	s21 =	sadd.s32 $0x20, s18;
	s25 =	simm.s32 $0xF190  }
0x73b: {  	[hbm4b:s21+s3] =	stream.linear.scatter [tilespmem:s25], [sflag:$0xC], $0x80, $0x38;
	[tilespmem:$0x10A00] =	vst v63  }
0x73c: {  	s21 =	sadd.s32 $0x30, s18;
	s25 =	simm.s32 $0xF218  }
0x73d: {  	[hbm4b:s21+s3] =	stream.linear.scatter [tilespmem:s25], [sflag:$0xC], $0x80, $0x38;
	[tilespmem:$0x10A00] =	vst v63  }
0x73e: {  	s21 =	sadd.s32 $0x40, s18;
	s25 =	simm.s32 $0xF2A0  }
0x73f: {  	[hbm4b:s21+s3] =	stream.linear.scatter [tilespmem:s25], [sflag:$0xC], $0x80, $0x38;
	[tilespmem:$0x10A00] =	vst v63  }
0x740: {  	s21 =	sadd.s32 $0x50, s18;
	s25 =	simm.s32 $0xF328  }
0x741: {  	[hbm4b:s21+s3] =	stream.linear.scatter [tilespmem:s25], [sflag:$0xC], $0x80, $0x38;
	[tilespmem:$0x10A00] =	vst v63  }
0x742: {  	s21 =	sadd.s32 $0x60, s18;
	s25 =	simm.s32 $0xF3B0  }
0x743: {  	[hbm4b:s21+s3] =	stream.linear.scatter [tilespmem:s25], [sflag:$0xC], $0x80, $0x38;
	[tilespmem:$0x10A00] =	vst v63  }
0x744: {  	s18 =	sadd.s32 $0x70, s18;
	s21 =	simm.s32 $0xF438  }
0x745: {  	[hbm4b:s18+s3] =	stream.linear.scatter [tilespmem:s21], [sflag:$0xC], $0x80, $0x38;
	[tilespmem:$0x10A00] =	vst v63  }
0x746: {  	s25 =	simm.s32 $0xF4C0;
	s18 =	sadd.s32 s5, s12  }
0x747: {  	[hbm4b:s18+s3] =	stream.linear.scatter [tilespmem:s25], [sflag:$0xC], $0x80, $0x38;
	[tilespmem:$0x10A00] =	vst v63  }
0x748: {  	s21 =	sadd.s32 $0x10, s18;
	s25 =	simm.s32 $0xF548  }
0x749: {  	[hbm4b:s21+s3] =	stream.linear.scatter [tilespmem:s25], [sflag:$0xC], $0x80, $0x38;
	[tilespmem:$0x10A00] =	vst v63  }
0x74a: {  	s21 =	sadd.s32 $0x20, s18;
	s25 =	simm.s32 $0xF5D0  }
0x74b: {  	[hbm4b:s21+s3] =	stream.linear.scatter [tilespmem:s25], [sflag:$0xC], $0x80, $0x38;
	[tilespmem:$0x10A00] =	vst v63  }
0x74c: {  	s21 =	sadd.s32 $0x30, s18;
	s25 =	simm.s32 $0xF658  }
0x74d: {  	[hbm4b:s21+s3] =	stream.linear.scatter [tilespmem:s25], [sflag:$0xC], $0x80, $0x38;
	[tilespmem:$0x10A00] =	vst v63  }
0x74e: {  	s21 =	sadd.s32 $0x40, s18;
	s25 =	simm.s32 $0xF6E0  }
0x74f: {  	[hbm4b:s21+s3] =	stream.linear.scatter [tilespmem:s25], [sflag:$0xC], $0x80, $0x38;
	[tilespmem:$0x10A00] =	vst v63  }
0x750: {  	s21 =	sadd.s32 $0x50, s18;
	s25 =	simm.s32 $0xF768  }
0x751: {  	[hbm4b:s21+s3] =	stream.linear.scatter [tilespmem:s25], [sflag:$0xC], $0x80, $0x38;
	[tilespmem:$0x10A00] =	vst v63  }
0x752: {  	s21 =	sadd.s32 $0x60, s18;
	s25 =	simm.s32 $0xF7F0  }
0x753: {  	[hbm4b:s21+s3] =	stream.linear.scatter [tilespmem:s25], [sflag:$0xC], $0x80, $0x38;
	[tilespmem:$0x10A00] =	vst v63  }
0x754: {  	s18 =	sadd.s32 $0x70, s18;
	s21 =	simm.s32 $0xF878  }
0x755: {  	[hbm4b:s18+s3] =	stream.linear.scatter [tilespmem:s21], [sflag:$0xC], $0x80, $0x38;
	[tilespmem:$0x10A00] =	vst v63  }
0x756: {  	s25 =	simm.s32 $0xF900;
	s18 =	sadd.s32 s5, s13  }
0x757: {  	[hbm4b:s18+s3] =	stream.linear.scatter [tilespmem:s25], [sflag:$0xC], $0x80, $0x38;
	[tilespmem:$0x10A00] =	vst v63  }
0x758: {  	s21 =	sadd.s32 $0x10, s18;
	s25 =	simm.s32 $0xF988  }
0x759: {  	[hbm4b:s21+s3] =	stream.linear.scatter [tilespmem:s25], [sflag:$0xC], $0x80, $0x38;
	[tilespmem:$0x10A00] =	vst v63  }
0x75a: {  	s21 =	sadd.s32 $0x20, s18;
	s25 =	simm.s32 $0xFA10  }
0x75b: {  	[hbm4b:s21+s3] =	stream.linear.scatter [tilespmem:s25], [sflag:$0xC], $0x80, $0x38;
	[tilespmem:$0x10A00] =	vst v63  }
0x75c: {  	s21 =	sadd.s32 $0x30, s18;
	s25 =	simm.s32 $0xFA98  }
0x75d: {  	[hbm4b:s21+s3] =	stream.linear.scatter [tilespmem:s25], [sflag:$0xC], $0x80, $0x38;
	[tilespmem:$0x10A00] =	vst v63  }
0x75e: {  	s21 =	sadd.s32 $0x40, s18;
	s25 =	simm.s32 $0xFB20  }
0x75f: {  	[hbm4b:s21+s3] =	stream.linear.scatter [tilespmem:s25], [sflag:$0xC], $0x80, $0x38;
	[tilespmem:$0x10A00] =	vst v63  }
0x760: {  	s21 =	sadd.s32 $0x50, s18;
	s25 =	simm.s32 $0xFBA8  }
0x761: {  	[hbm4b:s21+s3] =	stream.linear.scatter [tilespmem:s25], [sflag:$0xC], $0x80, $0x38;
	[tilespmem:$0x10A00] =	vst v63  }
0x762: {  	s21 =	sadd.s32 $0x60, s18;
	s25 =	simm.s32 $0xFC30  }
0x763: {  	[hbm4b:s21+s3] =	stream.linear.scatter [tilespmem:s25], [sflag:$0xC], $0x80, $0x38;
	[tilespmem:$0x10A00] =	vst v63  }
0x764: {  	s18 =	sadd.s32 $0x70, s18;
	s21 =	simm.s32 $0xFCB8  }
0x765: {  	[hbm4b:s18+s3] =	stream.linear.scatter [tilespmem:s21], [sflag:$0xC], $0x80, $0x38;
	[tilespmem:$0x10A00] =	vst v63  }
0x766: {  	s25 =	simm.s32 $0xFD40;
	s18 =	sadd.s32 s5, s14  }
0x767: {  	[hbm4b:s18+s3] =	stream.linear.scatter [tilespmem:s25], [sflag:$0xC], $0x80, $0x38;
	[tilespmem:$0x10A00] =	vst v63  }
0x768: {  	s21 =	sadd.s32 $0x10, s18;
	s25 =	simm.s32 $0xFDC8  }
0x769: {  	[hbm4b:s21+s3] =	stream.linear.scatter [tilespmem:s25], [sflag:$0xC], $0x80, $0x38;
	[tilespmem:$0x10A00] =	vst v63  }
0x76a: {  	s21 =	sadd.s32 $0x20, s18;
	s25 =	simm.s32 $0xFE50  }
0x76b: {  	[hbm4b:s21+s3] =	stream.linear.scatter [tilespmem:s25], [sflag:$0xC], $0x80, $0x38;
	[tilespmem:$0x10A00] =	vst v63  }
0x76c: {  	s21 =	sadd.s32 $0x30, s18;
	s25 =	simm.s32 $0xFED8  }
0x76d: {  	[hbm4b:s21+s3] =	stream.linear.scatter [tilespmem:s25], [sflag:$0xC], $0x80, $0x38;
	[tilespmem:$0x10A00] =	vst v63  }
0x76e: {  	s21 =	sadd.s32 $0x40, s18;
	s25 =	simm.s32 $0xFF60  }
0x76f: {  	[hbm4b:s21+s3] =	stream.linear.scatter [tilespmem:s25], [sflag:$0xC], $0x80, $0x38;
	[tilespmem:$0x10A00] =	vst v63  }
0x770: {  	s21 =	sadd.s32 $0x50, s18;
	s25 =	simm.s32 $0xFFE8  }
0x771: {  	[hbm4b:s21+s3] =	stream.linear.scatter [tilespmem:s25], [sflag:$0xC], $0x80, $0x38;
	[tilespmem:$0x10A00] =	vst v63  }
0x772: {  	s21 =	sadd.s32 $0x60, s18;
	s25 =	simm.s32 $0x10070  }
0x773: {  	[hbm4b:s21+s3] =	stream.linear.scatter [tilespmem:s25], [sflag:$0xC], $0x80, $0x38;
	[tilespmem:$0x10A00] =	vst v63  }
0x774: {  	s18 =	sadd.s32 $0x70, s18;
	s21 =	simm.s32 $0x100F8  }
0x775: {  	[hbm4b:s18+s3] =	stream.linear.scatter [tilespmem:s21], [sflag:$0xC], $0x80, $0x38;
	[tilespmem:$0x10A00] =	vst v63  }
0x776: {  	s25 =	simm.s32 $0x10180;
	s18 =	sadd.s32 s5, s15  }
0x777: {  	[hbm4b:s18+s3] =	stream.linear.scatter [tilespmem:s25], [sflag:$0xC], $0x80, $0x38;
	[tilespmem:$0x10A00] =	vst v63  }
0x778: {  	s21 =	sadd.s32 $0x10, s18;
	s25 =	simm.s32 $0x10208  }
0x779: {  	[hbm4b:s21+s3] =	stream.linear.scatter [tilespmem:s25], [sflag:$0xC], $0x80, $0x38;
	[tilespmem:$0x10A00] =	vst v63  }
0x77a: {  	s21 =	sadd.s32 $0x20, s18;
	s25 =	simm.s32 $0x10290  }
0x77b: {  	[hbm4b:s21+s3] =	stream.linear.scatter [tilespmem:s25], [sflag:$0xC], $0x80, $0x38;
	[tilespmem:$0x10A00] =	vst v63  }
0x77c: {  	s21 =	sadd.s32 $0x30, s18;
	s25 =	simm.s32 $0x10318  }
0x77d: {  	[hbm4b:s21+s3] =	stream.linear.scatter [tilespmem:s25], [sflag:$0xC], $0x80, $0x38;
	[tilespmem:$0x10A00] =	vst v63  }
0x77e: {  	s21 =	sadd.s32 $0x40, s18;
	s25 =	simm.s32 $0x103A0  }
0x77f: {  	[hbm4b:s21+s3] =	stream.linear.scatter [tilespmem:s25], [sflag:$0xC], $0x80, $0x38;
	[tilespmem:$0x10A00] =	vst v63  }
0x780: {  	s21 =	sadd.s32 $0x50, s18;
	s25 =	simm.s32 $0x10428  }
0x781: {  	[hbm4b:s21+s3] =	stream.linear.scatter [tilespmem:s25], [sflag:$0xC], $0x80, $0x38;
	[tilespmem:$0x10A00] =	vst v63  }
0x782: {  	s21 =	sadd.s32 $0x60, s18;
	s25 =	simm.s32 $0x104B0  }
0x783: {  	[hbm4b:s21+s3] =	stream.linear.scatter [tilespmem:s25], [sflag:$0xC], $0x80, $0x38;
	[tilespmem:$0x10A00] =	vst v63  }
0x784: {  	s18 =	sadd.s32 $0x70, s18;
	s25 =	simm.s32 $0x10538  }
0x785: {  	[hbm4b:s18+s3] =	stream.linear.scatter [tilespmem:s25], [sflag:$0xC], $0x80, $0x38;
	[tilespmem:$0x10A00] =	vst v63  }
0x786: {  	s19 =	simm.s32 $0x105C0;
	s5 =	sadd.s32 s5, s16  }
0x787: {  	[hbm4b:s5+s3] =	stream.linear.scatter [tilespmem:s19], [sflag:$0xC], $0x80, $0x38;
	[tilespmem:$0x10A00] =	vst v63  }
0x788: {  	s21 =	sadd.s32 $0x10, s5;
	s25 =	simm.s32 $0x10648  }
0x789: {  	[hbm4b:s21+s3] =	stream.linear.scatter [tilespmem:s25], [sflag:$0xC], $0x80, $0x38;
	[tilespmem:$0x10A00] =	vst v63  }
0x78a: {  	s21 =	sadd.s32 $0x20, s5;
	s25 =	simm.s32 $0x106D0  }
0x78b: {  	[hbm4b:s21+s3] =	stream.linear.scatter [tilespmem:s25], [sflag:$0xC], $0x80, $0x38;
	[tilespmem:$0x10A00] =	vst v63  }
0x78c: {  	s21 =	sadd.s32 $0x30, s5;
	s25 =	simm.s32 $0x10758  }
0x78d: {  	[hbm4b:s21+s3] =	stream.linear.scatter [tilespmem:s25], [sflag:$0xC], $0x80, $0x38;
	[tilespmem:$0x10A00] =	vst v63  }
0x78e: {  	s21 =	sadd.s32 $0x40, s5;
	s25 =	simm.s32 $0x107E0  }
0x78f: {  	[hbm4b:s21+s3] =	stream.linear.scatter [tilespmem:s25], [sflag:$0xC], $0x80, $0x38;
	[tilespmem:$0x10A00] =	vst v63  }
0x790: {  	s21 =	sadd.s32 $0x50, s5;
	s25 =	simm.s32 $0x10868  }
0x791: {  	[hbm4b:s21+s3] =	stream.linear.scatter [tilespmem:s25], [sflag:$0xC], $0x80, $0x38;
	[tilespmem:$0x10A00] =	vst v63  }
.Ltmp9:
0x792: {  	_ = 	snop;
	(pc) =	sbr.rel @p1 .LBB2_16-.Ltmp9, $4  }
0x793: {  	s19 =	sadd.s32 $0x60, s5;
	s21 =	simm.s32 $0x108F0  }
0x794: {  	[hbm4b:s19+s3] =	stream.linear.scatter [tilespmem:s21], [sflag:$0xC], $0x80, $0x38;
	[tilespmem:$0x10A00] =	vst v63  }
0x795: {  	s5 =	sadd.s32 $0x70, s5;
	s25 =	simm.s32 $0x10978  }
0x796: {  	[hbm4b:s5+s3] =	stream.linear.scatter [tilespmem:s25], [sflag:$0xC], $0x80, $0x38;
	[tilespmem:$0x10A00] =	vst v63  }
0x797: {  	s5 =	sshll.u32 s23, $0x4;
	s18 =	rddreg [dreg:$0xc]  }
0x798: {  	s5 =	sadd.s32 s18, s5  }
0x799: {  	[tilespmem:s24], [sflag:$0x4] =	stream.linear.gather [hbm4b:s5+s3], $0x80, $0x38;
	[tilespmem:$0x10A00] =	vst v63  }
.Ltmp10:
0x79a: {  	_ = 	snop;
	(pc) =	sbr.rel .LBB2_2-.Ltmp10, $4  }
0x79b: {  	_ =	swait.ge [sflag:s28], $0x80  }
0x79c: {  	[sflag:s28] =	ssyncset.done $0x0  }
0x79d: {  	s25 =	simm.s32 $0x2200;
	s8 =	sadd.s32 $0x1, s8;
	[sflag:s28] =	ssyncadd.s32 $0xFFFFFF80  }
0x79e: {  	[tilespmem:s25], [sflag:$0x6] =	stream.indirect.gather [hbm4b:s4+s22], $0x40, s22, s22, $0xb8;
	[tilespmem:$0x10A00] =	vst v63  }
.LBB2_17:
0x79f: {  	_ =	sfence.sel $0x180000  }
0x7a0: {  	[bflag:$0x0] =	sbarrier.arrive $0xFFFF  }
0x7a1: {  	_ =	strace $0x90000047  }
0x7a2: {  	s0 =	stileid.u32;
	[bflag:$0x2] =	sbarrier.arrive $0xFFFF  }
0x7a3: {  	p0 =	sne.s32 s0, $0x0;
	s0 =	rddreg [dreg:$0x2]  }
0x7a4: {  	s0 =	sadd.s32 @!p0 $0x100000, s0  }
0x7a5: {  	[sflag:s0] =	ssyncadd.tile.s32 @!p0 $0x1;
	_ =	shalt  }
.Lfunc_end2:
_tile_overlayer_lowered:
.L_overlay_start_2:
0x7a6: {  	(tag) =	ssettag $0x2  }
0x7a7: {  	s0 =	rddreg [dreg:$0x0];
	s2 =	stileid.u32  }
0x7a8: {  	s1 =	rddreg [dreg:$0x1];
	p0 =	sne.s32 s2, $0x0  }
0x7a9: {  	s3 =	rddreg [dreg:$0x2];
	[bflag:$0x3] =	sbarrier.arrive $0xFFFF;
	s2 =	simm.s32 @!p0 $0x1C0D  }
0x7aa: {  	[timem:s3], [sflag:s2] =	dma.local @!p0 [hbm:s0], s1  }
0x7ab: {  	s0 =	simm.s32 @!p0 $0xD  }
0x7ac: {  	_ =	swait.ge @!p0 [sflag:s0], s1  }
0x7ad: {  	s1 =	ssub.s32 @!p0 $0x0, s1;
	[sflag:s0] =	ssyncset.done @!p0 $0x0  }
0x7ae: {  	[sflag:s0] =	ssyncadd.s32 @!p0 s1  }
0x7af: {  	[bflag:$0x3] =	sbarrier.arrive $0xFFFF  }
0x7b0: {  	_ =	shalt  }

</sc_bundles>
